<compile_context>
chip_gen: v7x
topology: tpu7x:2x2x1
jax: 0.10.2.dev20260603
libtpu: 0.0.44.dev20260713+nightly
codegen_flags: <defaults>
</compile_context>

<pallas_src>
import functools

import jax
import jax.numpy as jnp
from jax import lax
from jax.experimental import pallas as pl
from jax.experimental.pallas import tpu as pltpu
from jax.experimental.pallas import tpu_sc as plsc

B = 16384
D = 512
V = 1000
NC = 2
NS = 16
L = 16
NW = NC * NS

SB = 6144
RW = SB // NW
R = 32
NCHUNK = RW // R

TB = B - SB
BR = 1024
NBLK = TB // BR

_mesh = plsc.VectorSubcoreMesh(core_axis_name="c", subcore_axis_name="s")


@functools.partial(
    pl.kernel,
    mesh=_mesh,
    out_type=jax.ShapeDtypeStruct((NW, L), jnp.float32),
    scratch_types=[
        pltpu.VMEM((RW,), jnp.int32),
        pltpu.VMEM((R, D), jnp.float32),
        pltpu.VMEM((R, D), jnp.float32),
        pltpu.VMEM((R, D), jnp.float32),
        pltpu.VMEM((R, D), jnp.float32),
        pltpu.VMEM((R, D), jnp.float32),
        pltpu.VMEM((R, D), jnp.float32),
        pltpu.VMEM((L,), jnp.float32),
        pltpu.SemaphoreType.DMA,
        pltpu.SemaphoreType.DMA,
        pltpu.SemaphoreType.DMA,
        pltpu.SemaphoreType.DMA,
        pltpu.SemaphoreType.DMA,
        pltpu.SemaphoreType.DMA,
    ],
)
def _center_loss_sc(feats_hbm, targets_hbm, centers_hbm, out_hbm,
                    idx_all, f0, f1, f2, c0, c1, c2, acc_v,
                    semf0, semf1, semf2, semg0, semg1, semg2):
    wid = lax.axis_index("s") * NC + lax.axis_index("c")
    base = wid * RW

    NBUF = 3
    f_bufs = (f0, f1, f2)
    c_bufs = (c0, c1, c2)
    semf = (semf0, semf1, semf2)
    semg = (semg0, semg1, semg2)

    pltpu.sync_copy(targets_hbm.at[pl.ds(base, RW)], idx_all)

    def start(ch):
        b = ch % NBUF
        row0 = base + ch * R
        fcp = pltpu.async_copy(feats_hbm.at[pl.ds(row0, R)], f_bufs[b], semf[b])
        gcp = pltpu.async_copy(centers_hbm.at[idx_all.at[pl.ds(ch * R, R)]],
                               c_bufs[b], semg[b])
        return fcp, gcp

    inflight = [start(0), start(1), start(2)]

    NACC = 4
    accs = tuple(jnp.zeros((L,), jnp.float32) for _ in range(NACC))
    for ch in range(NCHUNK):
        b = ch % NBUF
        fcp, gcp = inflight[b]
        fcp.wait()
        gcp.wait()
        f_v = f_bufs[b]
        c_v = c_bufs[b]

        def row_body(r, accs):
            accs = list(accs)
            for j in range(D // L):
                d = f_v[r, pl.ds(j * L, L)] - c_v[r, pl.ds(j * L, L)]
                a = j % NACC
                accs[a] = accs[a] + d * d
            return tuple(accs)

        accs = lax.fori_loop(0, R, row_body, accs)
        if ch + NBUF < NCHUNK:
            inflight[b] = start(ch + NBUF)

    acc = accs[0]
    for a in accs[1:]:
        acc = acc + a
    acc_v[...] = acc
    pltpu.sync_copy(acc_v, out_hbm.at[wid])


def _tc_body(feats_ref, targets_ref, centers_ref, out_ref):
    step = pl.program_id(0)

    @pl.when(step == 0)
    def _init():
        out_ref[...] = jnp.zeros_like(out_ref)

    t = targets_ref[0, 0, :]
    cls = lax.broadcasted_iota(jnp.int32, (BR, V), 1)
    onehot = (t[:, None] == cls).astype(jnp.bfloat16)
    c_bf = centers_ref[...].astype(jnp.bfloat16)
    g = lax.dot_general(
        onehot, c_bf, (((1,), (0,)), ((), ())),
        preferred_element_type=jnp.float32)
    d = feats_ref[...] - g
    out_ref[...] += jnp.sum(d * d).reshape(1, 1)


def _center_loss_tc(feats, targets_2d, centers):
    return pl.pallas_call(
        _tc_body,
        grid=(NBLK,),
        in_specs=[
            pl.BlockSpec((BR, D), lambda i: (SB // BR + i, 0)),
            pl.BlockSpec((1, 1, BR), lambda i: (SB // BR + i, 0, 0)),
            pl.BlockSpec((V, D), lambda i: (0, 0)),
        ],
        out_specs=pl.BlockSpec((1, 1), lambda i: (0, 0)),
        out_shape=jax.ShapeDtypeStruct((1, 1), jnp.float32),
    )(feats, targets_2d, centers)


def kernel(feats, targets, centers):
    targets = targets.astype(jnp.int32)
    sc_part = _center_loss_sc(feats, targets, centers)
    tc_part = _center_loss_tc(feats, targets.reshape(B // BR, 1, BR), centers)
    return 0.5 * (jnp.sum(sc_part) + tc_part[0, 0]) / B

# --- scband reference (transcript-rebuilt; emitter-appended) ---
"""Pipeline reference for scband-center-loss-38104949850677 (READ-ONLY COPY).

The authoritative reference and input builder live on the scoring server;
editing this copy changes nothing except your own understanding.
"""

import jax, jax.numpy as jnp
import numpy as np


def setup_inputs(seed: int = 0) -> dict:
    key = jax.random.key(seed)
    k1, k2, k3 = jax.random.split(key, 3)
    feats = jax.random.normal(k1, (16384, 512), dtype=jnp.float32)
    targets = jax.random.randint(k2, (16384,), 0, 1000, dtype=jnp.int64)
    # learned parameter: class centers [num_classes, feats_dim]
    # (torch init is zeros; use small random values so the loss is nontrivial)
    centers = jax.random.normal(k3, (1000, 512), dtype=jnp.float32) * 0.01
    return {"feats": feats, "targets": targets, "centers": centers}


def reference(feats, targets, centers):
    # gather the center for each sample's label
    gathered = jnp.take(centers, targets, axis=0)
    diff = feats - gathered
    loss = 0.5 * jnp.mean(jnp.sum(jnp.square(diff), axis=1))
    return loss

if __name__ == "__main__":
    import jax
    _d = setup_inputs()
    print(jax.jit(kernel)(*tuple(_d.values())))

</pallas_src>

<mosaic_0001>
#map = affine_map<(d0, d1) -> (0, 0)>
#map1 = affine_map<(d0, d1) -> (0)>
module attributes {stable_mosaic.version = 14 : i64} {
  func.func @_center_loss_sc(%arg0: i32, %arg1: i32, %arg2: memref<16384x512xf32, #tpu.memory_space<hbm>>, %arg3: memref<16384xi32, #tpu.memory_space<hbm>>, %arg4: memref<1000x512xf32, #tpu.memory_space<hbm>>, %arg5: memref<32x16xf32, #tpu.memory_space<hbm>>, %arg6: memref<192xi32, #tpu.memory_space<vmem>>, %arg7: memref<32x512xf32, #tpu.memory_space<vmem>>, %arg8: memref<32x512xf32, #tpu.memory_space<vmem>>, %arg9: memref<32x512xf32, #tpu.memory_space<vmem>>, %arg10: memref<32x512xf32, #tpu.memory_space<vmem>>, %arg11: memref<32x512xf32, #tpu.memory_space<vmem>>, %arg12: memref<32x512xf32, #tpu.memory_space<vmem>>, %arg13: memref<16xf32, #tpu.memory_space<vmem>>, %arg14: memref<!tpu.dma_semaphore, #tpu.memory_space<semaphore_mem>>, %arg15: memref<!tpu.dma_semaphore, #tpu.memory_space<semaphore_mem>>, %arg16: memref<!tpu.dma_semaphore, #tpu.memory_space<semaphore_mem>>, %arg17: memref<!tpu.dma_semaphore, #tpu.memory_space<semaphore_mem>>, %arg18: memref<!tpu.dma_semaphore, #tpu.memory_space<semaphore_mem>>, %arg19: memref<!tpu.dma_semaphore, #tpu.memory_space<semaphore_mem>>) attributes {dimension_semantics = [#tpu.dimension_semantics<core_parallel>, #tpu.dimension_semantics<subcore_parallel>], iteration_bounds = array<i64: 2, 16>, scalar_prefetch = 0 : i64, scratch_operands = 14 : i64, tpu.core_type = #tpu.core_type<sc_vector_subcore>, window_params = [{transform_indices = #map}, {transform_indices = #map1}, {transform_indices = #map}, {transform_indices = #map}]} {
    %mul3A = arith.constant 2 : i32
    %mul3A_0 = arith.muli %arg1, %mul3A : i32
    %add3A = arith.addi %mul3A_0, %arg0 : i32
    %mul3A_1 = arith.constant 192 : i32
    %mul3A_2 = arith.muli %add3A, %mul3A_1 : i32
    "tpu.region"() ({
      %run_scoped3A = tpu.sem_alloc : memref<!tpu.dma_semaphore, #tpu.memory_space<semaphore_mem>>
      %dma_start3A_169 = tpu.memref_slice %arg3[%mul3A_2] : memref<16384xi32, #tpu.memory_space<hbm>> -> memref<192xi32, #tpu.memory_space<hbm>>
      %dma_start3A_170 = tpu.memref_slice %arg3[%mul3A_2] : memref<16384xi32, #tpu.memory_space<hbm>> -> memref<192xi32, #tpu.memory_space<hbm>>
      tpu.enqueue_dma source(%dma_start3A_170 : memref<192xi32, #tpu.memory_space<hbm>>) target(%arg6 : memref<192xi32, #tpu.memory_space<vmem>>) target_semaphore(%run_scoped3A : memref<!tpu.dma_semaphore, #tpu.memory_space<semaphore_mem>>)
      %dma_wait3A_171 = tpu.memref_slice %arg3[%mul3A_2] : memref<16384xi32, #tpu.memory_space<hbm>> -> memref<192xi32, #tpu.memory_space<hbm>>
      %dma_wait3A_172 = tpu.memref_slice %arg3[%mul3A_2] : memref<16384xi32, #tpu.memory_space<hbm>> -> memref<192xi32, #tpu.memory_space<hbm>>
      tpu.wait_dma2 semaphore(%run_scoped3A : memref<!tpu.dma_semaphore, #tpu.memory_space<semaphore_mem>>) src(%dma_wait3A_172 : memref<192xi32, #tpu.memory_space<hbm>>) dst(%arg6 : memref<192xi32, #tpu.memory_space<vmem>>)
      tpu.yield
    }) : () -> ()
    %add3A_3 = arith.constant 0 : i32
    %add3A_4 = arith.addi %mul3A_2, %add3A_3 : i32
    %dma_start3A = arith.constant 0 : i32
    %dma_start3A_5 = tpu.memref_slice %arg2[%add3A_4, %dma_start3A] : memref<16384x512xf32, #tpu.memory_space<hbm>> -> memref<32x512xf32, #tpu.memory_space<hbm>>
    %dma_start3A_6 = arith.constant 0 : i32
    %dma_start3A_7 = tpu.memref_slice %arg2[%add3A_4, %dma_start3A_6] : memref<16384x512xf32, #tpu.memory_space<hbm>> -> memref<32x512xf32, #tpu.memory_space<hbm>>
    tpu.enqueue_dma source(%dma_start3A_7 : memref<32x512xf32, #tpu.memory_space<hbm>>) target(%arg7 : memref<32x512xf32, #tpu.memory_space<vmem>>) target_semaphore(%arg14 : memref<!tpu.dma_semaphore, #tpu.memory_space<semaphore_mem>>)
    %dma_start3A_8 = arith.constant 0 : i32
    %dma_start3A_9 = tpu.memref_slice %arg6[%dma_start3A_8] : memref<192xi32, #tpu.memory_space<vmem>> -> memref<32xi32, #tpu.memory_space<vmem>>
    %dma_start3A_10 = arith.constant 0 : i32
    %dma_start3A_11 = arith.constant 0 : i32
    %dma_start3A_12 = tpu.memref_slice %arg4[%dma_start3A_10, %dma_start3A_11] : memref<1000x512xf32, #tpu.memory_space<hbm>> -> memref<1000x512xf32, #tpu.memory_space<hbm>>
    tpu.enqueue_indirect_dma source(%dma_start3A_12 : memref<1000x512xf32, #tpu.memory_space<hbm>>) target(%arg10 : memref<32x512xf32, #tpu.memory_space<vmem>>) offsets(%dma_start3A_9 : memref<32xi32, #tpu.memory_space<vmem>>) semaphore(%arg17 : memref<!tpu.dma_semaphore, #tpu.memory_space<semaphore_mem>>)
    %add3A_13 = arith.constant 32 : i32
    %add3A_14 = arith.addi %mul3A_2, %add3A_13 : i32
    %dma_start3A_15 = arith.constant 0 : i32
    %dma_start3A_16 = tpu.memref_slice %arg2[%add3A_14, %dma_start3A_15] : memref<16384x512xf32, #tpu.memory_space<hbm>> -> memref<32x512xf32, #tpu.memory_space<hbm>>
    %dma_start3A_17 = arith.constant 0 : i32
    %dma_start3A_18 = tpu.memref_slice %arg2[%add3A_14, %dma_start3A_17] : memref<16384x512xf32, #tpu.memory_space<hbm>> -> memref<32x512xf32, #tpu.memory_space<hbm>>
    tpu.enqueue_dma source(%dma_start3A_18 : memref<32x512xf32, #tpu.memory_space<hbm>>) target(%arg8 : memref<32x512xf32, #tpu.memory_space<vmem>>) target_semaphore(%arg15 : memref<!tpu.dma_semaphore, #tpu.memory_space<semaphore_mem>>)
    %dma_start3A_19 = arith.constant 32 : i32
    %dma_start3A_20 = tpu.memref_slice %arg6[%dma_start3A_19] : memref<192xi32, #tpu.memory_space<vmem>> -> memref<32xi32, #tpu.memory_space<vmem>>
    %dma_start3A_21 = arith.constant 0 : i32
    %dma_start3A_22 = arith.constant 0 : i32
    %dma_start3A_23 = tpu.memref_slice %arg4[%dma_start3A_21, %dma_start3A_22] : memref<1000x512xf32, #tpu.memory_space<hbm>> -> memref<1000x512xf32, #tpu.memory_space<hbm>>
    tpu.enqueue_indirect_dma source(%dma_start3A_23 : memref<1000x512xf32, #tpu.memory_space<hbm>>) target(%arg11 : memref<32x512xf32, #tpu.memory_space<vmem>>) offsets(%dma_start3A_20 : memref<32xi32, #tpu.memory_space<vmem>>) semaphore(%arg18 : memref<!tpu.dma_semaphore, #tpu.memory_space<semaphore_mem>>)
    %add3A_24 = arith.constant 64 : i32
    %add3A_25 = arith.addi %mul3A_2, %add3A_24 : i32
    %dma_start3A_26 = arith.constant 0 : i32
    %dma_start3A_27 = tpu.memref_slice %arg2[%add3A_25, %dma_start3A_26] : memref<16384x512xf32, #tpu.memory_space<hbm>> -> memref<32x512xf32, #tpu.memory_space<hbm>>
    %dma_start3A_28 = arith.constant 0 : i32
    %dma_start3A_29 = tpu.memref_slice %arg2[%add3A_25, %dma_start3A_28] : memref<16384x512xf32, #tpu.memory_space<hbm>> -> memref<32x512xf32, #tpu.memory_space<hbm>>
    tpu.enqueue_dma source(%dma_start3A_29 : memref<32x512xf32, #tpu.memory_space<hbm>>) target(%arg9 : memref<32x512xf32, #tpu.memory_space<vmem>>) target_semaphore(%arg16 : memref<!tpu.dma_semaphore, #tpu.memory_space<semaphore_mem>>)
    %dma_start3A_30 = arith.constant 64 : i32
    %dma_start3A_31 = tpu.memref_slice %arg6[%dma_start3A_30] : memref<192xi32, #tpu.memory_space<vmem>> -> memref<32xi32, #tpu.memory_space<vmem>>
    %dma_start3A_32 = arith.constant 0 : i32
    %dma_start3A_33 = arith.constant 0 : i32
    %dma_start3A_34 = tpu.memref_slice %arg4[%dma_start3A_32, %dma_start3A_33] : memref<1000x512xf32, #tpu.memory_space<hbm>> -> memref<1000x512xf32, #tpu.memory_space<hbm>>
    tpu.enqueue_indirect_dma source(%dma_start3A_34 : memref<1000x512xf32, #tpu.memory_space<hbm>>) target(%arg12 : memref<32x512xf32, #tpu.memory_space<vmem>>) offsets(%dma_start3A_31 : memref<32xi32, #tpu.memory_space<vmem>>) semaphore(%arg19 : memref<!tpu.dma_semaphore, #tpu.memory_space<semaphore_mem>>)
    %broadcast_in_dim3A = arith.constant 0.000000e+00 : f32
    %broadcast_in_dim3A_35 = vector.broadcast %broadcast_in_dim3A : f32 to vector<16xf32>
    %broadcast_in_dim3A_36 = arith.constant 0.000000e+00 : f32
    %broadcast_in_dim3A_37 = vector.broadcast %broadcast_in_dim3A_36 : f32 to vector<16xf32>
    %broadcast_in_dim3A_38 = arith.constant 0.000000e+00 : f32
    %broadcast_in_dim3A_39 = vector.broadcast %broadcast_in_dim3A_38 : f32 to vector<16xf32>
    %broadcast_in_dim3A_40 = arith.constant 0.000000e+00 : f32
    %broadcast_in_dim3A_41 = vector.broadcast %broadcast_in_dim3A_40 : f32 to vector<16xf32>
    %dma_wait3A = arith.constant 0 : i32
    %dma_wait3A_42 = tpu.memref_slice %arg2[%add3A_4, %dma_wait3A] : memref<16384x512xf32, #tpu.memory_space<hbm>> -> memref<32x512xf32, #tpu.memory_space<hbm>>
    %dma_wait3A_43 = arith.constant 0 : i32
    %dma_wait3A_44 = tpu.memref_slice %arg2[%add3A_4, %dma_wait3A_43] : memref<16384x512xf32, #tpu.memory_space<hbm>> -> memref<32x512xf32, #tpu.memory_space<hbm>>
    tpu.wait_dma2 semaphore(%arg14 : memref<!tpu.dma_semaphore, #tpu.memory_space<semaphore_mem>>) src(%dma_wait3A_44 : memref<32x512xf32, #tpu.memory_space<hbm>>) dst(%arg7 : memref<32x512xf32, #tpu.memory_space<vmem>>)
    %dma_wait3A_45 = arith.constant 0 : i32
    %dma_wait3A_46 = tpu.memref_slice %arg6[%dma_wait3A_45] : memref<192xi32, #tpu.memory_space<vmem>> -> memref<32xi32, #tpu.memory_space<vmem>>
    %dma_wait3A_47 = arith.constant 0 : i32
    %dma_wait3A_48 = arith.constant 0 : i32
    %dma_wait3A_49 = tpu.memref_slice %arg4[%dma_wait3A_47, %dma_wait3A_48] : memref<1000x512xf32, #tpu.memory_space<hbm>> -> memref<1000x512xf32, #tpu.memory_space<hbm>>
    tpu.wait_indirect_dma semaphore(%arg17 : memref<!tpu.dma_semaphore, #tpu.memory_space<semaphore_mem>>) src(%dma_wait3A_49 : memref<1000x512xf32, #tpu.memory_space<hbm>>) dst(%arg10 : memref<32x512xf32, #tpu.memory_space<vmem>>)
    %scan3A = arith.constant 0 : i32
    %scan3A_50 = arith.constant 32 : i32
    %scan3A_51 = arith.addi %scan3A, %scan3A_50 : i32
    %scan3A_52 = arith.constant 1 : i32
    %scan3A_53:4 = scf.for %scan3A_169 = %scan3A to %scan3A_51 step %scan3A_52 iter_args(%scan3A_170 = %broadcast_in_dim3A_35, %scan3A_171 = %broadcast_in_dim3A_37, %scan3A_172 = %broadcast_in_dim3A_39, %scan3A_173 = %broadcast_in_dim3A_41) -> (vector<16xf32>, vector<16xf32>, vector<16xf32>, vector<16xf32>)  : i32 {
      %get3A = arith.index_cast %scan3A_169 : i32 to index
      %get3A_174 = arith.constant 0 : index
      %get3A_175 = tpu.vector_load %arg7[%get3A, %get3A_174] {strides = array<i32>} : memref<32x512xf32, #tpu.memory_space<vmem>>, vector<1x16xf32>,
      %get3A_176 = vector.shape_cast %get3A_175 : vector<1x16xf32> to vector<16xf32>
      %get3A_177 = arith.index_cast %scan3A_169 : i32 to index
      %get3A_178 = arith.constant 0 : index
      %get3A_179 = tpu.vector_load %arg10[%get3A_177, %get3A_178] {strides = array<i32>} : memref<32x512xf32, #tpu.memory_space<vmem>>, vector<1x16xf32>,
      %get3A_180 = vector.shape_cast %get3A_179 : vector<1x16xf32> to vector<16xf32>
      %sub3A = arith.subf %get3A_176, %get3A_180 : vector<16xf32>
      %mul3A_181 = arith.mulf %sub3A, %sub3A : vector<16xf32>
      %add3A_182 = arith.addf %scan3A_170, %mul3A_181 : vector<16xf32>
      %get3A_183 = arith.index_cast %scan3A_169 : i32 to index
      %get3A_184 = arith.constant 16 : index
      %get3A_185 = tpu.vector_load %arg7[%get3A_183, %get3A_184] {strides = array<i32>} : memref<32x512xf32, #tpu.memory_space<vmem>>, vector<1x16xf32>,
      %get3A_186 = vector.shape_cast %get3A_185 : vector<1x16xf32> to vector<16xf32>
      %get3A_187 = arith.index_cast %scan3A_169 : i32 to index
      %get3A_188 = arith.constant 16 : index
      %get3A_189 = tpu.vector_load %arg10[%get3A_187, %get3A_188] {strides = array<i32>} : memref<32x512xf32, #tpu.memory_space<vmem>>, vector<1x16xf32>,
      %get3A_190 = vector.shape_cast %get3A_189 : vector<1x16xf32> to vector<16xf32>
      %sub3A_191 = arith.subf %get3A_186, %get3A_190 : vector<16xf32>
      %mul3A_192 = arith.mulf %sub3A_191, %sub3A_191 : vector<16xf32>
      %add3A_193 = arith.addf %scan3A_171, %mul3A_192 : vector<16xf32>
      %get3A_194 = arith.index_cast %scan3A_169 : i32 to index
      %get3A_195 = arith.constant 32 : index
      %get3A_196 = tpu.vector_load %arg7[%get3A_194, %get3A_195] {strides = array<i32>} : memref<32x512xf32, #tpu.memory_space<vmem>>, vector<1x16xf32>,
      %get3A_197 = vector.shape_cast %get3A_196 : vector<1x16xf32> to vector<16xf32>
      %get3A_198 = arith.index_cast %scan3A_169 : i32 to index
      %get3A_199 = arith.constant 32 : index
      %get3A_200 = tpu.vector_load %arg10[%get3A_198, %get3A_199] {strides = array<i32>} : memref<32x512xf32, #tpu.memory_space<vmem>>, vector<1x16xf32>,
      %get3A_201 = vector.shape_cast %get3A_200 : vector<1x16xf32> to vector<16xf32>
      %sub3A_202 = arith.subf %get3A_197, %get3A_201 : vector<16xf32>
      %mul3A_203 = arith.mulf %sub3A_202, %sub3A_202 : vector<16xf32>
      %add3A_204 = arith.addf %scan3A_172, %mul3A_203 : vector<16xf32>
      %get3A_205 = arith.index_cast %scan3A_169 : i32 to index
      %get3A_206 = arith.constant 48 : index
      %get3A_207 = tpu.vector_load %arg7[%get3A_205, %get3A_206] {strides = array<i32>} : memref<32x512xf32, #tpu.memory_space<vmem>>, vector<1x16xf32>,
      %get3A_208 = vector.shape_cast %get3A_207 : vector<1x16xf32> to vector<16xf32>
      %get3A_209 = arith.index_cast %scan3A_169 : i32 to index
      %get3A_210 = arith.constant 48 : index
      %get3A_211 = tpu.vector_load %arg10[%get3A_209, %get3A_210] {strides = array<i32>} : memref<32x512xf32, #tpu.memory_space<vmem>>, vector<1x16xf32>,
      %get3A_212 = vector.shape_cast %get3A_211 : vector<1x16xf32> to vector<16xf32>
      %sub3A_213 = arith.subf %get3A_208, %get3A_212 : vector<16xf32>
      %mul3A_214 = arith.mulf %sub3A_213, %sub3A_213 : vector<16xf32>
      %add3A_215 = arith.addf %scan3A_173, %mul3A_214 : vector<16xf32>
      %get3A_216 = arith.index_cast %scan3A_169 : i32 to index
      %get3A_217 = arith.constant 64 : index
      %get3A_218 = tpu.vector_load %arg7[%get3A_216, %get3A_217] {strides = array<i32>} : memref<32x512xf32, #tpu.memory_space<vmem>>, vector<1x16xf32>,
      %get3A_219 = vector.shape_cast %get3A_218 : vector<1x16xf32> to vector<16xf32>
      %get3A_220 = arith.index_cast %scan3A_169 : i32 to index
      %get3A_221 = arith.constant 64 : index
      %get3A_222 = tpu.vector_load %arg10[%get3A_220, %get3A_221] {strides = array<i32>} : memref<32x512xf32, #tpu.memory_space<vmem>>, vector<1x16xf32>,
      %get3A_223 = vector.shape_cast %get3A_222 : vector<1x16xf32> to vector<16xf32>
      %sub3A_224 = arith.subf %get3A_219, %get3A_223 : vector<16xf32>
      %mul3A_225 = arith.mulf %sub3A_224, %sub3A_224 : vector<16xf32>
      %add3A_226 = arith.addf %add3A_182, %mul3A_225 : vector<16xf32>
      %get3A_227 = arith.index_cast %scan3A_169 : i32 to index
      %get3A_228 = arith.constant 80 : index
      %get3A_229 = tpu.vector_load %arg7[%get3A_227, %get3A_228] {strides = array<i32>} : memref<32x512xf32, #tpu.memory_space<vmem>>, vector<1x16xf32>,
      %get3A_230 = vector.shape_cast %get3A_229 : vector<1x16xf32> to vector<16xf32>
      %get3A_231 = arith.index_cast %scan3A_169 : i32 to index
      %get3A_232 = arith.constant 80 : index
      %get3A_233 = tpu.vector_load %arg10[%get3A_231, %get3A_232] {strides = array<i32>} : memref<32x512xf32, #tpu.memory_space<vmem>>, vector<1x16xf32>,
      %get3A_234 = vector.shape_cast %get3A_233 : vector<1x16xf32> to vector<16xf32>
      %sub3A_235 = arith.subf %get3A_230, %get3A_234 : vector<16xf32>
      %mul3A_236 = arith.mulf %sub3A_235, %sub3A_235 : vector<16xf32>
      %add3A_237 = arith.addf %add3A_193, %mul3A_236 : vector<16xf32>
      %get3A_238 = arith.index_cast %scan3A_169 : i32 to index
      %get3A_239 = arith.constant 96 : index
      %get3A_240 = tpu.vector_load %arg7[%get3A_238, %get3A_239] {strides = array<i32>} : memref<32x512xf32, #tpu.memory_space<vmem>>, vector<1x16xf32>,
      %get3A_241 = vector.shape_cast %get3A_240 : vector<1x16xf32> to vector<16xf32>
      %get3A_242 = arith.index_cast %scan3A_169 : i32 to index
      %get3A_243 = arith.constant 96 : index
      %get3A_244 = tpu.vector_load %arg10[%get3A_242, %get3A_243] {strides = array<i32>} : memref<32x512xf32, #tpu.memory_space<vmem>>, vector<1x16xf32>,
      %get3A_245 = vector.shape_cast %get3A_244 : vector<1x16xf32> to vector<16xf32>
      %sub3A_246 = arith.subf %get3A_241, %get3A_245 : vector<16xf32>
      %mul3A_247 = arith.mulf %sub3A_246, %sub3A_246 : vector<16xf32>
      %add3A_248 = arith.addf %add3A_204, %mul3A_247 : vector<16xf32>
      %get3A_249 = arith.index_cast %scan3A_169 : i32 to index
      %get3A_250 = arith.constant 112 : index
      %get3A_251 = tpu.vector_load %arg7[%get3A_249, %get3A_250] {strides = array<i32>} : memref<32x512xf32, #tpu.memory_space<vmem>>, vector<1x16xf32>,
      %get3A_252 = vector.shape_cast %get3A_251 : vector<1x16xf32> to vector<16xf32>
      %get3A_253 = arith.index_cast %scan3A_169 : i32 to index
      %get3A_254 = arith.constant 112 : index
      %get3A_255 = tpu.vector_load %arg10[%get3A_253, %get3A_254] {strides = array<i32>} : memref<32x512xf32, #tpu.memory_space<vmem>>, vector<1x16xf32>,
      %get3A_256 = vector.shape_cast %get3A_255 : vector<1x16xf32> to vector<16xf32>
      %sub3A_257 = arith.subf %get3A_252, %get3A_256 : vector<16xf32>
      %mul3A_258 = arith.mulf %sub3A_257, %sub3A_257 : vector<16xf32>
      %add3A_259 = arith.addf %add3A_215, %mul3A_258 : vector<16xf32>
      %get3A_260 = arith.index_cast %scan3A_169 : i32 to index
      %get3A_261 = arith.constant 128 : index
      %get3A_262 = tpu.vector_load %arg7[%get3A_260, %get3A_261] {strides = array<i32>} : memref<32x512xf32, #tpu.memory_space<vmem>>, vector<1x16xf32>,
      %get3A_263 = vector.shape_cast %get3A_262 : vector<1x16xf32> to vector<16xf32>
      %get3A_264 = arith.index_cast %scan3A_169 : i32 to index
      %get3A_265 = arith.constant 128 : index
      %get3A_266 = tpu.vector_load %arg10[%get3A_264, %get3A_265] {strides = array<i32>} : memref<32x512xf32, #tpu.memory_space<vmem>>, vector<1x16xf32>,
      %get3A_267 = vector.shape_cast %get3A_266 : vector<1x16xf32> to vector<16xf32>
      %sub3A_268 = arith.subf %get3A_263, %get3A_267 : vector<16xf32>
      %mul3A_269 = arith.mulf %sub3A_268, %sub3A_268 : vector<16xf32>
      %add3A_270 = arith.addf %add3A_226, %mul3A_269 : vector<16xf32>
      %get3A_271 = arith.index_cast %scan3A_169 : i32 to index
      %get3A_272 = arith.constant 144 : index
      %get3A_273 = tpu.vector_load %arg7[%get3A_271, %get3A_272] {strides = array<i32>} : memref<32x512xf32, #tpu.memory_space<vmem>>, vector<1x16xf32>,
      %get3A_274 = vector.shape_cast %get3A_273 : vector<1x16xf32> to vector<16xf32>
      %get3A_275 = arith.index_cast %scan3A_169 : i32 to index
      %get3A_276 = arith.constant 144 : index
      %get3A_277 = tpu.vector_load %arg10[%get3A_275, %get3A_276] {strides = array<i32>} : memref<32x512xf32, #tpu.memory_space<vmem>>, vector<1x16xf32>,
      %get3A_278 = vector.shape_cast %get3A_277 : vector<1x16xf32> to vector<16xf32>
      %sub3A_279 = arith.subf %get3A_274, %get3A_278 : vector<16xf32>
      %mul3A_280 = arith.mulf %sub3A_279, %sub3A_279 : vector<16xf32>
      %add3A_281 = arith.addf %add3A_237, %mul3A_280 : vector<16xf32>
      %get3A_282 = arith.index_cast %scan3A_169 : i32 to index
      %get3A_283 = arith.constant 160 : index
      %get3A_284 = tpu.vector_load %arg7[%get3A_282, %get3A_283] {strides = array<i32>} : memref<32x512xf32, #tpu.memory_space<vmem>>, vector<1x16xf32>,
      %get3A_285 = vector.shape_cast %get3A_284 : vector<1x16xf32> to vector<16xf32>
      %get3A_286 = arith.index_cast %scan3A_169 : i32 to index
      %get3A_287 = arith.constant 160 : index
      %get3A_288 = tpu.vector_load %arg10[%get3A_286, %get3A_287] {strides = array<i32>} : memref<32x512xf32, #tpu.memory_space<vmem>>, vector<1x16xf32>,
      %get3A_289 = vector.shape_cast %get3A_288 : vector<1x16xf32> to vector<16xf32>
      %sub3A_290 = arith.subf %get3A_285, %get3A_289 : vector<16xf32>
      %mul3A_291 = arith.mulf %sub3A_290, %sub3A_290 : vector<16xf32>
      %add3A_292 = arith.addf %add3A_248, %mul3A_291 : vector<16xf32>
      %get3A_293 = arith.index_cast %scan3A_169 : i32 to index
      %get3A_294 = arith.constant 176 : index
      %get3A_295 = tpu.vector_load %arg7[%get3A_293, %get3A_294] {strides = array<i32>} : memref<32x512xf32, #tpu.memory_space<vmem>>, vector<1x16xf32>,
      %get3A_296 = vector.shape_cast %get3A_295 : vector<1x16xf32> to vector<16xf32>
      %get3A_297 = arith.index_cast %scan3A_169 : i32 to index
      %get3A_298 = arith.constant 176 : index
      %get3A_299 = tpu.vector_load %arg10[%get3A_297, %get3A_298] {strides = array<i32>} : memref<32x512xf32, #tpu.memory_space<vmem>>, vector<1x16xf32>,
      %get3A_300 = vector.shape_cast %get3A_299 : vector<1x16xf32> to vector<16xf32>
      %sub3A_301 = arith.subf %get3A_296, %get3A_300 : vector<16xf32>
      %mul3A_302 = arith.mulf %sub3A_301, %sub3A_301 : vector<16xf32>
      %add3A_303 = arith.addf %add3A_259, %mul3A_302 : vector<16xf32>
      %get3A_304 = arith.index_cast %scan3A_169 : i32 to index
      %get3A_305 = arith.constant 192 : index
      %get3A_306 = tpu.vector_load %arg7[%get3A_304, %get3A_305] {strides = array<i32>} : memref<32x512xf32, #tpu.memory_space<vmem>>, vector<1x16xf32>,
      %get3A_307 = vector.shape_cast %get3A_306 : vector<1x16xf32> to vector<16xf32>
      %get3A_308 = arith.index_cast %scan3A_169 : i32 to index
      %get3A_309 = arith.constant 192 : index
      %get3A_310 = tpu.vector_load %arg10[%get3A_308, %get3A_309] {strides = array<i32>} : memref<32x512xf32, #tpu.memory_space<vmem>>, vector<1x16xf32>,
      %get3A_311 = vector.shape_cast %get3A_310 : vector<1x16xf32> to vector<16xf32>
      %sub3A_312 = arith.subf %get3A_307, %get3A_311 : vector<16xf32>
      %mul3A_313 = arith.mulf %sub3A_312, %sub3A_312 : vector<16xf32>
      %add3A_314 = arith.addf %add3A_270, %mul3A_313 : vector<16xf32>
      %get3A_315 = arith.index_cast %scan3A_169 : i32 to index
      %get3A_316 = arith.constant 208 : index
      %get3A_317 = tpu.vector_load %arg7[%get3A_315, %get3A_316] {strides = array<i32>} : memref<32x512xf32, #tpu.memory_space<vmem>>, vector<1x16xf32>,
      %get3A_318 = vector.shape_cast %get3A_317 : vector<1x16xf32> to vector<16xf32>
      %get3A_319 = arith.index_cast %scan3A_169 : i32 to index
      %get3A_320 = arith.constant 208 : index
      %get3A_321 = tpu.vector_load %arg10[%get3A_319, %get3A_320] {strides = array<i32>} : memref<32x512xf32, #tpu.memory_space<vmem>>, vector<1x16xf32>,
      %get3A_322 = vector.shape_cast %get3A_321 : vector<1x16xf32> to vector<16xf32>
      %sub3A_323 = arith.subf %get3A_318, %get3A_322 : vector<16xf32>
      %mul3A_324 = arith.mulf %sub3A_323, %sub3A_323 : vector<16xf32>
      %add3A_325 = arith.addf %add3A_281, %mul3A_324 : vector<16xf32>
      %get3A_326 = arith.index_cast %scan3A_169 : i32 to index
      %get3A_327 = arith.constant 224 : index
      %get3A_328 = tpu.vector_load %arg7[%get3A_326, %get3A_327] {strides = array<i32>} : memref<32x512xf32, #tpu.memory_space<vmem>>, vector<1x16xf32>,
      %get3A_329 = vector.shape_cast %get3A_328 : vector<1x16xf32> to vector<16xf32>
      %get3A_330 = arith.index_cast %scan3A_169 : i32 to index
      %get3A_331 = arith.constant 224 : index
      %get3A_332 = tpu.vector_load %arg10[%get3A_330, %get3A_331] {strides = array<i32>} : memref<32x512xf32, #tpu.memory_space<vmem>>, vector<1x16xf32>,
      %get3A_333 = vector.shape_cast %get3A_332 : vector<1x16xf32> to vector<16xf32>
      %sub3A_334 = arith.subf %get3A_329, %get3A_333 : vector<16xf32>
      %mul3A_335 = arith.mulf %sub3A_334, %sub3A_334 : vector<16xf32>
      %add3A_336 = arith.addf %add3A_292, %mul3A_335 : vector<16xf32>
      %get3A_337 = arith.index_cast %scan3A_169 : i32 to index
      %get3A_338 = arith.constant 240 : index
      %get3A_339 = tpu.vector_load %arg7[%get3A_337, %get3A_338] {strides = array<i32>} : memref<32x512xf32, #tpu.memory_space<vmem>>, vector<1x16xf32>,
      %get3A_340 = vector.shape_cast %get3A_339 : vector<1x16xf32> to vector<16xf32>
      %get3A_341 = arith.index_cast %scan3A_169 : i32 to index
      %get3A_342 = arith.constant 240 : index
      %get3A_343 = tpu.vector_load %arg10[%get3A_341, %get3A_342] {strides = array<i32>} : memref<32x512xf32, #tpu.memory_space<vmem>>, vector<1x16xf32>,
      %get3A_344 = vector.shape_cast %get3A_343 : vector<1x16xf32> to vector<16xf32>
      %sub3A_345 = arith.subf %get3A_340, %get3A_344 : vector<16xf32>
      %mul3A_346 = arith.mulf %sub3A_345, %sub3A_345 : vector<16xf32>
      %add3A_347 = arith.addf %add3A_303, %mul3A_346 : vector<16xf32>
      %get3A_348 = arith.index_cast %scan3A_169 : i32 to index
      %get3A_349 = arith.constant 256 : index
      %get3A_350 = tpu.vector_load %arg7[%get3A_348, %get3A_349] {strides = array<i32>} : memref<32x512xf32, #tpu.memory_space<vmem>>, vector<1x16xf32>,
      %get3A_351 = vector.shape_cast %get3A_350 : vector<1x16xf32> to vector<16xf32>
      %get3A_352 = arith.index_cast %scan3A_169 : i32 to index
      %get3A_353 = arith.constant 256 : index
      %get3A_354 = tpu.vector_load %arg10[%get3A_352, %get3A_353] {strides = array<i32>} : memref<32x512xf32, #tpu.memory_space<vmem>>, vector<1x16xf32>,
      %get3A_355 = vector.shape_cast %get3A_354 : vector<1x16xf32> to vector<16xf32>
      %sub3A_356 = arith.subf %get3A_351, %get3A_355 : vector<16xf32>
      %mul3A_357 = arith.mulf %sub3A_356, %sub3A_356 : vector<16xf32>
      %add3A_358 = arith.addf %add3A_314, %mul3A_357 : vector<16xf32>
      %get3A_359 = arith.index_cast %scan3A_169 : i32 to index
      %get3A_360 = arith.constant 272 : index
      %get3A_361 = tpu.vector_load %arg7[%get3A_359, %get3A_360] {strides = array<i32>} : memref<32x512xf32, #tpu.memory_space<vmem>>, vector<1x16xf32>,
      %get3A_362 = vector.shape_cast %get3A_361 : vector<1x16xf32> to vector<16xf32>
      %get3A_363 = arith.index_cast %scan3A_169 : i32 to index
      %get3A_364 = arith.constant 272 : index
      %get3A_365 = tpu.vector_load %arg10[%get3A_363, %get3A_364] {strides = array<i32>} : memref<32x512xf32, #tpu.memory_space<vmem>>, vector<1x16xf32>,
      %get3A_366 = vector.shape_cast %get3A_365 : vector<1x16xf32> to vector<16xf32>
      %sub3A_367 = arith.subf %get3A_362, %get3A_366 : vector<16xf32>
      %mul3A_368 = arith.mulf %sub3A_367, %sub3A_367 : vector<16xf32>
      %add3A_369 = arith.addf %add3A_325, %mul3A_368 : vector<16xf32>
      %get3A_370 = arith.index_cast %scan3A_169 : i32 to index
      %get3A_371 = arith.constant 288 : index
      %get3A_372 = tpu.vector_load %arg7[%get3A_370, %get3A_371] {strides = array<i32>} : memref<32x512xf32, #tpu.memory_space<vmem>>, vector<1x16xf32>,
      %get3A_373 = vector.shape_cast %get3A_372 : vector<1x16xf32> to vector<16xf32>
      %get3A_374 = arith.index_cast %scan3A_169 : i32 to index
      %get3A_375 = arith.constant 288 : index
      %get3A_376 = tpu.vector_load %arg10[%get3A_374, %get3A_375] {strides = array<i32>} : memref<32x512xf32, #tpu.memory_space<vmem>>, vector<1x16xf32>,
      %get3A_377 = vector.shape_cast %get3A_376 : vector<1x16xf32> to vector<16xf32>
      %sub3A_378 = arith.subf %get3A_373, %get3A_377 : vector<16xf32>
      %mul3A_379 = arith.mulf %sub3A_378, %sub3A_378 : vector<16xf32>
      %add3A_380 = arith.addf %add3A_336, %mul3A_379 : vector<16xf32>
      %get3A_381 = arith.index_cast %scan3A_169 : i32 to index
      %get3A_382 = arith.constant 304 : index
      %get3A_383 = tpu.vector_load %arg7[%get3A_381, %get3A_382] {strides = array<i32>} : memref<32x512xf32, #tpu.memory_space<vmem>>, vector<1x16xf32>,
      %get3A_384 = vector.shape_cast %get3A_383 : vector<1x16xf32> to vector<16xf32>
      %get3A_385 = arith.index_cast %scan3A_169 : i32 to index
      %get3A_386 = arith.constant 304 : index
      %get3A_387 = tpu.vector_load %arg10[%get3A_385, %get3A_386] {strides = array<i32>} : memref<32x512xf32, #tpu.memory_space<vmem>>, vector<1x16xf32>,
      %get3A_388 = vector.shape_cast %get3A_387 : vector<1x16xf32> to vector<16xf32>
      %sub3A_389 = arith.subf %get3A_384, %get3A_388 : vector<16xf32>
      %mul3A_390 = arith.mulf %sub3A_389, %sub3A_389 : vector<16xf32>
      %add3A_391 = arith.addf %add3A_347, %mul3A_390 : vector<16xf32>
      %get3A_392 = arith.index_cast %scan3A_169 : i32 to index
      %get3A_393 = arith.constant 320 : index
      %get3A_394 = tpu.vector_load %arg7[%get3A_392, %get3A_393] {strides = array<i32>} : memref<32x512xf32, #tpu.memory_space<vmem>>, vector<1x16xf32>,
      %get3A_395 = vector.shape_cast %get3A_394 : vector<1x16xf32> to vector<16xf32>
      %get3A_396 = arith.index_cast %scan3A_169 : i32 to index
      %get3A_397 = arith.constant 320 : index
      %get3A_398 = tpu.vector_load %arg10[%get3A_396, %get3A_397] {strides = array<i32>} : memref<32x512xf32, #tpu.memory_space<vmem>>, vector<1x16xf32>,
      %get3A_399 = vector.shape_cast %get3A_398 : vector<1x16xf32> to vector<16xf32>
      %sub3A_400 = arith.subf %get3A_395, %get3A_399 : vector<16xf32>
      %mul3A_401 = arith.mulf %sub3A_400, %sub3A_400 : vector<16xf32>
      %add3A_402 = arith.addf %add3A_358, %mul3A_401 : vector<16xf32>
      %get3A_403 = arith.index_cast %scan3A_169 : i32 to index
      %get3A_404 = arith.constant 336 : index
      %get3A_405 = tpu.vector_load %arg7[%get3A_403, %get3A_404] {strides = array<i32>} : memref<32x512xf32, #tpu.memory_space<vmem>>, vector<1x16xf32>,
      %get3A_406 = vector.shape_cast %get3A_405 : vector<1x16xf32> to vector<16xf32>
      %get3A_407 = arith.index_cast %scan3A_169 : i32 to index
      %get3A_408 = arith.constant 336 : index
      %get3A_409 = tpu.vector_load %arg10[%get3A_407, %get3A_408] {strides = array<i32>} : memref<32x512xf32, #tpu.memory_space<vmem>>, vector<1x16xf32>,
      %get3A_410 = vector.shape_cast %get3A_409 : vector<1x16xf32> to vector<16xf32>
      %sub3A_411 = arith.subf %get3A_406, %get3A_410 : vector<16xf32>
      %mul3A_412 = arith.mulf %sub3A_411, %sub3A_411 : vector<16xf32>
      %add3A_413 = arith.addf %add3A_369, %mul3A_412 : vector<16xf32>
      %get3A_414 = arith.index_cast %scan3A_169 : i32 to index
      %get3A_415 = arith.constant 352 : index
      %get3A_416 = tpu.vector_load %arg7[%get3A_414, %get3A_415] {strides = array<i32>} : memref<32x512xf32, #tpu.memory_space<vmem>>, vector<1x16xf32>,
      %get3A_417 = vector.shape_cast %get3A_416 : vector<1x16xf32> to vector<16xf32>
      %get3A_418 = arith.index_cast %scan3A_169 : i32 to index
      %get3A_419 = arith.constant 352 : index
      %get3A_420 = tpu.vector_load %arg10[%get3A_418, %get3A_419] {strides = array<i32>} : memref<32x512xf32, #tpu.memory_space<vmem>>, vector<1x16xf32>,
      %get3A_421 = vector.shape_cast %get3A_420 : vector<1x16xf32> to vector<16xf32>
      %sub3A_422 = arith.subf %get3A_417, %get3A_421 : vector<16xf32>
      %mul3A_423 = arith.mulf %sub3A_422, %sub3A_422 : vector<16xf32>
      %add3A_424 = arith.addf %add3A_380, %mul3A_423 : vector<16xf32>
      %get3A_425 = arith.index_cast %scan3A_169 : i32 to index
      %get3A_426 = arith.constant 368 : index
      %get3A_427 = tpu.vector_load %arg7[%get3A_425, %get3A_426] {strides = array<i32>} : memref<32x512xf32, #tpu.memory_space<vmem>>, vector<1x16xf32>,
      %get3A_428 = vector.shape_cast %get3A_427 : vector<1x16xf32> to vector<16xf32>
      %get3A_429 = arith.index_cast %scan3A_169 : i32 to index
      %get3A_430 = arith.constant 368 : index
      %get3A_431 = tpu.vector_load %arg10[%get3A_429, %get3A_430] {strides = array<i32>} : memref<32x512xf32, #tpu.memory_space<vmem>>, vector<1x16xf32>,
      %get3A_432 = vector.shape_cast %get3A_431 : vector<1x16xf32> to vector<16xf32>
      %sub3A_433 = arith.subf %get3A_428, %get3A_432 : vector<16xf32>
      %mul3A_434 = arith.mulf %sub3A_433, %sub3A_433 : vector<16xf32>
      %add3A_435 = arith.addf %add3A_391, %mul3A_434 : vector<16xf32>
      %get3A_436 = arith.index_cast %scan3A_169 : i32 to index
      %get3A_437 = arith.constant 384 : index
      %get3A_438 = tpu.vector_load %arg7[%get3A_436, %get3A_437] {strides = array<i32>} : memref<32x512xf32, #tpu.memory_space<vmem>>, vector<1x16xf32>,
      %get3A_439 = vector.shape_cast %get3A_438 : vector<1x16xf32> to vector<16xf32>
      %get3A_440 = arith.index_cast %scan3A_169 : i32 to index
      %get3A_441 = arith.constant 384 : index
      %get3A_442 = tpu.vector_load %arg10[%get3A_440, %get3A_441] {strides = array<i32>} : memref<32x512xf32, #tpu.memory_space<vmem>>, vector<1x16xf32>,
      %get3A_443 = vector.shape_cast %get3A_442 : vector<1x16xf32> to vector<16xf32>
      %sub3A_444 = arith.subf %get3A_439, %get3A_443 : vector<16xf32>
      %mul3A_445 = arith.mulf %sub3A_444, %sub3A_444 : vector<16xf32>
      %add3A_446 = arith.addf %add3A_402, %mul3A_445 : vector<16xf32>
      %get3A_447 = arith.index_cast %scan3A_169 : i32 to index
      %get3A_448 = arith.constant 400 : index
      %get3A_449 = tpu.vector_load %arg7[%get3A_447, %get3A_448] {strides = array<i32>} : memref<32x512xf32, #tpu.memory_space<vmem>>, vector<1x16xf32>,
      %get3A_450 = vector.shape_cast %get3A_449 : vector<1x16xf32> to vector<16xf32>
      %get3A_451 = arith.index_cast %scan3A_169 : i32 to index
      %get3A_452 = arith.constant 400 : index
      %get3A_453 = tpu.vector_load %arg10[%get3A_451, %get3A_452] {strides = array<i32>} : memref<32x512xf32, #tpu.memory_space<vmem>>, vector<1x16xf32>,
      %get3A_454 = vector.shape_cast %get3A_453 : vector<1x16xf32> to vector<16xf32>
      %sub3A_455 = arith.subf %get3A_450, %get3A_454 : vector<16xf32>
      %mul3A_456 = arith.mulf %sub3A_455, %sub3A_455 : vector<16xf32>
      %add3A_457 = arith.addf %add3A_413, %mul3A_456 : vector<16xf32>
      %get3A_458 = arith.index_cast %scan3A_169 : i32 to index
      %get3A_459 = arith.constant 416 : index
      %get3A_460 = tpu.vector_load %arg7[%get3A_458, %get3A_459] {strides = array<i32>} : memref<32x512xf32, #tpu.memory_space<vmem>>, vector<1x16xf32>,
      %get3A_461 = vector.shape_cast %get3A_460 : vector<1x16xf32> to vector<16xf32>
      %get3A_462 = arith.index_cast %scan3A_169 : i32 to index
      %get3A_463 = arith.constant 416 : index
      %get3A_464 = tpu.vector_load %arg10[%get3A_462, %get3A_463] {strides = array<i32>} : memref<32x512xf32, #tpu.memory_space<vmem>>, vector<1x16xf32>,
      %get3A_465 = vector.shape_cast %get3A_464 : vector<1x16xf32> to vector<16xf32>
      %sub3A_466 = arith.subf %get3A_461, %get3A_465 : vector<16xf32>
      %mul3A_467 = arith.mulf %sub3A_466, %sub3A_466 : vector<16xf32>
      %add3A_468 = arith.addf %add3A_424, %mul3A_467 : vector<16xf32>
      %get3A_469 = arith.index_cast %scan3A_169 : i32 to index
      %get3A_470 = arith.constant 432 : index
      %get3A_471 = tpu.vector_load %arg7[%get3A_469, %get3A_470] {strides = array<i32>} : memref<32x512xf32, #tpu.memory_space<vmem>>, vector<1x16xf32>,
      %get3A_472 = vector.shape_cast %get3A_471 : vector<1x16xf32> to vector<16xf32>
      %get3A_473 = arith.index_cast %scan3A_169 : i32 to index
      %get3A_474 = arith.constant 432 : index
      %get3A_475 = tpu.vector_load %arg10[%get3A_473, %get3A_474] {strides = array<i32>} : memref<32x512xf32, #tpu.memory_space<vmem>>, vector<1x16xf32>,
      %get3A_476 = vector.shape_cast %get3A_475 : vector<1x16xf32> to vector<16xf32>
      %sub3A_477 = arith.subf %get3A_472, %get3A_476 : vector<16xf32>
      %mul3A_478 = arith.mulf %sub3A_477, %sub3A_477 : vector<16xf32>
      %add3A_479 = arith.addf %add3A_435, %mul3A_478 : vector<16xf32>
      %get3A_480 = arith.index_cast %scan3A_169 : i32 to index
      %get3A_481 = arith.constant 448 : index
      %get3A_482 = tpu.vector_load %arg7[%get3A_480, %get3A_481] {strides = array<i32>} : memref<32x512xf32, #tpu.memory_space<vmem>>, vector<1x16xf32>,
      %get3A_483 = vector.shape_cast %get3A_482 : vector<1x16xf32> to vector<16xf32>
      %get3A_484 = arith.index_cast %scan3A_169 : i32 to index
      %get3A_485 = arith.constant 448 : index
      %get3A_486 = tpu.vector_load %arg10[%get3A_484, %get3A_485] {strides = array<i32>} : memref<32x512xf32, #tpu.memory_space<vmem>>, vector<1x16xf32>,
      %get3A_487 = vector.shape_cast %get3A_486 : vector<1x16xf32> to vector<16xf32>
      %sub3A_488 = arith.subf %get3A_483, %get3A_487 : vector<16xf32>
      %mul3A_489 = arith.mulf %sub3A_488, %sub3A_488 : vector<16xf32>
      %add3A_490 = arith.addf %add3A_446, %mul3A_489 : vector<16xf32>
      %get3A_491 = arith.index_cast %scan3A_169 : i32 to index
      %get3A_492 = arith.constant 464 : index
      %get3A_493 = tpu.vector_load %arg7[%get3A_491, %get3A_492] {strides = array<i32>} : memref<32x512xf32, #tpu.memory_space<vmem>>, vector<1x16xf32>,
      %get3A_494 = vector.shape_cast %get3A_493 : vector<1x16xf32> to vector<16xf32>
      %get3A_495 = arith.index_cast %scan3A_169 : i32 to index
      %get3A_496 = arith.constant 464 : index
      %get3A_497 = tpu.vector_load %arg10[%get3A_495, %get3A_496] {strides = array<i32>} : memref<32x512xf32, #tpu.memory_space<vmem>>, vector<1x16xf32>,
      %get3A_498 = vector.shape_cast %get3A_497 : vector<1x16xf32> to vector<16xf32>
      %sub3A_499 = arith.subf %get3A_494, %get3A_498 : vector<16xf32>
      %mul3A_500 = arith.mulf %sub3A_499, %sub3A_499 : vector<16xf32>
      %add3A_501 = arith.addf %add3A_457, %mul3A_500 : vector<16xf32>
      %get3A_502 = arith.index_cast %scan3A_169 : i32 to index
      %get3A_503 = arith.constant 480 : index
      %get3A_504 = tpu.vector_load %arg7[%get3A_502, %get3A_503] {strides = array<i32>} : memref<32x512xf32, #tpu.memory_space<vmem>>, vector<1x16xf32>,
      %get3A_505 = vector.shape_cast %get3A_504 : vector<1x16xf32> to vector<16xf32>
      %get3A_506 = arith.index_cast %scan3A_169 : i32 to index
      %get3A_507 = arith.constant 480 : index
      %get3A_508 = tpu.vector_load %arg10[%get3A_506, %get3A_507] {strides = array<i32>} : memref<32x512xf32, #tpu.memory_space<vmem>>, vector<1x16xf32>,
      %get3A_509 = vector.shape_cast %get3A_508 : vector<1x16xf32> to vector<16xf32>
      %sub3A_510 = arith.subf %get3A_505, %get3A_509 : vector<16xf32>
      %mul3A_511 = arith.mulf %sub3A_510, %sub3A_510 : vector<16xf32>
      %add3A_512 = arith.addf %add3A_468, %mul3A_511 : vector<16xf32>
      %get3A_513 = arith.index_cast %scan3A_169 : i32 to index
      %get3A_514 = arith.constant 496 : index
      %get3A_515 = tpu.vector_load %arg7[%get3A_513, %get3A_514] {strides = array<i32>} : memref<32x512xf32, #tpu.memory_space<vmem>>, vector<1x16xf32>,
      %get3A_516 = vector.shape_cast %get3A_515 : vector<1x16xf32> to vector<16xf32>
      %get3A_517 = arith.index_cast %scan3A_169 : i32 to index
      %get3A_518 = arith.constant 496 : index
      %get3A_519 = tpu.vector_load %arg10[%get3A_517, %get3A_518] {strides = array<i32>} : memref<32x512xf32, #tpu.memory_space<vmem>>, vector<1x16xf32>,
      %get3A_520 = vector.shape_cast %get3A_519 : vector<1x16xf32> to vector<16xf32>
      %sub3A_521 = arith.subf %get3A_516, %get3A_520 : vector<16xf32>
      %mul3A_522 = arith.mulf %sub3A_521, %sub3A_521 : vector<16xf32>
      %add3A_523 = arith.addf %add3A_479, %mul3A_522 : vector<16xf32>
      scf.yield %add3A_490, %add3A_501, %add3A_512, %add3A_523 : vector<16xf32>, vector<16xf32>, vector<16xf32>, vector<16xf32>
    }
    %scan3A_54 = arith.constant 32 : i32
    %add3A_55 = arith.constant 96 : i32
    %add3A_56 = arith.addi %mul3A_2, %add3A_55 : i32
    %dma_start3A_57 = arith.constant 0 : i32
    %dma_start3A_58 = tpu.memref_slice %arg2[%add3A_56, %dma_start3A_57] : memref<16384x512xf32, #tpu.memory_space<hbm>> -> memref<32x512xf32, #tpu.memory_space<hbm>>
    %dma_start3A_59 = arith.constant 0 : i32
    %dma_start3A_60 = tpu.memref_slice %arg2[%add3A_56, %dma_start3A_59] : memref<16384x512xf32, #tpu.memory_space<hbm>> -> memref<32x512xf32, #tpu.memory_space<hbm>>
    tpu.enqueue_dma source(%dma_start3A_60 : memref<32x512xf32, #tpu.memory_space<hbm>>) target(%arg7 : memref<32x512xf32, #tpu.memory_space<vmem>>) target_semaphore(%arg14 : memref<!tpu.dma_semaphore, #tpu.memory_space<semaphore_mem>>)
    %dma_start3A_61 = arith.constant 96 : i32
    %dma_start3A_62 = tpu.memref_slice %arg6[%dma_start3A_61] : memref<192xi32, #tpu.memory_space<vmem>> -> memref<32xi32, #tpu.memory_space<vmem>>
    %dma_start3A_63 = arith.constant 0 : i32
    %dma_start3A_64 = arith.constant 0 : i32
    %dma_start3A_65 = tpu.memref_slice %arg4[%dma_start3A_63, %dma_start3A_64] : memref<1000x512xf32, #tpu.memory_space<hbm>> -> memref<1000x512xf32, #tpu.memory_space<hbm>>
    tpu.enqueue_indirect_dma source(%dma_start3A_65 : memref<1000x512xf32, #tpu.memory_space<hbm>>) target(%arg10 : memref<32x512xf32, #tpu.memory_space<vmem>>) offsets(%dma_start3A_62 : memref<32xi32, #tpu.memory_space<vmem>>) semaphore(%arg17 : memref<!tpu.dma_semaphore, #tpu.memory_space<semaphore_mem>>)
    %dma_wait3A_66 = arith.constant 0 : i32
    %dma_wait3A_67 = tpu.memref_slice %arg2[%add3A_14, %dma_wait3A_66] : memref<16384x512xf32, #tpu.memory_space<hbm>> -> memref<32x512xf32, #tpu.memory_space<hbm>>
    %dma_wait3A_68 = arith.constant 0 : i32
    %dma_wait3A_69 = tpu.memref_slice %arg2[%add3A_14, %dma_wait3A_68] : memref<16384x512xf32, #tpu.memory_space<hbm>> -> memref<32x512xf32, #tpu.memory_space<hbm>>
    tpu.wait_dma2 semaphore(%arg15 : memref<!tpu.dma_semaphore, #tpu.memory_space<semaphore_mem>>) src(%dma_wait3A_69 : memref<32x512xf32, #tpu.memory_space<hbm>>) dst(%arg8 : memref<32x512xf32, #tpu.memory_space<vmem>>)
    %dma_wait3A_70 = arith.constant 32 : i32
    %dma_wait3A_71 = tpu.memref_slice %arg6[%dma_wait3A_70] : memref<192xi32, #tpu.memory_space<vmem>> -> memref<32xi32, #tpu.memory_space<vmem>>
    %dma_wait3A_72 = arith.constant 0 : i32
    %dma_wait3A_73 = arith.constant 0 : i32
    %dma_wait3A_74 = tpu.memref_slice %arg4[%dma_wait3A_72, %dma_wait3A_73] : memref<1000x512xf32, #tpu.memory_space<hbm>> -> memref<1000x512xf32, #tpu.memory_space<hbm>>
    tpu.wait_indirect_dma semaphore(%arg18 : memref<!tpu.dma_semaphore, #tpu.memory_space<semaphore_mem>>) src(%dma_wait3A_74 : memref<1000x512xf32, #tpu.memory_space<hbm>>) dst(%arg11 : memref<32x512xf32, #tpu.memory_space<vmem>>)
    %scan3A_75 = arith.constant 0 : i32
    %scan3A_76 = arith.constant 32 : i32
    %scan3A_77 = arith.addi %scan3A_75, %scan3A_76 : i32
    %scan3A_78 = arith.constant 1 : i32
    %scan3A_79:4 = scf.for %scan3A_169 = %scan3A_75 to %scan3A_77 step %scan3A_78 iter_args(%scan3A_170 = %scan3A_53#0, %scan3A_171 = %scan3A_53#1, %scan3A_172 = %scan3A_53#2, %scan3A_173 = %scan3A_53#3) -> (vector<16xf32>, vector<16xf32>, vector<16xf32>, vector<16xf32>)  : i32 {
      %get3A = arith.index_cast %scan3A_169 : i32 to index
      %get3A_174 = arith.constant 0 : index
      %get3A_175 = tpu.vector_load %arg8[%get3A, %get3A_174] {strides = array<i32>} : memref<32x512xf32, #tpu.memory_space<vmem>>, vector<1x16xf32>,
      %get3A_176 = vector.shape_cast %get3A_175 : vector<1x16xf32> to vector<16xf32>
      %get3A_177 = arith.index_cast %scan3A_169 : i32 to index
      %get3A_178 = arith.constant 0 : index
      %get3A_179 = tpu.vector_load %arg11[%get3A_177, %get3A_178] {strides = array<i32>} : memref<32x512xf32, #tpu.memory_space<vmem>>, vector<1x16xf32>,
      %get3A_180 = vector.shape_cast %get3A_179 : vector<1x16xf32> to vector<16xf32>
      %sub3A = arith.subf %get3A_176, %get3A_180 : vector<16xf32>
      %mul3A_181 = arith.mulf %sub3A, %sub3A : vector<16xf32>
      %add3A_182 = arith.addf %scan3A_170, %mul3A_181 : vector<16xf32>
      %get3A_183 = arith.index_cast %scan3A_169 : i32 to index
      %get3A_184 = arith.constant 16 : index
      %get3A_185 = tpu.vector_load %arg8[%get3A_183, %get3A_184] {strides = array<i32>} : memref<32x512xf32, #tpu.memory_space<vmem>>, vector<1x16xf32>,
      %get3A_186 = vector.shape_cast %get3A_185 : vector<1x16xf32> to vector<16xf32>
      %get3A_187 = arith.index_cast %scan3A_169 : i32 to index
      %get3A_188 = arith.constant 16 : index
      %get3A_189 = tpu.vector_load %arg11[%get3A_187, %get3A_188] {strides = array<i32>} : memref<32x512xf32, #tpu.memory_space<vmem>>, vector<1x16xf32>,
      %get3A_190 = vector.shape_cast %get3A_189 : vector<1x16xf32> to vector<16xf32>
      %sub3A_191 = arith.subf %get3A_186, %get3A_190 : vector<16xf32>
      %mul3A_192 = arith.mulf %sub3A_191, %sub3A_191 : vector<16xf32>
      %add3A_193 = arith.addf %scan3A_171, %mul3A_192 : vector<16xf32>
      %get3A_194 = arith.index_cast %scan3A_169 : i32 to index
      %get3A_195 = arith.constant 32 : index
      %get3A_196 = tpu.vector_load %arg8[%get3A_194, %get3A_195] {strides = array<i32>} : memref<32x512xf32, #tpu.memory_space<vmem>>, vector<1x16xf32>,
      %get3A_197 = vector.shape_cast %get3A_196 : vector<1x16xf32> to vector<16xf32>
      %get3A_198 = arith.index_cast %scan3A_169 : i32 to index
      %get3A_199 = arith.constant 32 : index
      %get3A_200 = tpu.vector_load %arg11[%get3A_198, %get3A_199] {strides = array<i32>} : memref<32x512xf32, #tpu.memory_space<vmem>>, vector<1x16xf32>,
      %get3A_201 = vector.shape_cast %get3A_200 : vector<1x16xf32> to vector<16xf32>
      %sub3A_202 = arith.subf %get3A_197, %get3A_201 : vector<16xf32>
      %mul3A_203 = arith.mulf %sub3A_202, %sub3A_202 : vector<16xf32>
      %add3A_204 = arith.addf %scan3A_172, %mul3A_203 : vector<16xf32>
      %get3A_205 = arith.index_cast %scan3A_169 : i32 to index
      %get3A_206 = arith.constant 48 : index
      %get3A_207 = tpu.vector_load %arg8[%get3A_205, %get3A_206] {strides = array<i32>} : memref<32x512xf32, #tpu.memory_space<vmem>>, vector<1x16xf32>,
      %get3A_208 = vector.shape_cast %get3A_207 : vector<1x16xf32> to vector<16xf32>
      %get3A_209 = arith.index_cast %scan3A_169 : i32 to index
      %get3A_210 = arith.constant 48 : index
      %get3A_211 = tpu.vector_load %arg11[%get3A_209, %get3A_210] {strides = array<i32>} : memref<32x512xf32, #tpu.memory_space<vmem>>, vector<1x16xf32>,
      %get3A_212 = vector.shape_cast %get3A_211 : vector<1x16xf32> to vector<16xf32>
      %sub3A_213 = arith.subf %get3A_208, %get3A_212 : vector<16xf32>
      %mul3A_214 = arith.mulf %sub3A_213, %sub3A_213 : vector<16xf32>
      %add3A_215 = arith.addf %scan3A_173, %mul3A_214 : vector<16xf32>
      %get3A_216 = arith.index_cast %scan3A_169 : i32 to index
      %get3A_217 = arith.constant 64 : index
      %get3A_218 = tpu.vector_load %arg8[%get3A_216, %get3A_217] {strides = array<i32>} : memref<32x512xf32, #tpu.memory_space<vmem>>, vector<1x16xf32>,
      %get3A_219 = vector.shape_cast %get3A_218 : vector<1x16xf32> to vector<16xf32>
      %get3A_220 = arith.index_cast %scan3A_169 : i32 to index
      %get3A_221 = arith.constant 64 : index
      %get3A_222 = tpu.vector_load %arg11[%get3A_220, %get3A_221] {strides = array<i32>} : memref<32x512xf32, #tpu.memory_space<vmem>>, vector<1x16xf32>,
      %get3A_223 = vector.shape_cast %get3A_222 : vector<1x16xf32> to vector<16xf32>
      %sub3A_224 = arith.subf %get3A_219, %get3A_223 : vector<16xf32>
      %mul3A_225 = arith.mulf %sub3A_224, %sub3A_224 : vector<16xf32>
      %add3A_226 = arith.addf %add3A_182, %mul3A_225 : vector<16xf32>
      %get3A_227 = arith.index_cast %scan3A_169 : i32 to index
      %get3A_228 = arith.constant 80 : index
      %get3A_229 = tpu.vector_load %arg8[%get3A_227, %get3A_228] {strides = array<i32>} : memref<32x512xf32, #tpu.memory_space<vmem>>, vector<1x16xf32>,
      %get3A_230 = vector.shape_cast %get3A_229 : vector<1x16xf32> to vector<16xf32>
      %get3A_231 = arith.index_cast %scan3A_169 : i32 to index
      %get3A_232 = arith.constant 80 : index
      %get3A_233 = tpu.vector_load %arg11[%get3A_231, %get3A_232] {strides = array<i32>} : memref<32x512xf32, #tpu.memory_space<vmem>>, vector<1x16xf32>,
      %get3A_234 = vector.shape_cast %get3A_233 : vector<1x16xf32> to vector<16xf32>
      %sub3A_235 = arith.subf %get3A_230, %get3A_234 : vector<16xf32>
      %mul3A_236 = arith.mulf %sub3A_235, %sub3A_235 : vector<16xf32>
      %add3A_237 = arith.addf %add3A_193, %mul3A_236 : vector<16xf32>
      %get3A_238 = arith.index_cast %scan3A_169 : i32 to index
      %get3A_239 = arith.constant 96 : index
      %get3A_240 = tpu.vector_load %arg8[%get3A_238, %get3A_239] {strides = array<i32>} : memref<32x512xf32, #tpu.memory_space<vmem>>, vector<1x16xf32>,
      %get3A_241 = vector.shape_cast %get3A_240 : vector<1x16xf32> to vector<16xf32>
      %get3A_242 = arith.index_cast %scan3A_169 : i32 to index
      %get3A_243 = arith.constant 96 : index
      %get3A_244 = tpu.vector_load %arg11[%get3A_242, %get3A_243] {strides = array<i32>} : memref<32x512xf32, #tpu.memory_space<vmem>>, vector<1x16xf32>,
      %get3A_245 = vector.shape_cast %get3A_244 : vector<1x16xf32> to vector<16xf32>
      %sub3A_246 = arith.subf %get3A_241, %get3A_245 : vector<16xf32>
      %mul3A_247 = arith.mulf %sub3A_246, %sub3A_246 : vector<16xf32>
      %add3A_248 = arith.addf %add3A_204, %mul3A_247 : vector<16xf32>
      %get3A_249 = arith.index_cast %scan3A_169 : i32 to index
      %get3A_250 = arith.constant 112 : index
      %get3A_251 = tpu.vector_load %arg8[%get3A_249, %get3A_250] {strides = array<i32>} : memref<32x512xf32, #tpu.memory_space<vmem>>, vector<1x16xf32>,
      %get3A_252 = vector.shape_cast %get3A_251 : vector<1x16xf32> to vector<16xf32>
      %get3A_253 = arith.index_cast %scan3A_169 : i32 to index
      %get3A_254 = arith.constant 112 : index
      %get3A_255 = tpu.vector_load %arg11[%get3A_253, %get3A_254] {strides = array<i32>} : memref<32x512xf32, #tpu.memory_space<vmem>>, vector<1x16xf32>,
      %get3A_256 = vector.shape_cast %get3A_255 : vector<1x16xf32> to vector<16xf32>
      %sub3A_257 = arith.subf %get3A_252, %get3A_256 : vector<16xf32>
      %mul3A_258 = arith.mulf %sub3A_257, %sub3A_257 : vector<16xf32>
      %add3A_259 = arith.addf %add3A_215, %mul3A_258 : vector<16xf32>
      %get3A_260 = arith.index_cast %scan3A_169 : i32 to index
      %get3A_261 = arith.constant 128 : index
      %get3A_262 = tpu.vector_load %arg8[%get3A_260, %get3A_261] {strides = array<i32>} : memref<32x512xf32, #tpu.memory_space<vmem>>, vector<1x16xf32>,
      %get3A_263 = vector.shape_cast %get3A_262 : vector<1x16xf32> to vector<16xf32>
      %get3A_264 = arith.index_cast %scan3A_169 : i32 to index
      %get3A_265 = arith.constant 128 : index
      %get3A_266 = tpu.vector_load %arg11[%get3A_264, %get3A_265] {strides = array<i32>} : memref<32x512xf32, #tpu.memory_space<vmem>>, vector<1x16xf32>,
      %get3A_267 = vector.shape_cast %get3A_266 : vector<1x16xf32> to vector<16xf32>
      %sub3A_268 = arith.subf %get3A_263, %get3A_267 : vector<16xf32>
      %mul3A_269 = arith.mulf %sub3A_268, %sub3A_268 : vector<16xf32>
      %add3A_270 = arith.addf %add3A_226, %mul3A_269 : vector<16xf32>
      %get3A_271 = arith.index_cast %scan3A_169 : i32 to index
      %get3A_272 = arith.constant 144 : index
      %get3A_273 = tpu.vector_load %arg8[%get3A_271, %get3A_272] {strides = array<i32>} : memref<32x512xf32, #tpu.memory_space<vmem>>, vector<1x16xf32>,
      %get3A_274 = vector.shape_cast %get3A_273 : vector<1x16xf32> to vector<16xf32>
      %get3A_275 = arith.index_cast %scan3A_169 : i32 to index
      %get3A_276 = arith.constant 144 : index
      %get3A_277 = tpu.vector_load %arg11[%get3A_275, %get3A_276] {strides = array<i32>} : memref<32x512xf32, #tpu.memory_space<vmem>>, vector<1x16xf32>,
      %get3A_278 = vector.shape_cast %get3A_277 : vector<1x16xf32> to vector<16xf32>
      %sub3A_279 = arith.subf %get3A_274, %get3A_278 : vector<16xf32>
      %mul3A_280 = arith.mulf %sub3A_279, %sub3A_279 : vector<16xf32>
      %add3A_281 = arith.addf %add3A_237, %mul3A_280 : vector<16xf32>
      %get3A_282 = arith.index_cast %scan3A_169 : i32 to index
      %get3A_283 = arith.constant 160 : index
      %get3A_284 = tpu.vector_load %arg8[%get3A_282, %get3A_283] {strides = array<i32>} : memref<32x512xf32, #tpu.memory_space<vmem>>, vector<1x16xf32>,
      %get3A_285 = vector.shape_cast %get3A_284 : vector<1x16xf32> to vector<16xf32>
      %get3A_286 = arith.index_cast %scan3A_169 : i32 to index
      %get3A_287 = arith.constant 160 : index
      %get3A_288 = tpu.vector_load %arg11[%get3A_286, %get3A_287] {strides = array<i32>} : memref<32x512xf32, #tpu.memory_space<vmem>>, vector<1x16xf32>,
      %get3A_289 = vector.shape_cast %get3A_288 : vector<1x16xf32> to vector<16xf32>
      %sub3A_290 = arith.subf %get3A_285, %get3A_289 : vector<16xf32>
      %mul3A_291 = arith.mulf %sub3A_290, %sub3A_290 : vector<16xf32>
      %add3A_292 = arith.addf %add3A_248, %mul3A_291 : vector<16xf32>
      %get3A_293 = arith.index_cast %scan3A_169 : i32 to index
      %get3A_294 = arith.constant 176 : index
      %get3A_295 = tpu.vector_load %arg8[%get3A_293, %get3A_294] {strides = array<i32>} : memref<32x512xf32, #tpu.memory_space<vmem>>, vector<1x16xf32>,
      %get3A_296 = vector.shape_cast %get3A_295 : vector<1x16xf32> to vector<16xf32>
      %get3A_297 = arith.index_cast %scan3A_169 : i32 to index
      %get3A_298 = arith.constant 176 : index
      %get3A_299 = tpu.vector_load %arg11[%get3A_297, %get3A_298] {strides = array<i32>} : memref<32x512xf32, #tpu.memory_space<vmem>>, vector<1x16xf32>,
      %get3A_300 = vector.shape_cast %get3A_299 : vector<1x16xf32> to vector<16xf32>
      %sub3A_301 = arith.subf %get3A_296, %get3A_300 : vector<16xf32>
      %mul3A_302 = arith.mulf %sub3A_301, %sub3A_301 : vector<16xf32>
      %add3A_303 = arith.addf %add3A_259, %mul3A_302 : vector<16xf32>
      %get3A_304 = arith.index_cast %scan3A_169 : i32 to index
      %get3A_305 = arith.constant 192 : index
      %get3A_306 = tpu.vector_load %arg8[%get3A_304, %get3A_305] {strides = array<i32>} : memref<32x512xf32, #tpu.memory_space<vmem>>, vector<1x16xf32>,
      %get3A_307 = vector.shape_cast %get3A_306 : vector<1x16xf32> to vector<16xf32>
      %get3A_308 = arith.index_cast %scan3A_169 : i32 to index
      %get3A_309 = arith.constant 192 : index
      %get3A_310 = tpu.vector_load %arg11[%get3A_308, %get3A_309] {strides = array<i32>} : memref<32x512xf32, #tpu.memory_space<vmem>>, vector<1x16xf32>,
      %get3A_311 = vector.shape_cast %get3A_310 : vector<1x16xf32> to vector<16xf32>
      %sub3A_312 = arith.subf %get3A_307, %get3A_311 : vector<16xf32>
      %mul3A_313 = arith.mulf %sub3A_312, %sub3A_312 : vector<16xf32>
      %add3A_314 = arith.addf %add3A_270, %mul3A_313 : vector<16xf32>
      %get3A_315 = arith.index_cast %scan3A_169 : i32 to index
      %get3A_316 = arith.constant 208 : index
      %get3A_317 = tpu.vector_load %arg8[%get3A_315, %get3A_316] {strides = array<i32>} : memref<32x512xf32, #tpu.memory_space<vmem>>, vector<1x16xf32>,
      %get3A_318 = vector.shape_cast %get3A_317 : vector<1x16xf32> to vector<16xf32>
      %get3A_319 = arith.index_cast %scan3A_169 : i32 to index
      %get3A_320 = arith.constant 208 : index
      %get3A_321 = tpu.vector_load %arg11[%get3A_319, %get3A_320] {strides = array<i32>} : memref<32x512xf32, #tpu.memory_space<vmem>>, vector<1x16xf32>,
      %get3A_322 = vector.shape_cast %get3A_321 : vector<1x16xf32> to vector<16xf32>
      %sub3A_323 = arith.subf %get3A_318, %get3A_322 : vector<16xf32>
      %mul3A_324 = arith.mulf %sub3A_323, %sub3A_323 : vector<16xf32>
      %add3A_325 = arith.addf %add3A_281, %mul3A_324 : vector<16xf32>
      %get3A_326 = arith.index_cast %scan3A_169 : i32 to index
      %get3A_327 = arith.constant 224 : index
      %get3A_328 = tpu.vector_load %arg8[%get3A_326, %get3A_327] {strides = array<i32>} : memref<32x512xf32, #tpu.memory_space<vmem>>, vector<1x16xf32>,
      %get3A_329 = vector.shape_cast %get3A_328 : vector<1x16xf32> to vector<16xf32>
      %get3A_330 = arith.index_cast %scan3A_169 : i32 to index
      %get3A_331 = arith.constant 224 : index
      %get3A_332 = tpu.vector_load %arg11[%get3A_330, %get3A_331] {strides = array<i32>} : memref<32x512xf32, #tpu.memory_space<vmem>>, vector<1x16xf32>,
      %get3A_333 = vector.shape_cast %get3A_332 : vector<1x16xf32> to vector<16xf32>
      %sub3A_334 = arith.subf %get3A_329, %get3A_333 : vector<16xf32>
      %mul3A_335 = arith.mulf %sub3A_334, %sub3A_334 : vector<16xf32>
      %add3A_336 = arith.addf %add3A_292, %mul3A_335 : vector<16xf32>
      %get3A_337 = arith.index_cast %scan3A_169 : i32 to index
      %get3A_338 = arith.constant 240 : index
      %get3A_339 = tpu.vector_load %arg8[%get3A_337, %get3A_338] {strides = array<i32>} : memref<32x512xf32, #tpu.memory_space<vmem>>, vector<1x16xf32>,
      %get3A_340 = vector.shape_cast %get3A_339 : vector<1x16xf32> to vector<16xf32>
      %get3A_341 = arith.index_cast %scan3A_169 : i32 to index
      %get3A_342 = arith.constant 240 : index
      %get3A_343 = tpu.vector_load %arg11[%get3A_341, %get3A_342] {strides = array<i32>} : memref<32x512xf32, #tpu.memory_space<vmem>>, vector<1x16xf32>,
      %get3A_344 = vector.shape_cast %get3A_343 : vector<1x16xf32> to vector<16xf32>
      %sub3A_345 = arith.subf %get3A_340, %get3A_344 : vector<16xf32>
      %mul3A_346 = arith.mulf %sub3A_345, %sub3A_345 : vector<16xf32>
      %add3A_347 = arith.addf %add3A_303, %mul3A_346 : vector<16xf32>
      %get3A_348 = arith.index_cast %scan3A_169 : i32 to index
      %get3A_349 = arith.constant 256 : index
      %get3A_350 = tpu.vector_load %arg8[%get3A_348, %get3A_349] {strides = array<i32>} : memref<32x512xf32, #tpu.memory_space<vmem>>, vector<1x16xf32>,
      %get3A_351 = vector.shape_cast %get3A_350 : vector<1x16xf32> to vector<16xf32>
      %get3A_352 = arith.index_cast %scan3A_169 : i32 to index
      %get3A_353 = arith.constant 256 : index
      %get3A_354 = tpu.vector_load %arg11[%get3A_352, %get3A_353] {strides = array<i32>} : memref<32x512xf32, #tpu.memory_space<vmem>>, vector<1x16xf32>,
      %get3A_355 = vector.shape_cast %get3A_354 : vector<1x16xf32> to vector<16xf32>
      %sub3A_356 = arith.subf %get3A_351, %get3A_355 : vector<16xf32>
      %mul3A_357 = arith.mulf %sub3A_356, %sub3A_356 : vector<16xf32>
      %add3A_358 = arith.addf %add3A_314, %mul3A_357 : vector<16xf32>
      %get3A_359 = arith.index_cast %scan3A_169 : i32 to index
      %get3A_360 = arith.constant 272 : index
      %get3A_361 = tpu.vector_load %arg8[%get3A_359, %get3A_360] {strides = array<i32>} : memref<32x512xf32, #tpu.memory_space<vmem>>, vector<1x16xf32>,
      %get3A_362 = vector.shape_cast %get3A_361 : vector<1x16xf32> to vector<16xf32>
      %get3A_363 = arith.index_cast %scan3A_169 : i32 to index
      %get3A_364 = arith.constant 272 : index
      %get3A_365 = tpu.vector_load %arg11[%get3A_363, %get3A_364] {strides = array<i32>} : memref<32x512xf32, #tpu.memory_space<vmem>>, vector<1x16xf32>,
      %get3A_366 = vector.shape_cast %get3A_365 : vector<1x16xf32> to vector<16xf32>
      %sub3A_367 = arith.subf %get3A_362, %get3A_366 : vector<16xf32>
      %mul3A_368 = arith.mulf %sub3A_367, %sub3A_367 : vector<16xf32>
      %add3A_369 = arith.addf %add3A_325, %mul3A_368 : vector<16xf32>
      %get3A_370 = arith.index_cast %scan3A_169 : i32 to index
      %get3A_371 = arith.constant 288 : index
      %get3A_372 = tpu.vector_load %arg8[%get3A_370, %get3A_371] {strides = array<i32>} : memref<32x512xf32, #tpu.memory_space<vmem>>, vector<1x16xf32>,
      %get3A_373 = vector.shape_cast %get3A_372 : vector<1x16xf32> to vector<16xf32>
      %get3A_374 = arith.index_cast %scan3A_169 : i32 to index
      %get3A_375 = arith.constant 288 : index
      %get3A_376 = tpu.vector_load %arg11[%get3A_374, %get3A_375] {strides = array<i32>} : memref<32x512xf32, #tpu.memory_space<vmem>>, vector<1x16xf32>,
      %get3A_377 = vector.shape_cast %get3A_376 : vector<1x16xf32> to vector<16xf32>
      %sub3A_378 = arith.subf %get3A_373, %get3A_377 : vector<16xf32>
      %mul3A_379 = arith.mulf %sub3A_378, %sub3A_378 : vector<16xf32>
      %add3A_380 = arith.addf %add3A_336, %mul3A_379 : vector<16xf32>
      %get3A_381 = arith.index_cast %scan3A_169 : i32 to index
      %get3A_382 = arith.constant 304 : index
      %get3A_383 = tpu.vector_load %arg8[%get3A_381, %get3A_382] {strides = array<i32>} : memref<32x512xf32, #tpu.memory_space<vmem>>, vector<1x16xf32>,
      %get3A_384 = vector.shape_cast %get3A_383 : vector<1x16xf32> to vector<16xf32>
      %get3A_385 = arith.index_cast %scan3A_169 : i32 to index
      %get3A_386 = arith.constant 304 : index
      %get3A_387 = tpu.vector_load %arg11[%get3A_385, %get3A_386] {strides = array<i32>} : memref<32x512xf32, #tpu.memory_space<vmem>>, vector<1x16xf32>,
      %get3A_388 = vector.shape_cast %get3A_387 : vector<1x16xf32> to vector<16xf32>
      %sub3A_389 = arith.subf %get3A_384, %get3A_388 : vector<16xf32>
      %mul3A_390 = arith.mulf %sub3A_389, %sub3A_389 : vector<16xf32>
      %add3A_391 = arith.addf %add3A_347, %mul3A_390 : vector<16xf32>
      %get3A_392 = arith.index_cast %scan3A_169 : i32 to index
      %get3A_393 = arith.constant 320 : index
      %get3A_394 = tpu.vector_load %arg8[%get3A_392, %get3A_393] {strides = array<i32>} : memref<32x512xf32, #tpu.memory_space<vmem>>, vector<1x16xf32>,
      %get3A_395 = vector.shape_cast %get3A_394 : vector<1x16xf32> to vector<16xf32>
      %get3A_396 = arith.index_cast %scan3A_169 : i32 to index
      %get3A_397 = arith.constant 320 : index
      %get3A_398 = tpu.vector_load %arg11[%get3A_396, %get3A_397] {strides = array<i32>} : memref<32x512xf32, #tpu.memory_space<vmem>>, vector<1x16xf32>,
      %get3A_399 = vector.shape_cast %get3A_398 : vector<1x16xf32> to vector<16xf32>
      %sub3A_400 = arith.subf %get3A_395, %get3A_399 : vector<16xf32>
      %mul3A_401 = arith.mulf %sub3A_400, %sub3A_400 : vector<16xf32>
      %add3A_402 = arith.addf %add3A_358, %mul3A_401 : vector<16xf32>
      %get3A_403 = arith.index_cast %scan3A_169 : i32 to index
      %get3A_404 = arith.constant 336 : index
      %get3A_405 = tpu.vector_load %arg8[%get3A_403, %get3A_404] {strides = array<i32>} : memref<32x512xf32, #tpu.memory_space<vmem>>, vector<1x16xf32>,
      %get3A_406 = vector.shape_cast %get3A_405 : vector<1x16xf32> to vector<16xf32>
      %get3A_407 = arith.index_cast %scan3A_169 : i32 to index
      %get3A_408 = arith.constant 336 : index
      %get3A_409 = tpu.vector_load %arg11[%get3A_407, %get3A_408] {strides = array<i32>} : memref<32x512xf32, #tpu.memory_space<vmem>>, vector<1x16xf32>,
      %get3A_410 = vector.shape_cast %get3A_409 : vector<1x16xf32> to vector<16xf32>
      %sub3A_411 = arith.subf %get3A_406, %get3A_410 : vector<16xf32>
      %mul3A_412 = arith.mulf %sub3A_411, %sub3A_411 : vector<16xf32>
      %add3A_413 = arith.addf %add3A_369, %mul3A_412 : vector<16xf32>
      %get3A_414 = arith.index_cast %scan3A_169 : i32 to index
      %get3A_415 = arith.constant 352 : index
      %get3A_416 = tpu.vector_load %arg8[%get3A_414, %get3A_415] {strides = array<i32>} : memref<32x512xf32, #tpu.memory_space<vmem>>, vector<1x16xf32>,
      %get3A_417 = vector.shape_cast %get3A_416 : vector<1x16xf32> to vector<16xf32>
      %get3A_418 = arith.index_cast %scan3A_169 : i32 to index
      %get3A_419 = arith.constant 352 : index
      %get3A_420 = tpu.vector_load %arg11[%get3A_418, %get3A_419] {strides = array<i32>} : memref<32x512xf32, #tpu.memory_space<vmem>>, vector<1x16xf32>,
      %get3A_421 = vector.shape_cast %get3A_420 : vector<1x16xf32> to vector<16xf32>
      %sub3A_422 = arith.subf %get3A_417, %get3A_421 : vector<16xf32>
      %mul3A_423 = arith.mulf %sub3A_422, %sub3A_422 : vector<16xf32>
      %add3A_424 = arith.addf %add3A_380, %mul3A_423 : vector<16xf32>
      %get3A_425 = arith.index_cast %scan3A_169 : i32 to index
      %get3A_426 = arith.constant 368 : index
      %get3A_427 = tpu.vector_load %arg8[%get3A_425, %get3A_426] {strides = array<i32>} : memref<32x512xf32, #tpu.memory_space<vmem>>, vector<1x16xf32>,
      %get3A_428 = vector.shape_cast %get3A_427 : vector<1x16xf32> to vector<16xf32>
      %get3A_429 = arith.index_cast %scan3A_169 : i32 to index
      %get3A_430 = arith.constant 368 : index
      %get3A_431 = tpu.vector_load %arg11[%get3A_429, %get3A_430] {strides = array<i32>} : memref<32x512xf32, #tpu.memory_space<vmem>>, vector<1x16xf32>,
      %get3A_432 = vector.shape_cast %get3A_431 : vector<1x16xf32> to vector<16xf32>
      %sub3A_433 = arith.subf %get3A_428, %get3A_432 : vector<16xf32>
      %mul3A_434 = arith.mulf %sub3A_433, %sub3A_433 : vector<16xf32>
      %add3A_435 = arith.addf %add3A_391, %mul3A_434 : vector<16xf32>
      %get3A_436 = arith.index_cast %scan3A_169 : i32 to index
      %get3A_437 = arith.constant 384 : index
      %get3A_438 = tpu.vector_load %arg8[%get3A_436, %get3A_437] {strides = array<i32>} : memref<32x512xf32, #tpu.memory_space<vmem>>, vector<1x16xf32>,
      %get3A_439 = vector.shape_cast %get3A_438 : vector<1x16xf32> to vector<16xf32>
      %get3A_440 = arith.index_cast %scan3A_169 : i32 to index
      %get3A_441 = arith.constant 384 : index
      %get3A_442 = tpu.vector_load %arg11[%get3A_440, %get3A_441] {strides = array<i32>} : memref<32x512xf32, #tpu.memory_space<vmem>>, vector<1x16xf32>,
      %get3A_443 = vector.shape_cast %get3A_442 : vector<1x16xf32> to vector<16xf32>
      %sub3A_444 = arith.subf %get3A_439, %get3A_443 : vector<16xf32>
      %mul3A_445 = arith.mulf %sub3A_444, %sub3A_444 : vector<16xf32>
      %add3A_446 = arith.addf %add3A_402, %mul3A_445 : vector<16xf32>
      %get3A_447 = arith.index_cast %scan3A_169 : i32 to index
      %get3A_448 = arith.constant 400 : index
      %get3A_449 = tpu.vector_load %arg8[%get3A_447, %get3A_448] {strides = array<i32>} : memref<32x512xf32, #tpu.memory_space<vmem>>, vector<1x16xf32>,
      %get3A_450 = vector.shape_cast %get3A_449 : vector<1x16xf32> to vector<16xf32>
      %get3A_451 = arith.index_cast %scan3A_169 : i32 to index
      %get3A_452 = arith.constant 400 : index
      %get3A_453 = tpu.vector_load %arg11[%get3A_451, %get3A_452] {strides = array<i32>} : memref<32x512xf32, #tpu.memory_space<vmem>>, vector<1x16xf32>,
      %get3A_454 = vector.shape_cast %get3A_453 : vector<1x16xf32> to vector<16xf32>
      %sub3A_455 = arith.subf %get3A_450, %get3A_454 : vector<16xf32>
      %mul3A_456 = arith.mulf %sub3A_455, %sub3A_455 : vector<16xf32>
      %add3A_457 = arith.addf %add3A_413, %mul3A_456 : vector<16xf32>
      %get3A_458 = arith.index_cast %scan3A_169 : i32 to index
      %get3A_459 = arith.constant 416 : index
      %get3A_460 = tpu.vector_load %arg8[%get3A_458, %get3A_459] {strides = array<i32>} : memref<32x512xf32, #tpu.memory_space<vmem>>, vector<1x16xf32>,
      %get3A_461 = vector.shape_cast %get3A_460 : vector<1x16xf32> to vector<16xf32>
      %get3A_462 = arith.index_cast %scan3A_169 : i32 to index
      %get3A_463 = arith.constant 416 : index
      %get3A_464 = tpu.vector_load %arg11[%get3A_462, %get3A_463] {strides = array<i32>} : memref<32x512xf32, #tpu.memory_space<vmem>>, vector<1x16xf32>,
      %get3A_465 = vector.shape_cast %get3A_464 : vector<1x16xf32> to vector<16xf32>
      %sub3A_466 = arith.subf %get3A_461, %get3A_465 : vector<16xf32>
      %mul3A_467 = arith.mulf %sub3A_466, %sub3A_466 : vector<16xf32>
      %add3A_468 = arith.addf %add3A_424, %mul3A_467 : vector<16xf32>
      %get3A_469 = arith.index_cast %scan3A_169 : i32 to index
      %get3A_470 = arith.constant 432 : index
      %get3A_471 = tpu.vector_load %arg8[%get3A_469, %get3A_470] {strides = array<i32>} : memref<32x512xf32, #tpu.memory_space<vmem>>, vector<1x16xf32>,
      %get3A_472 = vector.shape_cast %get3A_471 : vector<1x16xf32> to vector<16xf32>
      %get3A_473 = arith.index_cast %scan3A_169 : i32 to index
      %get3A_474 = arith.constant 432 : index
      %get3A_475 = tpu.vector_load %arg11[%get3A_473, %get3A_474] {strides = array<i32>} : memref<32x512xf32, #tpu.memory_space<vmem>>, vector<1x16xf32>,
      %get3A_476 = vector.shape_cast %get3A_475 : vector<1x16xf32> to vector<16xf32>
      %sub3A_477 = arith.subf %get3A_472, %get3A_476 : vector<16xf32>
      %mul3A_478 = arith.mulf %sub3A_477, %sub3A_477 : vector<16xf32>
      %add3A_479 = arith.addf %add3A_435, %mul3A_478 : vector<16xf32>
      %get3A_480 = arith.index_cast %scan3A_169 : i32 to index
      %get3A_481 = arith.constant 448 : index
      %get3A_482 = tpu.vector_load %arg8[%get3A_480, %get3A_481] {strides = array<i32>} : memref<32x512xf32, #tpu.memory_space<vmem>>, vector<1x16xf32>,
      %get3A_483 = vector.shape_cast %get3A_482 : vector<1x16xf32> to vector<16xf32>
      %get3A_484 = arith.index_cast %scan3A_169 : i32 to index
      %get3A_485 = arith.constant 448 : index
      %get3A_486 = tpu.vector_load %arg11[%get3A_484, %get3A_485] {strides = array<i32>} : memref<32x512xf32, #tpu.memory_space<vmem>>, vector<1x16xf32>,
      %get3A_487 = vector.shape_cast %get3A_486 : vector<1x16xf32> to vector<16xf32>
      %sub3A_488 = arith.subf %get3A_483, %get3A_487 : vector<16xf32>
      %mul3A_489 = arith.mulf %sub3A_488, %sub3A_488 : vector<16xf32>
      %add3A_490 = arith.addf %add3A_446, %mul3A_489 : vector<16xf32>
      %get3A_491 = arith.index_cast %scan3A_169 : i32 to index
      %get3A_492 = arith.constant 464 : index
      %get3A_493 = tpu.vector_load %arg8[%get3A_491, %get3A_492] {strides = array<i32>} : memref<32x512xf32, #tpu.memory_space<vmem>>, vector<1x16xf32>,
      %get3A_494 = vector.shape_cast %get3A_493 : vector<1x16xf32> to vector<16xf32>
      %get3A_495 = arith.index_cast %scan3A_169 : i32 to index
      %get3A_496 = arith.constant 464 : index
      %get3A_497 = tpu.vector_load %arg11[%get3A_495, %get3A_496] {strides = array<i32>} : memref<32x512xf32, #tpu.memory_space<vmem>>, vector<1x16xf32>,
      %get3A_498 = vector.shape_cast %get3A_497 : vector<1x16xf32> to vector<16xf32>
      %sub3A_499 = arith.subf %get3A_494, %get3A_498 : vector<16xf32>
      %mul3A_500 = arith.mulf %sub3A_499, %sub3A_499 : vector<16xf32>
      %add3A_501 = arith.addf %add3A_457, %mul3A_500 : vector<16xf32>
      %get3A_502 = arith.index_cast %scan3A_169 : i32 to index
      %get3A_503 = arith.constant 480 : index
      %get3A_504 = tpu.vector_load %arg8[%get3A_502, %get3A_503] {strides = array<i32>} : memref<32x512xf32, #tpu.memory_space<vmem>>, vector<1x16xf32>,
      %get3A_505 = vector.shape_cast %get3A_504 : vector<1x16xf32> to vector<16xf32>
      %get3A_506 = arith.index_cast %scan3A_169 : i32 to index
      %get3A_507 = arith.constant 480 : index
      %get3A_508 = tpu.vector_load %arg11[%get3A_506, %get3A_507] {strides = array<i32>} : memref<32x512xf32, #tpu.memory_space<vmem>>, vector<1x16xf32>,
      %get3A_509 = vector.shape_cast %get3A_508 : vector<1x16xf32> to vector<16xf32>
      %sub3A_510 = arith.subf %get3A_505, %get3A_509 : vector<16xf32>
      %mul3A_511 = arith.mulf %sub3A_510, %sub3A_510 : vector<16xf32>
      %add3A_512 = arith.addf %add3A_468, %mul3A_511 : vector<16xf32>
      %get3A_513 = arith.index_cast %scan3A_169 : i32 to index
      %get3A_514 = arith.constant 496 : index
      %get3A_515 = tpu.vector_load %arg8[%get3A_513, %get3A_514] {strides = array<i32>} : memref<32x512xf32, #tpu.memory_space<vmem>>, vector<1x16xf32>,
      %get3A_516 = vector.shape_cast %get3A_515 : vector<1x16xf32> to vector<16xf32>
      %get3A_517 = arith.index_cast %scan3A_169 : i32 to index
      %get3A_518 = arith.constant 496 : index
      %get3A_519 = tpu.vector_load %arg11[%get3A_517, %get3A_518] {strides = array<i32>} : memref<32x512xf32, #tpu.memory_space<vmem>>, vector<1x16xf32>,
      %get3A_520 = vector.shape_cast %get3A_519 : vector<1x16xf32> to vector<16xf32>
      %sub3A_521 = arith.subf %get3A_516, %get3A_520 : vector<16xf32>
      %mul3A_522 = arith.mulf %sub3A_521, %sub3A_521 : vector<16xf32>
      %add3A_523 = arith.addf %add3A_479, %mul3A_522 : vector<16xf32>
      scf.yield %add3A_490, %add3A_501, %add3A_512, %add3A_523 : vector<16xf32>, vector<16xf32>, vector<16xf32>, vector<16xf32>
    }
    %scan3A_80 = arith.constant 32 : i32
    %add3A_81 = arith.constant 128 : i32
    %add3A_82 = arith.addi %mul3A_2, %add3A_81 : i32
    %dma_start3A_83 = arith.constant 0 : i32
    %dma_start3A_84 = tpu.memref_slice %arg2[%add3A_82, %dma_start3A_83] : memref<16384x512xf32, #tpu.memory_space<hbm>> -> memref<32x512xf32, #tpu.memory_space<hbm>>
    %dma_start3A_85 = arith.constant 0 : i32
    %dma_start3A_86 = tpu.memref_slice %arg2[%add3A_82, %dma_start3A_85] : memref<16384x512xf32, #tpu.memory_space<hbm>> -> memref<32x512xf32, #tpu.memory_space<hbm>>
    tpu.enqueue_dma source(%dma_start3A_86 : memref<32x512xf32, #tpu.memory_space<hbm>>) target(%arg8 : memref<32x512xf32, #tpu.memory_space<vmem>>) target_semaphore(%arg15 : memref<!tpu.dma_semaphore, #tpu.memory_space<semaphore_mem>>)
    %dma_start3A_87 = arith.constant 128 : i32
    %dma_start3A_88 = tpu.memref_slice %arg6[%dma_start3A_87] : memref<192xi32, #tpu.memory_space<vmem>> -> memref<32xi32, #tpu.memory_space<vmem>>
    %dma_start3A_89 = arith.constant 0 : i32
    %dma_start3A_90 = arith.constant 0 : i32
    %dma_start3A_91 = tpu.memref_slice %arg4[%dma_start3A_89, %dma_start3A_90] : memref<1000x512xf32, #tpu.memory_space<hbm>> -> memref<1000x512xf32, #tpu.memory_space<hbm>>
    tpu.enqueue_indirect_dma source(%dma_start3A_91 : memref<1000x512xf32, #tpu.memory_space<hbm>>) target(%arg11 : memref<32x512xf32, #tpu.memory_space<vmem>>) offsets(%dma_start3A_88 : memref<32xi32, #tpu.memory_space<vmem>>) semaphore(%arg18 : memref<!tpu.dma_semaphore, #tpu.memory_space<semaphore_mem>>)
    %dma_wait3A_92 = arith.constant 0 : i32
    %dma_wait3A_93 = tpu.memref_slice %arg2[%add3A_25, %dma_wait3A_92] : memref<16384x512xf32, #tpu.memory_space<hbm>> -> memref<32x512xf32, #tpu.memory_space<hbm>>
    %dma_wait3A_94 = arith.constant 0 : i32
    %dma_wait3A_95 = tpu.memref_slice %arg2[%add3A_25, %dma_wait3A_94] : memref<16384x512xf32, #tpu.memory_space<hbm>> -> memref<32x512xf32, #tpu.memory_space<hbm>>
    tpu.wait_dma2 semaphore(%arg16 : memref<!tpu.dma_semaphore, #tpu.memory_space<semaphore_mem>>) src(%dma_wait3A_95 : memref<32x512xf32, #tpu.memory_space<hbm>>) dst(%arg9 : memref<32x512xf32, #tpu.memory_space<vmem>>)
    %dma_wait3A_96 = arith.constant 64 : i32
    %dma_wait3A_97 = tpu.memref_slice %arg6[%dma_wait3A_96] : memref<192xi32, #tpu.memory_space<vmem>> -> memref<32xi32, #tpu.memory_space<vmem>>
    %dma_wait3A_98 = arith.constant 0 : i32
    %dma_wait3A_99 = arith.constant 0 : i32
    %dma_wait3A_100 = tpu.memref_slice %arg4[%dma_wait3A_98, %dma_wait3A_99] : memref<1000x512xf32, #tpu.memory_space<hbm>> -> memref<1000x512xf32, #tpu.memory_space<hbm>>
    tpu.wait_indirect_dma semaphore(%arg19 : memref<!tpu.dma_semaphore, #tpu.memory_space<semaphore_mem>>) src(%dma_wait3A_100 : memref<1000x512xf32, #tpu.memory_space<hbm>>) dst(%arg12 : memref<32x512xf32, #tpu.memory_space<vmem>>)
    %scan3A_101 = arith.constant 0 : i32
    %scan3A_102 = arith.constant 32 : i32
    %scan3A_103 = arith.addi %scan3A_101, %scan3A_102 : i32
    %scan3A_104 = arith.constant 1 : i32
    %scan3A_105:4 = scf.for %scan3A_169 = %scan3A_101 to %scan3A_103 step %scan3A_104 iter_args(%scan3A_170 = %scan3A_79#0, %scan3A_171 = %scan3A_79#1, %scan3A_172 = %scan3A_79#2, %scan3A_173 = %scan3A_79#3) -> (vector<16xf32>, vector<16xf32>, vector<16xf32>, vector<16xf32>)  : i32 {
      %get3A = arith.index_cast %scan3A_169 : i32 to index
      %get3A_174 = arith.constant 0 : index
      %get3A_175 = tpu.vector_load %arg9[%get3A, %get3A_174] {strides = array<i32>} : memref<32x512xf32, #tpu.memory_space<vmem>>, vector<1x16xf32>,
      %get3A_176 = vector.shape_cast %get3A_175 : vector<1x16xf32> to vector<16xf32>
      %get3A_177 = arith.index_cast %scan3A_169 : i32 to index
      %get3A_178 = arith.constant 0 : index
      %get3A_179 = tpu.vector_load %arg12[%get3A_177, %get3A_178] {strides = array<i32>} : memref<32x512xf32, #tpu.memory_space<vmem>>, vector<1x16xf32>,
      %get3A_180 = vector.shape_cast %get3A_179 : vector<1x16xf32> to vector<16xf32>
      %sub3A = arith.subf %get3A_176, %get3A_180 : vector<16xf32>
      %mul3A_181 = arith.mulf %sub3A, %sub3A : vector<16xf32>
      %add3A_182 = arith.addf %scan3A_170, %mul3A_181 : vector<16xf32>
      %get3A_183 = arith.index_cast %scan3A_169 : i32 to index
      %get3A_184 = arith.constant 16 : index
      %get3A_185 = tpu.vector_load %arg9[%get3A_183, %get3A_184] {strides = array<i32>} : memref<32x512xf32, #tpu.memory_space<vmem>>, vector<1x16xf32>,
      %get3A_186 = vector.shape_cast %get3A_185 : vector<1x16xf32> to vector<16xf32>
      %get3A_187 = arith.index_cast %scan3A_169 : i32 to index
      %get3A_188 = arith.constant 16 : index
      %get3A_189 = tpu.vector_load %arg12[%get3A_187, %get3A_188] {strides = array<i32>} : memref<32x512xf32, #tpu.memory_space<vmem>>, vector<1x16xf32>,
      %get3A_190 = vector.shape_cast %get3A_189 : vector<1x16xf32> to vector<16xf32>
      %sub3A_191 = arith.subf %get3A_186, %get3A_190 : vector<16xf32>
      %mul3A_192 = arith.mulf %sub3A_191, %sub3A_191 : vector<16xf32>
      %add3A_193 = arith.addf %scan3A_171, %mul3A_192 : vector<16xf32>
      %get3A_194 = arith.index_cast %scan3A_169 : i32 to index
      %get3A_195 = arith.constant 32 : index
      %get3A_196 = tpu.vector_load %arg9[%get3A_194, %get3A_195] {strides = array<i32>} : memref<32x512xf32, #tpu.memory_space<vmem>>, vector<1x16xf32>,
      %get3A_197 = vector.shape_cast %get3A_196 : vector<1x16xf32> to vector<16xf32>
      %get3A_198 = arith.index_cast %scan3A_169 : i32 to index
      %get3A_199 = arith.constant 32 : index
      %get3A_200 = tpu.vector_load %arg12[%get3A_198, %get3A_199] {strides = array<i32>} : memref<32x512xf32, #tpu.memory_space<vmem>>, vector<1x16xf32>,
      %get3A_201 = vector.shape_cast %get3A_200 : vector<1x16xf32> to vector<16xf32>
      %sub3A_202 = arith.subf %get3A_197, %get3A_201 : vector<16xf32>
      %mul3A_203 = arith.mulf %sub3A_202, %sub3A_202 : vector<16xf32>
      %add3A_204 = arith.addf %scan3A_172, %mul3A_203 : vector<16xf32>
      %get3A_205 = arith.index_cast %scan3A_169 : i32 to index
      %get3A_206 = arith.constant 48 : index
      %get3A_207 = tpu.vector_load %arg9[%get3A_205, %get3A_206] {strides = array<i32>} : memref<32x512xf32, #tpu.memory_space<vmem>>, vector<1x16xf32>,
      %get3A_208 = vector.shape_cast %get3A_207 : vector<1x16xf32> to vector<16xf32>
      %get3A_209 = arith.index_cast %scan3A_169 : i32 to index
      %get3A_210 = arith.constant 48 : index
      %get3A_211 = tpu.vector_load %arg12[%get3A_209, %get3A_210] {strides = array<i32>} : memref<32x512xf32, #tpu.memory_space<vmem>>, vector<1x16xf32>,
      %get3A_212 = vector.shape_cast %get3A_211 : vector<1x16xf32> to vector<16xf32>
      %sub3A_213 = arith.subf %get3A_208, %get3A_212 : vector<16xf32>
      %mul3A_214 = arith.mulf %sub3A_213, %sub3A_213 : vector<16xf32>
      %add3A_215 = arith.addf %scan3A_173, %mul3A_214 : vector<16xf32>
      %get3A_216 = arith.index_cast %scan3A_169 : i32 to index
      %get3A_217 = arith.constant 64 : index
      %get3A_218 = tpu.vector_load %arg9[%get3A_216, %get3A_217] {strides = array<i32>} : memref<32x512xf32, #tpu.memory_space<vmem>>, vector<1x16xf32>,
      %get3A_219 = vector.shape_cast %get3A_218 : vector<1x16xf32> to vector<16xf32>
      %get3A_220 = arith.index_cast %scan3A_169 : i32 to index
      %get3A_221 = arith.constant 64 : index
      %get3A_222 = tpu.vector_load %arg12[%get3A_220, %get3A_221] {strides = array<i32>} : memref<32x512xf32, #tpu.memory_space<vmem>>, vector<1x16xf32>,
      %get3A_223 = vector.shape_cast %get3A_222 : vector<1x16xf32> to vector<16xf32>
      %sub3A_224 = arith.subf %get3A_219, %get3A_223 : vector<16xf32>
      %mul3A_225 = arith.mulf %sub3A_224, %sub3A_224 : vector<16xf32>
      %add3A_226 = arith.addf %add3A_182, %mul3A_225 : vector<16xf32>
      %get3A_227 = arith.index_cast %scan3A_169 : i32 to index
      %get3A_228 = arith.constant 80 : index
      %get3A_229 = tpu.vector_load %arg9[%get3A_227, %get3A_228] {strides = array<i32>} : memref<32x512xf32, #tpu.memory_space<vmem>>, vector<1x16xf32>,
      %get3A_230 = vector.shape_cast %get3A_229 : vector<1x16xf32> to vector<16xf32>
      %get3A_231 = arith.index_cast %scan3A_169 : i32 to index
      %get3A_232 = arith.constant 80 : index
      %get3A_233 = tpu.vector_load %arg12[%get3A_231, %get3A_232] {strides = array<i32>} : memref<32x512xf32, #tpu.memory_space<vmem>>, vector<1x16xf32>,
      %get3A_234 = vector.shape_cast %get3A_233 : vector<1x16xf32> to vector<16xf32>
      %sub3A_235 = arith.subf %get3A_230, %get3A_234 : vector<16xf32>
      %mul3A_236 = arith.mulf %sub3A_235, %sub3A_235 : vector<16xf32>
      %add3A_237 = arith.addf %add3A_193, %mul3A_236 : vector<16xf32>
      %get3A_238 = arith.index_cast %scan3A_169 : i32 to index
      %get3A_239 = arith.constant 96 : index
      %get3A_240 = tpu.vector_load %arg9[%get3A_238, %get3A_239] {strides = array<i32>} : memref<32x512xf32, #tpu.memory_space<vmem>>, vector<1x16xf32>,
      %get3A_241 = vector.shape_cast %get3A_240 : vector<1x16xf32> to vector<16xf32>
      %get3A_242 = arith.index_cast %scan3A_169 : i32 to index
      %get3A_243 = arith.constant 96 : index
      %get3A_244 = tpu.vector_load %arg12[%get3A_242, %get3A_243] {strides = array<i32>} : memref<32x512xf32, #tpu.memory_space<vmem>>, vector<1x16xf32>,
      %get3A_245 = vector.shape_cast %get3A_244 : vector<1x16xf32> to vector<16xf32>
      %sub3A_246 = arith.subf %get3A_241, %get3A_245 : vector<16xf32>
      %mul3A_247 = arith.mulf %sub3A_246, %sub3A_246 : vector<16xf32>
      %add3A_248 = arith.addf %add3A_204, %mul3A_247 : vector<16xf32>
      %get3A_249 = arith.index_cast %scan3A_169 : i32 to index
      %get3A_250 = arith.constant 112 : index
      %get3A_251 = tpu.vector_load %arg9[%get3A_249, %get3A_250] {strides = array<i32>} : memref<32x512xf32, #tpu.memory_space<vmem>>, vector<1x16xf32>,
      %get3A_252 = vector.shape_cast %get3A_251 : vector<1x16xf32> to vector<16xf32>
      %get3A_253 = arith.index_cast %scan3A_169 : i32 to index
      %get3A_254 = arith.constant 112 : index
      %get3A_255 = tpu.vector_load %arg12[%get3A_253, %get3A_254] {strides = array<i32>} : memref<32x512xf32, #tpu.memory_space<vmem>>, vector<1x16xf32>,
      %get3A_256 = vector.shape_cast %get3A_255 : vector<1x16xf32> to vector<16xf32>
      %sub3A_257 = arith.subf %get3A_252, %get3A_256 : vector<16xf32>
      %mul3A_258 = arith.mulf %sub3A_257, %sub3A_257 : vector<16xf32>
      %add3A_259 = arith.addf %add3A_215, %mul3A_258 : vector<16xf32>
      %get3A_260 = arith.index_cast %scan3A_169 : i32 to index
      %get3A_261 = arith.constant 128 : index
      %get3A_262 = tpu.vector_load %arg9[%get3A_260, %get3A_261] {strides = array<i32>} : memref<32x512xf32, #tpu.memory_space<vmem>>, vector<1x16xf32>,
      %get3A_263 = vector.shape_cast %get3A_262 : vector<1x16xf32> to vector<16xf32>
      %get3A_264 = arith.index_cast %scan3A_169 : i32 to index
      %get3A_265 = arith.constant 128 : index
      %get3A_266 = tpu.vector_load %arg12[%get3A_264, %get3A_265] {strides = array<i32>} : memref<32x512xf32, #tpu.memory_space<vmem>>, vector<1x16xf32>,
      %get3A_267 = vector.shape_cast %get3A_266 : vector<1x16xf32> to vector<16xf32>
      %sub3A_268 = arith.subf %get3A_263, %get3A_267 : vector<16xf32>
      %mul3A_269 = arith.mulf %sub3A_268, %sub3A_268 : vector<16xf32>
      %add3A_270 = arith.addf %add3A_226, %mul3A_269 : vector<16xf32>
      %get3A_271 = arith.index_cast %scan3A_169 : i32 to index
      %get3A_272 = arith.constant 144 : index
      %get3A_273 = tpu.vector_load %arg9[%get3A_271, %get3A_272] {strides = array<i32>} : memref<32x512xf32, #tpu.memory_space<vmem>>, vector<1x16xf32>,
      %get3A_274 = vector.shape_cast %get3A_273 : vector<1x16xf32> to vector<16xf32>
      %get3A_275 = arith.index_cast %scan3A_169 : i32 to index
      %get3A_276 = arith.constant 144 : index
      %get3A_277 = tpu.vector_load %arg12[%get3A_275, %get3A_276] {strides = array<i32>} : memref<32x512xf32, #tpu.memory_space<vmem>>, vector<1x16xf32>,
      %get3A_278 = vector.shape_cast %get3A_277 : vector<1x16xf32> to vector<16xf32>
      %sub3A_279 = arith.subf %get3A_274, %get3A_278 : vector<16xf32>
      %mul3A_280 = arith.mulf %sub3A_279, %sub3A_279 : vector<16xf32>
      %add3A_281 = arith.addf %add3A_237, %mul3A_280 : vector<16xf32>
      %get3A_282 = arith.index_cast %scan3A_169 : i32 to index
      %get3A_283 = arith.constant 160 : index
      %get3A_284 = tpu.vector_load %arg9[%get3A_282, %get3A_283] {strides = array<i32>} : memref<32x512xf32, #tpu.memory_space<vmem>>, vector<1x16xf32>,
      %get3A_285 = vector.shape_cast %get3A_284 : vector<1x16xf32> to vector<16xf32>
      %get3A_286 = arith.index_cast %scan3A_169 : i32 to index
      %get3A_287 = arith.constant 160 : index
      %get3A_288 = tpu.vector_load %arg12[%get3A_286, %get3A_287] {strides = array<i32>} : memref<32x512xf32, #tpu.memory_space<vmem>>, vector<1x16xf32>,
      %get3A_289 = vector.shape_cast %get3A_288 : vector<1x16xf32> to vector<16xf32>
      %sub3A_290 = arith.subf %get3A_285, %get3A_289 : vector<16xf32>
      %mul3A_291 = arith.mulf %sub3A_290, %sub3A_290 : vector<16xf32>
      %add3A_292 = arith.addf %add3A_248, %mul3A_291 : vector<16xf32>
      %get3A_293 = arith.index_cast %scan3A_169 : i32 to index
      %get3A_294 = arith.constant 176 : index
      %get3A_295 = tpu.vector_load %arg9[%get3A_293, %get3A_294] {strides = array<i32>} : memref<32x512xf32, #tpu.memory_space<vmem>>, vector<1x16xf32>,
      %get3A_296 = vector.shape_cast %get3A_295 : vector<1x16xf32> to vector<16xf32>
      %get3A_297 = arith.index_cast %scan3A_169 : i32 to index
      %get3A_298 = arith.constant 176 : index
      %get3A_299 = tpu.vector_load %arg12[%get3A_297, %get3A_298] {strides = array<i32>} : memref<32x512xf32, #tpu.memory_space<vmem>>, vector<1x16xf32>,
      %get3A_300 = vector.shape_cast %get3A_299 : vector<1x16xf32> to vector<16xf32>
      %sub3A_301 = arith.subf %get3A_296, %get3A_300 : vector<16xf32>
      %mul3A_302 = arith.mulf %sub3A_301, %sub3A_301 : vector<16xf32>
      %add3A_303 = arith.addf %add3A_259, %mul3A_302 : vector<16xf32>
      %get3A_304 = arith.index_cast %scan3A_169 : i32 to index
      %get3A_305 = arith.constant 192 : index
      %get3A_306 = tpu.vector_load %arg9[%get3A_304, %get3A_305] {strides = array<i32>} : memref<32x512xf32, #tpu.memory_space<vmem>>, vector<1x16xf32>,
      %get3A_307 = vector.shape_cast %get3A_306 : vector<1x16xf32> to vector<16xf32>
      %get3A_308 = arith.index_cast %scan3A_169 : i32 to index
      %get3A_309 = arith.constant 192 : index
      %get3A_310 = tpu.vector_load %arg12[%get3A_308, %get3A_309] {strides = array<i32>} : memref<32x512xf32, #tpu.memory_space<vmem>>, vector<1x16xf32>,
      %get3A_311 = vector.shape_cast %get3A_310 : vector<1x16xf32> to vector<16xf32>
      %sub3A_312 = arith.subf %get3A_307, %get3A_311 : vector<16xf32>
      %mul3A_313 = arith.mulf %sub3A_312, %sub3A_312 : vector<16xf32>
      %add3A_314 = arith.addf %add3A_270, %mul3A_313 : vector<16xf32>
      %get3A_315 = arith.index_cast %scan3A_169 : i32 to index
      %get3A_316 = arith.constant 208 : index
      %get3A_317 = tpu.vector_load %arg9[%get3A_315, %get3A_316] {strides = array<i32>} : memref<32x512xf32, #tpu.memory_space<vmem>>, vector<1x16xf32>,
      %get3A_318 = vector.shape_cast %get3A_317 : vector<1x16xf32> to vector<16xf32>
      %get3A_319 = arith.index_cast %scan3A_169 : i32 to index
      %get3A_320 = arith.constant 208 : index
      %get3A_321 = tpu.vector_load %arg12[%get3A_319, %get3A_320] {strides = array<i32>} : memref<32x512xf32, #tpu.memory_space<vmem>>, vector<1x16xf32>,
      %get3A_322 = vector.shape_cast %get3A_321 : vector<1x16xf32> to vector<16xf32>
      %sub3A_323 = arith.subf %get3A_318, %get3A_322 : vector<16xf32>
      %mul3A_324 = arith.mulf %sub3A_323, %sub3A_323 : vector<16xf32>
      %add3A_325 = arith.addf %add3A_281, %mul3A_324 : vector<16xf32>
      %get3A_326 = arith.index_cast %scan3A_169 : i32 to index
      %get3A_327 = arith.constant 224 : index
      %get3A_328 = tpu.vector_load %arg9[%get3A_326, %get3A_327] {strides = array<i32>} : memref<32x512xf32, #tpu.memory_space<vmem>>, vector<1x16xf32>,
      %get3A_329 = vector.shape_cast %get3A_328 : vector<1x16xf32> to vector<16xf32>
      %get3A_330 = arith.index_cast %scan3A_169 : i32 to index
      %get3A_331 = arith.constant 224 : index
      %get3A_332 = tpu.vector_load %arg12[%get3A_330, %get3A_331] {strides = array<i32>} : memref<32x512xf32, #tpu.memory_space<vmem>>, vector<1x16xf32>,
      %get3A_333 = vector.shape_cast %get3A_332 : vector<1x16xf32> to vector<16xf32>
      %sub3A_334 = arith.subf %get3A_329, %get3A_333 : vector<16xf32>
      %mul3A_335 = arith.mulf %sub3A_334, %sub3A_334 : vector<16xf32>
      %add3A_336 = arith.addf %add3A_292, %mul3A_335 : vector<16xf32>
      %get3A_337 = arith.index_cast %scan3A_169 : i32 to index
      %get3A_338 = arith.constant 240 : index
      %get3A_339 = tpu.vector_load %arg9[%get3A_337, %get3A_338] {strides = array<i32>} : memref<32x512xf32, #tpu.memory_space<vmem>>, vector<1x16xf32>,
      %get3A_340 = vector.shape_cast %get3A_339 : vector<1x16xf32> to vector<16xf32>
      %get3A_341 = arith.index_cast %scan3A_169 : i32 to index
      %get3A_342 = arith.constant 240 : index
      %get3A_343 = tpu.vector_load %arg12[%get3A_341, %get3A_342] {strides = array<i32>} : memref<32x512xf32, #tpu.memory_space<vmem>>, vector<1x16xf32>,
      %get3A_344 = vector.shape_cast %get3A_343 : vector<1x16xf32> to vector<16xf32>
      %sub3A_345 = arith.subf %get3A_340, %get3A_344 : vector<16xf32>
      %mul3A_346 = arith.mulf %sub3A_345, %sub3A_345 : vector<16xf32>
      %add3A_347 = arith.addf %add3A_303, %mul3A_346 : vector<16xf32>
      %get3A_348 = arith.index_cast %scan3A_169 : i32 to index
      %get3A_349 = arith.constant 256 : index
      %get3A_350 = tpu.vector_load %arg9[%get3A_348, %get3A_349] {strides = array<i32>} : memref<32x512xf32, #tpu.memory_space<vmem>>, vector<1x16xf32>,
      %get3A_351 = vector.shape_cast %get3A_350 : vector<1x16xf32> to vector<16xf32>
      %get3A_352 = arith.index_cast %scan3A_169 : i32 to index
      %get3A_353 = arith.constant 256 : index
      %get3A_354 = tpu.vector_load %arg12[%get3A_352, %get3A_353] {strides = array<i32>} : memref<32x512xf32, #tpu.memory_space<vmem>>, vector<1x16xf32>,
      %get3A_355 = vector.shape_cast %get3A_354 : vector<1x16xf32> to vector<16xf32>
      %sub3A_356 = arith.subf %get3A_351, %get3A_355 : vector<16xf32>
      %mul3A_357 = arith.mulf %sub3A_356, %sub3A_356 : vector<16xf32>
      %add3A_358 = arith.addf %add3A_314, %mul3A_357 : vector<16xf32>
      %get3A_359 = arith.index_cast %scan3A_169 : i32 to index
      %get3A_360 = arith.constant 272 : index
      %get3A_361 = tpu.vector_load %arg9[%get3A_359, %get3A_360] {strides = array<i32>} : memref<32x512xf32, #tpu.memory_space<vmem>>, vector<1x16xf32>,
      %get3A_362 = vector.shape_cast %get3A_361 : vector<1x16xf32> to vector<16xf32>
      %get3A_363 = arith.index_cast %scan3A_169 : i32 to index
      %get3A_364 = arith.constant 272 : index
      %get3A_365 = tpu.vector_load %arg12[%get3A_363, %get3A_364] {strides = array<i32>} : memref<32x512xf32, #tpu.memory_space<vmem>>, vector<1x16xf32>,
      %get3A_366 = vector.shape_cast %get3A_365 : vector<1x16xf32> to vector<16xf32>
      %sub3A_367 = arith.subf %get3A_362, %get3A_366 : vector<16xf32>
      %mul3A_368 = arith.mulf %sub3A_367, %sub3A_367 : vector<16xf32>
      %add3A_369 = arith.addf %add3A_325, %mul3A_368 : vector<16xf32>
      %get3A_370 = arith.index_cast %scan3A_169 : i32 to index
      %get3A_371 = arith.constant 288 : index
      %get3A_372 = tpu.vector_load %arg9[%get3A_370, %get3A_371] {strides = array<i32>} : memref<32x512xf32, #tpu.memory_space<vmem>>, vector<1x16xf32>,
      %get3A_373 = vector.shape_cast %get3A_372 : vector<1x16xf32> to vector<16xf32>
      %get3A_374 = arith.index_cast %scan3A_169 : i32 to index
      %get3A_375 = arith.constant 288 : index
      %get3A_376 = tpu.vector_load %arg12[%get3A_374, %get3A_375] {strides = array<i32>} : memref<32x512xf32, #tpu.memory_space<vmem>>, vector<1x16xf32>,
      %get3A_377 = vector.shape_cast %get3A_376 : vector<1x16xf32> to vector<16xf32>
      %sub3A_378 = arith.subf %get3A_373, %get3A_377 : vector<16xf32>
      %mul3A_379 = arith.mulf %sub3A_378, %sub3A_378 : vector<16xf32>
      %add3A_380 = arith.addf %add3A_336, %mul3A_379 : vector<16xf32>
      %get3A_381 = arith.index_cast %scan3A_169 : i32 to index
      %get3A_382 = arith.constant 304 : index
      %get3A_383 = tpu.vector_load %arg9[%get3A_381, %get3A_382] {strides = array<i32>} : memref<32x512xf32, #tpu.memory_space<vmem>>, vector<1x16xf32>,
      %get3A_384 = vector.shape_cast %get3A_383 : vector<1x16xf32> to vector<16xf32>
      %get3A_385 = arith.index_cast %scan3A_169 : i32 to index
      %get3A_386 = arith.constant 304 : index
      %get3A_387 = tpu.vector_load %arg12[%get3A_385, %get3A_386] {strides = array<i32>} : memref<32x512xf32, #tpu.memory_space<vmem>>, vector<1x16xf32>,
      %get3A_388 = vector.shape_cast %get3A_387 : vector<1x16xf32> to vector<16xf32>
      %sub3A_389 = arith.subf %get3A_384, %get3A_388 : vector<16xf32>
      %mul3A_390 = arith.mulf %sub3A_389, %sub3A_389 : vector<16xf32>
      %add3A_391 = arith.addf %add3A_347, %mul3A_390 : vector<16xf32>
      %get3A_392 = arith.index_cast %scan3A_169 : i32 to index
      %get3A_393 = arith.constant 320 : index
      %get3A_394 = tpu.vector_load %arg9[%get3A_392, %get3A_393] {strides = array<i32>} : memref<32x512xf32, #tpu.memory_space<vmem>>, vector<1x16xf32>,
      %get3A_395 = vector.shape_cast %get3A_394 : vector<1x16xf32> to vector<16xf32>
      %get3A_396 = arith.index_cast %scan3A_169 : i32 to index
      %get3A_397 = arith.constant 320 : index
      %get3A_398 = tpu.vector_load %arg12[%get3A_396, %get3A_397] {strides = array<i32>} : memref<32x512xf32, #tpu.memory_space<vmem>>, vector<1x16xf32>,
      %get3A_399 = vector.shape_cast %get3A_398 : vector<1x16xf32> to vector<16xf32>
      %sub3A_400 = arith.subf %get3A_395, %get3A_399 : vector<16xf32>
      %mul3A_401 = arith.mulf %sub3A_400, %sub3A_400 : vector<16xf32>
      %add3A_402 = arith.addf %add3A_358, %mul3A_401 : vector<16xf32>
      %get3A_403 = arith.index_cast %scan3A_169 : i32 to index
      %get3A_404 = arith.constant 336 : index
      %get3A_405 = tpu.vector_load %arg9[%get3A_403, %get3A_404] {strides = array<i32>} : memref<32x512xf32, #tpu.memory_space<vmem>>, vector<1x16xf32>,
      %get3A_406 = vector.shape_cast %get3A_405 : vector<1x16xf32> to vector<16xf32>
      %get3A_407 = arith.index_cast %scan3A_169 : i32 to index
      %get3A_408 = arith.constant 336 : index
      %get3A_409 = tpu.vector_load %arg12[%get3A_407, %get3A_408] {strides = array<i32>} : memref<32x512xf32, #tpu.memory_space<vmem>>, vector<1x16xf32>,
      %get3A_410 = vector.shape_cast %get3A_409 : vector<1x16xf32> to vector<16xf32>
      %sub3A_411 = arith.subf %get3A_406, %get3A_410 : vector<16xf32>
      %mul3A_412 = arith.mulf %sub3A_411, %sub3A_411 : vector<16xf32>
      %add3A_413 = arith.addf %add3A_369, %mul3A_412 : vector<16xf32>
      %get3A_414 = arith.index_cast %scan3A_169 : i32 to index
      %get3A_415 = arith.constant 352 : index
      %get3A_416 = tpu.vector_load %arg9[%get3A_414, %get3A_415] {strides = array<i32>} : memref<32x512xf32, #tpu.memory_space<vmem>>, vector<1x16xf32>,
      %get3A_417 = vector.shape_cast %get3A_416 : vector<1x16xf32> to vector<16xf32>
      %get3A_418 = arith.index_cast %scan3A_169 : i32 to index
      %get3A_419 = arith.constant 352 : index
      %get3A_420 = tpu.vector_load %arg12[%get3A_418, %get3A_419] {strides = array<i32>} : memref<32x512xf32, #tpu.memory_space<vmem>>, vector<1x16xf32>,
      %get3A_421 = vector.shape_cast %get3A_420 : vector<1x16xf32> to vector<16xf32>
      %sub3A_422 = arith.subf %get3A_417, %get3A_421 : vector<16xf32>
      %mul3A_423 = arith.mulf %sub3A_422, %sub3A_422 : vector<16xf32>
      %add3A_424 = arith.addf %add3A_380, %mul3A_423 : vector<16xf32>
      %get3A_425 = arith.index_cast %scan3A_169 : i32 to index
      %get3A_426 = arith.constant 368 : index
      %get3A_427 = tpu.vector_load %arg9[%get3A_425, %get3A_426] {strides = array<i32>} : memref<32x512xf32, #tpu.memory_space<vmem>>, vector<1x16xf32>,
      %get3A_428 = vector.shape_cast %get3A_427 : vector<1x16xf32> to vector<16xf32>
      %get3A_429 = arith.index_cast %scan3A_169 : i32 to index
      %get3A_430 = arith.constant 368 : index
      %get3A_431 = tpu.vector_load %arg12[%get3A_429, %get3A_430] {strides = array<i32>} : memref<32x512xf32, #tpu.memory_space<vmem>>, vector<1x16xf32>,
      %get3A_432 = vector.shape_cast %get3A_431 : vector<1x16xf32> to vector<16xf32>
      %sub3A_433 = arith.subf %get3A_428, %get3A_432 : vector<16xf32>
      %mul3A_434 = arith.mulf %sub3A_433, %sub3A_433 : vector<16xf32>
      %add3A_435 = arith.addf %add3A_391, %mul3A_434 : vector<16xf32>
      %get3A_436 = arith.index_cast %scan3A_169 : i32 to index
      %get3A_437 = arith.constant 384 : index
      %get3A_438 = tpu.vector_load %arg9[%get3A_436, %get3A_437] {strides = array<i32>} : memref<32x512xf32, #tpu.memory_space<vmem>>, vector<1x16xf32>,
      %get3A_439 = vector.shape_cast %get3A_438 : vector<1x16xf32> to vector<16xf32>
      %get3A_440 = arith.index_cast %scan3A_169 : i32 to index
      %get3A_441 = arith.constant 384 : index
      %get3A_442 = tpu.vector_load %arg12[%get3A_440, %get3A_441] {strides = array<i32>} : memref<32x512xf32, #tpu.memory_space<vmem>>, vector<1x16xf32>,
      %get3A_443 = vector.shape_cast %get3A_442 : vector<1x16xf32> to vector<16xf32>
      %sub3A_444 = arith.subf %get3A_439, %get3A_443 : vector<16xf32>
      %mul3A_445 = arith.mulf %sub3A_444, %sub3A_444 : vector<16xf32>
      %add3A_446 = arith.addf %add3A_402, %mul3A_445 : vector<16xf32>
      %get3A_447 = arith.index_cast %scan3A_169 : i32 to index
      %get3A_448 = arith.constant 400 : index
      %get3A_449 = tpu.vector_load %arg9[%get3A_447, %get3A_448] {strides = array<i32>} : memref<32x512xf32, #tpu.memory_space<vmem>>, vector<1x16xf32>,
      %get3A_450 = vector.shape_cast %get3A_449 : vector<1x16xf32> to vector<16xf32>
      %get3A_451 = arith.index_cast %scan3A_169 : i32 to index
      %get3A_452 = arith.constant 400 : index
      %get3A_453 = tpu.vector_load %arg12[%get3A_451, %get3A_452] {strides = array<i32>} : memref<32x512xf32, #tpu.memory_space<vmem>>, vector<1x16xf32>,
      %get3A_454 = vector.shape_cast %get3A_453 : vector<1x16xf32> to vector<16xf32>
      %sub3A_455 = arith.subf %get3A_450, %get3A_454 : vector<16xf32>
      %mul3A_456 = arith.mulf %sub3A_455, %sub3A_455 : vector<16xf32>
      %add3A_457 = arith.addf %add3A_413, %mul3A_456 : vector<16xf32>
      %get3A_458 = arith.index_cast %scan3A_169 : i32 to index
      %get3A_459 = arith.constant 416 : index
      %get3A_460 = tpu.vector_load %arg9[%get3A_458, %get3A_459] {strides = array<i32>} : memref<32x512xf32, #tpu.memory_space<vmem>>, vector<1x16xf32>,
      %get3A_461 = vector.shape_cast %get3A_460 : vector<1x16xf32> to vector<16xf32>
      %get3A_462 = arith.index_cast %scan3A_169 : i32 to index
      %get3A_463 = arith.constant 416 : index
      %get3A_464 = tpu.vector_load %arg12[%get3A_462, %get3A_463] {strides = array<i32>} : memref<32x512xf32, #tpu.memory_space<vmem>>, vector<1x16xf32>,
      %get3A_465 = vector.shape_cast %get3A_464 : vector<1x16xf32> to vector<16xf32>
      %sub3A_466 = arith.subf %get3A_461, %get3A_465 : vector<16xf32>
      %mul3A_467 = arith.mulf %sub3A_466, %sub3A_466 : vector<16xf32>
      %add3A_468 = arith.addf %add3A_424, %mul3A_467 : vector<16xf32>
      %get3A_469 = arith.index_cast %scan3A_169 : i32 to index
      %get3A_470 = arith.constant 432 : index
      %get3A_471 = tpu.vector_load %arg9[%get3A_469, %get3A_470] {strides = array<i32>} : memref<32x512xf32, #tpu.memory_space<vmem>>, vector<1x16xf32>,
      %get3A_472 = vector.shape_cast %get3A_471 : vector<1x16xf32> to vector<16xf32>
      %get3A_473 = arith.index_cast %scan3A_169 : i32 to index
      %get3A_474 = arith.constant 432 : index
      %get3A_475 = tpu.vector_load %arg12[%get3A_473, %get3A_474] {strides = array<i32>} : memref<32x512xf32, #tpu.memory_space<vmem>>, vector<1x16xf32>,
      %get3A_476 = vector.shape_cast %get3A_475 : vector<1x16xf32> to vector<16xf32>
      %sub3A_477 = arith.subf %get3A_472, %get3A_476 : vector<16xf32>
      %mul3A_478 = arith.mulf %sub3A_477, %sub3A_477 : vector<16xf32>
      %add3A_479 = arith.addf %add3A_435, %mul3A_478 : vector<16xf32>
      %get3A_480 = arith.index_cast %scan3A_169 : i32 to index
      %get3A_481 = arith.constant 448 : index
      %get3A_482 = tpu.vector_load %arg9[%get3A_480, %get3A_481] {strides = array<i32>} : memref<32x512xf32, #tpu.memory_space<vmem>>, vector<1x16xf32>,
      %get3A_483 = vector.shape_cast %get3A_482 : vector<1x16xf32> to vector<16xf32>
      %get3A_484 = arith.index_cast %scan3A_169 : i32 to index
      %get3A_485 = arith.constant 448 : index
      %get3A_486 = tpu.vector_load %arg12[%get3A_484, %get3A_485] {strides = array<i32>} : memref<32x512xf32, #tpu.memory_space<vmem>>, vector<1x16xf32>,
      %get3A_487 = vector.shape_cast %get3A_486 : vector<1x16xf32> to vector<16xf32>
      %sub3A_488 = arith.subf %get3A_483, %get3A_487 : vector<16xf32>
      %mul3A_489 = arith.mulf %sub3A_488, %sub3A_488 : vector<16xf32>
      %add3A_490 = arith.addf %add3A_446, %mul3A_489 : vector<16xf32>
      %get3A_491 = arith.index_cast %scan3A_169 : i32 to index
      %get3A_492 = arith.constant 464 : index
      %get3A_493 = tpu.vector_load %arg9[%get3A_491, %get3A_492] {strides = array<i32>} : memref<32x512xf32, #tpu.memory_space<vmem>>, vector<1x16xf32>,
      %get3A_494 = vector.shape_cast %get3A_493 : vector<1x16xf32> to vector<16xf32>
      %get3A_495 = arith.index_cast %scan3A_169 : i32 to index
      %get3A_496 = arith.constant 464 : index
      %get3A_497 = tpu.vector_load %arg12[%get3A_495, %get3A_496] {strides = array<i32>} : memref<32x512xf32, #tpu.memory_space<vmem>>, vector<1x16xf32>,
      %get3A_498 = vector.shape_cast %get3A_497 : vector<1x16xf32> to vector<16xf32>
      %sub3A_499 = arith.subf %get3A_494, %get3A_498 : vector<16xf32>
      %mul3A_500 = arith.mulf %sub3A_499, %sub3A_499 : vector<16xf32>
      %add3A_501 = arith.addf %add3A_457, %mul3A_500 : vector<16xf32>
      %get3A_502 = arith.index_cast %scan3A_169 : i32 to index
      %get3A_503 = arith.constant 480 : index
      %get3A_504 = tpu.vector_load %arg9[%get3A_502, %get3A_503] {strides = array<i32>} : memref<32x512xf32, #tpu.memory_space<vmem>>, vector<1x16xf32>,
      %get3A_505 = vector.shape_cast %get3A_504 : vector<1x16xf32> to vector<16xf32>
      %get3A_506 = arith.index_cast %scan3A_169 : i32 to index
      %get3A_507 = arith.constant 480 : index
      %get3A_508 = tpu.vector_load %arg12[%get3A_506, %get3A_507] {strides = array<i32>} : memref<32x512xf32, #tpu.memory_space<vmem>>, vector<1x16xf32>,
      %get3A_509 = vector.shape_cast %get3A_508 : vector<1x16xf32> to vector<16xf32>
      %sub3A_510 = arith.subf %get3A_505, %get3A_509 : vector<16xf32>
      %mul3A_511 = arith.mulf %sub3A_510, %sub3A_510 : vector<16xf32>
      %add3A_512 = arith.addf %add3A_468, %mul3A_511 : vector<16xf32>
      %get3A_513 = arith.index_cast %scan3A_169 : i32 to index
      %get3A_514 = arith.constant 496 : index
      %get3A_515 = tpu.vector_load %arg9[%get3A_513, %get3A_514] {strides = array<i32>} : memref<32x512xf32, #tpu.memory_space<vmem>>, vector<1x16xf32>,
      %get3A_516 = vector.shape_cast %get3A_515 : vector<1x16xf32> to vector<16xf32>
      %get3A_517 = arith.index_cast %scan3A_169 : i32 to index
      %get3A_518 = arith.constant 496 : index
      %get3A_519 = tpu.vector_load %arg12[%get3A_517, %get3A_518] {strides = array<i32>} : memref<32x512xf32, #tpu.memory_space<vmem>>, vector<1x16xf32>,
      %get3A_520 = vector.shape_cast %get3A_519 : vector<1x16xf32> to vector<16xf32>
      %sub3A_521 = arith.subf %get3A_516, %get3A_520 : vector<16xf32>
      %mul3A_522 = arith.mulf %sub3A_521, %sub3A_521 : vector<16xf32>
      %add3A_523 = arith.addf %add3A_479, %mul3A_522 : vector<16xf32>
      scf.yield %add3A_490, %add3A_501, %add3A_512, %add3A_523 : vector<16xf32>, vector<16xf32>, vector<16xf32>, vector<16xf32>
    }
    %scan3A_106 = arith.constant 32 : i32
    %add3A_107 = arith.constant 160 : i32
    %add3A_108 = arith.addi %mul3A_2, %add3A_107 : i32
    %dma_start3A_109 = arith.constant 0 : i32
    %dma_start3A_110 = tpu.memref_slice %arg2[%add3A_108, %dma_start3A_109] : memref<16384x512xf32, #tpu.memory_space<hbm>> -> memref<32x512xf32, #tpu.memory_space<hbm>>
    %dma_start3A_111 = arith.constant 0 : i32
    %dma_start3A_112 = tpu.memref_slice %arg2[%add3A_108, %dma_start3A_111] : memref<16384x512xf32, #tpu.memory_space<hbm>> -> memref<32x512xf32, #tpu.memory_space<hbm>>
    tpu.enqueue_dma source(%dma_start3A_112 : memref<32x512xf32, #tpu.memory_space<hbm>>) target(%arg9 : memref<32x512xf32, #tpu.memory_space<vmem>>) target_semaphore(%arg16 : memref<!tpu.dma_semaphore, #tpu.memory_space<semaphore_mem>>)
    %dma_start3A_113 = arith.constant 160 : i32
    %dma_start3A_114 = tpu.memref_slice %arg6[%dma_start3A_113] : memref<192xi32, #tpu.memory_space<vmem>> -> memref<32xi32, #tpu.memory_space<vmem>>
    %dma_start3A_115 = arith.constant 0 : i32
    %dma_start3A_116 = arith.constant 0 : i32
    %dma_start3A_117 = tpu.memref_slice %arg4[%dma_start3A_115, %dma_start3A_116] : memref<1000x512xf32, #tpu.memory_space<hbm>> -> memref<1000x512xf32, #tpu.memory_space<hbm>>
    tpu.enqueue_indirect_dma source(%dma_start3A_117 : memref<1000x512xf32, #tpu.memory_space<hbm>>) target(%arg12 : memref<32x512xf32, #tpu.memory_space<vmem>>) offsets(%dma_start3A_114 : memref<32xi32, #tpu.memory_space<vmem>>) semaphore(%arg19 : memref<!tpu.dma_semaphore, #tpu.memory_space<semaphore_mem>>)
    %dma_wait3A_118 = arith.constant 0 : i32
    %dma_wait3A_119 = tpu.memref_slice %arg2[%add3A_56, %dma_wait3A_118] : memref<16384x512xf32, #tpu.memory_space<hbm>> -> memref<32x512xf32, #tpu.memory_space<hbm>>
    %dma_wait3A_120 = arith.constant 0 : i32
    %dma_wait3A_121 = tpu.memref_slice %arg2[%add3A_56, %dma_wait3A_120] : memref<16384x512xf32, #tpu.memory_space<hbm>> -> memref<32x512xf32, #tpu.memory_space<hbm>>
    tpu.wait_dma2 semaphore(%arg14 : memref<!tpu.dma_semaphore, #tpu.memory_space<semaphore_mem>>) src(%dma_wait3A_121 : memref<32x512xf32, #tpu.memory_space<hbm>>) dst(%arg7 : memref<32x512xf32, #tpu.memory_space<vmem>>)
    %dma_wait3A_122 = arith.constant 96 : i32
    %dma_wait3A_123 = tpu.memref_slice %arg6[%dma_wait3A_122] : memref<192xi32, #tpu.memory_space<vmem>> -> memref<32xi32, #tpu.memory_space<vmem>>
    %dma_wait3A_124 = arith.constant 0 : i32
    %dma_wait3A_125 = arith.constant 0 : i32
    %dma_wait3A_126 = tpu.memref_slice %arg4[%dma_wait3A_124, %dma_wait3A_125] : memref<1000x512xf32, #tpu.memory_space<hbm>> -> memref<1000x512xf32, #tpu.memory_space<hbm>>
    tpu.wait_indirect_dma semaphore(%arg17 : memref<!tpu.dma_semaphore, #tpu.memory_space<semaphore_mem>>) src(%dma_wait3A_126 : memref<1000x512xf32, #tpu.memory_space<hbm>>) dst(%arg10 : memref<32x512xf32, #tpu.memory_space<vmem>>)
    %scan3A_127 = arith.constant 0 : i32
    %scan3A_128 = arith.constant 32 : i32
    %scan3A_129 = arith.addi %scan3A_127, %scan3A_128 : i32
    %scan3A_130 = arith.constant 1 : i32
    %scan3A_131:4 = scf.for %scan3A_169 = %scan3A_127 to %scan3A_129 step %scan3A_130 iter_args(%scan3A_170 = %scan3A_105#0, %scan3A_171 = %scan3A_105#1, %scan3A_172 = %scan3A_105#2, %scan3A_173 = %scan3A_105#3) -> (vector<16xf32>, vector<16xf32>, vector<16xf32>, vector<16xf32>)  : i32 {
      %get3A = arith.index_cast %scan3A_169 : i32 to index
      %get3A_174 = arith.constant 0 : index
      %get3A_175 = tpu.vector_load %arg7[%get3A, %get3A_174] {strides = array<i32>} : memref<32x512xf32, #tpu.memory_space<vmem>>, vector<1x16xf32>,
      %get3A_176 = vector.shape_cast %get3A_175 : vector<1x16xf32> to vector<16xf32>
      %get3A_177 = arith.index_cast %scan3A_169 : i32 to index
      %get3A_178 = arith.constant 0 : index
      %get3A_179 = tpu.vector_load %arg10[%get3A_177, %get3A_178] {strides = array<i32>} : memref<32x512xf32, #tpu.memory_space<vmem>>, vector<1x16xf32>,
      %get3A_180 = vector.shape_cast %get3A_179 : vector<1x16xf32> to vector<16xf32>
      %sub3A = arith.subf %get3A_176, %get3A_180 : vector<16xf32>
      %mul3A_181 = arith.mulf %sub3A, %sub3A : vector<16xf32>
      %add3A_182 = arith.addf %scan3A_170, %mul3A_181 : vector<16xf32>
      %get3A_183 = arith.index_cast %scan3A_169 : i32 to index
      %get3A_184 = arith.constant 16 : index
      %get3A_185 = tpu.vector_load %arg7[%get3A_183, %get3A_184] {strides = array<i32>} : memref<32x512xf32, #tpu.memory_space<vmem>>, vector<1x16xf32>,
      %get3A_186 = vector.shape_cast %get3A_185 : vector<1x16xf32> to vector<16xf32>
      %get3A_187 = arith.index_cast %scan3A_169 : i32 to index
      %get3A_188 = arith.constant 16 : index
      %get3A_189 = tpu.vector_load %arg10[%get3A_187, %get3A_188] {strides = array<i32>} : memref<32x512xf32, #tpu.memory_space<vmem>>, vector<1x16xf32>,
      %get3A_190 = vector.shape_cast %get3A_189 : vector<1x16xf32> to vector<16xf32>
      %sub3A_191 = arith.subf %get3A_186, %get3A_190 : vector<16xf32>
      %mul3A_192 = arith.mulf %sub3A_191, %sub3A_191 : vector<16xf32>
      %add3A_193 = arith.addf %scan3A_171, %mul3A_192 : vector<16xf32>
      %get3A_194 = arith.index_cast %scan3A_169 : i32 to index
      %get3A_195 = arith.constant 32 : index
      %get3A_196 = tpu.vector_load %arg7[%get3A_194, %get3A_195] {strides = array<i32>} : memref<32x512xf32, #tpu.memory_space<vmem>>, vector<1x16xf32>,
      %get3A_197 = vector.shape_cast %get3A_196 : vector<1x16xf32> to vector<16xf32>
      %get3A_198 = arith.index_cast %scan3A_169 : i32 to index
      %get3A_199 = arith.constant 32 : index
      %get3A_200 = tpu.vector_load %arg10[%get3A_198, %get3A_199] {strides = array<i32>} : memref<32x512xf32, #tpu.memory_space<vmem>>, vector<1x16xf32>,
      %get3A_201 = vector.shape_cast %get3A_200 : vector<1x16xf32> to vector<16xf32>
      %sub3A_202 = arith.subf %get3A_197, %get3A_201 : vector<16xf32>
      %mul3A_203 = arith.mulf %sub3A_202, %sub3A_202 : vector<16xf32>
      %add3A_204 = arith.addf %scan3A_172, %mul3A_203 : vector<16xf32>
      %get3A_205 = arith.index_cast %scan3A_169 : i32 to index
      %get3A_206 = arith.constant 48 : index
      %get3A_207 = tpu.vector_load %arg7[%get3A_205, %get3A_206] {strides = array<i32>} : memref<32x512xf32, #tpu.memory_space<vmem>>, vector<1x16xf32>,
      %get3A_208 = vector.shape_cast %get3A_207 : vector<1x16xf32> to vector<16xf32>
      %get3A_209 = arith.index_cast %scan3A_169 : i32 to index
      %get3A_210 = arith.constant 48 : index
      %get3A_211 = tpu.vector_load %arg10[%get3A_209, %get3A_210] {strides = array<i32>} : memref<32x512xf32, #tpu.memory_space<vmem>>, vector<1x16xf32>,
      %get3A_212 = vector.shape_cast %get3A_211 : vector<1x16xf32> to vector<16xf32>
      %sub3A_213 = arith.subf %get3A_208, %get3A_212 : vector<16xf32>
      %mul3A_214 = arith.mulf %sub3A_213, %sub3A_213 : vector<16xf32>
      %add3A_215 = arith.addf %scan3A_173, %mul3A_214 : vector<16xf32>
      %get3A_216 = arith.index_cast %scan3A_169 : i32 to index
      %get3A_217 = arith.constant 64 : index
      %get3A_218 = tpu.vector_load %arg7[%get3A_216, %get3A_217] {strides = array<i32>} : memref<32x512xf32, #tpu.memory_space<vmem>>, vector<1x16xf32>,
      %get3A_219 = vector.shape_cast %get3A_218 : vector<1x16xf32> to vector<16xf32>
      %get3A_220 = arith.index_cast %scan3A_169 : i32 to index
      %get3A_221 = arith.constant 64 : index
      %get3A_222 = tpu.vector_load %arg10[%get3A_220, %get3A_221] {strides = array<i32>} : memref<32x512xf32, #tpu.memory_space<vmem>>, vector<1x16xf32>,
      %get3A_223 = vector.shape_cast %get3A_222 : vector<1x16xf32> to vector<16xf32>
      %sub3A_224 = arith.subf %get3A_219, %get3A_223 : vector<16xf32>
      %mul3A_225 = arith.mulf %sub3A_224, %sub3A_224 : vector<16xf32>
      %add3A_226 = arith.addf %add3A_182, %mul3A_225 : vector<16xf32>
      %get3A_227 = arith.index_cast %scan3A_169 : i32 to index
      %get3A_228 = arith.constant 80 : index
      %get3A_229 = tpu.vector_load %arg7[%get3A_227, %get3A_228] {strides = array<i32>} : memref<32x512xf32, #tpu.memory_space<vmem>>, vector<1x16xf32>,
      %get3A_230 = vector.shape_cast %get3A_229 : vector<1x16xf32> to vector<16xf32>
      %get3A_231 = arith.index_cast %scan3A_169 : i32 to index
      %get3A_232 = arith.constant 80 : index
      %get3A_233 = tpu.vector_load %arg10[%get3A_231, %get3A_232] {strides = array<i32>} : memref<32x512xf32, #tpu.memory_space<vmem>>, vector<1x16xf32>,
      %get3A_234 = vector.shape_cast %get3A_233 : vector<1x16xf32> to vector<16xf32>
      %sub3A_235 = arith.subf %get3A_230, %get3A_234 : vector<16xf32>
      %mul3A_236 = arith.mulf %sub3A_235, %sub3A_235 : vector<16xf32>
      %add3A_237 = arith.addf %add3A_193, %mul3A_236 : vector<16xf32>
      %get3A_238 = arith.index_cast %scan3A_169 : i32 to index
      %get3A_239 = arith.constant 96 : index
      %get3A_240 = tpu.vector_load %arg7[%get3A_238, %get3A_239] {strides = array<i32>} : memref<32x512xf32, #tpu.memory_space<vmem>>, vector<1x16xf32>,
      %get3A_241 = vector.shape_cast %get3A_240 : vector<1x16xf32> to vector<16xf32>
      %get3A_242 = arith.index_cast %scan3A_169 : i32 to index
      %get3A_243 = arith.constant 96 : index
      %get3A_244 = tpu.vector_load %arg10[%get3A_242, %get3A_243] {strides = array<i32>} : memref<32x512xf32, #tpu.memory_space<vmem>>, vector<1x16xf32>,
      %get3A_245 = vector.shape_cast %get3A_244 : vector<1x16xf32> to vector<16xf32>
      %sub3A_246 = arith.subf %get3A_241, %get3A_245 : vector<16xf32>
      %mul3A_247 = arith.mulf %sub3A_246, %sub3A_246 : vector<16xf32>
      %add3A_248 = arith.addf %add3A_204, %mul3A_247 : vector<16xf32>
      %get3A_249 = arith.index_cast %scan3A_169 : i32 to index
      %get3A_250 = arith.constant 112 : index
      %get3A_251 = tpu.vector_load %arg7[%get3A_249, %get3A_250] {strides = array<i32>} : memref<32x512xf32, #tpu.memory_space<vmem>>, vector<1x16xf32>,
      %get3A_252 = vector.shape_cast %get3A_251 : vector<1x16xf32> to vector<16xf32>
      %get3A_253 = arith.index_cast %scan3A_169 : i32 to index
      %get3A_254 = arith.constant 112 : index
      %get3A_255 = tpu.vector_load %arg10[%get3A_253, %get3A_254] {strides = array<i32>} : memref<32x512xf32, #tpu.memory_space<vmem>>, vector<1x16xf32>,
      %get3A_256 = vector.shape_cast %get3A_255 : vector<1x16xf32> to vector<16xf32>
      %sub3A_257 = arith.subf %get3A_252, %get3A_256 : vector<16xf32>
      %mul3A_258 = arith.mulf %sub3A_257, %sub3A_257 : vector<16xf32>
      %add3A_259 = arith.addf %add3A_215, %mul3A_258 : vector<16xf32>
      %get3A_260 = arith.index_cast %scan3A_169 : i32 to index
      %get3A_261 = arith.constant 128 : index
      %get3A_262 = tpu.vector_load %arg7[%get3A_260, %get3A_261] {strides = array<i32>} : memref<32x512xf32, #tpu.memory_space<vmem>>, vector<1x16xf32>,
      %get3A_263 = vector.shape_cast %get3A_262 : vector<1x16xf32> to vector<16xf32>
      %get3A_264 = arith.index_cast %scan3A_169 : i32 to index
      %get3A_265 = arith.constant 128 : index
      %get3A_266 = tpu.vector_load %arg10[%get3A_264, %get3A_265] {strides = array<i32>} : memref<32x512xf32, #tpu.memory_space<vmem>>, vector<1x16xf32>,
      %get3A_267 = vector.shape_cast %get3A_266 : vector<1x16xf32> to vector<16xf32>
      %sub3A_268 = arith.subf %get3A_263, %get3A_267 : vector<16xf32>
      %mul3A_269 = arith.mulf %sub3A_268, %sub3A_268 : vector<16xf32>
      %add3A_270 = arith.addf %add3A_226, %mul3A_269 : vector<16xf32>
      %get3A_271 = arith.index_cast %scan3A_169 : i32 to index
      %get3A_272 = arith.constant 144 : index
      %get3A_273 = tpu.vector_load %arg7[%get3A_271, %get3A_272] {strides = array<i32>} : memref<32x512xf32, #tpu.memory_space<vmem>>, vector<1x16xf32>,
      %get3A_274 = vector.shape_cast %get3A_273 : vector<1x16xf32> to vector<16xf32>
      %get3A_275 = arith.index_cast %scan3A_169 : i32 to index
      %get3A_276 = arith.constant 144 : index
      %get3A_277 = tpu.vector_load %arg10[%get3A_275, %get3A_276] {strides = array<i32>} : memref<32x512xf32, #tpu.memory_space<vmem>>, vector<1x16xf32>,
      %get3A_278 = vector.shape_cast %get3A_277 : vector<1x16xf32> to vector<16xf32>
      %sub3A_279 = arith.subf %get3A_274, %get3A_278 : vector<16xf32>
      %mul3A_280 = arith.mulf %sub3A_279, %sub3A_279 : vector<16xf32>
      %add3A_281 = arith.addf %add3A_237, %mul3A_280 : vector<16xf32>
      %get3A_282 = arith.index_cast %scan3A_169 : i32 to index
      %get3A_283 = arith.constant 160 : index
      %get3A_284 = tpu.vector_load %arg7[%get3A_282, %get3A_283] {strides = array<i32>} : memref<32x512xf32, #tpu.memory_space<vmem>>, vector<1x16xf32>,
      %get3A_285 = vector.shape_cast %get3A_284 : vector<1x16xf32> to vector<16xf32>
      %get3A_286 = arith.index_cast %scan3A_169 : i32 to index
      %get3A_287 = arith.constant 160 : index
      %get3A_288 = tpu.vector_load %arg10[%get3A_286, %get3A_287] {strides = array<i32>} : memref<32x512xf32, #tpu.memory_space<vmem>>, vector<1x16xf32>,
      %get3A_289 = vector.shape_cast %get3A_288 : vector<1x16xf32> to vector<16xf32>
      %sub3A_290 = arith.subf %get3A_285, %get3A_289 : vector<16xf32>
      %mul3A_291 = arith.mulf %sub3A_290, %sub3A_290 : vector<16xf32>
      %add3A_292 = arith.addf %add3A_248, %mul3A_291 : vector<16xf32>
      %get3A_293 = arith.index_cast %scan3A_169 : i32 to index
      %get3A_294 = arith.constant 176 : index
      %get3A_295 = tpu.vector_load %arg7[%get3A_293, %get3A_294] {strides = array<i32>} : memref<32x512xf32, #tpu.memory_space<vmem>>, vector<1x16xf32>,
      %get3A_296 = vector.shape_cast %get3A_295 : vector<1x16xf32> to vector<16xf32>
      %get3A_297 = arith.index_cast %scan3A_169 : i32 to index
      %get3A_298 = arith.constant 176 : index
      %get3A_299 = tpu.vector_load %arg10[%get3A_297, %get3A_298] {strides = array<i32>} : memref<32x512xf32, #tpu.memory_space<vmem>>, vector<1x16xf32>,
      %get3A_300 = vector.shape_cast %get3A_299 : vector<1x16xf32> to vector<16xf32>
      %sub3A_301 = arith.subf %get3A_296, %get3A_300 : vector<16xf32>
      %mul3A_302 = arith.mulf %sub3A_301, %sub3A_301 : vector<16xf32>
      %add3A_303 = arith.addf %add3A_259, %mul3A_302 : vector<16xf32>
      %get3A_304 = arith.index_cast %scan3A_169 : i32 to index
      %get3A_305 = arith.constant 192 : index
      %get3A_306 = tpu.vector_load %arg7[%get3A_304, %get3A_305] {strides = array<i32>} : memref<32x512xf32, #tpu.memory_space<vmem>>, vector<1x16xf32>,
      %get3A_307 = vector.shape_cast %get3A_306 : vector<1x16xf32> to vector<16xf32>
      %get3A_308 = arith.index_cast %scan3A_169 : i32 to index
      %get3A_309 = arith.constant 192 : index
      %get3A_310 = tpu.vector_load %arg10[%get3A_308, %get3A_309] {strides = array<i32>} : memref<32x512xf32, #tpu.memory_space<vmem>>, vector<1x16xf32>,
      %get3A_311 = vector.shape_cast %get3A_310 : vector<1x16xf32> to vector<16xf32>
      %sub3A_312 = arith.subf %get3A_307, %get3A_311 : vector<16xf32>
      %mul3A_313 = arith.mulf %sub3A_312, %sub3A_312 : vector<16xf32>
      %add3A_314 = arith.addf %add3A_270, %mul3A_313 : vector<16xf32>
      %get3A_315 = arith.index_cast %scan3A_169 : i32 to index
      %get3A_316 = arith.constant 208 : index
      %get3A_317 = tpu.vector_load %arg7[%get3A_315, %get3A_316] {strides = array<i32>} : memref<32x512xf32, #tpu.memory_space<vmem>>, vector<1x16xf32>,
      %get3A_318 = vector.shape_cast %get3A_317 : vector<1x16xf32> to vector<16xf32>
      %get3A_319 = arith.index_cast %scan3A_169 : i32 to index
      %get3A_320 = arith.constant 208 : index
      %get3A_321 = tpu.vector_load %arg10[%get3A_319, %get3A_320] {strides = array<i32>} : memref<32x512xf32, #tpu.memory_space<vmem>>, vector<1x16xf32>,
      %get3A_322 = vector.shape_cast %get3A_321 : vector<1x16xf32> to vector<16xf32>
      %sub3A_323 = arith.subf %get3A_318, %get3A_322 : vector<16xf32>
      %mul3A_324 = arith.mulf %sub3A_323, %sub3A_323 : vector<16xf32>
      %add3A_325 = arith.addf %add3A_281, %mul3A_324 : vector<16xf32>
      %get3A_326 = arith.index_cast %scan3A_169 : i32 to index
      %get3A_327 = arith.constant 224 : index
      %get3A_328 = tpu.vector_load %arg7[%get3A_326, %get3A_327] {strides = array<i32>} : memref<32x512xf32, #tpu.memory_space<vmem>>, vector<1x16xf32>,
      %get3A_329 = vector.shape_cast %get3A_328 : vector<1x16xf32> to vector<16xf32>
      %get3A_330 = arith.index_cast %scan3A_169 : i32 to index
      %get3A_331 = arith.constant 224 : index
      %get3A_332 = tpu.vector_load %arg10[%get3A_330, %get3A_331] {strides = array<i32>} : memref<32x512xf32, #tpu.memory_space<vmem>>, vector<1x16xf32>,
      %get3A_333 = vector.shape_cast %get3A_332 : vector<1x16xf32> to vector<16xf32>
      %sub3A_334 = arith.subf %get3A_329, %get3A_333 : vector<16xf32>
      %mul3A_335 = arith.mulf %sub3A_334, %sub3A_334 : vector<16xf32>
      %add3A_336 = arith.addf %add3A_292, %mul3A_335 : vector<16xf32>
      %get3A_337 = arith.index_cast %scan3A_169 : i32 to index
      %get3A_338 = arith.constant 240 : index
      %get3A_339 = tpu.vector_load %arg7[%get3A_337, %get3A_338] {strides = array<i32>} : memref<32x512xf32, #tpu.memory_space<vmem>>, vector<1x16xf32>,
      %get3A_340 = vector.shape_cast %get3A_339 : vector<1x16xf32> to vector<16xf32>
      %get3A_341 = arith.index_cast %scan3A_169 : i32 to index
      %get3A_342 = arith.constant 240 : index
      %get3A_343 = tpu.vector_load %arg10[%get3A_341, %get3A_342] {strides = array<i32>} : memref<32x512xf32, #tpu.memory_space<vmem>>, vector<1x16xf32>,
      %get3A_344 = vector.shape_cast %get3A_343 : vector<1x16xf32> to vector<16xf32>
      %sub3A_345 = arith.subf %get3A_340, %get3A_344 : vector<16xf32>
      %mul3A_346 = arith.mulf %sub3A_345, %sub3A_345 : vector<16xf32>
      %add3A_347 = arith.addf %add3A_303, %mul3A_346 : vector<16xf32>
      %get3A_348 = arith.index_cast %scan3A_169 : i32 to index
      %get3A_349 = arith.constant 256 : index
      %get3A_350 = tpu.vector_load %arg7[%get3A_348, %get3A_349] {strides = array<i32>} : memref<32x512xf32, #tpu.memory_space<vmem>>, vector<1x16xf32>,
      %get3A_351 = vector.shape_cast %get3A_350 : vector<1x16xf32> to vector<16xf32>
      %get3A_352 = arith.index_cast %scan3A_169 : i32 to index
      %get3A_353 = arith.constant 256 : index
      %get3A_354 = tpu.vector_load %arg10[%get3A_352, %get3A_353] {strides = array<i32>} : memref<32x512xf32, #tpu.memory_space<vmem>>, vector<1x16xf32>,
      %get3A_355 = vector.shape_cast %get3A_354 : vector<1x16xf32> to vector<16xf32>
      %sub3A_356 = arith.subf %get3A_351, %get3A_355 : vector<16xf32>
      %mul3A_357 = arith.mulf %sub3A_356, %sub3A_356 : vector<16xf32>
      %add3A_358 = arith.addf %add3A_314, %mul3A_357 : vector<16xf32>
      %get3A_359 = arith.index_cast %scan3A_169 : i32 to index
      %get3A_360 = arith.constant 272 : index
      %get3A_361 = tpu.vector_load %arg7[%get3A_359, %get3A_360] {strides = array<i32>} : memref<32x512xf32, #tpu.memory_space<vmem>>, vector<1x16xf32>,
      %get3A_362 = vector.shape_cast %get3A_361 : vector<1x16xf32> to vector<16xf32>
      %get3A_363 = arith.index_cast %scan3A_169 : i32 to index
      %get3A_364 = arith.constant 272 : index
      %get3A_365 = tpu.vector_load %arg10[%get3A_363, %get3A_364] {strides = array<i32>} : memref<32x512xf32, #tpu.memory_space<vmem>>, vector<1x16xf32>,
      %get3A_366 = vector.shape_cast %get3A_365 : vector<1x16xf32> to vector<16xf32>
      %sub3A_367 = arith.subf %get3A_362, %get3A_366 : vector<16xf32>
      %mul3A_368 = arith.mulf %sub3A_367, %sub3A_367 : vector<16xf32>
      %add3A_369 = arith.addf %add3A_325, %mul3A_368 : vector<16xf32>
      %get3A_370 = arith.index_cast %scan3A_169 : i32 to index
      %get3A_371 = arith.constant 288 : index
      %get3A_372 = tpu.vector_load %arg7[%get3A_370, %get3A_371] {strides = array<i32>} : memref<32x512xf32, #tpu.memory_space<vmem>>, vector<1x16xf32>,
      %get3A_373 = vector.shape_cast %get3A_372 : vector<1x16xf32> to vector<16xf32>
      %get3A_374 = arith.index_cast %scan3A_169 : i32 to index
      %get3A_375 = arith.constant 288 : index
      %get3A_376 = tpu.vector_load %arg10[%get3A_374, %get3A_375] {strides = array<i32>} : memref<32x512xf32, #tpu.memory_space<vmem>>, vector<1x16xf32>,
      %get3A_377 = vector.shape_cast %get3A_376 : vector<1x16xf32> to vector<16xf32>
      %sub3A_378 = arith.subf %get3A_373, %get3A_377 : vector<16xf32>
      %mul3A_379 = arith.mulf %sub3A_378, %sub3A_378 : vector<16xf32>
      %add3A_380 = arith.addf %add3A_336, %mul3A_379 : vector<16xf32>
      %get3A_381 = arith.index_cast %scan3A_169 : i32 to index
      %get3A_382 = arith.constant 304 : index
      %get3A_383 = tpu.vector_load %arg7[%get3A_381, %get3A_382] {strides = array<i32>} : memref<32x512xf32, #tpu.memory_space<vmem>>, vector<1x16xf32>,
      %get3A_384 = vector.shape_cast %get3A_383 : vector<1x16xf32> to vector<16xf32>
      %get3A_385 = arith.index_cast %scan3A_169 : i32 to index
      %get3A_386 = arith.constant 304 : index
      %get3A_387 = tpu.vector_load %arg10[%get3A_385, %get3A_386] {strides = array<i32>} : memref<32x512xf32, #tpu.memory_space<vmem>>, vector<1x16xf32>,
      %get3A_388 = vector.shape_cast %get3A_387 : vector<1x16xf32> to vector<16xf32>
      %sub3A_389 = arith.subf %get3A_384, %get3A_388 : vector<16xf32>
      %mul3A_390 = arith.mulf %sub3A_389, %sub3A_389 : vector<16xf32>
      %add3A_391 = arith.addf %add3A_347, %mul3A_390 : vector<16xf32>
      %get3A_392 = arith.index_cast %scan3A_169 : i32 to index
      %get3A_393 = arith.constant 320 : index
      %get3A_394 = tpu.vector_load %arg7[%get3A_392, %get3A_393] {strides = array<i32>} : memref<32x512xf32, #tpu.memory_space<vmem>>, vector<1x16xf32>,
      %get3A_395 = vector.shape_cast %get3A_394 : vector<1x16xf32> to vector<16xf32>
      %get3A_396 = arith.index_cast %scan3A_169 : i32 to index
      %get3A_397 = arith.constant 320 : index
      %get3A_398 = tpu.vector_load %arg10[%get3A_396, %get3A_397] {strides = array<i32>} : memref<32x512xf32, #tpu.memory_space<vmem>>, vector<1x16xf32>,
      %get3A_399 = vector.shape_cast %get3A_398 : vector<1x16xf32> to vector<16xf32>
      %sub3A_400 = arith.subf %get3A_395, %get3A_399 : vector<16xf32>
      %mul3A_401 = arith.mulf %sub3A_400, %sub3A_400 : vector<16xf32>
      %add3A_402 = arith.addf %add3A_358, %mul3A_401 : vector<16xf32>
      %get3A_403 = arith.index_cast %scan3A_169 : i32 to index
      %get3A_404 = arith.constant 336 : index
      %get3A_405 = tpu.vector_load %arg7[%get3A_403, %get3A_404] {strides = array<i32>} : memref<32x512xf32, #tpu.memory_space<vmem>>, vector<1x16xf32>,
      %get3A_406 = vector.shape_cast %get3A_405 : vector<1x16xf32> to vector<16xf32>
      %get3A_407 = arith.index_cast %scan3A_169 : i32 to index
      %get3A_408 = arith.constant 336 : index
      %get3A_409 = tpu.vector_load %arg10[%get3A_407, %get3A_408] {strides = array<i32>} : memref<32x512xf32, #tpu.memory_space<vmem>>, vector<1x16xf32>,
      %get3A_410 = vector.shape_cast %get3A_409 : vector<1x16xf32> to vector<16xf32>
      %sub3A_411 = arith.subf %get3A_406, %get3A_410 : vector<16xf32>
      %mul3A_412 = arith.mulf %sub3A_411, %sub3A_411 : vector<16xf32>
      %add3A_413 = arith.addf %add3A_369, %mul3A_412 : vector<16xf32>
      %get3A_414 = arith.index_cast %scan3A_169 : i32 to index
      %get3A_415 = arith.constant 352 : index
      %get3A_416 = tpu.vector_load %arg7[%get3A_414, %get3A_415] {strides = array<i32>} : memref<32x512xf32, #tpu.memory_space<vmem>>, vector<1x16xf32>,
      %get3A_417 = vector.shape_cast %get3A_416 : vector<1x16xf32> to vector<16xf32>
      %get3A_418 = arith.index_cast %scan3A_169 : i32 to index
      %get3A_419 = arith.constant 352 : index
      %get3A_420 = tpu.vector_load %arg10[%get3A_418, %get3A_419] {strides = array<i32>} : memref<32x512xf32, #tpu.memory_space<vmem>>, vector<1x16xf32>,
      %get3A_421 = vector.shape_cast %get3A_420 : vector<1x16xf32> to vector<16xf32>
      %sub3A_422 = arith.subf %get3A_417, %get3A_421 : vector<16xf32>
      %mul3A_423 = arith.mulf %sub3A_422, %sub3A_422 : vector<16xf32>
      %add3A_424 = arith.addf %add3A_380, %mul3A_423 : vector<16xf32>
      %get3A_425 = arith.index_cast %scan3A_169 : i32 to index
      %get3A_426 = arith.constant 368 : index
      %get3A_427 = tpu.vector_load %arg7[%get3A_425, %get3A_426] {strides = array<i32>} : memref<32x512xf32, #tpu.memory_space<vmem>>, vector<1x16xf32>,
      %get3A_428 = vector.shape_cast %get3A_427 : vector<1x16xf32> to vector<16xf32>
      %get3A_429 = arith.index_cast %scan3A_169 : i32 to index
      %get3A_430 = arith.constant 368 : index
      %get3A_431 = tpu.vector_load %arg10[%get3A_429, %get3A_430] {strides = array<i32>} : memref<32x512xf32, #tpu.memory_space<vmem>>, vector<1x16xf32>,
      %get3A_432 = vector.shape_cast %get3A_431 : vector<1x16xf32> to vector<16xf32>
      %sub3A_433 = arith.subf %get3A_428, %get3A_432 : vector<16xf32>
      %mul3A_434 = arith.mulf %sub3A_433, %sub3A_433 : vector<16xf32>
      %add3A_435 = arith.addf %add3A_391, %mul3A_434 : vector<16xf32>
      %get3A_436 = arith.index_cast %scan3A_169 : i32 to index
      %get3A_437 = arith.constant 384 : index
      %get3A_438 = tpu.vector_load %arg7[%get3A_436, %get3A_437] {strides = array<i32>} : memref<32x512xf32, #tpu.memory_space<vmem>>, vector<1x16xf32>,
      %get3A_439 = vector.shape_cast %get3A_438 : vector<1x16xf32> to vector<16xf32>
      %get3A_440 = arith.index_cast %scan3A_169 : i32 to index
      %get3A_441 = arith.constant 384 : index
      %get3A_442 = tpu.vector_load %arg10[%get3A_440, %get3A_441] {strides = array<i32>} : memref<32x512xf32, #tpu.memory_space<vmem>>, vector<1x16xf32>,
      %get3A_443 = vector.shape_cast %get3A_442 : vector<1x16xf32> to vector<16xf32>
      %sub3A_444 = arith.subf %get3A_439, %get3A_443 : vector<16xf32>
      %mul3A_445 = arith.mulf %sub3A_444, %sub3A_444 : vector<16xf32>
      %add3A_446 = arith.addf %add3A_402, %mul3A_445 : vector<16xf32>
      %get3A_447 = arith.index_cast %scan3A_169 : i32 to index
      %get3A_448 = arith.constant 400 : index
      %get3A_449 = tpu.vector_load %arg7[%get3A_447, %get3A_448] {strides = array<i32>} : memref<32x512xf32, #tpu.memory_space<vmem>>, vector<1x16xf32>,
      %get3A_450 = vector.shape_cast %get3A_449 : vector<1x16xf32> to vector<16xf32>
      %get3A_451 = arith.index_cast %scan3A_169 : i32 to index
      %get3A_452 = arith.constant 400 : index
      %get3A_453 = tpu.vector_load %arg10[%get3A_451, %get3A_452] {strides = array<i32>} : memref<32x512xf32, #tpu.memory_space<vmem>>, vector<1x16xf32>,
      %get3A_454 = vector.shape_cast %get3A_453 : vector<1x16xf32> to vector<16xf32>
      %sub3A_455 = arith.subf %get3A_450, %get3A_454 : vector<16xf32>
      %mul3A_456 = arith.mulf %sub3A_455, %sub3A_455 : vector<16xf32>
      %add3A_457 = arith.addf %add3A_413, %mul3A_456 : vector<16xf32>
      %get3A_458 = arith.index_cast %scan3A_169 : i32 to index
      %get3A_459 = arith.constant 416 : index
      %get3A_460 = tpu.vector_load %arg7[%get3A_458, %get3A_459] {strides = array<i32>} : memref<32x512xf32, #tpu.memory_space<vmem>>, vector<1x16xf32>,
      %get3A_461 = vector.shape_cast %get3A_460 : vector<1x16xf32> to vector<16xf32>
      %get3A_462 = arith.index_cast %scan3A_169 : i32 to index
      %get3A_463 = arith.constant 416 : index
      %get3A_464 = tpu.vector_load %arg10[%get3A_462, %get3A_463] {strides = array<i32>} : memref<32x512xf32, #tpu.memory_space<vmem>>, vector<1x16xf32>,
      %get3A_465 = vector.shape_cast %get3A_464 : vector<1x16xf32> to vector<16xf32>
      %sub3A_466 = arith.subf %get3A_461, %get3A_465 : vector<16xf32>
      %mul3A_467 = arith.mulf %sub3A_466, %sub3A_466 : vector<16xf32>
      %add3A_468 = arith.addf %add3A_424, %mul3A_467 : vector<16xf32>
      %get3A_469 = arith.index_cast %scan3A_169 : i32 to index
      %get3A_470 = arith.constant 432 : index
      %get3A_471 = tpu.vector_load %arg7[%get3A_469, %get3A_470] {strides = array<i32>} : memref<32x512xf32, #tpu.memory_space<vmem>>, vector<1x16xf32>,
      %get3A_472 = vector.shape_cast %get3A_471 : vector<1x16xf32> to vector<16xf32>
      %get3A_473 = arith.index_cast %scan3A_169 : i32 to index
      %get3A_474 = arith.constant 432 : index
      %get3A_475 = tpu.vector_load %arg10[%get3A_473, %get3A_474] {strides = array<i32>} : memref<32x512xf32, #tpu.memory_space<vmem>>, vector<1x16xf32>,
      %get3A_476 = vector.shape_cast %get3A_475 : vector<1x16xf32> to vector<16xf32>
      %sub3A_477 = arith.subf %get3A_472, %get3A_476 : vector<16xf32>
      %mul3A_478 = arith.mulf %sub3A_477, %sub3A_477 : vector<16xf32>
      %add3A_479 = arith.addf %add3A_435, %mul3A_478 : vector<16xf32>
      %get3A_480 = arith.index_cast %scan3A_169 : i32 to index
      %get3A_481 = arith.constant 448 : index
      %get3A_482 = tpu.vector_load %arg7[%get3A_480, %get3A_481] {strides = array<i32>} : memref<32x512xf32, #tpu.memory_space<vmem>>, vector<1x16xf32>,
      %get3A_483 = vector.shape_cast %get3A_482 : vector<1x16xf32> to vector<16xf32>
      %get3A_484 = arith.index_cast %scan3A_169 : i32 to index
      %get3A_485 = arith.constant 448 : index
      %get3A_486 = tpu.vector_load %arg10[%get3A_484, %get3A_485] {strides = array<i32>} : memref<32x512xf32, #tpu.memory_space<vmem>>, vector<1x16xf32>,
      %get3A_487 = vector.shape_cast %get3A_486 : vector<1x16xf32> to vector<16xf32>
      %sub3A_488 = arith.subf %get3A_483, %get3A_487 : vector<16xf32>
      %mul3A_489 = arith.mulf %sub3A_488, %sub3A_488 : vector<16xf32>
      %add3A_490 = arith.addf %add3A_446, %mul3A_489 : vector<16xf32>
      %get3A_491 = arith.index_cast %scan3A_169 : i32 to index
      %get3A_492 = arith.constant 464 : index
      %get3A_493 = tpu.vector_load %arg7[%get3A_491, %get3A_492] {strides = array<i32>} : memref<32x512xf32, #tpu.memory_space<vmem>>, vector<1x16xf32>,
      %get3A_494 = vector.shape_cast %get3A_493 : vector<1x16xf32> to vector<16xf32>
      %get3A_495 = arith.index_cast %scan3A_169 : i32 to index
      %get3A_496 = arith.constant 464 : index
      %get3A_497 = tpu.vector_load %arg10[%get3A_495, %get3A_496] {strides = array<i32>} : memref<32x512xf32, #tpu.memory_space<vmem>>, vector<1x16xf32>,
      %get3A_498 = vector.shape_cast %get3A_497 : vector<1x16xf32> to vector<16xf32>
      %sub3A_499 = arith.subf %get3A_494, %get3A_498 : vector<16xf32>
      %mul3A_500 = arith.mulf %sub3A_499, %sub3A_499 : vector<16xf32>
      %add3A_501 = arith.addf %add3A_457, %mul3A_500 : vector<16xf32>
      %get3A_502 = arith.index_cast %scan3A_169 : i32 to index
      %get3A_503 = arith.constant 480 : index
      %get3A_504 = tpu.vector_load %arg7[%get3A_502, %get3A_503] {strides = array<i32>} : memref<32x512xf32, #tpu.memory_space<vmem>>, vector<1x16xf32>,
      %get3A_505 = vector.shape_cast %get3A_504 : vector<1x16xf32> to vector<16xf32>
      %get3A_506 = arith.index_cast %scan3A_169 : i32 to index
      %get3A_507 = arith.constant 480 : index
      %get3A_508 = tpu.vector_load %arg10[%get3A_506, %get3A_507] {strides = array<i32>} : memref<32x512xf32, #tpu.memory_space<vmem>>, vector<1x16xf32>,
      %get3A_509 = vector.shape_cast %get3A_508 : vector<1x16xf32> to vector<16xf32>
      %sub3A_510 = arith.subf %get3A_505, %get3A_509 : vector<16xf32>
      %mul3A_511 = arith.mulf %sub3A_510, %sub3A_510 : vector<16xf32>
      %add3A_512 = arith.addf %add3A_468, %mul3A_511 : vector<16xf32>
      %get3A_513 = arith.index_cast %scan3A_169 : i32 to index
      %get3A_514 = arith.constant 496 : index
      %get3A_515 = tpu.vector_load %arg7[%get3A_513, %get3A_514] {strides = array<i32>} : memref<32x512xf32, #tpu.memory_space<vmem>>, vector<1x16xf32>,
      %get3A_516 = vector.shape_cast %get3A_515 : vector<1x16xf32> to vector<16xf32>
      %get3A_517 = arith.index_cast %scan3A_169 : i32 to index
      %get3A_518 = arith.constant 496 : index
      %get3A_519 = tpu.vector_load %arg10[%get3A_517, %get3A_518] {strides = array<i32>} : memref<32x512xf32, #tpu.memory_space<vmem>>, vector<1x16xf32>,
      %get3A_520 = vector.shape_cast %get3A_519 : vector<1x16xf32> to vector<16xf32>
      %sub3A_521 = arith.subf %get3A_516, %get3A_520 : vector<16xf32>
      %mul3A_522 = arith.mulf %sub3A_521, %sub3A_521 : vector<16xf32>
      %add3A_523 = arith.addf %add3A_479, %mul3A_522 : vector<16xf32>
      scf.yield %add3A_490, %add3A_501, %add3A_512, %add3A_523 : vector<16xf32>, vector<16xf32>, vector<16xf32>, vector<16xf32>
    }
    %scan3A_132 = arith.constant 32 : i32
    %dma_wait3A_133 = arith.constant 0 : i32
    %dma_wait3A_134 = tpu.memref_slice %arg2[%add3A_82, %dma_wait3A_133] : memref<16384x512xf32, #tpu.memory_space<hbm>> -> memref<32x512xf32, #tpu.memory_space<hbm>>
    %dma_wait3A_135 = arith.constant 0 : i32
    %dma_wait3A_136 = tpu.memref_slice %arg2[%add3A_82, %dma_wait3A_135] : memref<16384x512xf32, #tpu.memory_space<hbm>> -> memref<32x512xf32, #tpu.memory_space<hbm>>
    tpu.wait_dma2 semaphore(%arg15 : memref<!tpu.dma_semaphore, #tpu.memory_space<semaphore_mem>>) src(%dma_wait3A_136 : memref<32x512xf32, #tpu.memory_space<hbm>>) dst(%arg8 : memref<32x512xf32, #tpu.memory_space<vmem>>)
    %dma_wait3A_137 = arith.constant 128 : i32
    %dma_wait3A_138 = tpu.memref_slice %arg6[%dma_wait3A_137] : memref<192xi32, #tpu.memory_space<vmem>> -> memref<32xi32, #tpu.memory_space<vmem>>
    %dma_wait3A_139 = arith.constant 0 : i32
    %dma_wait3A_140 = arith.constant 0 : i32
    %dma_wait3A_141 = tpu.memref_slice %arg4[%dma_wait3A_139, %dma_wait3A_140] : memref<1000x512xf32, #tpu.memory_space<hbm>> -> memref<1000x512xf32, #tpu.memory_space<hbm>>
    tpu.wait_indirect_dma semaphore(%arg18 : memref<!tpu.dma_semaphore, #tpu.memory_space<semaphore_mem>>) src(%dma_wait3A_141 : memref<1000x512xf32, #tpu.memory_space<hbm>>) dst(%arg11 : memref<32x512xf32, #tpu.memory_space<vmem>>)
    %scan3A_142 = arith.constant 0 : i32
    %scan3A_143 = arith.constant 32 : i32
    %scan3A_144 = arith.addi %scan3A_142, %scan3A_143 : i32
    %scan3A_145 = arith.constant 1 : i32
    %scan3A_146:4 = scf.for %scan3A_169 = %scan3A_142 to %scan3A_144 step %scan3A_145 iter_args(%scan3A_170 = %scan3A_131#0, %scan3A_171 = %scan3A_131#1, %scan3A_172 = %scan3A_131#2, %scan3A_173 = %scan3A_131#3) -> (vector<16xf32>, vector<16xf32>, vector<16xf32>, vector<16xf32>)  : i32 {
      %get3A = arith.index_cast %scan3A_169 : i32 to index
      %get3A_174 = arith.constant 0 : index
      %get3A_175 = tpu.vector_load %arg8[%get3A, %get3A_174] {strides = array<i32>} : memref<32x512xf32, #tpu.memory_space<vmem>>, vector<1x16xf32>,
      %get3A_176 = vector.shape_cast %get3A_175 : vector<1x16xf32> to vector<16xf32>
      %get3A_177 = arith.index_cast %scan3A_169 : i32 to index
      %get3A_178 = arith.constant 0 : index
      %get3A_179 = tpu.vector_load %arg11[%get3A_177, %get3A_178] {strides = array<i32>} : memref<32x512xf32, #tpu.memory_space<vmem>>, vector<1x16xf32>,
      %get3A_180 = vector.shape_cast %get3A_179 : vector<1x16xf32> to vector<16xf32>
      %sub3A = arith.subf %get3A_176, %get3A_180 : vector<16xf32>
      %mul3A_181 = arith.mulf %sub3A, %sub3A : vector<16xf32>
      %add3A_182 = arith.addf %scan3A_170, %mul3A_181 : vector<16xf32>
      %get3A_183 = arith.index_cast %scan3A_169 : i32 to index
      %get3A_184 = arith.constant 16 : index
      %get3A_185 = tpu.vector_load %arg8[%get3A_183, %get3A_184] {strides = array<i32>} : memref<32x512xf32, #tpu.memory_space<vmem>>, vector<1x16xf32>,
      %get3A_186 = vector.shape_cast %get3A_185 : vector<1x16xf32> to vector<16xf32>
      %get3A_187 = arith.index_cast %scan3A_169 : i32 to index
      %get3A_188 = arith.constant 16 : index
      %get3A_189 = tpu.vector_load %arg11[%get3A_187, %get3A_188] {strides = array<i32>} : memref<32x512xf32, #tpu.memory_space<vmem>>, vector<1x16xf32>,
      %get3A_190 = vector.shape_cast %get3A_189 : vector<1x16xf32> to vector<16xf32>
      %sub3A_191 = arith.subf %get3A_186, %get3A_190 : vector<16xf32>
      %mul3A_192 = arith.mulf %sub3A_191, %sub3A_191 : vector<16xf32>
      %add3A_193 = arith.addf %scan3A_171, %mul3A_192 : vector<16xf32>
      %get3A_194 = arith.index_cast %scan3A_169 : i32 to index
      %get3A_195 = arith.constant 32 : index
      %get3A_196 = tpu.vector_load %arg8[%get3A_194, %get3A_195] {strides = array<i32>} : memref<32x512xf32, #tpu.memory_space<vmem>>, vector<1x16xf32>,
      %get3A_197 = vector.shape_cast %get3A_196 : vector<1x16xf32> to vector<16xf32>
      %get3A_198 = arith.index_cast %scan3A_169 : i32 to index
      %get3A_199 = arith.constant 32 : index
      %get3A_200 = tpu.vector_load %arg11[%get3A_198, %get3A_199] {strides = array<i32>} : memref<32x512xf32, #tpu.memory_space<vmem>>, vector<1x16xf32>,
      %get3A_201 = vector.shape_cast %get3A_200 : vector<1x16xf32> to vector<16xf32>
      %sub3A_202 = arith.subf %get3A_197, %get3A_201 : vector<16xf32>
      %mul3A_203 = arith.mulf %sub3A_202, %sub3A_202 : vector<16xf32>
      %add3A_204 = arith.addf %scan3A_172, %mul3A_203 : vector<16xf32>
      %get3A_205 = arith.index_cast %scan3A_169 : i32 to index
      %get3A_206 = arith.constant 48 : index
      %get3A_207 = tpu.vector_load %arg8[%get3A_205, %get3A_206] {strides = array<i32>} : memref<32x512xf32, #tpu.memory_space<vmem>>, vector<1x16xf32>,
      %get3A_208 = vector.shape_cast %get3A_207 : vector<1x16xf32> to vector<16xf32>
      %get3A_209 = arith.index_cast %scan3A_169 : i32 to index
      %get3A_210 = arith.constant 48 : index
      %get3A_211 = tpu.vector_load %arg11[%get3A_209, %get3A_210] {strides = array<i32>} : memref<32x512xf32, #tpu.memory_space<vmem>>, vector<1x16xf32>,
      %get3A_212 = vector.shape_cast %get3A_211 : vector<1x16xf32> to vector<16xf32>
      %sub3A_213 = arith.subf %get3A_208, %get3A_212 : vector<16xf32>
      %mul3A_214 = arith.mulf %sub3A_213, %sub3A_213 : vector<16xf32>
      %add3A_215 = arith.addf %scan3A_173, %mul3A_214 : vector<16xf32>
      %get3A_216 = arith.index_cast %scan3A_169 : i32 to index
      %get3A_217 = arith.constant 64 : index
      %get3A_218 = tpu.vector_load %arg8[%get3A_216, %get3A_217] {strides = array<i32>} : memref<32x512xf32, #tpu.memory_space<vmem>>, vector<1x16xf32>,
      %get3A_219 = vector.shape_cast %get3A_218 : vector<1x16xf32> to vector<16xf32>
      %get3A_220 = arith.index_cast %scan3A_169 : i32 to index
      %get3A_221 = arith.constant 64 : index
      %get3A_222 = tpu.vector_load %arg11[%get3A_220, %get3A_221] {strides = array<i32>} : memref<32x512xf32, #tpu.memory_space<vmem>>, vector<1x16xf32>,
      %get3A_223 = vector.shape_cast %get3A_222 : vector<1x16xf32> to vector<16xf32>
      %sub3A_224 = arith.subf %get3A_219, %get3A_223 : vector<16xf32>
      %mul3A_225 = arith.mulf %sub3A_224, %sub3A_224 : vector<16xf32>
      %add3A_226 = arith.addf %add3A_182, %mul3A_225 : vector<16xf32>
      %get3A_227 = arith.index_cast %scan3A_169 : i32 to index
      %get3A_228 = arith.constant 80 : index
      %get3A_229 = tpu.vector_load %arg8[%get3A_227, %get3A_228] {strides = array<i32>} : memref<32x512xf32, #tpu.memory_space<vmem>>, vector<1x16xf32>,
      %get3A_230 = vector.shape_cast %get3A_229 : vector<1x16xf32> to vector<16xf32>
      %get3A_231 = arith.index_cast %scan3A_169 : i32 to index
      %get3A_232 = arith.constant 80 : index
      %get3A_233 = tpu.vector_load %arg11[%get3A_231, %get3A_232] {strides = array<i32>} : memref<32x512xf32, #tpu.memory_space<vmem>>, vector<1x16xf32>,
      %get3A_234 = vector.shape_cast %get3A_233 : vector<1x16xf32> to vector<16xf32>
      %sub3A_235 = arith.subf %get3A_230, %get3A_234 : vector<16xf32>
      %mul3A_236 = arith.mulf %sub3A_235, %sub3A_235 : vector<16xf32>
      %add3A_237 = arith.addf %add3A_193, %mul3A_236 : vector<16xf32>
      %get3A_238 = arith.index_cast %scan3A_169 : i32 to index
      %get3A_239 = arith.constant 96 : index
      %get3A_240 = tpu.vector_load %arg8[%get3A_238, %get3A_239] {strides = array<i32>} : memref<32x512xf32, #tpu.memory_space<vmem>>, vector<1x16xf32>,
      %get3A_241 = vector.shape_cast %get3A_240 : vector<1x16xf32> to vector<16xf32>
      %get3A_242 = arith.index_cast %scan3A_169 : i32 to index
      %get3A_243 = arith.constant 96 : index
      %get3A_244 = tpu.vector_load %arg11[%get3A_242, %get3A_243] {strides = array<i32>} : memref<32x512xf32, #tpu.memory_space<vmem>>, vector<1x16xf32>,
      %get3A_245 = vector.shape_cast %get3A_244 : vector<1x16xf32> to vector<16xf32>
      %sub3A_246 = arith.subf %get3A_241, %get3A_245 : vector<16xf32>
      %mul3A_247 = arith.mulf %sub3A_246, %sub3A_246 : vector<16xf32>
      %add3A_248 = arith.addf %add3A_204, %mul3A_247 : vector<16xf32>
      %get3A_249 = arith.index_cast %scan3A_169 : i32 to index
      %get3A_250 = arith.constant 112 : index
      %get3A_251 = tpu.vector_load %arg8[%get3A_249, %get3A_250] {strides = array<i32>} : memref<32x512xf32, #tpu.memory_space<vmem>>, vector<1x16xf32>,
      %get3A_252 = vector.shape_cast %get3A_251 : vector<1x16xf32> to vector<16xf32>
      %get3A_253 = arith.index_cast %scan3A_169 : i32 to index
      %get3A_254 = arith.constant 112 : index
      %get3A_255 = tpu.vector_load %arg11[%get3A_253, %get3A_254] {strides = array<i32>} : memref<32x512xf32, #tpu.memory_space<vmem>>, vector<1x16xf32>,
      %get3A_256 = vector.shape_cast %get3A_255 : vector<1x16xf32> to vector<16xf32>
      %sub3A_257 = arith.subf %get3A_252, %get3A_256 : vector<16xf32>
      %mul3A_258 = arith.mulf %sub3A_257, %sub3A_257 : vector<16xf32>
      %add3A_259 = arith.addf %add3A_215, %mul3A_258 : vector<16xf32>
      %get3A_260 = arith.index_cast %scan3A_169 : i32 to index
      %get3A_261 = arith.constant 128 : index
      %get3A_262 = tpu.vector_load %arg8[%get3A_260, %get3A_261] {strides = array<i32>} : memref<32x512xf32, #tpu.memory_space<vmem>>, vector<1x16xf32>,
      %get3A_263 = vector.shape_cast %get3A_262 : vector<1x16xf32> to vector<16xf32>
      %get3A_264 = arith.index_cast %scan3A_169 : i32 to index
      %get3A_265 = arith.constant 128 : index
      %get3A_266 = tpu.vector_load %arg11[%get3A_264, %get3A_265] {strides = array<i32>} : memref<32x512xf32, #tpu.memory_space<vmem>>, vector<1x16xf32>,
      %get3A_267 = vector.shape_cast %get3A_266 : vector<1x16xf32> to vector<16xf32>
      %sub3A_268 = arith.subf %get3A_263, %get3A_267 : vector<16xf32>
      %mul3A_269 = arith.mulf %sub3A_268, %sub3A_268 : vector<16xf32>
      %add3A_270 = arith.addf %add3A_226, %mul3A_269 : vector<16xf32>
      %get3A_271 = arith.index_cast %scan3A_169 : i32 to index
      %get3A_272 = arith.constant 144 : index
      %get3A_273 = tpu.vector_load %arg8[%get3A_271, %get3A_272] {strides = array<i32>} : memref<32x512xf32, #tpu.memory_space<vmem>>, vector<1x16xf32>,
      %get3A_274 = vector.shape_cast %get3A_273 : vector<1x16xf32> to vector<16xf32>
      %get3A_275 = arith.index_cast %scan3A_169 : i32 to index
      %get3A_276 = arith.constant 144 : index
      %get3A_277 = tpu.vector_load %arg11[%get3A_275, %get3A_276] {strides = array<i32>} : memref<32x512xf32, #tpu.memory_space<vmem>>, vector<1x16xf32>,
      %get3A_278 = vector.shape_cast %get3A_277 : vector<1x16xf32> to vector<16xf32>
      %sub3A_279 = arith.subf %get3A_274, %get3A_278 : vector<16xf32>
      %mul3A_280 = arith.mulf %sub3A_279, %sub3A_279 : vector<16xf32>
      %add3A_281 = arith.addf %add3A_237, %mul3A_280 : vector<16xf32>
      %get3A_282 = arith.index_cast %scan3A_169 : i32 to index
      %get3A_283 = arith.constant 160 : index
      %get3A_284 = tpu.vector_load %arg8[%get3A_282, %get3A_283] {strides = array<i32>} : memref<32x512xf32, #tpu.memory_space<vmem>>, vector<1x16xf32>,
      %get3A_285 = vector.shape_cast %get3A_284 : vector<1x16xf32> to vector<16xf32>
      %get3A_286 = arith.index_cast %scan3A_169 : i32 to index
      %get3A_287 = arith.constant 160 : index
      %get3A_288 = tpu.vector_load %arg11[%get3A_286, %get3A_287] {strides = array<i32>} : memref<32x512xf32, #tpu.memory_space<vmem>>, vector<1x16xf32>,
      %get3A_289 = vector.shape_cast %get3A_288 : vector<1x16xf32> to vector<16xf32>
      %sub3A_290 = arith.subf %get3A_285, %get3A_289 : vector<16xf32>
      %mul3A_291 = arith.mulf %sub3A_290, %sub3A_290 : vector<16xf32>
      %add3A_292 = arith.addf %add3A_248, %mul3A_291 : vector<16xf32>
      %get3A_293 = arith.index_cast %scan3A_169 : i32 to index
      %get3A_294 = arith.constant 176 : index
      %get3A_295 = tpu.vector_load %arg8[%get3A_293, %get3A_294] {strides = array<i32>} : memref<32x512xf32, #tpu.memory_space<vmem>>, vector<1x16xf32>,
      %get3A_296 = vector.shape_cast %get3A_295 : vector<1x16xf32> to vector<16xf32>
      %get3A_297 = arith.index_cast %scan3A_169 : i32 to index
      %get3A_298 = arith.constant 176 : index
      %get3A_299 = tpu.vector_load %arg11[%get3A_297, %get3A_298] {strides = array<i32>} : memref<32x512xf32, #tpu.memory_space<vmem>>, vector<1x16xf32>,
      %get3A_300 = vector.shape_cast %get3A_299 : vector<1x16xf32> to vector<16xf32>
      %sub3A_301 = arith.subf %get3A_296, %get3A_300 : vector<16xf32>
      %mul3A_302 = arith.mulf %sub3A_301, %sub3A_301 : vector<16xf32>
      %add3A_303 = arith.addf %add3A_259, %mul3A_302 : vector<16xf32>
      %get3A_304 = arith.index_cast %scan3A_169 : i32 to index
      %get3A_305 = arith.constant 192 : index
      %get3A_306 = tpu.vector_load %arg8[%get3A_304, %get3A_305] {strides = array<i32>} : memref<32x512xf32, #tpu.memory_space<vmem>>, vector<1x16xf32>,
      %get3A_307 = vector.shape_cast %get3A_306 : vector<1x16xf32> to vector<16xf32>
      %get3A_308 = arith.index_cast %scan3A_169 : i32 to index
      %get3A_309 = arith.constant 192 : index
      %get3A_310 = tpu.vector_load %arg11[%get3A_308, %get3A_309] {strides = array<i32>} : memref<32x512xf32, #tpu.memory_space<vmem>>, vector<1x16xf32>,
      %get3A_311 = vector.shape_cast %get3A_310 : vector<1x16xf32> to vector<16xf32>
      %sub3A_312 = arith.subf %get3A_307, %get3A_311 : vector<16xf32>
      %mul3A_313 = arith.mulf %sub3A_312, %sub3A_312 : vector<16xf32>
      %add3A_314 = arith.addf %add3A_270, %mul3A_313 : vector<16xf32>
      %get3A_315 = arith.index_cast %scan3A_169 : i32 to index
      %get3A_316 = arith.constant 208 : index
      %get3A_317 = tpu.vector_load %arg8[%get3A_315, %get3A_316] {strides = array<i32>} : memref<32x512xf32, #tpu.memory_space<vmem>>, vector<1x16xf32>,
      %get3A_318 = vector.shape_cast %get3A_317 : vector<1x16xf32> to vector<16xf32>
      %get3A_319 = arith.index_cast %scan3A_169 : i32 to index
      %get3A_320 = arith.constant 208 : index
      %get3A_321 = tpu.vector_load %arg11[%get3A_319, %get3A_320] {strides = array<i32>} : memref<32x512xf32, #tpu.memory_space<vmem>>, vector<1x16xf32>,
      %get3A_322 = vector.shape_cast %get3A_321 : vector<1x16xf32> to vector<16xf32>
      %sub3A_323 = arith.subf %get3A_318, %get3A_322 : vector<16xf32>
      %mul3A_324 = arith.mulf %sub3A_323, %sub3A_323 : vector<16xf32>
      %add3A_325 = arith.addf %add3A_281, %mul3A_324 : vector<16xf32>
      %get3A_326 = arith.index_cast %scan3A_169 : i32 to index
      %get3A_327 = arith.constant 224 : index
      %get3A_328 = tpu.vector_load %arg8[%get3A_326, %get3A_327] {strides = array<i32>} : memref<32x512xf32, #tpu.memory_space<vmem>>, vector<1x16xf32>,
      %get3A_329 = vector.shape_cast %get3A_328 : vector<1x16xf32> to vector<16xf32>
      %get3A_330 = arith.index_cast %scan3A_169 : i32 to index
      %get3A_331 = arith.constant 224 : index
      %get3A_332 = tpu.vector_load %arg11[%get3A_330, %get3A_331] {strides = array<i32>} : memref<32x512xf32, #tpu.memory_space<vmem>>, vector<1x16xf32>,
      %get3A_333 = vector.shape_cast %get3A_332 : vector<1x16xf32> to vector<16xf32>
      %sub3A_334 = arith.subf %get3A_329, %get3A_333 : vector<16xf32>
      %mul3A_335 = arith.mulf %sub3A_334, %sub3A_334 : vector<16xf32>
      %add3A_336 = arith.addf %add3A_292, %mul3A_335 : vector<16xf32>
      %get3A_337 = arith.index_cast %scan3A_169 : i32 to index
      %get3A_338 = arith.constant 240 : index
      %get3A_339 = tpu.vector_load %arg8[%get3A_337, %get3A_338] {strides = array<i32>} : memref<32x512xf32, #tpu.memory_space<vmem>>, vector<1x16xf32>,
      %get3A_340 = vector.shape_cast %get3A_339 : vector<1x16xf32> to vector<16xf32>
      %get3A_341 = arith.index_cast %scan3A_169 : i32 to index
      %get3A_342 = arith.constant 240 : index
      %get3A_343 = tpu.vector_load %arg11[%get3A_341, %get3A_342] {strides = array<i32>} : memref<32x512xf32, #tpu.memory_space<vmem>>, vector<1x16xf32>,
      %get3A_344 = vector.shape_cast %get3A_343 : vector<1x16xf32> to vector<16xf32>
      %sub3A_345 = arith.subf %get3A_340, %get3A_344 : vector<16xf32>
      %mul3A_346 = arith.mulf %sub3A_345, %sub3A_345 : vector<16xf32>
      %add3A_347 = arith.addf %add3A_303, %mul3A_346 : vector<16xf32>
      %get3A_348 = arith.index_cast %scan3A_169 : i32 to index
      %get3A_349 = arith.constant 256 : index
      %get3A_350 = tpu.vector_load %arg8[%get3A_348, %get3A_349] {strides = array<i32>} : memref<32x512xf32, #tpu.memory_space<vmem>>, vector<1x16xf32>,
      %get3A_351 = vector.shape_cast %get3A_350 : vector<1x16xf32> to vector<16xf32>
      %get3A_352 = arith.index_cast %scan3A_169 : i32 to index
      %get3A_353 = arith.constant 256 : index
      %get3A_354 = tpu.vector_load %arg11[%get3A_352, %get3A_353] {strides = array<i32>} : memref<32x512xf32, #tpu.memory_space<vmem>>, vector<1x16xf32>,
      %get3A_355 = vector.shape_cast %get3A_354 : vector<1x16xf32> to vector<16xf32>
      %sub3A_356 = arith.subf %get3A_351, %get3A_355 : vector<16xf32>
      %mul3A_357 = arith.mulf %sub3A_356, %sub3A_356 : vector<16xf32>
      %add3A_358 = arith.addf %add3A_314, %mul3A_357 : vector<16xf32>
      %get3A_359 = arith.index_cast %scan3A_169 : i32 to index
      %get3A_360 = arith.constant 272 : index
      %get3A_361 = tpu.vector_load %arg8[%get3A_359, %get3A_360] {strides = array<i32>} : memref<32x512xf32, #tpu.memory_space<vmem>>, vector<1x16xf32>,
      %get3A_362 = vector.shape_cast %get3A_361 : vector<1x16xf32> to vector<16xf32>
      %get3A_363 = arith.index_cast %scan3A_169 : i32 to index
      %get3A_364 = arith.constant 272 : index
      %get3A_365 = tpu.vector_load %arg11[%get3A_363, %get3A_364] {strides = array<i32>} : memref<32x512xf32, #tpu.memory_space<vmem>>, vector<1x16xf32>,
      %get3A_366 = vector.shape_cast %get3A_365 : vector<1x16xf32> to vector<16xf32>
      %sub3A_367 = arith.subf %get3A_362, %get3A_366 : vector<16xf32>
      %mul3A_368 = arith.mulf %sub3A_367, %sub3A_367 : vector<16xf32>
      %add3A_369 = arith.addf %add3A_325, %mul3A_368 : vector<16xf32>
      %get3A_370 = arith.index_cast %scan3A_169 : i32 to index
      %get3A_371 = arith.constant 288 : index
      %get3A_372 = tpu.vector_load %arg8[%get3A_370, %get3A_371] {strides = array<i32>} : memref<32x512xf32, #tpu.memory_space<vmem>>, vector<1x16xf32>,
      %get3A_373 = vector.shape_cast %get3A_372 : vector<1x16xf32> to vector<16xf32>
      %get3A_374 = arith.index_cast %scan3A_169 : i32 to index
      %get3A_375 = arith.constant 288 : index
      %get3A_376 = tpu.vector_load %arg11[%get3A_374, %get3A_375] {strides = array<i32>} : memref<32x512xf32, #tpu.memory_space<vmem>>, vector<1x16xf32>,
      %get3A_377 = vector.shape_cast %get3A_376 : vector<1x16xf32> to vector<16xf32>
      %sub3A_378 = arith.subf %get3A_373, %get3A_377 : vector<16xf32>
      %mul3A_379 = arith.mulf %sub3A_378, %sub3A_378 : vector<16xf32>
      %add3A_380 = arith.addf %add3A_336, %mul3A_379 : vector<16xf32>
      %get3A_381 = arith.index_cast %scan3A_169 : i32 to index
      %get3A_382 = arith.constant 304 : index
      %get3A_383 = tpu.vector_load %arg8[%get3A_381, %get3A_382] {strides = array<i32>} : memref<32x512xf32, #tpu.memory_space<vmem>>, vector<1x16xf32>,
      %get3A_384 = vector.shape_cast %get3A_383 : vector<1x16xf32> to vector<16xf32>
      %get3A_385 = arith.index_cast %scan3A_169 : i32 to index
      %get3A_386 = arith.constant 304 : index
      %get3A_387 = tpu.vector_load %arg11[%get3A_385, %get3A_386] {strides = array<i32>} : memref<32x512xf32, #tpu.memory_space<vmem>>, vector<1x16xf32>,
      %get3A_388 = vector.shape_cast %get3A_387 : vector<1x16xf32> to vector<16xf32>
      %sub3A_389 = arith.subf %get3A_384, %get3A_388 : vector<16xf32>
      %mul3A_390 = arith.mulf %sub3A_389, %sub3A_389 : vector<16xf32>
      %add3A_391 = arith.addf %add3A_347, %mul3A_390 : vector<16xf32>
      %get3A_392 = arith.index_cast %scan3A_169 : i32 to index
      %get3A_393 = arith.constant 320 : index
      %get3A_394 = tpu.vector_load %arg8[%get3A_392, %get3A_393] {strides = array<i32>} : memref<32x512xf32, #tpu.memory_space<vmem>>, vector<1x16xf32>,
      %get3A_395 = vector.shape_cast %get3A_394 : vector<1x16xf32> to vector<16xf32>
      %get3A_396 = arith.index_cast %scan3A_169 : i32 to index
      %get3A_397 = arith.constant 320 : index
      %get3A_398 = tpu.vector_load %arg11[%get3A_396, %get3A_397] {strides = array<i32>} : memref<32x512xf32, #tpu.memory_space<vmem>>, vector<1x16xf32>,
      %get3A_399 = vector.shape_cast %get3A_398 : vector<1x16xf32> to vector<16xf32>
      %sub3A_400 = arith.subf %get3A_395, %get3A_399 : vector<16xf32>
      %mul3A_401 = arith.mulf %sub3A_400, %sub3A_400 : vector<16xf32>
      %add3A_402 = arith.addf %add3A_358, %mul3A_401 : vector<16xf32>
      %get3A_403 = arith.index_cast %scan3A_169 : i32 to index
      %get3A_404 = arith.constant 336 : index
      %get3A_405 = tpu.vector_load %arg8[%get3A_403, %get3A_404] {strides = array<i32>} : memref<32x512xf32, #tpu.memory_space<vmem>>, vector<1x16xf32>,
      %get3A_406 = vector.shape_cast %get3A_405 : vector<1x16xf32> to vector<16xf32>
      %get3A_407 = arith.index_cast %scan3A_169 : i32 to index
      %get3A_408 = arith.constant 336 : index
      %get3A_409 = tpu.vector_load %arg11[%get3A_407, %get3A_408] {strides = array<i32>} : memref<32x512xf32, #tpu.memory_space<vmem>>, vector<1x16xf32>,
      %get3A_410 = vector.shape_cast %get3A_409 : vector<1x16xf32> to vector<16xf32>
      %sub3A_411 = arith.subf %get3A_406, %get3A_410 : vector<16xf32>
      %mul3A_412 = arith.mulf %sub3A_411, %sub3A_411 : vector<16xf32>
      %add3A_413 = arith.addf %add3A_369, %mul3A_412 : vector<16xf32>
      %get3A_414 = arith.index_cast %scan3A_169 : i32 to index
      %get3A_415 = arith.constant 352 : index
      %get3A_416 = tpu.vector_load %arg8[%get3A_414, %get3A_415] {strides = array<i32>} : memref<32x512xf32, #tpu.memory_space<vmem>>, vector<1x16xf32>,
      %get3A_417 = vector.shape_cast %get3A_416 : vector<1x16xf32> to vector<16xf32>
      %get3A_418 = arith.index_cast %scan3A_169 : i32 to index
      %get3A_419 = arith.constant 352 : index
      %get3A_420 = tpu.vector_load %arg11[%get3A_418, %get3A_419] {strides = array<i32>} : memref<32x512xf32, #tpu.memory_space<vmem>>, vector<1x16xf32>,
      %get3A_421 = vector.shape_cast %get3A_420 : vector<1x16xf32> to vector<16xf32>
      %sub3A_422 = arith.subf %get3A_417, %get3A_421 : vector<16xf32>
      %mul3A_423 = arith.mulf %sub3A_422, %sub3A_422 : vector<16xf32>
      %add3A_424 = arith.addf %add3A_380, %mul3A_423 : vector<16xf32>
      %get3A_425 = arith.index_cast %scan3A_169 : i32 to index
      %get3A_426 = arith.constant 368 : index
      %get3A_427 = tpu.vector_load %arg8[%get3A_425, %get3A_426] {strides = array<i32>} : memref<32x512xf32, #tpu.memory_space<vmem>>, vector<1x16xf32>,
      %get3A_428 = vector.shape_cast %get3A_427 : vector<1x16xf32> to vector<16xf32>
      %get3A_429 = arith.index_cast %scan3A_169 : i32 to index
      %get3A_430 = arith.constant 368 : index
      %get3A_431 = tpu.vector_load %arg11[%get3A_429, %get3A_430] {strides = array<i32>} : memref<32x512xf32, #tpu.memory_space<vmem>>, vector<1x16xf32>,
      %get3A_432 = vector.shape_cast %get3A_431 : vector<1x16xf32> to vector<16xf32>
      %sub3A_433 = arith.subf %get3A_428, %get3A_432 : vector<16xf32>
      %mul3A_434 = arith.mulf %sub3A_433, %sub3A_433 : vector<16xf32>
      %add3A_435 = arith.addf %add3A_391, %mul3A_434 : vector<16xf32>
      %get3A_436 = arith.index_cast %scan3A_169 : i32 to index
      %get3A_437 = arith.constant 384 : index
      %get3A_438 = tpu.vector_load %arg8[%get3A_436, %get3A_437] {strides = array<i32>} : memref<32x512xf32, #tpu.memory_space<vmem>>, vector<1x16xf32>,
      %get3A_439 = vector.shape_cast %get3A_438 : vector<1x16xf32> to vector<16xf32>
      %get3A_440 = arith.index_cast %scan3A_169 : i32 to index
      %get3A_441 = arith.constant 384 : index
      %get3A_442 = tpu.vector_load %arg11[%get3A_440, %get3A_441] {strides = array<i32>} : memref<32x512xf32, #tpu.memory_space<vmem>>, vector<1x16xf32>,
      %get3A_443 = vector.shape_cast %get3A_442 : vector<1x16xf32> to vector<16xf32>
      %sub3A_444 = arith.subf %get3A_439, %get3A_443 : vector<16xf32>
      %mul3A_445 = arith.mulf %sub3A_444, %sub3A_444 : vector<16xf32>
      %add3A_446 = arith.addf %add3A_402, %mul3A_445 : vector<16xf32>
      %get3A_447 = arith.index_cast %scan3A_169 : i32 to index
      %get3A_448 = arith.constant 400 : index
      %get3A_449 = tpu.vector_load %arg8[%get3A_447, %get3A_448] {strides = array<i32>} : memref<32x512xf32, #tpu.memory_space<vmem>>, vector<1x16xf32>,
      %get3A_450 = vector.shape_cast %get3A_449 : vector<1x16xf32> to vector<16xf32>
      %get3A_451 = arith.index_cast %scan3A_169 : i32 to index
      %get3A_452 = arith.constant 400 : index
      %get3A_453 = tpu.vector_load %arg11[%get3A_451, %get3A_452] {strides = array<i32>} : memref<32x512xf32, #tpu.memory_space<vmem>>, vector<1x16xf32>,
      %get3A_454 = vector.shape_cast %get3A_453 : vector<1x16xf32> to vector<16xf32>
      %sub3A_455 = arith.subf %get3A_450, %get3A_454 : vector<16xf32>
      %mul3A_456 = arith.mulf %sub3A_455, %sub3A_455 : vector<16xf32>
      %add3A_457 = arith.addf %add3A_413, %mul3A_456 : vector<16xf32>
      %get3A_458 = arith.index_cast %scan3A_169 : i32 to index
      %get3A_459 = arith.constant 416 : index
      %get3A_460 = tpu.vector_load %arg8[%get3A_458, %get3A_459] {strides = array<i32>} : memref<32x512xf32, #tpu.memory_space<vmem>>, vector<1x16xf32>,
      %get3A_461 = vector.shape_cast %get3A_460 : vector<1x16xf32> to vector<16xf32>
      %get3A_462 = arith.index_cast %scan3A_169 : i32 to index
      %get3A_463 = arith.constant 416 : index
      %get3A_464 = tpu.vector_load %arg11[%get3A_462, %get3A_463] {strides = array<i32>} : memref<32x512xf32, #tpu.memory_space<vmem>>, vector<1x16xf32>,
      %get3A_465 = vector.shape_cast %get3A_464 : vector<1x16xf32> to vector<16xf32>
      %sub3A_466 = arith.subf %get3A_461, %get3A_465 : vector<16xf32>
      %mul3A_467 = arith.mulf %sub3A_466, %sub3A_466 : vector<16xf32>
      %add3A_468 = arith.addf %add3A_424, %mul3A_467 : vector<16xf32>
      %get3A_469 = arith.index_cast %scan3A_169 : i32 to index
      %get3A_470 = arith.constant 432 : index
      %get3A_471 = tpu.vector_load %arg8[%get3A_469, %get3A_470] {strides = array<i32>} : memref<32x512xf32, #tpu.memory_space<vmem>>, vector<1x16xf32>,
      %get3A_472 = vector.shape_cast %get3A_471 : vector<1x16xf32> to vector<16xf32>
      %get3A_473 = arith.index_cast %scan3A_169 : i32 to index
      %get3A_474 = arith.constant 432 : index
      %get3A_475 = tpu.vector_load %arg11[%get3A_473, %get3A_474] {strides = array<i32>} : memref<32x512xf32, #tpu.memory_space<vmem>>, vector<1x16xf32>,
      %get3A_476 = vector.shape_cast %get3A_475 : vector<1x16xf32> to vector<16xf32>
      %sub3A_477 = arith.subf %get3A_472, %get3A_476 : vector<16xf32>
      %mul3A_478 = arith.mulf %sub3A_477, %sub3A_477 : vector<16xf32>
      %add3A_479 = arith.addf %add3A_435, %mul3A_478 : vector<16xf32>
      %get3A_480 = arith.index_cast %scan3A_169 : i32 to index
      %get3A_481 = arith.constant 448 : index
      %get3A_482 = tpu.vector_load %arg8[%get3A_480, %get3A_481] {strides = array<i32>} : memref<32x512xf32, #tpu.memory_space<vmem>>, vector<1x16xf32>,
      %get3A_483 = vector.shape_cast %get3A_482 : vector<1x16xf32> to vector<16xf32>
      %get3A_484 = arith.index_cast %scan3A_169 : i32 to index
      %get3A_485 = arith.constant 448 : index
      %get3A_486 = tpu.vector_load %arg11[%get3A_484, %get3A_485] {strides = array<i32>} : memref<32x512xf32, #tpu.memory_space<vmem>>, vector<1x16xf32>,
      %get3A_487 = vector.shape_cast %get3A_486 : vector<1x16xf32> to vector<16xf32>
      %sub3A_488 = arith.subf %get3A_483, %get3A_487 : vector<16xf32>
      %mul3A_489 = arith.mulf %sub3A_488, %sub3A_488 : vector<16xf32>
      %add3A_490 = arith.addf %add3A_446, %mul3A_489 : vector<16xf32>
      %get3A_491 = arith.index_cast %scan3A_169 : i32 to index
      %get3A_492 = arith.constant 464 : index
      %get3A_493 = tpu.vector_load %arg8[%get3A_491, %get3A_492] {strides = array<i32>} : memref<32x512xf32, #tpu.memory_space<vmem>>, vector<1x16xf32>,
      %get3A_494 = vector.shape_cast %get3A_493 : vector<1x16xf32> to vector<16xf32>
      %get3A_495 = arith.index_cast %scan3A_169 : i32 to index
      %get3A_496 = arith.constant 464 : index
      %get3A_497 = tpu.vector_load %arg11[%get3A_495, %get3A_496] {strides = array<i32>} : memref<32x512xf32, #tpu.memory_space<vmem>>, vector<1x16xf32>,
      %get3A_498 = vector.shape_cast %get3A_497 : vector<1x16xf32> to vector<16xf32>
      %sub3A_499 = arith.subf %get3A_494, %get3A_498 : vector<16xf32>
      %mul3A_500 = arith.mulf %sub3A_499, %sub3A_499 : vector<16xf32>
      %add3A_501 = arith.addf %add3A_457, %mul3A_500 : vector<16xf32>
      %get3A_502 = arith.index_cast %scan3A_169 : i32 to index
      %get3A_503 = arith.constant 480 : index
      %get3A_504 = tpu.vector_load %arg8[%get3A_502, %get3A_503] {strides = array<i32>} : memref<32x512xf32, #tpu.memory_space<vmem>>, vector<1x16xf32>,
      %get3A_505 = vector.shape_cast %get3A_504 : vector<1x16xf32> to vector<16xf32>
      %get3A_506 = arith.index_cast %scan3A_169 : i32 to index
      %get3A_507 = arith.constant 480 : index
      %get3A_508 = tpu.vector_load %arg11[%get3A_506, %get3A_507] {strides = array<i32>} : memref<32x512xf32, #tpu.memory_space<vmem>>, vector<1x16xf32>,
      %get3A_509 = vector.shape_cast %get3A_508 : vector<1x16xf32> to vector<16xf32>
      %sub3A_510 = arith.subf %get3A_505, %get3A_509 : vector<16xf32>
      %mul3A_511 = arith.mulf %sub3A_510, %sub3A_510 : vector<16xf32>
      %add3A_512 = arith.addf %add3A_468, %mul3A_511 : vector<16xf32>
      %get3A_513 = arith.index_cast %scan3A_169 : i32 to index
      %get3A_514 = arith.constant 496 : index
      %get3A_515 = tpu.vector_load %arg8[%get3A_513, %get3A_514] {strides = array<i32>} : memref<32x512xf32, #tpu.memory_space<vmem>>, vector<1x16xf32>,
      %get3A_516 = vector.shape_cast %get3A_515 : vector<1x16xf32> to vector<16xf32>
      %get3A_517 = arith.index_cast %scan3A_169 : i32 to index
      %get3A_518 = arith.constant 496 : index
      %get3A_519 = tpu.vector_load %arg11[%get3A_517, %get3A_518] {strides = array<i32>} : memref<32x512xf32, #tpu.memory_space<vmem>>, vector<1x16xf32>,
      %get3A_520 = vector.shape_cast %get3A_519 : vector<1x16xf32> to vector<16xf32>
      %sub3A_521 = arith.subf %get3A_516, %get3A_520 : vector<16xf32>
      %mul3A_522 = arith.mulf %sub3A_521, %sub3A_521 : vector<16xf32>
      %add3A_523 = arith.addf %add3A_479, %mul3A_522 : vector<16xf32>
      scf.yield %add3A_490, %add3A_501, %add3A_512, %add3A_523 : vector<16xf32>, vector<16xf32>, vector<16xf32>, vector<16xf32>
    }
    %scan3A_147 = arith.constant 32 : i32
    %dma_wait3A_148 = arith.constant 0 : i32
    %dma_wait3A_149 = tpu.memref_slice %arg2[%add3A_108, %dma_wait3A_148] : memref<16384x512xf32, #tpu.memory_space<hbm>> -> memref<32x512xf32, #tpu.memory_space<hbm>>
    %dma_wait3A_150 = arith.constant 0 : i32
    %dma_wait3A_151 = tpu.memref_slice %arg2[%add3A_108, %dma_wait3A_150] : memref<16384x512xf32, #tpu.memory_space<hbm>> -> memref<32x512xf32, #tpu.memory_space<hbm>>
    tpu.wait_dma2 semaphore(%arg16 : memref<!tpu.dma_semaphore, #tpu.memory_space<semaphore_mem>>) src(%dma_wait3A_151 : memref<32x512xf32, #tpu.memory_space<hbm>>) dst(%arg9 : memref<32x512xf32, #tpu.memory_space<vmem>>)
    %dma_wait3A_152 = arith.constant 160 : i32
    %dma_wait3A_153 = tpu.memref_slice %arg6[%dma_wait3A_152] : memref<192xi32, #tpu.memory_space<vmem>> -> memref<32xi32, #tpu.memory_space<vmem>>
    %dma_wait3A_154 = arith.constant 0 : i32
    %dma_wait3A_155 = arith.constant 0 : i32
    %dma_wait3A_156 = tpu.memref_slice %arg4[%dma_wait3A_154, %dma_wait3A_155] : memref<1000x512xf32, #tpu.memory_space<hbm>> -> memref<1000x512xf32, #tpu.memory_space<hbm>>
    tpu.wait_indirect_dma semaphore(%arg19 : memref<!tpu.dma_semaphore, #tpu.memory_space<semaphore_mem>>) src(%dma_wait3A_156 : memref<1000x512xf32, #tpu.memory_space<hbm>>) dst(%arg12 : memref<32x512xf32, #tpu.memory_space<vmem>>)
    %scan3A_157 = arith.constant 0 : i32
    %scan3A_158 = arith.constant 32 : i32
    %scan3A_159 = arith.addi %scan3A_157, %scan3A_158 : i32
    %scan3A_160 = arith.constant 1 : i32
    %scan3A_161:4 = scf.for %scan3A_169 = %scan3A_157 to %scan3A_159 step %scan3A_160 iter_args(%scan3A_170 = %scan3A_146#0, %scan3A_171 = %scan3A_146#1, %scan3A_172 = %scan3A_146#2, %scan3A_173 = %scan3A_146#3) -> (vector<16xf32>, vector<16xf32>, vector<16xf32>, vector<16xf32>)  : i32 {
      %get3A = arith.index_cast %scan3A_169 : i32 to index
      %get3A_174 = arith.constant 0 : index
      %get3A_175 = tpu.vector_load %arg9[%get3A, %get3A_174] {strides = array<i32>} : memref<32x512xf32, #tpu.memory_space<vmem>>, vector<1x16xf32>,
      %get3A_176 = vector.shape_cast %get3A_175 : vector<1x16xf32> to vector<16xf32>
      %get3A_177 = arith.index_cast %scan3A_169 : i32 to index
      %get3A_178 = arith.constant 0 : index
      %get3A_179 = tpu.vector_load %arg12[%get3A_177, %get3A_178] {strides = array<i32>} : memref<32x512xf32, #tpu.memory_space<vmem>>, vector<1x16xf32>,
      %get3A_180 = vector.shape_cast %get3A_179 : vector<1x16xf32> to vector<16xf32>
      %sub3A = arith.subf %get3A_176, %get3A_180 : vector<16xf32>
      %mul3A_181 = arith.mulf %sub3A, %sub3A : vector<16xf32>
      %add3A_182 = arith.addf %scan3A_170, %mul3A_181 : vector<16xf32>
      %get3A_183 = arith.index_cast %scan3A_169 : i32 to index
      %get3A_184 = arith.constant 16 : index
      %get3A_185 = tpu.vector_load %arg9[%get3A_183, %get3A_184] {strides = array<i32>} : memref<32x512xf32, #tpu.memory_space<vmem>>, vector<1x16xf32>,
      %get3A_186 = vector.shape_cast %get3A_185 : vector<1x16xf32> to vector<16xf32>
      %get3A_187 = arith.index_cast %scan3A_169 : i32 to index
      %get3A_188 = arith.constant 16 : index
      %get3A_189 = tpu.vector_load %arg12[%get3A_187, %get3A_188] {strides = array<i32>} : memref<32x512xf32, #tpu.memory_space<vmem>>, vector<1x16xf32>,
      %get3A_190 = vector.shape_cast %get3A_189 : vector<1x16xf32> to vector<16xf32>
      %sub3A_191 = arith.subf %get3A_186, %get3A_190 : vector<16xf32>
      %mul3A_192 = arith.mulf %sub3A_191, %sub3A_191 : vector<16xf32>
      %add3A_193 = arith.addf %scan3A_171, %mul3A_192 : vector<16xf32>
      %get3A_194 = arith.index_cast %scan3A_169 : i32 to index
      %get3A_195 = arith.constant 32 : index
      %get3A_196 = tpu.vector_load %arg9[%get3A_194, %get3A_195] {strides = array<i32>} : memref<32x512xf32, #tpu.memory_space<vmem>>, vector<1x16xf32>,
      %get3A_197 = vector.shape_cast %get3A_196 : vector<1x16xf32> to vector<16xf32>
      %get3A_198 = arith.index_cast %scan3A_169 : i32 to index
      %get3A_199 = arith.constant 32 : index
      %get3A_200 = tpu.vector_load %arg12[%get3A_198, %get3A_199] {strides = array<i32>} : memref<32x512xf32, #tpu.memory_space<vmem>>, vector<1x16xf32>,
      %get3A_201 = vector.shape_cast %get3A_200 : vector<1x16xf32> to vector<16xf32>
      %sub3A_202 = arith.subf %get3A_197, %get3A_201 : vector<16xf32>
      %mul3A_203 = arith.mulf %sub3A_202, %sub3A_202 : vector<16xf32>
      %add3A_204 = arith.addf %scan3A_172, %mul3A_203 : vector<16xf32>
      %get3A_205 = arith.index_cast %scan3A_169 : i32 to index
      %get3A_206 = arith.constant 48 : index
      %get3A_207 = tpu.vector_load %arg9[%get3A_205, %get3A_206] {strides = array<i32>} : memref<32x512xf32, #tpu.memory_space<vmem>>, vector<1x16xf32>,
      %get3A_208 = vector.shape_cast %get3A_207 : vector<1x16xf32> to vector<16xf32>
      %get3A_209 = arith.index_cast %scan3A_169 : i32 to index
      %get3A_210 = arith.constant 48 : index
      %get3A_211 = tpu.vector_load %arg12[%get3A_209, %get3A_210] {strides = array<i32>} : memref<32x512xf32, #tpu.memory_space<vmem>>, vector<1x16xf32>,
      %get3A_212 = vector.shape_cast %get3A_211 : vector<1x16xf32> to vector<16xf32>
      %sub3A_213 = arith.subf %get3A_208, %get3A_212 : vector<16xf32>
      %mul3A_214 = arith.mulf %sub3A_213, %sub3A_213 : vector<16xf32>
      %add3A_215 = arith.addf %scan3A_173, %mul3A_214 : vector<16xf32>
      %get3A_216 = arith.index_cast %scan3A_169 : i32 to index
      %get3A_217 = arith.constant 64 : index
      %get3A_218 = tpu.vector_load %arg9[%get3A_216, %get3A_217] {strides = array<i32>} : memref<32x512xf32, #tpu.memory_space<vmem>>, vector<1x16xf32>,
      %get3A_219 = vector.shape_cast %get3A_218 : vector<1x16xf32> to vector<16xf32>
      %get3A_220 = arith.index_cast %scan3A_169 : i32 to index
      %get3A_221 = arith.constant 64 : index
      %get3A_222 = tpu.vector_load %arg12[%get3A_220, %get3A_221] {strides = array<i32>} : memref<32x512xf32, #tpu.memory_space<vmem>>, vector<1x16xf32>,
      %get3A_223 = vector.shape_cast %get3A_222 : vector<1x16xf32> to vector<16xf32>
      %sub3A_224 = arith.subf %get3A_219, %get3A_223 : vector<16xf32>
      %mul3A_225 = arith.mulf %sub3A_224, %sub3A_224 : vector<16xf32>
      %add3A_226 = arith.addf %add3A_182, %mul3A_225 : vector<16xf32>
      %get3A_227 = arith.index_cast %scan3A_169 : i32 to index
      %get3A_228 = arith.constant 80 : index
      %get3A_229 = tpu.vector_load %arg9[%get3A_227, %get3A_228] {strides = array<i32>} : memref<32x512xf32, #tpu.memory_space<vmem>>, vector<1x16xf32>,
      %get3A_230 = vector.shape_cast %get3A_229 : vector<1x16xf32> to vector<16xf32>
      %get3A_231 = arith.index_cast %scan3A_169 : i32 to index
      %get3A_232 = arith.constant 80 : index
      %get3A_233 = tpu.vector_load %arg12[%get3A_231, %get3A_232] {strides = array<i32>} : memref<32x512xf32, #tpu.memory_space<vmem>>, vector<1x16xf32>,
      %get3A_234 = vector.shape_cast %get3A_233 : vector<1x16xf32> to vector<16xf32>
      %sub3A_235 = arith.subf %get3A_230, %get3A_234 : vector<16xf32>
      %mul3A_236 = arith.mulf %sub3A_235, %sub3A_235 : vector<16xf32>
      %add3A_237 = arith.addf %add3A_193, %mul3A_236 : vector<16xf32>
      %get3A_238 = arith.index_cast %scan3A_169 : i32 to index
      %get3A_239 = arith.constant 96 : index
      %get3A_240 = tpu.vector_load %arg9[%get3A_238, %get3A_239] {strides = array<i32>} : memref<32x512xf32, #tpu.memory_space<vmem>>, vector<1x16xf32>,
      %get3A_241 = vector.shape_cast %get3A_240 : vector<1x16xf32> to vector<16xf32>
      %get3A_242 = arith.index_cast %scan3A_169 : i32 to index
      %get3A_243 = arith.constant 96 : index
      %get3A_244 = tpu.vector_load %arg12[%get3A_242, %get3A_243] {strides = array<i32>} : memref<32x512xf32, #tpu.memory_space<vmem>>, vector<1x16xf32>,
      %get3A_245 = vector.shape_cast %get3A_244 : vector<1x16xf32> to vector<16xf32>
      %sub3A_246 = arith.subf %get3A_241, %get3A_245 : vector<16xf32>
      %mul3A_247 = arith.mulf %sub3A_246, %sub3A_246 : vector<16xf32>
      %add3A_248 = arith.addf %add3A_204, %mul3A_247 : vector<16xf32>
      %get3A_249 = arith.index_cast %scan3A_169 : i32 to index
      %get3A_250 = arith.constant 112 : index
      %get3A_251 = tpu.vector_load %arg9[%get3A_249, %get3A_250] {strides = array<i32>} : memref<32x512xf32, #tpu.memory_space<vmem>>, vector<1x16xf32>,
      %get3A_252 = vector.shape_cast %get3A_251 : vector<1x16xf32> to vector<16xf32>
      %get3A_253 = arith.index_cast %scan3A_169 : i32 to index
      %get3A_254 = arith.constant 112 : index
      %get3A_255 = tpu.vector_load %arg12[%get3A_253, %get3A_254] {strides = array<i32>} : memref<32x512xf32, #tpu.memory_space<vmem>>, vector<1x16xf32>,
      %get3A_256 = vector.shape_cast %get3A_255 : vector<1x16xf32> to vector<16xf32>
      %sub3A_257 = arith.subf %get3A_252, %get3A_256 : vector<16xf32>
      %mul3A_258 = arith.mulf %sub3A_257, %sub3A_257 : vector<16xf32>
      %add3A_259 = arith.addf %add3A_215, %mul3A_258 : vector<16xf32>
      %get3A_260 = arith.index_cast %scan3A_169 : i32 to index
      %get3A_261 = arith.constant 128 : index
      %get3A_262 = tpu.vector_load %arg9[%get3A_260, %get3A_261] {strides = array<i32>} : memref<32x512xf32, #tpu.memory_space<vmem>>, vector<1x16xf32>,
      %get3A_263 = vector.shape_cast %get3A_262 : vector<1x16xf32> to vector<16xf32>
      %get3A_264 = arith.index_cast %scan3A_169 : i32 to index
      %get3A_265 = arith.constant 128 : index
      %get3A_266 = tpu.vector_load %arg12[%get3A_264, %get3A_265] {strides = array<i32>} : memref<32x512xf32, #tpu.memory_space<vmem>>, vector<1x16xf32>,
      %get3A_267 = vector.shape_cast %get3A_266 : vector<1x16xf32> to vector<16xf32>
      %sub3A_268 = arith.subf %get3A_263, %get3A_267 : vector<16xf32>
      %mul3A_269 = arith.mulf %sub3A_268, %sub3A_268 : vector<16xf32>
      %add3A_270 = arith.addf %add3A_226, %mul3A_269 : vector<16xf32>
      %get3A_271 = arith.index_cast %scan3A_169 : i32 to index
      %get3A_272 = arith.constant 144 : index
      %get3A_273 = tpu.vector_load %arg9[%get3A_271, %get3A_272] {strides = array<i32>} : memref<32x512xf32, #tpu.memory_space<vmem>>, vector<1x16xf32>,
      %get3A_274 = vector.shape_cast %get3A_273 : vector<1x16xf32> to vector<16xf32>
      %get3A_275 = arith.index_cast %scan3A_169 : i32 to index
      %get3A_276 = arith.constant 144 : index
      %get3A_277 = tpu.vector_load %arg12[%get3A_275, %get3A_276] {strides = array<i32>} : memref<32x512xf32, #tpu.memory_space<vmem>>, vector<1x16xf32>,
      %get3A_278 = vector.shape_cast %get3A_277 : vector<1x16xf32> to vector<16xf32>
      %sub3A_279 = arith.subf %get3A_274, %get3A_278 : vector<16xf32>
      %mul3A_280 = arith.mulf %sub3A_279, %sub3A_279 : vector<16xf32>
      %add3A_281 = arith.addf %add3A_237, %mul3A_280 : vector<16xf32>
      %get3A_282 = arith.index_cast %scan3A_169 : i32 to index
      %get3A_283 = arith.constant 160 : index
      %get3A_284 = tpu.vector_load %arg9[%get3A_282, %get3A_283] {strides = array<i32>} : memref<32x512xf32, #tpu.memory_space<vmem>>, vector<1x16xf32>,
      %get3A_285 = vector.shape_cast %get3A_284 : vector<1x16xf32> to vector<16xf32>
      %get3A_286 = arith.index_cast %scan3A_169 : i32 to index
      %get3A_287 = arith.constant 160 : index
      %get3A_288 = tpu.vector_load %arg12[%get3A_286, %get3A_287] {strides = array<i32>} : memref<32x512xf32, #tpu.memory_space<vmem>>, vector<1x16xf32>,
      %get3A_289 = vector.shape_cast %get3A_288 : vector<1x16xf32> to vector<16xf32>
      %sub3A_290 = arith.subf %get3A_285, %get3A_289 : vector<16xf32>
      %mul3A_291 = arith.mulf %sub3A_290, %sub3A_290 : vector<16xf32>
      %add3A_292 = arith.addf %add3A_248, %mul3A_291 : vector<16xf32>
      %get3A_293 = arith.index_cast %scan3A_169 : i32 to index
      %get3A_294 = arith.constant 176 : index
      %get3A_295 = tpu.vector_load %arg9[%get3A_293, %get3A_294] {strides = array<i32>} : memref<32x512xf32, #tpu.memory_space<vmem>>, vector<1x16xf32>,
      %get3A_296 = vector.shape_cast %get3A_295 : vector<1x16xf32> to vector<16xf32>
      %get3A_297 = arith.index_cast %scan3A_169 : i32 to index
      %get3A_298 = arith.constant 176 : index
      %get3A_299 = tpu.vector_load %arg12[%get3A_297, %get3A_298] {strides = array<i32>} : memref<32x512xf32, #tpu.memory_space<vmem>>, vector<1x16xf32>,
      %get3A_300 = vector.shape_cast %get3A_299 : vector<1x16xf32> to vector<16xf32>
      %sub3A_301 = arith.subf %get3A_296, %get3A_300 : vector<16xf32>
      %mul3A_302 = arith.mulf %sub3A_301, %sub3A_301 : vector<16xf32>
      %add3A_303 = arith.addf %add3A_259, %mul3A_302 : vector<16xf32>
      %get3A_304 = arith.index_cast %scan3A_169 : i32 to index
      %get3A_305 = arith.constant 192 : index
      %get3A_306 = tpu.vector_load %arg9[%get3A_304, %get3A_305] {strides = array<i32>} : memref<32x512xf32, #tpu.memory_space<vmem>>, vector<1x16xf32>,
      %get3A_307 = vector.shape_cast %get3A_306 : vector<1x16xf32> to vector<16xf32>
      %get3A_308 = arith.index_cast %scan3A_169 : i32 to index
      %get3A_309 = arith.constant 192 : index
      %get3A_310 = tpu.vector_load %arg12[%get3A_308, %get3A_309] {strides = array<i32>} : memref<32x512xf32, #tpu.memory_space<vmem>>, vector<1x16xf32>,
      %get3A_311 = vector.shape_cast %get3A_310 : vector<1x16xf32> to vector<16xf32>
      %sub3A_312 = arith.subf %get3A_307, %get3A_311 : vector<16xf32>
      %mul3A_313 = arith.mulf %sub3A_312, %sub3A_312 : vector<16xf32>
      %add3A_314 = arith.addf %add3A_270, %mul3A_313 : vector<16xf32>
      %get3A_315 = arith.index_cast %scan3A_169 : i32 to index
      %get3A_316 = arith.constant 208 : index
      %get3A_317 = tpu.vector_load %arg9[%get3A_315, %get3A_316] {strides = array<i32>} : memref<32x512xf32, #tpu.memory_space<vmem>>, vector<1x16xf32>,
      %get3A_318 = vector.shape_cast %get3A_317 : vector<1x16xf32> to vector<16xf32>
      %get3A_319 = arith.index_cast %scan3A_169 : i32 to index
      %get3A_320 = arith.constant 208 : index
      %get3A_321 = tpu.vector_load %arg12[%get3A_319, %get3A_320] {strides = array<i32>} : memref<32x512xf32, #tpu.memory_space<vmem>>, vector<1x16xf32>,
      %get3A_322 = vector.shape_cast %get3A_321 : vector<1x16xf32> to vector<16xf32>
      %sub3A_323 = arith.subf %get3A_318, %get3A_322 : vector<16xf32>
      %mul3A_324 = arith.mulf %sub3A_323, %sub3A_323 : vector<16xf32>
      %add3A_325 = arith.addf %add3A_281, %mul3A_324 : vector<16xf32>
      %get3A_326 = arith.index_cast %scan3A_169 : i32 to index
      %get3A_327 = arith.constant 224 : index
      %get3A_328 = tpu.vector_load %arg9[%get3A_326, %get3A_327] {strides = array<i32>} : memref<32x512xf32, #tpu.memory_space<vmem>>, vector<1x16xf32>,
      %get3A_329 = vector.shape_cast %get3A_328 : vector<1x16xf32> to vector<16xf32>
      %get3A_330 = arith.index_cast %scan3A_169 : i32 to index
      %get3A_331 = arith.constant 224 : index
      %get3A_332 = tpu.vector_load %arg12[%get3A_330, %get3A_331] {strides = array<i32>} : memref<32x512xf32, #tpu.memory_space<vmem>>, vector<1x16xf32>,
      %get3A_333 = vector.shape_cast %get3A_332 : vector<1x16xf32> to vector<16xf32>
      %sub3A_334 = arith.subf %get3A_329, %get3A_333 : vector<16xf32>
      %mul3A_335 = arith.mulf %sub3A_334, %sub3A_334 : vector<16xf32>
      %add3A_336 = arith.addf %add3A_292, %mul3A_335 : vector<16xf32>
      %get3A_337 = arith.index_cast %scan3A_169 : i32 to index
      %get3A_338 = arith.constant 240 : index
      %get3A_339 = tpu.vector_load %arg9[%get3A_337, %get3A_338] {strides = array<i32>} : memref<32x512xf32, #tpu.memory_space<vmem>>, vector<1x16xf32>,
      %get3A_340 = vector.shape_cast %get3A_339 : vector<1x16xf32> to vector<16xf32>
      %get3A_341 = arith.index_cast %scan3A_169 : i32 to index
      %get3A_342 = arith.constant 240 : index
      %get3A_343 = tpu.vector_load %arg12[%get3A_341, %get3A_342] {strides = array<i32>} : memref<32x512xf32, #tpu.memory_space<vmem>>, vector<1x16xf32>,
      %get3A_344 = vector.shape_cast %get3A_343 : vector<1x16xf32> to vector<16xf32>
      %sub3A_345 = arith.subf %get3A_340, %get3A_344 : vector<16xf32>
      %mul3A_346 = arith.mulf %sub3A_345, %sub3A_345 : vector<16xf32>
      %add3A_347 = arith.addf %add3A_303, %mul3A_346 : vector<16xf32>
      %get3A_348 = arith.index_cast %scan3A_169 : i32 to index
      %get3A_349 = arith.constant 256 : index
      %get3A_350 = tpu.vector_load %arg9[%get3A_348, %get3A_349] {strides = array<i32>} : memref<32x512xf32, #tpu.memory_space<vmem>>, vector<1x16xf32>,
      %get3A_351 = vector.shape_cast %get3A_350 : vector<1x16xf32> to vector<16xf32>
      %get3A_352 = arith.index_cast %scan3A_169 : i32 to index
      %get3A_353 = arith.constant 256 : index
      %get3A_354 = tpu.vector_load %arg12[%get3A_352, %get3A_353] {strides = array<i32>} : memref<32x512xf32, #tpu.memory_space<vmem>>, vector<1x16xf32>,
      %get3A_355 = vector.shape_cast %get3A_354 : vector<1x16xf32> to vector<16xf32>
      %sub3A_356 = arith.subf %get3A_351, %get3A_355 : vector<16xf32>
      %mul3A_357 = arith.mulf %sub3A_356, %sub3A_356 : vector<16xf32>
      %add3A_358 = arith.addf %add3A_314, %mul3A_357 : vector<16xf32>
      %get3A_359 = arith.index_cast %scan3A_169 : i32 to index
      %get3A_360 = arith.constant 272 : index
      %get3A_361 = tpu.vector_load %arg9[%get3A_359, %get3A_360] {strides = array<i32>} : memref<32x512xf32, #tpu.memory_space<vmem>>, vector<1x16xf32>,
      %get3A_362 = vector.shape_cast %get3A_361 : vector<1x16xf32> to vector<16xf32>
      %get3A_363 = arith.index_cast %scan3A_169 : i32 to index
      %get3A_364 = arith.constant 272 : index
      %get3A_365 = tpu.vector_load %arg12[%get3A_363, %get3A_364] {strides = array<i32>} : memref<32x512xf32, #tpu.memory_space<vmem>>, vector<1x16xf32>,
      %get3A_366 = vector.shape_cast %get3A_365 : vector<1x16xf32> to vector<16xf32>
      %sub3A_367 = arith.subf %get3A_362, %get3A_366 : vector<16xf32>
      %mul3A_368 = arith.mulf %sub3A_367, %sub3A_367 : vector<16xf32>
      %add3A_369 = arith.addf %add3A_325, %mul3A_368 : vector<16xf32>
      %get3A_370 = arith.index_cast %scan3A_169 : i32 to index
      %get3A_371 = arith.constant 288 : index
      %get3A_372 = tpu.vector_load %arg9[%get3A_370, %get3A_371] {strides = array<i32>} : memref<32x512xf32, #tpu.memory_space<vmem>>, vector<1x16xf32>,
      %get3A_373 = vector.shape_cast %get3A_372 : vector<1x16xf32> to vector<16xf32>
      %get3A_374 = arith.index_cast %scan3A_169 : i32 to index
      %get3A_375 = arith.constant 288 : index
      %get3A_376 = tpu.vector_load %arg12[%get3A_374, %get3A_375] {strides = array<i32>} : memref<32x512xf32, #tpu.memory_space<vmem>>, vector<1x16xf32>,
      %get3A_377 = vector.shape_cast %get3A_376 : vector<1x16xf32> to vector<16xf32>
      %sub3A_378 = arith.subf %get3A_373, %get3A_377 : vector<16xf32>
      %mul3A_379 = arith.mulf %sub3A_378, %sub3A_378 : vector<16xf32>
      %add3A_380 = arith.addf %add3A_336, %mul3A_379 : vector<16xf32>
      %get3A_381 = arith.index_cast %scan3A_169 : i32 to index
      %get3A_382 = arith.constant 304 : index
      %get3A_383 = tpu.vector_load %arg9[%get3A_381, %get3A_382] {strides = array<i32>} : memref<32x512xf32, #tpu.memory_space<vmem>>, vector<1x16xf32>,
      %get3A_384 = vector.shape_cast %get3A_383 : vector<1x16xf32> to vector<16xf32>
      %get3A_385 = arith.index_cast %scan3A_169 : i32 to index
      %get3A_386 = arith.constant 304 : index
      %get3A_387 = tpu.vector_load %arg12[%get3A_385, %get3A_386] {strides = array<i32>} : memref<32x512xf32, #tpu.memory_space<vmem>>, vector<1x16xf32>,
      %get3A_388 = vector.shape_cast %get3A_387 : vector<1x16xf32> to vector<16xf32>
      %sub3A_389 = arith.subf %get3A_384, %get3A_388 : vector<16xf32>
      %mul3A_390 = arith.mulf %sub3A_389, %sub3A_389 : vector<16xf32>
      %add3A_391 = arith.addf %add3A_347, %mul3A_390 : vector<16xf32>
      %get3A_392 = arith.index_cast %scan3A_169 : i32 to index
      %get3A_393 = arith.constant 320 : index
      %get3A_394 = tpu.vector_load %arg9[%get3A_392, %get3A_393] {strides = array<i32>} : memref<32x512xf32, #tpu.memory_space<vmem>>, vector<1x16xf32>,
      %get3A_395 = vector.shape_cast %get3A_394 : vector<1x16xf32> to vector<16xf32>
      %get3A_396 = arith.index_cast %scan3A_169 : i32 to index
      %get3A_397 = arith.constant 320 : index
      %get3A_398 = tpu.vector_load %arg12[%get3A_396, %get3A_397] {strides = array<i32>} : memref<32x512xf32, #tpu.memory_space<vmem>>, vector<1x16xf32>,
      %get3A_399 = vector.shape_cast %get3A_398 : vector<1x16xf32> to vector<16xf32>
      %sub3A_400 = arith.subf %get3A_395, %get3A_399 : vector<16xf32>
      %mul3A_401 = arith.mulf %sub3A_400, %sub3A_400 : vector<16xf32>
      %add3A_402 = arith.addf %add3A_358, %mul3A_401 : vector<16xf32>
      %get3A_403 = arith.index_cast %scan3A_169 : i32 to index
      %get3A_404 = arith.constant 336 : index
      %get3A_405 = tpu.vector_load %arg9[%get3A_403, %get3A_404] {strides = array<i32>} : memref<32x512xf32, #tpu.memory_space<vmem>>, vector<1x16xf32>,
      %get3A_406 = vector.shape_cast %get3A_405 : vector<1x16xf32> to vector<16xf32>
      %get3A_407 = arith.index_cast %scan3A_169 : i32 to index
      %get3A_408 = arith.constant 336 : index
      %get3A_409 = tpu.vector_load %arg12[%get3A_407, %get3A_408] {strides = array<i32>} : memref<32x512xf32, #tpu.memory_space<vmem>>, vector<1x16xf32>,
      %get3A_410 = vector.shape_cast %get3A_409 : vector<1x16xf32> to vector<16xf32>
      %sub3A_411 = arith.subf %get3A_406, %get3A_410 : vector<16xf32>
      %mul3A_412 = arith.mulf %sub3A_411, %sub3A_411 : vector<16xf32>
      %add3A_413 = arith.addf %add3A_369, %mul3A_412 : vector<16xf32>
      %get3A_414 = arith.index_cast %scan3A_169 : i32 to index
      %get3A_415 = arith.constant 352 : index
      %get3A_416 = tpu.vector_load %arg9[%get3A_414, %get3A_415] {strides = array<i32>} : memref<32x512xf32, #tpu.memory_space<vmem>>, vector<1x16xf32>,
      %get3A_417 = vector.shape_cast %get3A_416 : vector<1x16xf32> to vector<16xf32>
      %get3A_418 = arith.index_cast %scan3A_169 : i32 to index
      %get3A_419 = arith.constant 352 : index
      %get3A_420 = tpu.vector_load %arg12[%get3A_418, %get3A_419] {strides = array<i32>} : memref<32x512xf32, #tpu.memory_space<vmem>>, vector<1x16xf32>,
      %get3A_421 = vector.shape_cast %get3A_420 : vector<1x16xf32> to vector<16xf32>
      %sub3A_422 = arith.subf %get3A_417, %get3A_421 : vector<16xf32>
      %mul3A_423 = arith.mulf %sub3A_422, %sub3A_422 : vector<16xf32>
      %add3A_424 = arith.addf %add3A_380, %mul3A_423 : vector<16xf32>
      %get3A_425 = arith.index_cast %scan3A_169 : i32 to index
      %get3A_426 = arith.constant 368 : index
      %get3A_427 = tpu.vector_load %arg9[%get3A_425, %get3A_426] {strides = array<i32>} : memref<32x512xf32, #tpu.memory_space<vmem>>, vector<1x16xf32>,
      %get3A_428 = vector.shape_cast %get3A_427 : vector<1x16xf32> to vector<16xf32>
      %get3A_429 = arith.index_cast %scan3A_169 : i32 to index
      %get3A_430 = arith.constant 368 : index
      %get3A_431 = tpu.vector_load %arg12[%get3A_429, %get3A_430] {strides = array<i32>} : memref<32x512xf32, #tpu.memory_space<vmem>>, vector<1x16xf32>,
      %get3A_432 = vector.shape_cast %get3A_431 : vector<1x16xf32> to vector<16xf32>
      %sub3A_433 = arith.subf %get3A_428, %get3A_432 : vector<16xf32>
      %mul3A_434 = arith.mulf %sub3A_433, %sub3A_433 : vector<16xf32>
      %add3A_435 = arith.addf %add3A_391, %mul3A_434 : vector<16xf32>
      %get3A_436 = arith.index_cast %scan3A_169 : i32 to index
      %get3A_437 = arith.constant 384 : index
      %get3A_438 = tpu.vector_load %arg9[%get3A_436, %get3A_437] {strides = array<i32>} : memref<32x512xf32, #tpu.memory_space<vmem>>, vector<1x16xf32>,
      %get3A_439 = vector.shape_cast %get3A_438 : vector<1x16xf32> to vector<16xf32>
      %get3A_440 = arith.index_cast %scan3A_169 : i32 to index
      %get3A_441 = arith.constant 384 : index
      %get3A_442 = tpu.vector_load %arg12[%get3A_440, %get3A_441] {strides = array<i32>} : memref<32x512xf32, #tpu.memory_space<vmem>>, vector<1x16xf32>,
      %get3A_443 = vector.shape_cast %get3A_442 : vector<1x16xf32> to vector<16xf32>
      %sub3A_444 = arith.subf %get3A_439, %get3A_443 : vector<16xf32>
      %mul3A_445 = arith.mulf %sub3A_444, %sub3A_444 : vector<16xf32>
      %add3A_446 = arith.addf %add3A_402, %mul3A_445 : vector<16xf32>
      %get3A_447 = arith.index_cast %scan3A_169 : i32 to index
      %get3A_448 = arith.constant 400 : index
      %get3A_449 = tpu.vector_load %arg9[%get3A_447, %get3A_448] {strides = array<i32>} : memref<32x512xf32, #tpu.memory_space<vmem>>, vector<1x16xf32>,
      %get3A_450 = vector.shape_cast %get3A_449 : vector<1x16xf32> to vector<16xf32>
      %get3A_451 = arith.index_cast %scan3A_169 : i32 to index
      %get3A_452 = arith.constant 400 : index
      %get3A_453 = tpu.vector_load %arg12[%get3A_451, %get3A_452] {strides = array<i32>} : memref<32x512xf32, #tpu.memory_space<vmem>>, vector<1x16xf32>,
      %get3A_454 = vector.shape_cast %get3A_453 : vector<1x16xf32> to vector<16xf32>
      %sub3A_455 = arith.subf %get3A_450, %get3A_454 : vector<16xf32>
      %mul3A_456 = arith.mulf %sub3A_455, %sub3A_455 : vector<16xf32>
      %add3A_457 = arith.addf %add3A_413, %mul3A_456 : vector<16xf32>
      %get3A_458 = arith.index_cast %scan3A_169 : i32 to index
      %get3A_459 = arith.constant 416 : index
      %get3A_460 = tpu.vector_load %arg9[%get3A_458, %get3A_459] {strides = array<i32>} : memref<32x512xf32, #tpu.memory_space<vmem>>, vector<1x16xf32>,
      %get3A_461 = vector.shape_cast %get3A_460 : vector<1x16xf32> to vector<16xf32>
      %get3A_462 = arith.index_cast %scan3A_169 : i32 to index
      %get3A_463 = arith.constant 416 : index
      %get3A_464 = tpu.vector_load %arg12[%get3A_462, %get3A_463] {strides = array<i32>} : memref<32x512xf32, #tpu.memory_space<vmem>>, vector<1x16xf32>,
      %get3A_465 = vector.shape_cast %get3A_464 : vector<1x16xf32> to vector<16xf32>
      %sub3A_466 = arith.subf %get3A_461, %get3A_465 : vector<16xf32>
      %mul3A_467 = arith.mulf %sub3A_466, %sub3A_466 : vector<16xf32>
      %add3A_468 = arith.addf %add3A_424, %mul3A_467 : vector<16xf32>
      %get3A_469 = arith.index_cast %scan3A_169 : i32 to index
      %get3A_470 = arith.constant 432 : index
      %get3A_471 = tpu.vector_load %arg9[%get3A_469, %get3A_470] {strides = array<i32>} : memref<32x512xf32, #tpu.memory_space<vmem>>, vector<1x16xf32>,
      %get3A_472 = vector.shape_cast %get3A_471 : vector<1x16xf32> to vector<16xf32>
      %get3A_473 = arith.index_cast %scan3A_169 : i32 to index
      %get3A_474 = arith.constant 432 : index
      %get3A_475 = tpu.vector_load %arg12[%get3A_473, %get3A_474] {strides = array<i32>} : memref<32x512xf32, #tpu.memory_space<vmem>>, vector<1x16xf32>,
      %get3A_476 = vector.shape_cast %get3A_475 : vector<1x16xf32> to vector<16xf32>
      %sub3A_477 = arith.subf %get3A_472, %get3A_476 : vector<16xf32>
      %mul3A_478 = arith.mulf %sub3A_477, %sub3A_477 : vector<16xf32>
      %add3A_479 = arith.addf %add3A_435, %mul3A_478 : vector<16xf32>
      %get3A_480 = arith.index_cast %scan3A_169 : i32 to index
      %get3A_481 = arith.constant 448 : index
      %get3A_482 = tpu.vector_load %arg9[%get3A_480, %get3A_481] {strides = array<i32>} : memref<32x512xf32, #tpu.memory_space<vmem>>, vector<1x16xf32>,
      %get3A_483 = vector.shape_cast %get3A_482 : vector<1x16xf32> to vector<16xf32>
      %get3A_484 = arith.index_cast %scan3A_169 : i32 to index
      %get3A_485 = arith.constant 448 : index
      %get3A_486 = tpu.vector_load %arg12[%get3A_484, %get3A_485] {strides = array<i32>} : memref<32x512xf32, #tpu.memory_space<vmem>>, vector<1x16xf32>,
      %get3A_487 = vector.shape_cast %get3A_486 : vector<1x16xf32> to vector<16xf32>
      %sub3A_488 = arith.subf %get3A_483, %get3A_487 : vector<16xf32>
      %mul3A_489 = arith.mulf %sub3A_488, %sub3A_488 : vector<16xf32>
      %add3A_490 = arith.addf %add3A_446, %mul3A_489 : vector<16xf32>
      %get3A_491 = arith.index_cast %scan3A_169 : i32 to index
      %get3A_492 = arith.constant 464 : index
      %get3A_493 = tpu.vector_load %arg9[%get3A_491, %get3A_492] {strides = array<i32>} : memref<32x512xf32, #tpu.memory_space<vmem>>, vector<1x16xf32>,
      %get3A_494 = vector.shape_cast %get3A_493 : vector<1x16xf32> to vector<16xf32>
      %get3A_495 = arith.index_cast %scan3A_169 : i32 to index
      %get3A_496 = arith.constant 464 : index
      %get3A_497 = tpu.vector_load %arg12[%get3A_495, %get3A_496] {strides = array<i32>} : memref<32x512xf32, #tpu.memory_space<vmem>>, vector<1x16xf32>,
      %get3A_498 = vector.shape_cast %get3A_497 : vector<1x16xf32> to vector<16xf32>
      %sub3A_499 = arith.subf %get3A_494, %get3A_498 : vector<16xf32>
      %mul3A_500 = arith.mulf %sub3A_499, %sub3A_499 : vector<16xf32>
      %add3A_501 = arith.addf %add3A_457, %mul3A_500 : vector<16xf32>
      %get3A_502 = arith.index_cast %scan3A_169 : i32 to index
      %get3A_503 = arith.constant 480 : index
      %get3A_504 = tpu.vector_load %arg9[%get3A_502, %get3A_503] {strides = array<i32>} : memref<32x512xf32, #tpu.memory_space<vmem>>, vector<1x16xf32>,
      %get3A_505 = vector.shape_cast %get3A_504 : vector<1x16xf32> to vector<16xf32>
      %get3A_506 = arith.index_cast %scan3A_169 : i32 to index
      %get3A_507 = arith.constant 480 : index
      %get3A_508 = tpu.vector_load %arg12[%get3A_506, %get3A_507] {strides = array<i32>} : memref<32x512xf32, #tpu.memory_space<vmem>>, vector<1x16xf32>,
      %get3A_509 = vector.shape_cast %get3A_508 : vector<1x16xf32> to vector<16xf32>
      %sub3A_510 = arith.subf %get3A_505, %get3A_509 : vector<16xf32>
      %mul3A_511 = arith.mulf %sub3A_510, %sub3A_510 : vector<16xf32>
      %add3A_512 = arith.addf %add3A_468, %mul3A_511 : vector<16xf32>
      %get3A_513 = arith.index_cast %scan3A_169 : i32 to index
      %get3A_514 = arith.constant 496 : index
      %get3A_515 = tpu.vector_load %arg9[%get3A_513, %get3A_514] {strides = array<i32>} : memref<32x512xf32, #tpu.memory_space<vmem>>, vector<1x16xf32>,
      %get3A_516 = vector.shape_cast %get3A_515 : vector<1x16xf32> to vector<16xf32>
      %get3A_517 = arith.index_cast %scan3A_169 : i32 to index
      %get3A_518 = arith.constant 496 : index
      %get3A_519 = tpu.vector_load %arg12[%get3A_517, %get3A_518] {strides = array<i32>} : memref<32x512xf32, #tpu.memory_space<vmem>>, vector<1x16xf32>,
      %get3A_520 = vector.shape_cast %get3A_519 : vector<1x16xf32> to vector<16xf32>
      %sub3A_521 = arith.subf %get3A_516, %get3A_520 : vector<16xf32>
      %mul3A_522 = arith.mulf %sub3A_521, %sub3A_521 : vector<16xf32>
      %add3A_523 = arith.addf %add3A_479, %mul3A_522 : vector<16xf32>
      scf.yield %add3A_490, %add3A_501, %add3A_512, %add3A_523 : vector<16xf32>, vector<16xf32>, vector<16xf32>, vector<16xf32>
    }
    %scan3A_162 = arith.constant 32 : i32
    %add3A_163 = arith.addf %scan3A_161#0, %scan3A_161#1 : vector<16xf32>
    %add3A_164 = arith.addf %add3A_163, %scan3A_161#2 : vector<16xf32>
    %add3A_165 = arith.addf %add3A_164, %scan3A_161#3 : vector<16xf32>
    %swap3A = arith.constant 0 : index
    %swap3A_166 = tpu.vector_load %arg13[%swap3A] {strides = array<i32>} : memref<16xf32, #tpu.memory_space<vmem>>, vector<16xf32>,
    %swap3A_167 = vector.shape_cast %swap3A_166 : vector<16xf32> to vector<16xf32>
    %swap3A_168 = vector.shape_cast %add3A_165 : vector<16xf32> to vector<16xf32>
    tpu.vector_store %arg13[%swap3A], %swap3A_168 {strides = array<i32>} : memref<16xf32, #tpu.memory_space<vmem>>, vector<16xf32>,
    "tpu.region"() ({
      %run_scoped3A = tpu.sem_alloc : memref<!tpu.dma_semaphore, #tpu.memory_space<semaphore_mem>>
      %dma_start3A_169 = arith.constant 0 : i32
      %dma_start3A_170 = tpu.memref_slice %arg5[%add3A, %dma_start3A_169] : memref<32x16xf32, #tpu.memory_space<hbm>> -> memref<1x16xf32, #tpu.memory_space<hbm>>
      %dma_start3A_171 = tpu.memref_squeeze %dma_start3A_170 : memref<1x16xf32, #tpu.memory_space<hbm>> -> memref<16xf32, #tpu.memory_space<hbm>>
      %dma_start3A_172 = arith.constant 0 : i32
      %dma_start3A_173 = tpu.memref_slice %arg5[%add3A, %dma_start3A_172] : memref<32x16xf32, #tpu.memory_space<hbm>> -> memref<1x16xf32, #tpu.memory_space<hbm>>
      %dma_start3A_174 = tpu.memref_squeeze %dma_start3A_173 : memref<1x16xf32, #tpu.memory_space<hbm>> -> memref<16xf32, #tpu.memory_space<hbm>>
      tpu.enqueue_dma source(%arg13 : memref<16xf32, #tpu.memory_space<vmem>>) target(%dma_start3A_174 : memref<16xf32, #tpu.memory_space<hbm>>) target_semaphore(%run_scoped3A : memref<!tpu.dma_semaphore, #tpu.memory_space<semaphore_mem>>)
      %dma_wait3A_175 = arith.constant 0 : i32
      %dma_wait3A_176 = tpu.memref_slice %arg5[%add3A, %dma_wait3A_175] : memref<32x16xf32, #tpu.memory_space<hbm>> -> memref<1x16xf32, #tpu.memory_space<hbm>>
      %dma_wait3A_177 = tpu.memref_squeeze %dma_wait3A_176 : memref<1x16xf32, #tpu.memory_space<hbm>> -> memref<16xf32, #tpu.memory_space<hbm>>
      %dma_wait3A_178 = arith.constant 0 : i32
      %dma_wait3A_179 = tpu.memref_slice %arg5[%add3A, %dma_wait3A_178] : memref<32x16xf32, #tpu.memory_space<hbm>> -> memref<1x16xf32, #tpu.memory_space<hbm>>
      %dma_wait3A_180 = tpu.memref_squeeze %dma_wait3A_179 : memref<1x16xf32, #tpu.memory_space<hbm>> -> memref<16xf32, #tpu.memory_space<hbm>>
      tpu.wait_dma2 semaphore(%run_scoped3A : memref<!tpu.dma_semaphore, #tpu.memory_space<semaphore_mem>>) src(%arg13 : memref<16xf32, #tpu.memory_space<vmem>>) dst(%dma_wait3A_180 : memref<16xf32, #tpu.memory_space<hbm>>)
      tpu.yield
    }) : () -> ()
    return
  }
}

module attributes {stable_mosaic.version = 14 : i64} {
  func.func @_tc_body(%arg0: i32, %arg1: memref<1024x512xf32, #tpu.memory_space<vmem>>, %arg2: memref<1x1x1024xi32, #tpu.memory_space<vmem>>, %arg3: memref<1000x512xf32, #tpu.memory_space<vmem>>, %arg4: memref<1x1xf32, #tpu.memory_space<vmem>>) attributes {dimension_semantics = [#tpu.dimension_semantics<arbitrary>], iteration_bounds = array<i64: 10>, scalar_prefetch = 0 : i64, scratch_operands = 0 : i64, tpu.core_type = #tpu.core_type<tc>, window_params = [{transform_indices = @transform_0, window_bounds = array<i64: 1024, 512>}, {transform_indices = @transform_1, window_bounds = array<i64: 1, 1, 1024>}, {pipeline_mode = #tpu.pipeline_mode<synchronous>, transform_indices = @transform_2, window_bounds = array<i64: 1000, 512>}, {pipeline_mode = #tpu.pipeline_mode<synchronous>, transform_indices = @transform_3, window_bounds = array<i64: 1, 1>}]} {
    %eq3A = arith.constant 0 : i32
    %eq3A_0 = arith.cmpi eq, %arg0, %eq3A : i32
    %convert_element_type3A = arith.extui %eq3A_0 : i1 to i32
    %cond3A = arith.constant 0 : i32
    %cond3A_1 = arith.cmpi ne, %convert_element_type3A, %cond3A : i32
    scf.if %cond3A_1 {
      %broadcast_in_dim3A_28 = arith.constant 0.000000e+00 : f32
      %broadcast_in_dim3A_29 = vector.broadcast %broadcast_in_dim3A_28 : f32 to vector<1x1xf32>
      %swap3A_30 = arith.constant 0 : index
      %swap3A_31 = arith.constant 0 : index
      %swap3A_32 = vector.load %arg4[%swap3A_30, %swap3A_31] : memref<1x1xf32, #tpu.memory_space<vmem>>, vector<1x1xf32>
      tpu.vector_store %arg4[%swap3A_30, %swap3A_31], %broadcast_in_dim3A_29 {strides = array<i32>} : memref<1x1xf32, #tpu.memory_space<vmem>>, vector<1x1xf32>,
    } else {
    }
    %get3A = arith.constant 0 : index
    %get3A_2 = arith.constant 0 : index
    %get3A_3 = arith.constant 0 : index
    %get3A_4 = vector.load %arg2[%get3A, %get3A_2, %get3A_3] : memref<1x1x1024xi32, #tpu.memory_space<vmem>>, vector<1x1x1024xi32>
    %get3A_5 = vector.shape_cast %get3A_4 : vector<1x1x1024xi32> to vector<1024xi32>
    %iota3A = tpu.iota {dimensions = array<i32: 1>} : vector<1024x1000xi32>
    %broadcast_in_dim3A = vector.shape_cast %get3A_5 : vector<1024xi32> to vector<1024x1xi32>
    %eq3A_6 = vector.broadcast %broadcast_in_dim3A : vector<1024x1xi32> to vector<1024x1000xi32>
    %eq3A_7 = arith.cmpi eq, %eq3A_6, %iota3A : vector<1024x1000xi32>
    %convert_element_type3A_8 = arith.extui %eq3A_7 : vector<1024x1000xi1> to vector<1024x1000xi32>
    %convert_element_type3A_9 = arith.sitofp %convert_element_type3A_8 : vector<1024x1000xi32> to vector<1024x1000xf32>
    %convert_element_type3A_10 = arith.truncf %convert_element_type3A_9 : vector<1024x1000xf32> to vector<1024x1000xbf16>
    %get3A_11 = arith.constant 0 : index
    %get3A_12 = arith.constant 0 : index
    %get3A_13 = vector.load %arg3[%get3A_11, %get3A_12] : memref<1000x512xf32, #tpu.memory_space<vmem>>, vector<1000x512xf32>
    %convert_element_type3A_14 = arith.truncf %get3A_13 : vector<1000x512xf32> to vector<1000x512xbf16>
    %dot_general3A = arith.constant dense<0.000000e+00> : vector<1024x512xf32>
    %dot_general3A_15 = tpu.matmul %convert_element_type3A_10, %convert_element_type3A_14, %dot_general3A {dimension_numbers = #tpu.dot_dimension_numbers<[1], [0], [0], [1], [0, 0, 1, 1], [], []>, transpose_lhs_hint = false} : vector<1024x1000xbf16>, vector<1000x512xbf16>, vector<1024x512xf32> -> vector<1024x512xf32>
    %get3A_16 = arith.constant 0 : index
    %get3A_17 = arith.constant 0 : index
    %get3A_18 = vector.load %arg1[%get3A_16, %get3A_17] : memref<1024x512xf32, #tpu.memory_space<vmem>>, vector<1024x512xf32>
    %sub3A = arith.subf %get3A_18, %dot_general3A_15 : vector<1024x512xf32>
    %get3A_19 = arith.constant 0 : index
    %get3A_20 = arith.constant 0 : index
    %get3A_21 = vector.load %arg4[%get3A_19, %get3A_20] : memref<1x1xf32, #tpu.memory_space<vmem>>, vector<1x1xf32>
    %mul3A = arith.mulf %sub3A, %sub3A : vector<1024x512xf32>
    %reduce_sum3A = vector.shape_cast %mul3A : vector<1024x512xf32> to vector<1x1024x512xf32>
    %reduce_sum3A_22 = arith.constant dense<0.000000e+00> : vector<1xf32>
    %reduce_sum3A_23 = vector.multi_reduction <add>, %reduce_sum3A, %reduce_sum3A_22 [1, 2] : vector<1x1024x512xf32> to vector<1xf32>
    %reduce_sum3A_24 = vector.shape_cast %reduce_sum3A_23 : vector<1xf32> to vector<1x1x1xf32>
    %reduce_sum3A_25 = vector.extract %reduce_sum3A_24[0, 0, 0] : f32 from vector<1x1x1xf32>
    %reshape3A = vector.broadcast %reduce_sum3A_25 : f32 to vector<1x1xf32>
    %add3A = arith.addf %get3A_21, %reshape3A : vector<1x1xf32>
    %swap3A = arith.constant 0 : index
    %swap3A_26 = arith.constant 0 : index
    %swap3A_27 = vector.load %arg4[%swap3A, %swap3A_26] : memref<1x1xf32, #tpu.memory_space<vmem>>, vector<1x1xf32>
    tpu.vector_store %arg4[%swap3A, %swap3A_26], %add3A {strides = array<i32>} : memref<1x1xf32, #tpu.memory_space<vmem>>, vector<1x1xf32>,
    return
  }
  func.func @transform_0(%arg0: i32) -> (i32, i32) {
    %add3A = arith.constant 6 : i32
    %add3A_0 = arith.addi %add3A, %arg0 : i32
    %c0_i32 = arith.constant 0 : i32
    %c0_i32_1 = arith.constant 0 : i32
    return %add3A_0, %c0_i32 : i32, i32
  }
  func.func @transform_1(%arg0: i32) -> (i32, i32, i32) {
    %add3A = arith.constant 6 : i32
    %add3A_0 = arith.addi %add3A, %arg0 : i32
    %c0_i32 = arith.constant 0 : i32
    %c0_i32_1 = arith.constant 0 : i32
    %c0_i32_2 = arith.constant 0 : i32
    return %add3A_0, %c0_i32, %c0_i32_1 : i32, i32, i32
  }
  func.func @transform_2(%arg0: i32) -> (i32, i32) {
    %c0_i32 = arith.constant 0 : i32
    %c0_i32_0 = arith.constant 0 : i32
    %c0_i32_1 = arith.constant 0 : i32
    return %c0_i32, %c0_i32_0 : i32, i32
  }
  func.func @transform_3(%arg0: i32) -> (i32, i32) {
    %c0_i32 = arith.constant 0 : i32
    %c0_i32_0 = arith.constant 0 : i32
    %c0_i32_1 = arith.constant 0 : i32
    return %c0_i32, %c0_i32_0 : i32, i32
  }
}

</mosaic_0001>

<sc_bundles>
// kernel: kernel.4.cloned.1.call-start
scs
__scs_entry_jumppad:
0x0: {  	(pc) =	sbr.rel $0x88, $3  }
0x1: {  	(tag) =	ssettag $0x0;
	lr =	simm.s32 $0x1  }
0x2: {  	[smem:$0x3F9E] =	sst lr;
	_ =	strace $0xD0000000  }
0x3: {  	_ = 	snop  }
0x4: {  	_ = 	snop  }
0x5: {  	_ = 	snop  }
0x6: {  	_ = 	snop  }
0x7: {  	_ = 	snop  }
__scs_overlays_trampoline_lowered:
0x8: {  	[smem:$0x3FAD] =	sst s0  }
0x9: {  	[smem:$0x3FAE] =	sst s1  }
0xa: {  	[smem:$0x3FAF] =	sst s2  }
0xb: {  	[smem:$0x3FB0] =	sst s3  }
0xc: {  	[smem:$0x3FB1] =	sst s4  }
0xd: {  	[smem:$0x3FB2] =	sst s5  }
0xe: {  	[smem:$0x3FB3] =	sst s6  }
0xf: {  	[smem:$0x3FB4] =	sst s7  }
0x10: {  	[smem:$0x3FB5] =	sst s8  }
0x11: {  	[smem:$0x3FB6] =	sst s9;
	s0 =	simm.s32 @!p0 $0x0  }
0x12: {  	s1 =	sld [smem:$0x3F9C];
	s0 =	simm.s32 @p0 $0x1  }
0x13: {  	[smem:$0x3FB7] =	sst s0;
	s0 =	simm.s32 @!p1 $0x0  }
0x14: {  	s2 =	sld [smem:$0x3F9B];
	s0 =	simm.s32 @p1 $0x1  }
0x15: {  	[smem:$0x3FB8] =	sst s0;
	s0 =	simm.s32 @!p2 $0x0  }
0x16: {  	s3 =	sld [smem:$0x3FDB];
	s0 =	simm.s32 @p2 $0x1  }
0x17: {  	s4 =	simm.s32 $0x1BF5;
	[smem:$0x3FBA] =	sst s0  }
0x18: {  	s0 =	sld [smem:$0x3F9D];
	_ =	swait.ge [sflag:s4], $0x0  }
0x19: {  	s7 =	sld [smem:$0x3F9E]  }
0x1a: {  	s8 =	sadd.s32 $0xFFFFE003, lr  }
0x1b: {  	s9 =	sadd.s32 $0xFFFFFEF7, lr;
	s5 =	simm.s32 $0xFFFFFFFF;
	p2 =	slt.u32 s8, $0xFFFFF086  }
0x1c: {  	p1 =	slt.u32 s9, $0xF7A;
	s5 =	simm.s32 @!p2 $0x0  }
0x1d: {  	s5 =	simm.s32 @p1 $0x1;
	p0 =	seq.s32 s7, s2  }
0x1e: {  	s7 =	smul.u32 @!p0 $0xF7A, s2;
	p2 =	seq.s32 @!p0 s5, $0x0  }
0x1f: {  	s9 =	smul.u32 $0xF7A, s1;
	s8 =	simm.s32 @!p0 $0x1BF5;
	p2 =	por !p2, p0  }
0x20: {  	[sflag:s8] =	ssyncset.s32 @!p0 $0xFFFFF086;
	s6 =	sadd.s32 @!p0 s3, s7;
	s7 =	simm.s32 @!p0 $0x108  }
0x21: {  	s3 =	sadd.s32 s3, s9;
	s6 =	sadd.s32 @!p0 $0x88, s6;
	s7 =	simm.s32 @p2 $0x1082  }
0x22: {  	[simem:s7], [sflag:s8] =	dma.local @!p0 [hbm:s6], $0xF7A  }
0x23: {  	s9 =	sor.u32 $0xD0000000, s2;
	s6 =	simm.s32 $0x108;
	_ =	swait.ge @!p0 [sflag:s8], $0x0  }
0x24: {  	s3 =	sadd.s32 $0x88, s3;
	s6 =	simm.s32 @!p1 $0x1082;
	[sflag:s4] =	ssyncset.s32 $0xFFFFF086  }
0x25: {  	[simem:s6], [sflag:s4] =	dma.local [hbm:s3], $0xF7A  }
0x26: {  	[smem:$0x3F9E] =	sst s1;
	(tag) =	ssettag s2;
	_ =	strace s9  }
0x27: {  	s1 =	sld [smem:$0x3FAE]  }
0x28: {  	s2 =	sld [smem:$0x3FAF]  }
0x29: {  	s4 =	sld [smem:$0x3FB1]  }
0x2a: {  	p0 =	seq.s32 s5, $0x0;
	s5 =	sld [smem:$0x3FB2]  }
0x2b: {  	s6 =	sld [smem:$0x3FB3]  }
0x2c: {  	s7 =	sld [smem:$0x3FB4]  }
0x2d: {  	s3 =	simm.s32 $0x108;
	s8 =	sld [smem:$0x3FB5]  }
0x2e: {  	s3 =	simm.s32 @!p0 $0x1082;
	s9 =	sld [smem:$0x3FB6]  }
0x2f: {  	lr =	sadd.s32 s0, s3;
	s0 =	sld [smem:$0x3FAD]  }
0x30: {  	s3 =	sld [smem:$0x3FB0]  }
0x31: {  	[smem:$0x3FB9] =	sst s10  }
0x32: {  	s10 =	sld [smem:$0x3FB7];
	_ =	sdelay $0x3  }
0x33: {  	p0 =	seq.s32 s10, $0x1;
	s10 =	sld [smem:$0x3FB9];
	_ =	sdelay $0x3  }
0x34: {  	[smem:$0x3FB9] =	sst s10  }
0x35: {  	s10 =	sld [smem:$0x3FB8];
	_ =	sdelay $0x3  }
0x36: {  	p1 =	seq.s32 s10, $0x1;
	s10 =	sld [smem:$0x3FB9];
	_ =	sdelay $0x3  }
0x37: {  	[smem:$0x3FB9] =	sst s10  }
0x38: {  	s10 =	sld [smem:$0x3FBA]  }
0x39: {  	_ = 	snop;
	(pc) =	sbr.ind lr, $3  }
0x3a: {  	_ = 	snop  }
0x3b: {  	_ = 	snop  }
0x3c: {  	p2 =	seq.s32 s10, $0x1;
	s10 =	sld [smem:$0x3FB9]  }
0x3d: {  	_ =	shalt  }
0x3e: {  	_ =	shalt  }
0x3f: {  	_ =	shalt  }
0x40: {  	_ =	shalt  }
0x41: {  	_ =	shalt  }
0x42: {  	_ =	shalt  }
0x43: {  	_ =	shalt  }
0x44: {  	_ =	shalt  }
0x45: {  	_ =	shalt  }
0x46: {  	_ =	shalt  }
0x47: {  	_ =	shalt  }
0x48: {  	_ =	shalt  }
0x49: {  	_ =	shalt  }
0x4a: {  	_ =	shalt  }
0x4b: {  	_ =	shalt  }
0x4c: {  	_ =	shalt  }
0x4d: {  	_ =	shalt  }
0x4e: {  	_ =	shalt  }
0x4f: {  	_ =	shalt  }
0x50: {  	_ =	shalt  }
0x51: {  	_ =	shalt  }
0x52: {  	_ =	shalt  }
0x53: {  	_ =	shalt  }
0x54: {  	_ =	shalt  }
0x55: {  	_ =	shalt  }
0x56: {  	_ =	shalt  }
0x57: {  	_ =	shalt  }
0x58: {  	_ =	shalt  }
0x59: {  	_ =	shalt  }
0x5a: {  	_ =	shalt  }
0x5b: {  	_ =	shalt  }
0x5c: {  	_ =	shalt  }
0x5d: {  	_ =	shalt  }
0x5e: {  	_ =	shalt  }
0x5f: {  	_ =	shalt  }
0x60: {  	_ =	shalt  }
0x61: {  	_ =	shalt  }
0x62: {  	_ =	shalt  }
0x63: {  	_ =	shalt  }
0x64: {  	_ =	shalt  }
0x65: {  	_ =	shalt  }
0x66: {  	_ =	shalt  }
0x67: {  	_ =	shalt  }
0x68: {  	_ =	shalt  }
0x69: {  	_ =	shalt  }
0x6a: {  	_ =	shalt  }
0x6b: {  	_ =	shalt  }
0x6c: {  	_ =	shalt  }
0x6d: {  	_ =	shalt  }
0x6e: {  	_ =	shalt  }
0x6f: {  	_ =	shalt  }
0x70: {  	_ =	shalt  }
0x71: {  	_ =	shalt  }
0x72: {  	_ =	shalt  }
0x73: {  	_ =	shalt  }
0x74: {  	_ =	shalt  }
0x75: {  	_ =	shalt  }
0x76: {  	_ =	shalt  }
0x77: {  	_ =	shalt  }
0x78: {  	_ =	shalt  }
0x79: {  	_ =	shalt  }
0x7a: {  	_ =	shalt  }
0x7b: {  	_ =	shalt  }
0x7c: {  	_ =	shalt  }
0x7d: {  	_ =	shalt  }
0x7e: {  	_ =	shalt  }
0x7f: {  	_ =	shalt  }
0x80: {  	_ =	shalt  }
0x81: {  	_ =	shalt  }
0x82: {  	_ =	shalt  }
0x83: {  	_ =	shalt  }
0x84: {  	_ =	shalt  }
0x85: {  	_ =	shalt  }
0x86: {  	_ =	shalt  }
0x87: {  	_ =	shalt  }
.Lfunc_end0:
.L_simem_size_0:
called_computation_lowered:
.L_overlay_start_0:
0x88: {  	s2 =	sld [smem:$0x3FD9]  }
0x89: {  	s3 =	sld [smem:$0x3FFE];
	_ =	sdelay $0x1  }
0x8a: {  	s1 =	srdreg.scid  }
0x8b: {  	s0 =	sand.u32 $0x1, s1  }
0x8c: {  	s17 =	sshll.u32 s0, $0xA;
	s2 =	sadd.s32 s3, s2  }
0x8d: {  	s2 =	sadd.s32 s2, s17  }
0x8e: {  	[smem:$0x3FC5] =	sst s2  }
0x8f: {  	_ = 	snop  }
0x90: {  	s2 =	sld [smem:$0x3FC9]  }
0x91: {  	s18 =	sld [smem:$0x3FC8]  }
0x92: {  	s4 =	sld [smem:$0x3FC7];
	(tm) =	ssettm $0x1  }
0x93: {  	s5 =	sld [smem:$0x3FFB];
	_ =	sdelay $0x3  }
0x94: {  	_ =	strace s5  }
0x95: {  	s5 =	sld [smem:$0x3FFC];
	_ =	sdelay $0x3  }
0x96: {  	_ =	strace s5  }
0x97: {  	s5 =	sld [smem:$0x3FFD];
	_ =	sdelay $0x3  }
0x98: {  	_ =	strace s5  }
0x99: {  	_ =	strace $0x8FFFFFFF  }
0x9a: {  	s19 =	sld [smem:$0x3FDB];
	_ =	sdelay $0x1  }
0x9b: {  	s6 =	simm.s32 $_scs_section_size  }
0x9c: {  	s7 =	simm.s32 $_size__tile_overlayer_lowered;
	s8 =	simm.s32 $_tile_overlayer_lowered  }
0x9d: {  	s22 =	simm.s32 $0x1BFF;
	s21 =	sshll.u32 s8, $0x1;
	s5 =	sadd.s32 s6, s19  }
0x9e: {  	s9 =	simm.s32 $0x0;
	s20 =	sshll.u32 s7, $0x1;
	s7 =	sadd.s32 s21, s5  }
0x9f: {  	[timem:s9], [sflag:s22] =	dma.local [hbm:s7], s20  }
0xa0: {  	_ =	swait.ge [sflag:s22], s20  }
0xa1: {  	s6 =	ssub.s32 $0x0, s20;
	[sflag:s22] =	ssyncset.done $0x0  }
0xa2: {  	[sflag:s22] =	ssyncadd.s32 s6;
	_ =	sdelay $0x1  }
0xa3: {  	s23 =	simm.s32 $0x1B8B  }
0xa4: {  	_ =	swait.ge [sflag:s23], $0x1  }
0xa5: {  	[sflag:s23] =	ssyncset.done $0x0  }
0xa6: {  	s25 =	simm.s32 $0x1B8E;
	s24 =	sld [smem:$0x3FFE];
	[sflag:s23] =	ssyncadd.s32 $0xFFFFFFFF  }
0xa7: {  	s26 =	simm.s32 $execute0_lowered;
	[smem:$0x3FD2] =	sst s25  }
0xa8: {  	s7 =	sshll.u32 s26, $0x1;
	_ =	strace $0x80000046;
	[dreg:$0x1] =	wrdreg $0xFFFFFFFF  }
0xa9: {  	s28 =	simm.s32 $_size_execute0_lowered;
	s5 =	sadd.s32 s5, s7;
	[dreg:$0x0] =	wrdreg $0x0  }
0xaa: {  	s7 =	sshll.u32 s28, $0x1;
	[dreg:$0x2] =	wrdreg s5  }
0xab: {  	[dreg:$0x3] =	wrdreg s7  }
0xac: {  	[dreg:$0x4] =	wrdreg $0xC0  }
0xad: {  	_ =	task [dreg:s9], $0x5FFFF  }
0xae: {  	[dreg:$0x1] =	wrdreg $0xFFFFFFFF  }
0xaf: {  	[dreg:$0x0] =	wrdreg $0x60  }
0xb0: {  	[dreg:$0x2] =	wrdreg s2  }
0xb1: {  	[dreg:$0x3] =	wrdreg s18  }
0xb2: {  	[dreg:$0x4] =	wrdreg s4  }
0xb3: {  	[dreg:$0x5] =	wrdreg s24  }
0xb4: {  	[dreg:$0x6] =	wrdreg $0x9  }
0xb5: {  	_ =	task.clear_ibuf [dreg:s9], $0x7FFFF;
	_ =	strace $0x90000046  }
0xb6: {  	s29 =	simm.s32 $0x9;
	_ =	strace $0x80000048  }
0xb7: {  	_ =	swait.ge [sflag:s29], $0x1  }
0xb8: {  	[sflag:s29] =	ssyncadd.s32 $0xFFFFFFFF  }
0xb9: {  	_ =	strace $0x90000048  }
0xba: {  	_ =	sfence  }
0xbb: {  	s30 =	sld [smem:$0x0];
	_ =	sdelay $0x2  }
0xbc: {  	s31 =	sshll.u32 s1, $0xD;
	s1 =	sshrl.u32 s1, $0x2  }
0xbd: {  	s3 =	sand.u32 $0x4000, s31;
	s1 =	sadd.s32 s1, s30  }
0xbe: {  	s0 =	sor.u32 s3, s0;
	s1 =	sshll.u32 s1, $0x11  }
0xbf: {  	s0 =	sor.u32 s1, s0  }
0xc0: {  	s0 =	sadd.s32 $0x8F2B, s0  }
0xc1: {  	[sflag:s0] =	ssyncadd.remote.s32 $0x1  }
0xc2: {  	_ =	sfence.sel $0xFFFF  }
0xc3: {  	[dreg:$0x0] =	wrdreg $0xFFFFFFFF;
	(pc) =	sbr.abs _section_cstart, $3  }
0xc4: {  	[dreg:$0x1] =	wrdreg $0xFFFFFFFF  }
0xc5: {  	_ =	task.clear_ibuf [dreg:s9], $0x2FFFF;
	_ =	strace $0x9FFFFFFF  }
0xc6: {  	(tm) =	ssettm $0x7FFFFFFF  }
0xc7: {  	_ =	shalt  }
tec
execute0_lowered:
.L_overlay_start_1:
0x0: {  	(tag) =	ssettag $0x1  }
0x1: {  	s0 =	rddreg [dreg:$0x0]  }
0x2: {  	s1 =	rddreg [dreg:$0x1]  }
0x3: {  	s3 =	srdreg.scid;
	s2 =	rddreg [dreg:$0x2]  }
0x4: {  	s5 =	stileid.u32;
	s25 =	rddreg [dreg:$0x3];
	s14 =	simm.s32 $0x7  }
0x5: {  	s18 =	simm.s32 $0x15100;
	s19 =	simm.s32 $0x15900;
	s20 =	simm.s32 $0x16100  }
0x6: {  	s21 =	simm.s32 $0x16900;
	s22 =	simm.s32 $0x17100;
	s23 =	simm.s32 $0x17900  }
0x7: {  	s28 =	simm.s32 $0x5;
	s29 =	simm.s32 $0x3;
	s30 =	simm.s32 $0x6  }
0x8: {  	s4 =	sand.u32 $0x1, s3;
	s24 =	sshll.u32 s5, $0x1;
	s3 =	simm.s32 $0x0  }
0x9: {  	s31 =	simm.s32 $0x0;
	s6 =	sor.u32 s4, s24;
	[smem:$0x7FF] =	sst s3  }
0xa: {  	s4 =	ssub.s32 $0x2, s4;
	s24 =	simm.s32 $0x1;
	s7 =	smul.u32 $0x18, s6  }
0xb: {  	s8 =	smul.u32 $0x3000, s6;
	s9 =	sshll.u32 s6, $0x4;
	s10 =	sshrl.u32 s4, $0x1  }
0xc: {  	s6 =	smul.u32 $0x18000, s6;
	_ =	strace $0x80000047;
	s12 =	sadd.s32 s9, s25  }
0xd: {  	v2 =	vlaneseq.u32;
	s13 =	ssub.s32 s4, s10;
	s25 =	simm.s32 $0x4;
	s4 =	sadd.s32 s1, s7  }
0xe: {  	v0 =	vand.u32 $0x7, v2;
	v1 =	vshrl.u32 v2, $0x3;
	s5 =	sadd.s32 s0, s8;
	s26 =	sshrl.u32 s6, $0x3;
	s6 =	sadd.s32 $0x100, s2  }
0xf: {  	v63 =	vor.u32 $0x8, v2;
	v62 =	vmul.u32 $0x8, v1;
	[tilespmem:$0x1FFD0] =	vst v0;
	s12 =	sadd.s32 $0x400, s12;
	s13 =	smax.u32 s13, $0x1;
	s0 =	sadd.s32 s0, s26  }
0x10: {  	[tilespmem:$0x1FFF0] =	vst v63;
	s7 =	sadd.s32 $0x800, s5;
	s26 =	simm.s32 $0x2;
	s8 =	sadd.s32 $0x1000, s0  }
0x11: {  	vm0 =	vmmov $0xffff;
	[tilespmem:$0x1FFE0] =	vst v62;
	s9 =	sadd.s32 $0x1800, s0;
	s10 =	sadd.s32 $0x2000, s0;
	s11 =	sadd.s32 $0x2800, s0  }
.LBB2_1:
0x12: {  	[tilespmem:s3], [sflag:$0x7] =	stream.linear.gather [hbm4b:s4+s3], $0xC0, $0x38;
	[tilespmem:$0x18180] =	vst v63  }
0x13: {  	_ =	swait.ge [sflag:s14], $0xC0  }
0x14: {  	[sflag:s14] =	ssyncset.done $0x0  }
0x15: {  	s0 =	simm.s32 $0x100;
	[sflag:s14] =	ssyncadd.s32 $0xFFFFFF40  }
0x16: {  	[tilespmem:s0], [sflag:$0x1] =	stream.linear.gather [hbm4b:s5+s3], $0x4000, $0x38;
	[tilespmem:$0x18180] =	vst v63  }
0x17: {  	v3 =	vld [tilespmem:$0x0];
	_ =	sdelay $0x2  }
0x18: {  	v0 =	vld [tilespmem:$0x1FFD0];
	_ =	sdelay $0x1  }
0x19: {  	v1 =	vld [tilespmem:$0x1FFE0];
	v4 =	vshll.u32 v3, $0x2  }
0x1a: {  	v3 =	vand.u32 $0x7, v3;
	v4 =	vand.u32 $0xFFFFFFE0, v4  }
0x1b: {  	v2 =	vld [tilespmem:$0x1FFF0];
	v3 =	vor.u32 v3, v4  }
0x1c: {  	v4 =	vperm.xlane v3, v0;
	_ =	sdelay $0x1  }
0x1d: {  	v4 =	vadd.s32 v1, v4;
	_ =	sdelay $0x1  }
0x1e: {  	v3 =	vperm.xlane v3, v2;
	_ =	sdelay $0x1  }
0x1f: {  	s17 =	simm.s32 $0xC100;
	v3 =	vadd.s32 v1, v3  }
0x20: {  	[tilespmem:s17], [sflag:$0x4] =	stream.indirect_vreg.gather [hbm4b:s2+s3], $0x80, v4, vm0, $0xb8;
	[tilespmem:$0x18180] =	vst v63  }
0x21: {  	s1 =	simm.s32 $0xC900  }
0x22: {  	[tilespmem:s1], [sflag:$0x4] =	stream.indirect_vreg.gather [hbm4b:s6+s3], $0x80, v4, vm0, $0xb8;
	[tilespmem:$0x18180] =	vst v63  }
0x23: {  	s15 =	simm.s32 $0xD100  }
0x24: {  	[tilespmem:s15], [sflag:$0x4] =	stream.indirect_vreg.gather [hbm4b:s2+s3], $0x80, v3, vm0, $0xb8;
	[tilespmem:$0x18180] =	vst v63  }
0x25: {  	s16 =	simm.s32 $0xD900  }
0x26: {  	[tilespmem:s16], [sflag:$0x4] =	stream.indirect_vreg.gather [hbm4b:s6+s3], $0x80, v3, vm0, $0xb8;
	[tilespmem:$0x18180] =	vst v63  }
0x27: {  	v3 =	vld [tilespmem:$0x10];
	_ =	sdelay $0x4  }
0x28: {  	v4 =	vshll.u32 v3, $0x2  }
0x29: {  	v3 =	vand.u32 $0x7, v3;
	v4 =	vand.u32 $0xFFFFFFE0, v4  }
0x2a: {  	v3 =	vor.u32 v3, v4  }
0x2b: {  	v4 =	vperm.xlane v3, v0;
	_ =	sdelay $0x1  }
0x2c: {  	v4 =	vadd.s32 v1, v4;
	_ =	sdelay $0x1  }
0x2d: {  	v3 =	vperm.xlane v3, v2;
	_ =	sdelay $0x1  }
0x2e: {  	s17 =	simm.s32 $0xE100;
	v3 =	vadd.s32 v1, v3  }
0x2f: {  	[tilespmem:s17], [sflag:$0x4] =	stream.indirect_vreg.gather [hbm4b:s2+s3], $0x80, v4, vm0, $0xb8;
	[tilespmem:$0x18180] =	vst v63  }
0x30: {  	s1 =	simm.s32 $0xE900  }
0x31: {  	[tilespmem:s1], [sflag:$0x4] =	stream.indirect_vreg.gather [hbm4b:s6+s3], $0x80, v4, vm0, $0xb8;
	[tilespmem:$0x18180] =	vst v63  }
0x32: {  	s15 =	simm.s32 $0xF100  }
0x33: {  	[tilespmem:s15], [sflag:$0x4] =	stream.indirect_vreg.gather [hbm4b:s2+s3], $0x80, v3, vm0, $0xb8;
	[tilespmem:$0x18180] =	vst v63  }
0x34: {  	s16 =	simm.s32 $0xF900  }
0x35: {  	[tilespmem:s16], [sflag:$0x4] =	stream.indirect_vreg.gather [hbm4b:s6+s3], $0x80, v3, vm0, $0xb8;
	[tilespmem:$0x18180] =	vst v63  }
0x36: {  	s17 =	simm.s32 $0x4100  }
0x37: {  	[tilespmem:s17], [sflag:$0x2] =	stream.linear.gather [hbm4b:s7+s3], $0x4000, $0x38;
	[tilespmem:$0x18180] =	vst v63  }
0x38: {  	v3 =	vld [tilespmem:$0x20];
	_ =	sdelay $0x4  }
0x39: {  	v4 =	vshll.u32 v3, $0x2  }
0x3a: {  	v3 =	vand.u32 $0x7, v3;
	v4 =	vand.u32 $0xFFFFFFE0, v4  }
0x3b: {  	v3 =	vor.u32 v3, v4  }
0x3c: {  	v4 =	vperm.xlane v3, v0;
	_ =	sdelay $0x1  }
0x3d: {  	v4 =	vadd.s32 v1, v4;
	_ =	sdelay $0x1  }
0x3e: {  	v3 =	vperm.xlane v3, v2;
	_ =	sdelay $0x1  }
0x3f: {  	s1 =	simm.s32 $0x10100;
	v3 =	vadd.s32 v1, v3  }
0x40: {  	[tilespmem:s1], [sflag:$0x5] =	stream.indirect_vreg.gather [hbm4b:s2+s3], $0x80, v4, vm0, $0xb8;
	[tilespmem:$0x18180] =	vst v63  }
0x41: {  	s15 =	simm.s32 $0x10900  }
0x42: {  	[tilespmem:s15], [sflag:$0x5] =	stream.indirect_vreg.gather [hbm4b:s6+s3], $0x80, v4, vm0, $0xb8;
	[tilespmem:$0x18180] =	vst v63  }
0x43: {  	s16 =	simm.s32 $0x11100  }
0x44: {  	[tilespmem:s16], [sflag:$0x5] =	stream.indirect_vreg.gather [hbm4b:s2+s3], $0x80, v3, vm0, $0xb8;
	[tilespmem:$0x18180] =	vst v63  }
0x45: {  	s17 =	simm.s32 $0x11900  }
0x46: {  	[tilespmem:s17], [sflag:$0x5] =	stream.indirect_vreg.gather [hbm4b:s6+s3], $0x80, v3, vm0, $0xb8;
	[tilespmem:$0x18180] =	vst v63  }
0x47: {  	v3 =	vld [tilespmem:$0x30];
	_ =	sdelay $0x4  }
0x48: {  	v4 =	vshll.u32 v3, $0x2  }
0x49: {  	v3 =	vand.u32 $0x7, v3;
	v4 =	vand.u32 $0xFFFFFFE0, v4  }
0x4a: {  	v3 =	vor.u32 v3, v4  }
0x4b: {  	v4 =	vperm.xlane v3, v0;
	_ =	sdelay $0x1  }
0x4c: {  	v4 =	vadd.s32 v1, v4;
	_ =	sdelay $0x1  }
0x4d: {  	v3 =	vperm.xlane v3, v2;
	_ =	sdelay $0x1  }
0x4e: {  	s1 =	simm.s32 $0x12100;
	v3 =	vadd.s32 v1, v3  }
0x4f: {  	[tilespmem:s1], [sflag:$0x5] =	stream.indirect_vreg.gather [hbm4b:s2+s3], $0x80, v4, vm0, $0xb8;
	[tilespmem:$0x18180] =	vst v63  }
0x50: {  	s15 =	simm.s32 $0x12900  }
0x51: {  	[tilespmem:s15], [sflag:$0x5] =	stream.indirect_vreg.gather [hbm4b:s6+s3], $0x80, v4, vm0, $0xb8;
	[tilespmem:$0x18180] =	vst v63  }
0x52: {  	s16 =	simm.s32 $0x13100  }
0x53: {  	[tilespmem:s16], [sflag:$0x5] =	stream.indirect_vreg.gather [hbm4b:s2+s3], $0x80, v3, vm0, $0xb8;
	[tilespmem:$0x18180] =	vst v63  }
0x54: {  	s17 =	simm.s32 $0x13900  }
0x55: {  	[tilespmem:s17], [sflag:$0x5] =	stream.indirect_vreg.gather [hbm4b:s6+s3], $0x80, v3, vm0, $0xb8;
	[tilespmem:$0x18180] =	vst v63  }
0x56: {  	s1 =	simm.s32 $0x8100  }
0x57: {  	[tilespmem:s1], [sflag:$0x3] =	stream.linear.gather [hbm4b:s8+s3], $0x4000, $0x38;
	[tilespmem:$0x18180] =	vst v63  }
0x58: {  	v3 =	vld [tilespmem:$0x40];
	_ =	sdelay $0x4  }
0x59: {  	v4 =	vshll.u32 v3, $0x2  }
0x5a: {  	v3 =	vand.u32 $0x7, v3;
	v4 =	vand.u32 $0xFFFFFFE0, v4  }
0x5b: {  	v3 =	vor.u32 v3, v4  }
0x5c: {  	v4 =	vperm.xlane v3, v0;
	_ =	sdelay $0x1  }
0x5d: {  	v4 =	vadd.s32 v1, v4;
	_ =	sdelay $0x1  }
0x5e: {  	v3 =	vperm.xlane v3, v2;
	_ =	sdelay $0x1  }
0x5f: {  	s15 =	simm.s32 $0x14100;
	v3 =	vadd.s32 v1, v3  }
0x60: {  	[tilespmem:s15], [sflag:$0x6] =	stream.indirect_vreg.gather [hbm4b:s2+s3], $0x80, v4, vm0, $0xb8;
	[tilespmem:$0x18180] =	vst v63  }
0x61: {  	s16 =	simm.s32 $0x14900  }
0x62: {  	[tilespmem:s16], [sflag:$0x6] =	stream.indirect_vreg.gather [hbm4b:s6+s3], $0x80, v4, vm0, $0xb8;
	[tilespmem:$0x18180] =	vst v63  }
0x63: {  	_ = 	snop  }
0x64: {  	[tilespmem:s18], [sflag:$0x6] =	stream.indirect_vreg.gather [hbm4b:s2+s3], $0x80, v3, vm0, $0xb8;
	[tilespmem:$0x18180] =	vst v63  }
0x65: {  	_ = 	snop  }
0x66: {  	[tilespmem:s19], [sflag:$0x6] =	stream.indirect_vreg.gather [hbm4b:s6+s3], $0x80, v3, vm0, $0xb8;
	[tilespmem:$0x18180] =	vst v63  }
0x67: {  	v3 =	vld [tilespmem:$0x50];
	_ =	sdelay $0x4  }
0x68: {  	v4 =	vshll.u32 v3, $0x2  }
0x69: {  	v3 =	vand.u32 $0x7, v3;
	v4 =	vand.u32 $0xFFFFFFE0, v4  }
0x6a: {  	v3 =	vor.u32 v3, v4  }
0x6b: {  	v4 =	vperm.xlane v3, v0;
	_ =	sdelay $0x1  }
0x6c: {  	v4 =	vadd.s32 v1, v4;
	_ =	sdelay $0x1  }
0x6d: {  	v3 =	vperm.xlane v3, v2;
	_ =	sdelay $0x1  }
0x6e: {  	v3 =	vadd.s32 v1, v3  }
0x6f: {  	[tilespmem:s20], [sflag:$0x6] =	stream.indirect_vreg.gather [hbm4b:s2+s3], $0x80, v4, vm0, $0xb8;
	[tilespmem:$0x18180] =	vst v63  }
0x70: {  	_ = 	snop  }
0x71: {  	[tilespmem:s21], [sflag:$0x6] =	stream.indirect_vreg.gather [hbm4b:s6+s3], $0x80, v4, vm0, $0xb8;
	[tilespmem:$0x18180] =	vst v63  }
0x72: {  	_ = 	snop  }
0x73: {  	[tilespmem:s22], [sflag:$0x6] =	stream.indirect_vreg.gather [hbm4b:s2+s3], $0x80, v3, vm0, $0xb8;
	[tilespmem:$0x18180] =	vst v63  }
0x74: {  	_ = 	snop  }
0x75: {  	[tilespmem:s23], [sflag:$0x6] =	stream.indirect_vreg.gather [hbm4b:s6+s3], $0x80, v3, vm0, $0xb8;
	[tilespmem:$0x18180] =	vst v63  }
0x76: {  	_ =	swait.ge [sflag:s24], $0x4000  }
0x77: {  	[sflag:s24] =	ssyncset.done $0x0  }
0x78: {  	[sflag:s24] =	ssyncadd.s32 $0xFFFFC000  }
0x79: {  	_ =	swait.ge [sflag:s25], $0x4000  }
0x7a: {  	s17 =	sand.u32 $0x3000, s3;
	s1 =	sand.u32 $0x380, s3;
	[sflag:s25] =	ssyncset.done $0x0  }
0x7b: {  	s0 =	sor.u32 s1, s17;
	[sflag:s25] =	ssyncadd.s32 $0xFFFFC000  }
0x7c: {  	v3 =	vld [tilespmem:s0+$0xD40]  }
0x7d: {  	v4 =	vld [tilespmem:s0+$0xCD40]  }
0x7e: {  	v5 =	vld [tilespmem:s0+$0xD50]  }
0x7f: {  	v6 =	vld [tilespmem:s0+$0xCD50]  }
0x80: {  	v7 =	vld [tilespmem:s0+$0xD60]  }
0x81: {  	v8 =	vld [tilespmem:s0+$0xCD60]  }
0x82: {  	v9 =	vld [tilespmem:s0+$0xD70]  }
0x83: {  	v10 =	vld [tilespmem:s0+$0xCD70]  }
0x84: {  	v11 =	vld [tilespmem:s0+$0xD00]  }
0x85: {  	v12 =	vld [tilespmem:s0+$0xCD00]  }
0x86: {  	v13 =	vld [tilespmem:s0+$0xD10]  }
0x87: {  	v14 =	vld [tilespmem:s0+$0xCD10]  }
0x88: {  	v19 =	vld [tilespmem:s0+$0xD20]  }
0x89: {  	v20 =	vld [tilespmem:s0+$0xCD20]  }
0x8a: {  	v22 =	vld [tilespmem:s0+$0xD30]  }
0x8b: {  	v23 =	vld [tilespmem:s0+$0xCD30]  }
0x8c: {  	v21 =	vld [tilespmem:s0+$0x940]  }
0x8d: {  	v24 =	vld [tilespmem:s0+$0xC940]  }
0x8e: {  	v26 =	vld [tilespmem:s0+$0x950]  }
0x8f: {  	v27 =	vld [tilespmem:s0+$0xC950]  }
0x90: {  	v28 =	vld [tilespmem:s0+$0x960]  }
0x91: {  	v30 =	vld [tilespmem:s0+$0xC960]  }
0x92: {  	v36 =	vld [tilespmem:s0+$0x970]  }
0x93: {  	v37 =	vld [tilespmem:s0+$0xC970]  }
0x94: {  	v38 =	vld [tilespmem:s0+$0x900]  }
0x95: {  	v39 =	vld [tilespmem:s0+$0xC900]  }
0x96: {  	v40 =	vld [tilespmem:s0+$0x910]  }
0x97: {  	v41 =	vld [tilespmem:s0+$0xC910]  }
0x98: {  	v42 =	vld [tilespmem:s0+$0x920]  }
0x99: {  	v43 =	vld [tilespmem:s0+$0xC920]  }
0x9a: {  	v44 =	vld [tilespmem:s0+$0x930]  }
0x9b: {  	v45 =	vld [tilespmem:s0+$0xC930]  }
0x9c: {  	v46 =	vld [tilespmem:s0+$0x540]  }
0x9d: {  	v47 =	vld [tilespmem:s0+$0xC540]  }
0x9e: {  	v48 =	vld [tilespmem:s0+$0x550]  }
0x9f: {  	v49 =	vld [tilespmem:s0+$0xC550]  }
0xa0: {  	v50 =	vld [tilespmem:s0+$0x560]  }
0xa1: {  	v51 =	vld [tilespmem:s0+$0xC560]  }
0xa2: {  	v52 =	vld [tilespmem:s0+$0x570]  }
0xa3: {  	v53 =	vld [tilespmem:s0+$0xC570]  }
0xa4: {  	v54 =	vld [tilespmem:s0+$0x500]  }
0xa5: {  	v55 =	vld [tilespmem:s0+$0xC500]  }
0xa6: {  	v56 =	vld [tilespmem:s0+$0x510]  }
0xa7: {  	v57 =	vld [tilespmem:s0+$0xC510]  }
0xa8: {  	v58 =	vld [tilespmem:s0+$0x520]  }
0xa9: {  	v59 =	vld [tilespmem:s0+$0xC520]  }
0xaa: {  	v31 =	vld [tilespmem:s0+$0x530]  }
0xab: {  	v33 =	vld [tilespmem:s0+$0xC530];
	v15 =	vsub.f32 v3, v4  }
0xac: {  	v29 =	vld [tilespmem:s0+$0x140];
	v16 =	vsub.f32 v5, v6;
	v4 =	vsub.f32 v7, v8  }
0xad: {  	v34 =	vld [tilespmem:s0+$0xC140];
	v17 =	vsub.f32 v11, v12;
	v3 =	vsub.f32 v9, v10  }
0xae: {  	v32 =	vld [tilespmem:s0+$0x150];
	v18 =	vsub.f32 v13, v14;
	v6 =	vsub.f32 v19, v20  }
0xaf: {  	v35 =	vld [tilespmem:s0+$0xC150];
	v21 =	vsub.f32 v21, v24;
	v5 =	vsub.f32 v22, v23  }
0xb0: {  	v25 =	vld [tilespmem:s0+$0x160];
	v22 =	vsub.f32 v26, v27;
	v8 =	vsub.f32 v28, v30  }
0xb1: {  	v26 =	vld [tilespmem:s0+$0xC160];
	v23 =	vsub.f32 v38, v39;
	v7 =	vsub.f32 v36, v37  }
0xb2: {  	v38 =	vld [tilespmem:s0+$0x100];
	v24 =	vsub.f32 v40, v41;
	v14 =	vsub.f32 v42, v43  }
0xb3: {  	v40 =	vld [tilespmem:s0+$0xC100];
	v28 =	vsub.f32 v46, v47;
	v13 =	vsub.f32 v44, v45  }
0xb4: {  	v39 =	vld [tilespmem:s0+$0x110];
	v30 =	vsub.f32 v48, v49;
	v20 =	vsub.f32 v50, v51  }
0xb5: {  	v41 =	vld [tilespmem:s0+$0xC110];
	v36 =	vsub.f32 v54, v55;
	v19 =	vsub.f32 v52, v53  }
0xb6: {  	v11 =	vimm.f32 $0.0e+00;
	v42 =	vld [tilespmem:s0+$0x120];
	v37 =	vsub.f32 v56, v57;
	v27 =	vsub.f32 v58, v59  }
0xb7: {  	s1 =	simm.s32 $0x200;
	s15 =	simm.s32 $0x0;
	v43 =	vld [tilespmem:s0+$0xC120];
	v12 =	vimm.f32 $0.0e+00;
	v10 =	vimm.f32 $0.0e+00;
	v9 =	vimm.f32 $0.0e+00  }
.LBB2_2:
0xb8: {  	p0 =	sne.s32 s1, $0x3E00;
	v44 =	vld [tilespmem:s0+$0x130];
	v31 =	vsub.f32 v31, v33;
	v33 =	vmul.f32 v15, v15;
	v45 =	vmul.f32 v16, v16  }
0xb9: {  	v29 =	vsub.f32 v29, v34;
	v34 =	vmul.f32 v17, v17;
	v47 =	vmul.f32 v18, v18;
	s15 =	sadd.s32 $0x80, s15;
	v46 =	vld [tilespmem:s0+$0xC130]  }
0xba: {  	s16 =	sand.u32 $0x3000, s1;
	v18 =	vsub.f32 v32, v35;
	v35 =	vmul.f32 v21, v21;
	v48 =	vmul.f32 v22, v22;
	s17 =	sand.u32 $0x380, s15;
	v32 =	vld [tilespmem:s0+$0x170]  }
0xbb: {  	v21 =	vsub.f32 v38, v40;
	v38 =	vmul.f32 v23, v23;
	v40 =	vmul.f32 v24, v24;
	v22 =	vld [tilespmem:s0+$0xC170];
	s0 =	sor.u32 s17, s16  }
0xbc: {  	v28 =	vmul.f32 v28, v28;
	v30 =	vmul.f32 v30, v30;
	v23 =	vsub.f32 v39, v41;
	v15 =	vld [tilespmem:s0+$0xD40]  }
0xbd: {  	v36 =	vmul.f32 v36, v36;
	v37 =	vmul.f32 v37, v37;
	v24 =	vsub.f32 v42, v43;
	v16 =	vld [tilespmem:s0+$0xCD40]  }
0xbe: {  	v29 =	vmul.f32 v29, v29;
	v41 =	vmul.f32 v18, v18;
	v17 =	vld [tilespmem:s0+$0xD50];
	v39 =	vsub.f32 v44, v46  }
0xbf: {  	v25 =	vsub.f32 v25, v26;
	v42 =	vmul.f32 v21, v21;
	v23 =	vmul.f32 v23, v23;
	v18 =	vld [tilespmem:s0+$0xCD50]  }
0xc0: {  	v24 =	vmul.f32 v24, v24;
	v21 =	vld [tilespmem:s0+$0xD60];
	v26 =	vmul.f32 v39, v39;
	v32 =	vsub.f32 v32, v22  }
0xc1: {  	v25 =	vmul.f32 v25, v25;
	v11 =	vadd.f32 v42, v11;
	v12 =	vadd.f32 v23, v12;
	v22 =	vld [tilespmem:s0+$0xCD60]  }
0xc2: {  	v10 =	vadd.f32 v24, v10;
	v23 =	vld [tilespmem:s0+$0xD70];
	v9 =	vadd.f32 v26, v9;
	v26 =	vmul.f32 v32, v32  }
0xc3: {  	v27 =	vmul.f32 v27, v27;
	v11 =	vadd.f32 v29, v11;
	v12 =	vadd.f32 v41, v12;
	v24 =	vld [tilespmem:s0+$0xCD70]  }
0xc4: {  	v10 =	vadd.f32 v25, v10;
	v25 =	vmul.f32 v31, v31;
	v39 =	vld [tilespmem:s0+$0xD00];
	v9 =	vadd.f32 v26, v9  }
0xc5: {  	v20 =	vmul.f32 v20, v20;
	v11 =	vadd.f32 v36, v11;
	v12 =	vadd.f32 v37, v12;
	v26 =	vld [tilespmem:s0+$0xCD00]  }
0xc6: {  	v19 =	vmul.f32 v19, v19;
	v10 =	vadd.f32 v27, v10;
	v36 =	vld [tilespmem:s0+$0xD10];
	v9 =	vadd.f32 v25, v9  }
0xc7: {  	v14 =	vmul.f32 v14, v14;
	v11 =	vadd.f32 v28, v11;
	v12 =	vadd.f32 v30, v12;
	v25 =	vld [tilespmem:s0+$0xCD10]  }
0xc8: {  	v13 =	vmul.f32 v13, v13;
	v10 =	vadd.f32 v20, v10;
	v27 =	vld [tilespmem:s0+$0xD20];
	v9 =	vadd.f32 v19, v9  }
0xc9: {  	v8 =	vmul.f32 v8, v8;
	v11 =	vadd.f32 v38, v11;
	v12 =	vadd.f32 v40, v12;
	v19 =	vld [tilespmem:s0+$0xCD20]  }
0xca: {  	v7 =	vmul.f32 v7, v7;
	v10 =	vadd.f32 v14, v10;
	v20 =	vld [tilespmem:s0+$0xD30];
	v9 =	vadd.f32 v13, v9  }
0xcb: {  	v6 =	vmul.f32 v6, v6;
	v11 =	vadd.f32 v35, v11;
	v12 =	vadd.f32 v48, v12;
	v13 =	vld [tilespmem:s0+$0xCD30]  }
0xcc: {  	v5 =	vmul.f32 v5, v5;
	v8 =	vadd.f32 v8, v10;
	v14 =	vld [tilespmem:s0+$0x940];
	v7 =	vadd.f32 v7, v9  }
0xcd: {  	v4 =	vmul.f32 v4, v4;
	v10 =	vadd.f32 v47, v12;
	v9 =	vadd.f32 v34, v11;
	v28 =	vld [tilespmem:s0+$0xC940]  }
0xce: {  	v3 =	vmul.f32 v3, v3;
	v6 =	vadd.f32 v6, v8;
	v30 =	vld [tilespmem:s0+$0x950];
	v5 =	vadd.f32 v5, v7  }
0xcf: {  	v12 =	vadd.f32 v45, v10;
	v11 =	vadd.f32 v33, v9;
	v7 =	vld [tilespmem:s0+$0xC950]  }
0xd0: {  	v10 =	vadd.f32 v4, v6;
	v8 =	vld [tilespmem:s0+$0x960];
	v9 =	vadd.f32 v3, v5  }
0xd1: {  	v37 =	vld [tilespmem:s0+$0xC960]  }
0xd2: {  	v40 =	vld [tilespmem:s0+$0x970]  }
0xd3: {  	v41 =	vld [tilespmem:s0+$0xC970]  }
0xd4: {  	v42 =	vld [tilespmem:s0+$0x900]  }
0xd5: {  	v43 =	vld [tilespmem:s0+$0xC900]  }
0xd6: {  	v44 =	vld [tilespmem:s0+$0x910]  }
0xd7: {  	v45 =	vld [tilespmem:s0+$0xC910]  }
0xd8: {  	v46 =	vld [tilespmem:s0+$0x920]  }
0xd9: {  	v47 =	vld [tilespmem:s0+$0xC920]  }
0xda: {  	v48 =	vld [tilespmem:s0+$0x930]  }
0xdb: {  	v49 =	vld [tilespmem:s0+$0xC930]  }
0xdc: {  	v50 =	vld [tilespmem:s0+$0x540]  }
0xdd: {  	v51 =	vld [tilespmem:s0+$0xC540]  }
0xde: {  	v52 =	vld [tilespmem:s0+$0x550]  }
0xdf: {  	v53 =	vld [tilespmem:s0+$0xC550]  }
0xe0: {  	v54 =	vld [tilespmem:s0+$0x560]  }
0xe1: {  	v55 =	vld [tilespmem:s0+$0xC560]  }
0xe2: {  	v56 =	vld [tilespmem:s0+$0x570]  }
0xe3: {  	v57 =	vld [tilespmem:s0+$0xC570]  }
0xe4: {  	v58 =	vld [tilespmem:s0+$0x500]  }
0xe5: {  	v59 =	vld [tilespmem:s0+$0xC500]  }
0xe6: {  	v60 =	vld [tilespmem:s0+$0x510]  }
0xe7: {  	v61 =	vld [tilespmem:s0+$0xC510]  }
0xe8: {  	v62 =	vld [tilespmem:s0+$0x520]  }
0xe9: {  	v63 =	vld [tilespmem:s0+$0xC520]  }
0xea: {  	v31 =	vld [tilespmem:s0+$0x530]  }
0xeb: {  	v33 =	vld [tilespmem:s0+$0xC530]  }
0xec: {  	v15 =	vsub.f32 v15, v16;
	v29 =	vld [tilespmem:s0+$0x140]  }
0xed: {  	v16 =	vsub.f32 v17, v18;
	v4 =	vsub.f32 v21, v22;
	v34 =	vld [tilespmem:s0+$0xC140]  }
0xee: {  	v17 =	vsub.f32 v39, v26;
	v3 =	vsub.f32 v23, v24;
	v32 =	vld [tilespmem:s0+$0x150]  }
0xef: {  	v18 =	vsub.f32 v36, v25;
	v6 =	vsub.f32 v27, v19;
	v35 =	vld [tilespmem:s0+$0xC150]  }
0xf0: {  	v5 =	vsub.f32 v20, v13;
	v21 =	vsub.f32 v14, v28;
	v25 =	vld [tilespmem:s0+$0x160]  }
0xf1: {  	v22 =	vsub.f32 v30, v7;
	v8 =	vsub.f32 v8, v37;
	v26 =	vld [tilespmem:s0+$0xC160]  }
0xf2: {  	v7 =	vsub.f32 v40, v41;
	v23 =	vsub.f32 v42, v43;
	v38 =	vld [tilespmem:s0+$0x100]  }
.Ltmp0:
0xf3: {  	v24 =	vsub.f32 v44, v45;
	v14 =	vsub.f32 v46, v47;
	v40 =	vld [tilespmem:s0+$0xC100];
	(pc) =	sbr.rel @p0 .LBB2_2-.Ltmp0, $4  }
0xf4: {  	v13 =	vsub.f32 v48, v49;
	v28 =	vsub.f32 v50, v51;
	v39 =	vld [tilespmem:s0+$0x110]  }
0xf5: {  	v30 =	vsub.f32 v52, v53;
	v20 =	vsub.f32 v54, v55;
	v41 =	vld [tilespmem:s0+$0xC110]  }
0xf6: {  	v19 =	vsub.f32 v56, v57;
	v36 =	vsub.f32 v58, v59;
	v42 =	vld [tilespmem:s0+$0x120]  }
0xf7: {  	s1 =	sadd.s32 $0x200, s1;
	v37 =	vsub.f32 v60, v61;
	v27 =	vsub.f32 v62, v63;
	v43 =	vld [tilespmem:s0+$0xC120]  }
0xf8: {  	v44 =	vld [tilespmem:s0+$0x130]  }
0xf9: {  	v45 =	vld [tilespmem:s0+$0xC130]  }
0xfa: {  	v46 =	vld [tilespmem:s0+$0x170];
	s1 =	simm.s32 $0x0;
	s17 =	simm.s32 $0x100  }
0xfb: {  	v47 =	vld [tilespmem:s0+$0xC170];
	[tilespmem:s17], [sflag:$0x1] =	stream.linear.gather [hbm4b:s9+s1], $0x4000, $0x38  }
0xfc: {  	v48 =	vld [tilespmem:$0x60];
	_ =	sdelay $0x2  }
0xfd: {  	v0 =	vld [tilespmem:$0x1FFD0];
	_ =	sdelay $0x1  }
0xfe: {  	v1 =	vld [tilespmem:$0x1FFE0];
	v49 =	vshll.u32 v48, $0x2  }
0xff: {  	v48 =	vand.u32 $0x7, v48;
	v49 =	vand.u32 $0xFFFFFFE0, v49  }
0x100: {  	v2 =	vld [tilespmem:$0x1FFF0];
	v48 =	vor.u32 v48, v49  }
0x101: {  	v49 =	vperm.xlane v48, v0;
	_ =	sdelay $0x1  }
0x102: {  	v49 =	vadd.s32 v1, v49;
	_ =	sdelay $0x1  }
0x103: {  	v48 =	vperm.xlane v48, v2;
	_ =	sdelay $0x1  }
0x104: {  	s15 =	simm.s32 $0xC100;
	v48 =	vadd.s32 v1, v48  }
0x105: {  	[tilespmem:s15], [sflag:$0x4] =	stream.indirect_vreg.gather [hbm4b:s2+s1], $0x80, v49, vm0, $0xb8;
	[tilespmem:$0x18180] =	vst v63  }
0x106: {  	s16 =	simm.s32 $0xC900  }
0x107: {  	[tilespmem:s16], [sflag:$0x4] =	stream.indirect_vreg.gather [hbm4b:s6+s1], $0x80, v49, vm0, $0xb8;
	[tilespmem:$0x18180] =	vst v63  }
0x108: {  	s17 =	simm.s32 $0xD100  }
0x109: {  	[tilespmem:s17], [sflag:$0x4] =	stream.indirect_vreg.gather [hbm4b:s2+s1], $0x80, v48, vm0, $0xb8;
	[tilespmem:$0x18180] =	vst v63  }
0x10a: {  	s15 =	simm.s32 $0xD900  }
0x10b: {  	[tilespmem:s15], [sflag:$0x4] =	stream.indirect_vreg.gather [hbm4b:s6+s1], $0x80, v48, vm0, $0xb8;
	[tilespmem:$0x18180] =	vst v63  }
0x10c: {  	v48 =	vld [tilespmem:$0x70];
	_ =	sdelay $0x4  }
0x10d: {  	v63 =	vshll.u32 v48, $0x2  }
0x10e: {  	v48 =	vand.u32 $0x7, v48;
	v49 =	vand.u32 $0xFFFFFFE0, v63  }
0x10f: {  	v48 =	vor.u32 v48, v49  }
0x110: {  	v49 =	vperm.xlane v48, v0;
	_ =	sdelay $0x1  }
0x111: {  	v49 =	vadd.s32 v1, v49;
	_ =	sdelay $0x1  }
0x112: {  	v48 =	vperm.xlane v48, v2;
	_ =	sdelay $0x1  }
0x113: {  	s16 =	simm.s32 $0xE100;
	v48 =	vadd.s32 v1, v48  }
0x114: {  	[tilespmem:s16], [sflag:$0x4] =	stream.indirect_vreg.gather [hbm4b:s2+s1], $0x80, v49, vm0, $0xb8;
	[tilespmem:$0x18180] =	vst v63  }
0x115: {  	s17 =	simm.s32 $0xE900  }
0x116: {  	[tilespmem:s17], [sflag:$0x4] =	stream.indirect_vreg.gather [hbm4b:s6+s1], $0x80, v49, vm0, $0xb8;
	[tilespmem:$0x18180] =	vst v63  }
0x117: {  	s15 =	simm.s32 $0xF100  }
0x118: {  	[tilespmem:s15], [sflag:$0x4] =	stream.indirect_vreg.gather [hbm4b:s2+s1], $0x80, v48, vm0, $0xb8;
	[tilespmem:$0x18180] =	vst v63  }
0x119: {  	s16 =	simm.s32 $0xF900  }
0x11a: {  	[tilespmem:s16], [sflag:$0x4] =	stream.indirect_vreg.gather [hbm4b:s6+s1], $0x80, v48, vm0, $0xb8;
	[tilespmem:$0x18180] =	vst v63  }
0x11b: {  	_ =	swait.ge [sflag:s26], $0x4000  }
0x11c: {  	[sflag:s26] =	ssyncset.done $0x0  }
0x11d: {  	[sflag:s26] =	ssyncadd.s32 $0xFFFFC000  }
0x11e: {  	_ =	swait.ge [sflag:s28], $0x4000  }
0x11f: {  	s17 =	sand.u32 $0x3000, s1;
	s15 =	sand.u32 $0x380, s1;
	[sflag:s28] =	ssyncset.done $0x0  }
0x120: {  	s0 =	sor.u32 s15, s17;
	[sflag:s28] =	ssyncadd.s32 $0xFFFFC000  }
0x121: {  	v0 =	vld [tilespmem:s0+$0x4D40]  }
0x122: {  	v62 =	vld [tilespmem:s0+$0x4D00]  }
0x123: {  	v60 =	vld [tilespmem:s0+$0x10D00]  }
0x124: {  	v61 =	vld [tilespmem:s0+$0x10D20]  }
0x125: {  	v63 =	vld [tilespmem:s0+$0x10D30]  }
0x126: {  	v55 =	vld [tilespmem:s0+$0x4940]  }
0x127: {  	v53 =	vld [tilespmem:s0+$0x10940]  }
0x128: {  	v59 =	vld [tilespmem:s0+$0x4950]  }
0x129: {  	v56 =	vld [tilespmem:s0+$0x10950]  }
0x12a: {  	v57 =	vld [tilespmem:s0+$0x4960]  }
0x12b: {  	[tilespmem:$0x1FF10] =	vst v0;
	v0 =	vld [tilespmem:s0+$0x10D40]  }
0x12c: {  	v45 =	vsub.f32 v44, v45;
	v54 =	vld [tilespmem:s0+$0x10960]  }
0x12d: {  	v32 =	vsub.f32 v32, v35;
	v35 =	vsub.f32 v42, v43;
	v58 =	vld [tilespmem:s0+$0x4970]  }
0x12e: {  	v25 =	vsub.f32 v25, v26;
	v26 =	vsub.f32 v46, v47;
	v47 =	vmul.f32 v45, v45;
	v52 =	vld [tilespmem:s0+$0x10970]  }
0x12f: {  	v40 =	vsub.f32 v38, v40;
	v35 =	vmul.f32 v35, v35;
	v51 =	vld [tilespmem:s0+$0x4900]  }
0x130: {  	v31 =	vsub.f32 v31, v33;
	v26 =	vmul.f32 v26, v26;
	v9 =	vadd.f32 v47, v9;
	[tilespmem:$0x1FF20] =	vst v0;
	v0 =	vld [tilespmem:s0+$0x4D50]  }
0x131: {  	v33 =	vmul.f32 v40, v40;
	v25 =	vmul.f32 v25, v25;
	v10 =	vadd.f32 v35, v10;
	v40 =	vld [tilespmem:s0+$0x10900]  }
0x132: {  	v9 =	vadd.f32 v26, v9;
	v26 =	vmul.f32 v28, v28;
	v28 =	vmul.f32 v31, v31;
	v50 =	vld [tilespmem:s0+$0x4910]  }
0x133: {  	v19 =	vmul.f32 v19, v19;
	v49 =	vld [tilespmem:s0+$0x10910]  }
0x134: {  	v27 =	vmul.f32 v27, v27;
	v10 =	vadd.f32 v25, v10;
	v9 =	vadd.f32 v28, v9;
	v48 =	vld [tilespmem:s0+$0x4920]  }
0x135: {  	v29 =	vsub.f32 v29, v34;
	v20 =	vmul.f32 v20, v20;
	v34 =	vsub.f32 v39, v41;
	[tilespmem:$0x1FF30] =	vst v0;
	v0 =	vld [tilespmem:s0+$0x10D50]  }
0x136: {  	v13 =	vmul.f32 v13, v13;
	v10 =	vadd.f32 v27, v10;
	v9 =	vadd.f32 v19, v9;
	v39 =	vld [tilespmem:s0+$0x10920]  }
0x137: {  	v14 =	vmul.f32 v14, v14;
	v34 =	vmul.f32 v34, v34;
	v46 =	vld [tilespmem:s0+$0x4930]  }
0x138: {  	v7 =	vmul.f32 v7, v7;
	v10 =	vadd.f32 v20, v10;
	v9 =	vadd.f32 v13, v9;
	v45 =	vld [tilespmem:s0+$0x10930]  }
0x139: {  	v8 =	vmul.f32 v8, v8;
	v32 =	vmul.f32 v32, v32;
	v12 =	vadd.f32 v34, v12;
	v44 =	vld [tilespmem:s0+$0x4540]  }
0x13a: {  	v5 =	vmul.f32 v5, v5;
	v10 =	vadd.f32 v14, v10;
	v7 =	vadd.f32 v7, v9;
	[tilespmem:$0x1FF40] =	vst v0;
	v0 =	vld [tilespmem:s0+$0x4D60]  }
0x13b: {  	v6 =	vmul.f32 v6, v6;
	v12 =	vadd.f32 v32, v12;
	v42 =	vld [tilespmem:s0+$0x10540]  }
0x13c: {  	v3 =	vmul.f32 v3, v3;
	v8 =	vadd.f32 v8, v10;
	v5 =	vadd.f32 v5, v7;
	v32 =	vld [tilespmem:s0+$0x4550]  }
0x13d: {  	v4 =	vmul.f32 v4, v4;
	v11 =	vadd.f32 v33, v11;
	v47 =	vld [tilespmem:s0+$0x10550]  }
0x13e: {  	v29 =	vmul.f32 v29, v29;
	v6 =	vadd.f32 v6, v8;
	v8 =	vadd.f32 v3, v5;
	v3 =	vld [tilespmem:$0x1FF10]  }
0x13f: {  	[tilespmem:$0x1FF50] =	vst v0;
	v0 =	vld [tilespmem:s0+$0x10D60]  }
0x140: {  	v11 =	vadd.f32 v29, v11;
	v29 =	vmul.f32 v36, v36;
	v7 =	vadd.f32 v4, v6;
	v4 =	vld [tilespmem:$0x1FF20]  }
0x141: {  	v25 =	vmul.f32 v37, v37;
	v41 =	vld [tilespmem:s0+$0x4560]  }
0x142: {  	v11 =	vadd.f32 v29, v11;
	v20 =	vld [tilespmem:s0+$0x10560]  }
0x143: {  	v12 =	vadd.f32 v25, v12;
	v25 =	vmul.f32 v30, v30;
	v43 =	vld [tilespmem:s0+$0x4570]  }
0x144: {  	v23 =	vmul.f32 v23, v23;
	v24 =	vmul.f32 v24, v24;
	v11 =	vadd.f32 v26, v11;
	[tilespmem:$0x1FF60] =	vst v0;
	v0 =	vld [tilespmem:s0+$0x4D70]  }
0x145: {  	v12 =	vadd.f32 v25, v12;
	v10 =	vmul.f32 v15, v15;
	v15 =	vsub.f32 v3, v4;
	v3 =	vld [tilespmem:$0x1FF30]  }
0x146: {  	v21 =	vmul.f32 v21, v21;
	v11 =	vadd.f32 v23, v11;
	v4 =	vld [tilespmem:$0x1FF40]  }
0x147: {  	v12 =	vadd.f32 v24, v12;
	v14 =	vmul.f32 v22, v22;
	v37 =	vld [tilespmem:s0+$0x10570]  }
0x148: {  	v13 =	vmul.f32 v17, v17;
	v11 =	vadd.f32 v21, v11;
	v36 =	vld [tilespmem:s0+$0x4500]  }
0x149: {  	v12 =	vadd.f32 v14, v12;
	v14 =	vmul.f32 v18, v18;
	[tilespmem:$0x1FF70] =	vst v0;
	v0 =	vld [tilespmem:s0+$0x10D70]  }
0x14a: {  	v9 =	vadd.f32 v13, v11;
	v19 =	vld [tilespmem:s0+$0x10500]  }
0x14b: {  	v11 =	vadd.f32 v14, v12;
	v12 =	vmul.f32 v16, v16;
	v16 =	vsub.f32 v3, v4;
	v3 =	vld [tilespmem:$0x1FF50]  }
0x14c: {  	v4 =	vld [tilespmem:$0x1FF60]  }
0x14d: {  	v27 =	vld [tilespmem:s0+$0x4510]  }
0x14e: {  	[tilespmem:$0x1FF80] =	vst v0;
	v0 =	vld [tilespmem:s0+$0x4D10]  }
0x14f: {  	v2 =	vld [tilespmem:s0+$0x10510]  }
0x150: {  	v1 =	vld [tilespmem:s0+$0x4520]  }
0x151: {  	v4 =	vsub.f32 v3, v4;
	v3 =	vld [tilespmem:$0x1FF70]  }
0x152: {  	v5 =	vld [tilespmem:$0x1FF80]  }
0x153: {  	[tilespmem:$0x1FF90] =	vst v0;
	v0 =	vld [tilespmem:s0+$0x10D10]  }
0x154: {  	v28 =	vld [tilespmem:s0+$0x4530]  }
0x155: {  	v33 =	vld [tilespmem:s0+$0x10530]  }
0x156: {  	v29 =	vld [tilespmem:s0+$0x4140]  }
0x157: {  	v3 =	vsub.f32 v3, v5;
	v5 =	vld [tilespmem:$0x1FF90]  }
0x158: {  	[tilespmem:$0x1FFA0] =	vst v0;
	v0 =	vld [tilespmem:s0+$0x4D20]  }
0x159: {  	v6 =	vld [tilespmem:$0x1FFA0]  }
0x15a: {  	v34 =	vld [tilespmem:s0+$0x10140]  }
0x15b: {  	v31 =	vld [tilespmem:s0+$0x4150]  }
0x15c: {  	v35 =	vld [tilespmem:s0+$0x10150]  }
0x15d: {  	[tilespmem:$0x1FFB0] =	vst v0;
	v0 =	vld [tilespmem:s0+$0x4D30]  }
0x15e: {  	v18 =	vsub.f32 v5, v6;
	v5 =	vld [tilespmem:$0x1FFB0]  }
0x15f: {  	v10 =	vadd.f32 v10, v9;
	v9 =	vadd.f32 v12, v11;
	v24 =	vld [tilespmem:s0+$0x4160]  }
0x160: {  	v26 =	vld [tilespmem:s0+$0x10160];
	v17 =	vsub.f32 v62, v60;
	v21 =	vsub.f32 v55, v53  }
0x161: {  	v38 =	vld [tilespmem:s0+$0x4100];
	v22 =	vsub.f32 v59, v56;
	v12 =	vsub.f32 v57, v54  }
0x162: {  	v23 =	vsub.f32 v51, v40;
	v11 =	vsub.f32 v58, v52;
	[tilespmem:$0x1FFC0] =	vst v0;
	v0 =	vld [tilespmem:s0+$0x10520]  }
0x163: {  	v25 =	vsub.f32 v50, v49;
	v6 =	vsub.f32 v5, v61;
	v5 =	vld [tilespmem:$0x1FFC0]  }
0x164: {  	v40 =	vld [tilespmem:s0+$0x10100];
	v14 =	vsub.f32 v48, v39;
	v30 =	vsub.f32 v44, v42  }
0x165: {  	v39 =	vld [tilespmem:s0+$0x4110];
	v13 =	vsub.f32 v46, v45;
	v32 =	vsub.f32 v32, v47  }
0x166: {  	v42 =	vld [tilespmem:s0+$0x10110];
	v20 =	vsub.f32 v41, v20;
	v36 =	vsub.f32 v36, v19  }
0x167: {  	v41 =	vld [tilespmem:s0+$0x4120];
	v19 =	vsub.f32 v43, v37;
	v37 =	vsub.f32 v27, v2  }
0x168: {  	s15 =	simm.s32 $0x200;
	v43 =	vld [tilespmem:s0+$0x10120];
	v27 =	vsub.f32 v1, v0;
	v5 =	vsub.f32 v5, v63  }
.LBB2_4:
0x169: {  	p0 =	sne.s32 s15, $0x3E00;
	v0 =	vld [tilespmem:s0+$0x4130];
	v1 =	vsub.f32 v28, v33;
	v2 =	vmul.f32 v15, v15;
	v28 =	vmul.f32 v16, v16  }
0x16a: {  	v29 =	vsub.f32 v29, v34;
	v34 =	vmul.f32 v17, v17;
	v44 =	vmul.f32 v18, v18;
	s1 =	sadd.s32 $0x80, s1;
	v33 =	vld [tilespmem:s0+$0x10130]  }
0x16b: {  	s16 =	sand.u32 $0x3000, s15;
	v18 =	vsub.f32 v31, v35;
	v35 =	vmul.f32 v21, v21;
	v45 =	vmul.f32 v22, v22;
	s17 =	sand.u32 $0x380, s1;
	v31 =	vld [tilespmem:s0+$0x4170]  }
0x16c: {  	v21 =	vsub.f32 v38, v40;
	v38 =	vmul.f32 v23, v23;
	v25 =	vmul.f32 v25, v25;
	v22 =	vld [tilespmem:s0+$0x10170];
	s0 =	sor.u32 s17, s16  }
0x16d: {  	v30 =	vmul.f32 v30, v30;
	v32 =	vmul.f32 v32, v32;
	v23 =	vsub.f32 v39, v42;
	v15 =	vld [tilespmem:s0+$0x4D40]  }
0x16e: {  	v36 =	vmul.f32 v36, v36;
	v37 =	vmul.f32 v37, v37;
	v39 =	vsub.f32 v41, v43;
	v16 =	vld [tilespmem:s0+$0x10D40]  }
0x16f: {  	v29 =	vmul.f32 v29, v29;
	v17 =	vld [tilespmem:s0+$0x4D50];
	v0 =	vsub.f32 v0, v33;
	v33 =	vmul.f32 v18, v18  }
0x170: {  	v24 =	vsub.f32 v24, v26;
	v40 =	vmul.f32 v21, v21;
	v23 =	vmul.f32 v23, v23;
	v18 =	vld [tilespmem:s0+$0x10D50]  }
0x171: {  	v26 =	vmul.f32 v39, v39;
	v21 =	vld [tilespmem:s0+$0x4D60];
	v0 =	vmul.f32 v0, v0;
	v31 =	vsub.f32 v31, v22  }
0x172: {  	v10 =	vadd.f32 v40, v10;
	v9 =	vadd.f32 v23, v9;
	v39 =	vmul.f32 v24, v24;
	v22 =	vld [tilespmem:s0+$0x10D60]  }
0x173: {  	v7 =	vadd.f32 v26, v7;
	v23 =	vld [tilespmem:s0+$0x4D70];
	v0 =	vadd.f32 v0, v8;
	v8 =	vmul.f32 v31, v31  }
0x174: {  	v10 =	vadd.f32 v29, v10;
	v9 =	vadd.f32 v33, v9;
	v26 =	vmul.f32 v27, v27;
	v24 =	vld [tilespmem:s0+$0x10D70]  }
0x175: {  	v1 =	vmul.f32 v1, v1;
	v7 =	vadd.f32 v39, v7;
	v27 =	vld [tilespmem:s0+$0x4D00];
	v0 =	vadd.f32 v8, v0  }
0x176: {  	v9 =	vadd.f32 v37, v9;
	v8 =	vadd.f32 v36, v10;
	v10 =	vmul.f32 v20, v20;
	v39 =	vld [tilespmem:s0+$0x10D00]  }
0x177: {  	v7 =	vadd.f32 v26, v7;
	v20 =	vld [tilespmem:s0+$0x4D10];
	v0 =	vadd.f32 v1, v0;
	v1 =	vmul.f32 v19, v19  }
0x178: {  	v14 =	vmul.f32 v14, v14;
	v9 =	vadd.f32 v32, v9;
	v8 =	vadd.f32 v30, v8;
	v19 =	vld [tilespmem:s0+$0x10D10]  }
0x179: {  	v7 =	vadd.f32 v10, v7;
	v26 =	vld [tilespmem:s0+$0x4D20];
	v0 =	vadd.f32 v1, v0;
	v1 =	vmul.f32 v13, v13  }
0x17a: {  	v9 =	vadd.f32 v25, v9;
	v10 =	vmul.f32 v12, v12;
	v8 =	vadd.f32 v38, v8;
	v13 =	vld [tilespmem:s0+$0x10D20]  }
0x17b: {  	v7 =	vadd.f32 v14, v7;
	v12 =	vld [tilespmem:s0+$0x4D30];
	v0 =	vadd.f32 v1, v0;
	v1 =	vmul.f32 v11, v11  }
0x17c: {  	v6 =	vmul.f32 v6, v6;
	v9 =	vadd.f32 v45, v9;
	v8 =	vadd.f32 v35, v8;
	v11 =	vld [tilespmem:s0+$0x10D30]  }
0x17d: {  	v7 =	vadd.f32 v10, v7;
	v14 =	vld [tilespmem:s0+$0x4940];
	v0 =	vadd.f32 v1, v0;
	v1 =	vmul.f32 v5, v5  }
0x17e: {  	v4 =	vmul.f32 v4, v4;
	v9 =	vadd.f32 v44, v9;
	v8 =	vadd.f32 v34, v8;
	v5 =	vld [tilespmem:s0+$0x10940]  }
0x17f: {  	v6 =	vadd.f32 v6, v7;
	v25 =	vld [tilespmem:s0+$0x4950];
	v0 =	vadd.f32 v1, v0;
	v1 =	vmul.f32 v3, v3  }
0x180: {  	v9 =	vadd.f32 v28, v9;
	v10 =	vadd.f32 v2, v8;
	v30 =	vld [tilespmem:s0+$0x10950]  }
0x181: {  	v7 =	vadd.f32 v4, v6;
	v2 =	vld [tilespmem:s0+$0x4960];
	v8 =	vadd.f32 v1, v0  }
0x182: {  	v0 =	vld [tilespmem:s0+$0x10960]  }
0x183: {  	v1 =	vld [tilespmem:s0+$0x4970]  }
0x184: {  	v32 =	vld [tilespmem:s0+$0x10970]  }
0x185: {  	v36 =	vld [tilespmem:s0+$0x4900]  }
0x186: {  	v37 =	vld [tilespmem:s0+$0x10900]  }
0x187: {  	v41 =	vld [tilespmem:s0+$0x4910]  }
0x188: {  	v42 =	vld [tilespmem:s0+$0x10910]  }
0x189: {  	v43 =	vld [tilespmem:s0+$0x4920]  }
0x18a: {  	v44 =	vld [tilespmem:s0+$0x10920]  }
0x18b: {  	v45 =	vld [tilespmem:s0+$0x4930]  }
0x18c: {  	v46 =	vld [tilespmem:s0+$0x10930]  }
0x18d: {  	v47 =	vld [tilespmem:s0+$0x4540]  }
0x18e: {  	v48 =	vld [tilespmem:s0+$0x10540]  }
0x18f: {  	v49 =	vld [tilespmem:s0+$0x4550]  }
0x190: {  	v50 =	vld [tilespmem:s0+$0x10550]  }
0x191: {  	v51 =	vld [tilespmem:s0+$0x4560]  }
0x192: {  	v52 =	vld [tilespmem:s0+$0x10560]  }
0x193: {  	v53 =	vld [tilespmem:s0+$0x4570]  }
0x194: {  	v54 =	vld [tilespmem:s0+$0x10570]  }
0x195: {  	v55 =	vld [tilespmem:s0+$0x4500]  }
0x196: {  	v56 =	vld [tilespmem:s0+$0x10500]  }
0x197: {  	v57 =	vld [tilespmem:s0+$0x4510]  }
0x198: {  	v58 =	vld [tilespmem:s0+$0x10510]  }
0x199: {  	v59 =	vld [tilespmem:s0+$0x4520]  }
0x19a: {  	v60 =	vld [tilespmem:s0+$0x10520]  }
0x19b: {  	v28 =	vld [tilespmem:s0+$0x4530]  }
0x19c: {  	v33 =	vld [tilespmem:s0+$0x10530]  }
0x19d: {  	v15 =	vsub.f32 v15, v16;
	v29 =	vld [tilespmem:s0+$0x4140]  }
0x19e: {  	v16 =	vsub.f32 v17, v18;
	v4 =	vsub.f32 v21, v22;
	v34 =	vld [tilespmem:s0+$0x10140]  }
0x19f: {  	v17 =	vsub.f32 v27, v39;
	v3 =	vsub.f32 v23, v24;
	v31 =	vld [tilespmem:s0+$0x4150]  }
0x1a0: {  	v18 =	vsub.f32 v20, v19;
	v6 =	vsub.f32 v26, v13;
	v35 =	vld [tilespmem:s0+$0x10150]  }
0x1a1: {  	v21 =	vsub.f32 v14, v5;
	v5 =	vsub.f32 v12, v11;
	v24 =	vld [tilespmem:s0+$0x4160]  }
0x1a2: {  	v22 =	vsub.f32 v25, v30;
	v12 =	vsub.f32 v2, v0;
	v26 =	vld [tilespmem:s0+$0x10160]  }
0x1a3: {  	v11 =	vsub.f32 v1, v32;
	v23 =	vsub.f32 v36, v37;
	v38 =	vld [tilespmem:s0+$0x4100]  }
.Ltmp1:
0x1a4: {  	v25 =	vsub.f32 v41, v42;
	v14 =	vsub.f32 v43, v44;
	v40 =	vld [tilespmem:s0+$0x10100];
	(pc) =	sbr.rel @p0 .LBB2_4-.Ltmp1, $4  }
0x1a5: {  	v13 =	vsub.f32 v45, v46;
	v30 =	vsub.f32 v47, v48;
	v39 =	vld [tilespmem:s0+$0x4110]  }
0x1a6: {  	v32 =	vsub.f32 v49, v50;
	v20 =	vsub.f32 v51, v52;
	v42 =	vld [tilespmem:s0+$0x10110]  }
0x1a7: {  	v19 =	vsub.f32 v53, v54;
	v36 =	vsub.f32 v55, v56;
	v41 =	vld [tilespmem:s0+$0x4120]  }
0x1a8: {  	s15 =	sadd.s32 $0x200, s15;
	v37 =	vsub.f32 v57, v58;
	v27 =	vsub.f32 v59, v60;
	v43 =	vld [tilespmem:s0+$0x10120]  }
0x1a9: {  	v0 =	vld [tilespmem:s0+$0x4130]  }
0x1aa: {  	v1 =	vld [tilespmem:s0+$0x10130]  }
0x1ab: {  	v2 =	vld [tilespmem:s0+$0x4170];
	s1 =	simm.s32 $0x0;
	s17 =	simm.s32 $0x4100  }
0x1ac: {  	v44 =	vld [tilespmem:s0+$0x10170];
	[tilespmem:s17], [sflag:$0x2] =	stream.linear.gather [hbm4b:s10+s1], $0x4000, $0x38  }
0x1ad: {  	v45 =	vld [tilespmem:$0x80];
	_ =	sdelay $0x2  }
0x1ae: {  	v47 =	vld [tilespmem:$0x1FFD0];
	_ =	sdelay $0x1  }
0x1af: {  	v48 =	vld [tilespmem:$0x1FFE0];
	v46 =	vshll.u32 v45, $0x2  }
0x1b0: {  	v45 =	vand.u32 $0x7, v45;
	v46 =	vand.u32 $0xFFFFFFE0, v46  }
0x1b1: {  	v49 =	vld [tilespmem:$0x1FFF0];
	v45 =	vor.u32 v45, v46  }
0x1b2: {  	v46 =	vperm.xlane v45, v47;
	_ =	sdelay $0x1  }
0x1b3: {  	v46 =	vadd.s32 v48, v46;
	_ =	sdelay $0x1  }
0x1b4: {  	v45 =	vperm.xlane v45, v49;
	_ =	sdelay $0x1  }
0x1b5: {  	s15 =	simm.s32 $0x10100;
	v45 =	vadd.s32 v48, v45  }
0x1b6: {  	[tilespmem:s15], [sflag:$0x5] =	stream.indirect_vreg.gather [hbm4b:s2+s1], $0x80, v46, vm0, $0xb8;
	[tilespmem:$0x18180] =	vst v63  }
0x1b7: {  	s16 =	simm.s32 $0x10900  }
0x1b8: {  	[tilespmem:s16], [sflag:$0x5] =	stream.indirect_vreg.gather [hbm4b:s6+s1], $0x80, v46, vm0, $0xb8;
	[tilespmem:$0x18180] =	vst v63  }
0x1b9: {  	s17 =	simm.s32 $0x11100  }
0x1ba: {  	[tilespmem:s17], [sflag:$0x5] =	stream.indirect_vreg.gather [hbm4b:s2+s1], $0x80, v45, vm0, $0xb8;
	[tilespmem:$0x18180] =	vst v63  }
0x1bb: {  	s15 =	simm.s32 $0x11900  }
0x1bc: {  	[tilespmem:s15], [sflag:$0x5] =	stream.indirect_vreg.gather [hbm4b:s6+s1], $0x80, v45, vm0, $0xb8;
	[tilespmem:$0x18180] =	vst v63  }
0x1bd: {  	v45 =	vld [tilespmem:$0x90];
	_ =	sdelay $0x4  }
0x1be: {  	v50 =	vshll.u32 v45, $0x2  }
0x1bf: {  	v45 =	vand.u32 $0x7, v45;
	v46 =	vand.u32 $0xFFFFFFE0, v50  }
0x1c0: {  	v45 =	vor.u32 v45, v46  }
0x1c1: {  	v46 =	vperm.xlane v45, v47;
	_ =	sdelay $0x1  }
0x1c2: {  	v46 =	vadd.s32 v48, v46;
	_ =	sdelay $0x1  }
0x1c3: {  	v45 =	vperm.xlane v45, v49;
	_ =	sdelay $0x1  }
0x1c4: {  	s16 =	simm.s32 $0x12100;
	v45 =	vadd.s32 v48, v45  }
0x1c5: {  	[tilespmem:s16], [sflag:$0x5] =	stream.indirect_vreg.gather [hbm4b:s2+s1], $0x80, v46, vm0, $0xb8;
	[tilespmem:$0x18180] =	vst v63  }
0x1c6: {  	s17 =	simm.s32 $0x12900  }
0x1c7: {  	[tilespmem:s17], [sflag:$0x5] =	stream.indirect_vreg.gather [hbm4b:s6+s1], $0x80, v46, vm0, $0xb8;
	[tilespmem:$0x18180] =	vst v63  }
0x1c8: {  	s15 =	simm.s32 $0x13100  }
0x1c9: {  	[tilespmem:s15], [sflag:$0x5] =	stream.indirect_vreg.gather [hbm4b:s2+s1], $0x80, v45, vm0, $0xb8;
	[tilespmem:$0x18180] =	vst v63  }
0x1ca: {  	s16 =	simm.s32 $0x13900  }
0x1cb: {  	[tilespmem:s16], [sflag:$0x5] =	stream.indirect_vreg.gather [hbm4b:s6+s1], $0x80, v45, vm0, $0xb8;
	[tilespmem:$0x18180] =	vst v63  }
0x1cc: {  	_ =	swait.ge [sflag:s29], $0x4000  }
0x1cd: {  	[sflag:s29] =	ssyncset.done $0x0  }
0x1ce: {  	[sflag:s29] =	ssyncadd.s32 $0xFFFFC000  }
0x1cf: {  	_ =	swait.ge [sflag:s30], $0x4000  }
0x1d0: {  	s17 =	sand.u32 $0x3000, s1;
	s15 =	sand.u32 $0x380, s1;
	[sflag:s30] =	ssyncset.done $0x0  }
0x1d1: {  	s0 =	sor.u32 s15, s17;
	[sflag:s30] =	ssyncadd.s32 $0xFFFFC000  }
0x1d2: {  	v51 =	vld [tilespmem:s0+$0x8D40]  }
0x1d3: {  	v52 =	vld [tilespmem:s0+$0x14D40]  }
0x1d4: {  	v53 =	vld [tilespmem:s0+$0x8D50]  }
0x1d5: {  	v54 =	vld [tilespmem:s0+$0x14D50]  }
0x1d6: {  	v55 =	vld [tilespmem:s0+$0x8D60]  }
0x1d7: {  	v28 =	vsub.f32 v28, v33;
	v56 =	vld [tilespmem:s0+$0x14D60]  }
0x1d8: {  	v29 =	vsub.f32 v29, v34;
	v0 =	vsub.f32 v0, v1;
	v57 =	vld [tilespmem:s0+$0x8D70]  }
0x1d9: {  	v31 =	vsub.f32 v31, v35;
	v47 =	vsub.f32 v41, v43;
	v58 =	vld [tilespmem:s0+$0x14D70]  }
0x1da: {  	v2 =	vsub.f32 v2, v44;
	v0 =	vmul.f32 v0, v0;
	v46 =	vsub.f32 v39, v42;
	v59 =	vld [tilespmem:s0+$0x8D00]  }
0x1db: {  	v24 =	vsub.f32 v24, v26;
	v26 =	vmul.f32 v47, v47;
	v45 =	vsub.f32 v38, v40;
	v60 =	vld [tilespmem:s0+$0x8D10]  }
0x1dc: {  	v2 =	vmul.f32 v2, v2;
	v0 =	vadd.f32 v0, v8;
	v1 =	vmul.f32 v46, v46;
	v61 =	vld [tilespmem:s0+$0x14D10]  }
0x1dd: {  	v24 =	vmul.f32 v24, v24;
	v7 =	vadd.f32 v26, v7;
	v33 =	vmul.f32 v45, v45;
	v62 =	vld [tilespmem:s0+$0x8D20]  }
0x1de: {  	v0 =	vadd.f32 v2, v0;
	v1 =	vadd.f32 v1, v9;
	v9 =	vmul.f32 v31, v31;
	v63 =	vld [tilespmem:s0+$0x8D30]  }
0x1df: {  	v29 =	vmul.f32 v29, v29;
	v7 =	vadd.f32 v24, v7;
	v10 =	vadd.f32 v33, v10;
	v40 =	vld [tilespmem:s0+$0x14900]  }
0x1e0: {  	v24 =	vmul.f32 v27, v27;
	v27 =	vmul.f32 v28, v28;
	v1 =	vadd.f32 v9, v1;
	v50 =	vld [tilespmem:s0+$0x14910]  }
0x1e1: {  	v9 =	vmul.f32 v36, v36;
	v8 =	vadd.f32 v29, v10;
	v10 =	vmul.f32 v37, v37;
	v49 =	vld [tilespmem:s0+$0x8920]  }
0x1e2: {  	v19 =	vmul.f32 v19, v19;
	v26 =	vmul.f32 v30, v30;
	v0 =	vadd.f32 v27, v0;
	v39 =	vld [tilespmem:s0+$0x14920]  }
0x1e3: {  	v48 =	vld [tilespmem:s0+$0x8930];
	v8 =	vadd.f32 v9, v8;
	v1 =	vadd.f32 v10, v1;
	v9 =	vmul.f32 v32, v32  }
0x1e4: {  	v7 =	vadd.f32 v24, v7;
	v0 =	vadd.f32 v19, v0;
	v47 =	vld [tilespmem:s0+$0x14930];
	v10 =	vmul.f32 v20, v20  }
0x1e5: {  	v23 =	vmul.f32 v23, v23;
	v42 =	vld [tilespmem:s0+$0x8540];
	v8 =	vadd.f32 v26, v8;
	v1 =	vadd.f32 v9, v1  }
0x1e6: {  	v30 =	vld [tilespmem:s0+$0x14540];
	v9 =	vmul.f32 v25, v25;
	v7 =	vadd.f32 v10, v7;
	v10 =	vmul.f32 v13, v13  }
0x1e7: {  	v11 =	vmul.f32 v11, v11;
	v46 =	vld [tilespmem:s0+$0x8550];
	v8 =	vadd.f32 v23, v8  }
0x1e8: {  	v41 =	vld [tilespmem:s0+$0x8560];
	v1 =	vadd.f32 v9, v1;
	v9 =	vmul.f32 v21, v21;
	v0 =	vadd.f32 v10, v0  }
0x1e9: {  	v5 =	vmul.f32 v5, v5;
	v45 =	vld [tilespmem:s0+$0x8570];
	v13 =	vmul.f32 v22, v22  }
0x1ea: {  	v43 =	vld [tilespmem:s0+$0x14570];
	v10 =	vmul.f32 v17, v17;
	v8 =	vadd.f32 v9, v8;
	v0 =	vadd.f32 v11, v0  }
0x1eb: {  	v3 =	vmul.f32 v3, v3;
	v36 =	vld [tilespmem:s0+$0x8500];
	v1 =	vadd.f32 v13, v1;
	v9 =	vmul.f32 v18, v18  }
0x1ec: {  	v19 =	vld [tilespmem:s0+$0x14500];
	v8 =	vadd.f32 v10, v8;
	v10 =	vmul.f32 v15, v15;
	v0 =	vadd.f32 v5, v0  }
0x1ed: {  	v44 =	vld [tilespmem:s0+$0x8510];
	[tilespmem:$0x1FE40] =	vst v51;
	v1 =	vadd.f32 v9, v1;
	v9 =	vmul.f32 v16, v16  }
0x1ee: {  	[tilespmem:$0x1FE50] =	vst v52;
	v10 =	vadd.f32 v10, v8;
	v8 =	vadd.f32 v3, v0;
	v0 =	vld [tilespmem:$0x1FE40]  }
0x1ef: {  	v9 =	vadd.f32 v9, v1;
	v1 =	vld [tilespmem:$0x1FE50]  }
0x1f0: {  	v37 =	vld [tilespmem:s0+$0x14510]  }
0x1f1: {  	v27 =	vld [tilespmem:s0+$0x8520]  }
0x1f2: {  	v2 =	vld [tilespmem:s0+$0x14520]  }
0x1f3: {  	v28 =	vld [tilespmem:s0+$0x8530];
	[tilespmem:$0x1FE60] =	vst v53  }
0x1f4: {  	[tilespmem:$0x1FE70] =	vst v54;
	v15 =	vsub.f32 v0, v1;
	v0 =	vld [tilespmem:$0x1FE60]  }
0x1f5: {  	v1 =	vld [tilespmem:$0x1FE70]  }
0x1f6: {  	v33 =	vld [tilespmem:s0+$0x14530]  }
0x1f7: {  	v29 =	vld [tilespmem:s0+$0x8140]  }
0x1f8: {  	v14 =	vmul.f32 v14, v14;
	v34 =	vld [tilespmem:s0+$0x14140]  }
0x1f9: {  	v31 =	vld [tilespmem:s0+$0x8150];
	[tilespmem:$0x1FE80] =	vst v55  }
0x1fa: {  	v12 =	vmul.f32 v12, v12;
	[tilespmem:$0x1FE90] =	vst v56;
	v7 =	vadd.f32 v14, v7;
	v16 =	vsub.f32 v0, v1;
	v0 =	vld [tilespmem:$0x1FE80]  }
0x1fb: {  	v1 =	vld [tilespmem:$0x1FE90]  }
0x1fc: {  	v6 =	vmul.f32 v6, v6;
	v35 =	vld [tilespmem:s0+$0x14150];
	v7 =	vadd.f32 v12, v7  }
0x1fd: {  	v24 =	vld [tilespmem:s0+$0x8160]  }
0x1fe: {  	v4 =	vmul.f32 v4, v4;
	v38 =	vld [tilespmem:s0+$0x8100];
	v6 =	vadd.f32 v6, v7  }
0x1ff: {  	[tilespmem:$0x1FEA0] =	vst v59;
	v59 =	vld [tilespmem:s0+$0x14D00]  }
0x200: {  	v7 =	vadd.f32 v4, v6;
	v4 =	vsub.f32 v0, v1;
	v0 =	vld [tilespmem:$0x1FEA0]  }
0x201: {  	v32 =	vld [tilespmem:s0+$0x14550]  }
0x202: {  	v20 =	vld [tilespmem:s0+$0x14560]  }
0x203: {  	v26 =	vld [tilespmem:s0+$0x14160];
	[tilespmem:$0x1FEC0] =	vst v58  }
0x204: {  	[tilespmem:$0x1FEB0] =	vst v57;
	v1 =	vld [tilespmem:$0x1FEC0]  }
0x205: {  	v17 =	vsub.f32 v0, v59;
	v0 =	vld [tilespmem:$0x1FEB0]  }
0x206: {  	v58 =	vld [tilespmem:s0+$0x14D20]  }
0x207: {  	[tilespmem:$0x1FED0] =	vst v60;
	v60 =	vld [tilespmem:s0+$0x14D30]  }
0x208: {  	[tilespmem:$0x1FEE0] =	vst v61;
	v61 =	vld [tilespmem:s0+$0x8940]  }
0x209: {  	[tilespmem:$0x1FEF0] =	vst v62;
	v62 =	vld [tilespmem:s0+$0x14940]  }
0x20a: {  	v3 =	vsub.f32 v0, v1;
	v0 =	vld [tilespmem:$0x1FED0]  }
0x20b: {  	v1 =	vld [tilespmem:$0x1FEE0]  }
0x20c: {  	[tilespmem:$0x1FF00] =	vst v63;
	v63 =	vld [tilespmem:s0+$0x8950]  }
0x20d: {  	v55 =	vld [tilespmem:s0+$0x14950]  }
0x20e: {  	v56 =	vld [tilespmem:s0+$0x8960]  }
0x20f: {  	v54 =	vld [tilespmem:s0+$0x14960]  }
0x210: {  	v18 =	vsub.f32 v0, v1;
	v0 =	vld [tilespmem:$0x1FEF0]  }
0x211: {  	v57 =	vld [tilespmem:s0+$0x8970]  }
0x212: {  	v53 =	vld [tilespmem:s0+$0x14970];
	v14 =	vsub.f32 v49, v39  }
0x213: {  	v52 =	vld [tilespmem:s0+$0x8900];
	v30 =	vsub.f32 v42, v30;
	v36 =	vsub.f32 v36, v19  }
0x214: {  	v51 =	vld [tilespmem:s0+$0x8910];
	v19 =	vsub.f32 v45, v43;
	v37 =	vsub.f32 v44, v37  }
0x215: {  	v27 =	vsub.f32 v27, v2;
	v6 =	vsub.f32 v0, v58;
	v0 =	vld [tilespmem:$0x1FF00]  }
0x216: {  	v39 =	vld [tilespmem:s0+$0x8110];
	v32 =	vsub.f32 v46, v32;
	v20 =	vsub.f32 v41, v20  }
0x217: {  	v42 =	vld [tilespmem:s0+$0x14110];
	v13 =	vsub.f32 v48, v47;
	v21 =	vsub.f32 v61, v62  }
0x218: {  	v43 =	vld [tilespmem:s0+$0x14120];
	v22 =	vsub.f32 v63, v55;
	v12 =	vsub.f32 v56, v54  }
0x219: {  	v23 =	vsub.f32 v52, v40;
	v11 =	vsub.f32 v57, v53;
	v40 =	vld [tilespmem:s0+$0x14100]  }
0x21a: {  	s15 =	simm.s32 $0x200;
	v41 =	vld [tilespmem:s0+$0x8120];
	v25 =	vsub.f32 v51, v50;
	v5 =	vsub.f32 v0, v60  }
.LBB2_6:
0x21b: {  	p0 =	sne.s32 s15, $0x3E00;
	v0 =	vld [tilespmem:s0+$0x8130];
	v1 =	vsub.f32 v28, v33;
	v2 =	vmul.f32 v15, v15;
	v28 =	vmul.f32 v16, v16  }
0x21c: {  	v29 =	vsub.f32 v29, v34;
	v34 =	vmul.f32 v17, v17;
	v44 =	vmul.f32 v18, v18;
	s1 =	sadd.s32 $0x80, s1;
	v33 =	vld [tilespmem:s0+$0x14130]  }
0x21d: {  	s16 =	sand.u32 $0x3000, s15;
	v18 =	vsub.f32 v31, v35;
	v35 =	vmul.f32 v21, v21;
	v45 =	vmul.f32 v22, v22;
	s17 =	sand.u32 $0x380, s1;
	v31 =	vld [tilespmem:s0+$0x8170]  }
0x21e: {  	v21 =	vsub.f32 v38, v40;
	v38 =	vmul.f32 v23, v23;
	v25 =	vmul.f32 v25, v25;
	v22 =	vld [tilespmem:s0+$0x14170];
	s0 =	sor.u32 s17, s16  }
0x21f: {  	v30 =	vmul.f32 v30, v30;
	v32 =	vmul.f32 v32, v32;
	v23 =	vsub.f32 v39, v42;
	v15 =	vld [tilespmem:s0+$0x8D40]  }
0x220: {  	v36 =	vmul.f32 v36, v36;
	v37 =	vmul.f32 v37, v37;
	v39 =	vsub.f32 v41, v43;
	v16 =	vld [tilespmem:s0+$0x14D40]  }
0x221: {  	v29 =	vmul.f32 v29, v29;
	v17 =	vld [tilespmem:s0+$0x8D50];
	v0 =	vsub.f32 v0, v33;
	v33 =	vmul.f32 v18, v18  }
0x222: {  	v24 =	vsub.f32 v24, v26;
	v40 =	vmul.f32 v21, v21;
	v23 =	vmul.f32 v23, v23;
	v18 =	vld [tilespmem:s0+$0x14D50]  }
0x223: {  	v26 =	vmul.f32 v39, v39;
	v21 =	vld [tilespmem:s0+$0x8D60];
	v0 =	vmul.f32 v0, v0;
	v31 =	vsub.f32 v31, v22  }
0x224: {  	v10 =	vadd.f32 v40, v10;
	v9 =	vadd.f32 v23, v9;
	v39 =	vmul.f32 v24, v24;
	v22 =	vld [tilespmem:s0+$0x14D60]  }
0x225: {  	v7 =	vadd.f32 v26, v7;
	v23 =	vld [tilespmem:s0+$0x8D70];
	v0 =	vadd.f32 v0, v8;
	v8 =	vmul.f32 v31, v31  }
0x226: {  	v10 =	vadd.f32 v29, v10;
	v9 =	vadd.f32 v33, v9;
	v26 =	vmul.f32 v27, v27;
	v24 =	vld [tilespmem:s0+$0x14D70]  }
0x227: {  	v1 =	vmul.f32 v1, v1;
	v7 =	vadd.f32 v39, v7;
	v27 =	vld [tilespmem:s0+$0x8D00];
	v0 =	vadd.f32 v8, v0  }
0x228: {  	v9 =	vadd.f32 v37, v9;
	v8 =	vadd.f32 v36, v10;
	v10 =	vmul.f32 v20, v20;
	v39 =	vld [tilespmem:s0+$0x14D00]  }
0x229: {  	v7 =	vadd.f32 v26, v7;
	v20 =	vld [tilespmem:s0+$0x8D10];
	v0 =	vadd.f32 v1, v0;
	v1 =	vmul.f32 v19, v19  }
0x22a: {  	v14 =	vmul.f32 v14, v14;
	v9 =	vadd.f32 v32, v9;
	v8 =	vadd.f32 v30, v8;
	v19 =	vld [tilespmem:s0+$0x14D10]  }
0x22b: {  	v7 =	vadd.f32 v10, v7;
	v26 =	vld [tilespmem:s0+$0x8D20];
	v0 =	vadd.f32 v1, v0;
	v1 =	vmul.f32 v13, v13  }
0x22c: {  	v9 =	vadd.f32 v25, v9;
	v10 =	vmul.f32 v12, v12;
	v8 =	vadd.f32 v38, v8;
	v13 =	vld [tilespmem:s0+$0x14D20]  }
0x22d: {  	v7 =	vadd.f32 v14, v7;
	v12 =	vld [tilespmem:s0+$0x8D30];
	v0 =	vadd.f32 v1, v0;
	v1 =	vmul.f32 v11, v11  }
0x22e: {  	v6 =	vmul.f32 v6, v6;
	v9 =	vadd.f32 v45, v9;
	v8 =	vadd.f32 v35, v8;
	v11 =	vld [tilespmem:s0+$0x14D30]  }
0x22f: {  	v7 =	vadd.f32 v10, v7;
	v14 =	vld [tilespmem:s0+$0x8940];
	v0 =	vadd.f32 v1, v0;
	v1 =	vmul.f32 v5, v5  }
0x230: {  	v4 =	vmul.f32 v4, v4;
	v9 =	vadd.f32 v44, v9;
	v8 =	vadd.f32 v34, v8;
	v5 =	vld [tilespmem:s0+$0x14940]  }
0x231: {  	v6 =	vadd.f32 v6, v7;
	v25 =	vld [tilespmem:s0+$0x8950];
	v0 =	vadd.f32 v1, v0;
	v1 =	vmul.f32 v3, v3  }
0x232: {  	v9 =	vadd.f32 v28, v9;
	v10 =	vadd.f32 v2, v8;
	v30 =	vld [tilespmem:s0+$0x14950]  }
0x233: {  	v7 =	vadd.f32 v4, v6;
	v2 =	vld [tilespmem:s0+$0x8960];
	v8 =	vadd.f32 v1, v0  }
0x234: {  	v0 =	vld [tilespmem:s0+$0x14960]  }
0x235: {  	v1 =	vld [tilespmem:s0+$0x8970]  }
0x236: {  	v32 =	vld [tilespmem:s0+$0x14970]  }
0x237: {  	v36 =	vld [tilespmem:s0+$0x8900]  }
0x238: {  	v37 =	vld [tilespmem:s0+$0x14900]  }
0x239: {  	v41 =	vld [tilespmem:s0+$0x8910]  }
0x23a: {  	v42 =	vld [tilespmem:s0+$0x14910]  }
0x23b: {  	v43 =	vld [tilespmem:s0+$0x8920]  }
0x23c: {  	v44 =	vld [tilespmem:s0+$0x14920]  }
0x23d: {  	v45 =	vld [tilespmem:s0+$0x8930]  }
0x23e: {  	v46 =	vld [tilespmem:s0+$0x14930]  }
0x23f: {  	v47 =	vld [tilespmem:s0+$0x8540]  }
0x240: {  	v48 =	vld [tilespmem:s0+$0x14540]  }
0x241: {  	v49 =	vld [tilespmem:s0+$0x8550]  }
0x242: {  	v50 =	vld [tilespmem:s0+$0x14550]  }
0x243: {  	v51 =	vld [tilespmem:s0+$0x8560]  }
0x244: {  	v52 =	vld [tilespmem:s0+$0x14560]  }
0x245: {  	v53 =	vld [tilespmem:s0+$0x8570]  }
0x246: {  	v54 =	vld [tilespmem:s0+$0x14570]  }
0x247: {  	v55 =	vld [tilespmem:s0+$0x8500]  }
0x248: {  	v56 =	vld [tilespmem:s0+$0x14500]  }
0x249: {  	v57 =	vld [tilespmem:s0+$0x8510]  }
0x24a: {  	v58 =	vld [tilespmem:s0+$0x14510]  }
0x24b: {  	v59 =	vld [tilespmem:s0+$0x8520]  }
0x24c: {  	v60 =	vld [tilespmem:s0+$0x14520]  }
0x24d: {  	v28 =	vld [tilespmem:s0+$0x8530]  }
0x24e: {  	v33 =	vld [tilespmem:s0+$0x14530]  }
0x24f: {  	v15 =	vsub.f32 v15, v16;
	v29 =	vld [tilespmem:s0+$0x8140]  }
0x250: {  	v16 =	vsub.f32 v17, v18;
	v4 =	vsub.f32 v21, v22;
	v34 =	vld [tilespmem:s0+$0x14140]  }
0x251: {  	v17 =	vsub.f32 v27, v39;
	v3 =	vsub.f32 v23, v24;
	v31 =	vld [tilespmem:s0+$0x8150]  }
0x252: {  	v18 =	vsub.f32 v20, v19;
	v6 =	vsub.f32 v26, v13;
	v35 =	vld [tilespmem:s0+$0x14150]  }
0x253: {  	v21 =	vsub.f32 v14, v5;
	v5 =	vsub.f32 v12, v11;
	v24 =	vld [tilespmem:s0+$0x8160]  }
0x254: {  	v22 =	vsub.f32 v25, v30;
	v12 =	vsub.f32 v2, v0;
	v26 =	vld [tilespmem:s0+$0x14160]  }
0x255: {  	v11 =	vsub.f32 v1, v32;
	v23 =	vsub.f32 v36, v37;
	v38 =	vld [tilespmem:s0+$0x8100]  }
.Ltmp2:
0x256: {  	v25 =	vsub.f32 v41, v42;
	v14 =	vsub.f32 v43, v44;
	v40 =	vld [tilespmem:s0+$0x14100];
	(pc) =	sbr.rel @p0 .LBB2_6-.Ltmp2, $4  }
0x257: {  	v13 =	vsub.f32 v45, v46;
	v30 =	vsub.f32 v47, v48;
	v39 =	vld [tilespmem:s0+$0x8110]  }
0x258: {  	v32 =	vsub.f32 v49, v50;
	v20 =	vsub.f32 v51, v52;
	v42 =	vld [tilespmem:s0+$0x14110]  }
0x259: {  	v19 =	vsub.f32 v53, v54;
	v36 =	vsub.f32 v55, v56;
	v41 =	vld [tilespmem:s0+$0x8120]  }
0x25a: {  	s15 =	sadd.s32 $0x200, s15;
	v37 =	vsub.f32 v57, v58;
	v27 =	vsub.f32 v59, v60;
	v43 =	vld [tilespmem:s0+$0x14120]  }
0x25b: {  	v0 =	vld [tilespmem:s0+$0x8130]  }
0x25c: {  	v1 =	vld [tilespmem:s0+$0x14130]  }
0x25d: {  	v2 =	vld [tilespmem:s0+$0x8170];
	s1 =	simm.s32 $0x0;
	s17 =	simm.s32 $0x8100  }
0x25e: {  	v44 =	vld [tilespmem:s0+$0x14170];
	[tilespmem:s17], [sflag:$0x3] =	stream.linear.gather [hbm4b:s11+s1], $0x4000, $0x38  }
0x25f: {  	v45 =	vld [tilespmem:$0xA0];
	_ =	sdelay $0x2  }
0x260: {  	v47 =	vld [tilespmem:$0x1FFD0];
	_ =	sdelay $0x1  }
0x261: {  	v48 =	vld [tilespmem:$0x1FFE0];
	v46 =	vshll.u32 v45, $0x2  }
0x262: {  	v45 =	vand.u32 $0x7, v45;
	v46 =	vand.u32 $0xFFFFFFE0, v46  }
0x263: {  	v49 =	vld [tilespmem:$0x1FFF0];
	v45 =	vor.u32 v45, v46  }
0x264: {  	v46 =	vperm.xlane v45, v47;
	_ =	sdelay $0x1  }
0x265: {  	v46 =	vadd.s32 v48, v46;
	_ =	sdelay $0x1  }
0x266: {  	v45 =	vperm.xlane v45, v49;
	_ =	sdelay $0x1  }
0x267: {  	s15 =	simm.s32 $0x14100;
	v45 =	vadd.s32 v48, v45  }
0x268: {  	[tilespmem:s15], [sflag:$0x6] =	stream.indirect_vreg.gather [hbm4b:s2+s1], $0x80, v46, vm0, $0xb8;
	[tilespmem:$0x18180] =	vst v63  }
0x269: {  	s16 =	simm.s32 $0x14900  }
0x26a: {  	[tilespmem:s16], [sflag:$0x6] =	stream.indirect_vreg.gather [hbm4b:s6+s1], $0x80, v46, vm0, $0xb8;
	[tilespmem:$0x18180] =	vst v63  }
0x26b: {  	_ = 	snop  }
0x26c: {  	[tilespmem:s18], [sflag:$0x6] =	stream.indirect_vreg.gather [hbm4b:s2+s1], $0x80, v45, vm0, $0xb8;
	[tilespmem:$0x18180] =	vst v63  }
0x26d: {  	_ = 	snop  }
0x26e: {  	[tilespmem:s19], [sflag:$0x6] =	stream.indirect_vreg.gather [hbm4b:s6+s1], $0x80, v45, vm0, $0xb8;
	[tilespmem:$0x18180] =	vst v63  }
0x26f: {  	v45 =	vld [tilespmem:$0xB0];
	_ =	sdelay $0x4  }
0x270: {  	v50 =	vshll.u32 v45, $0x2  }
0x271: {  	v45 =	vand.u32 $0x7, v45;
	v46 =	vand.u32 $0xFFFFFFE0, v50  }
0x272: {  	v45 =	vor.u32 v45, v46  }
0x273: {  	v46 =	vperm.xlane v45, v47;
	_ =	sdelay $0x1  }
0x274: {  	v46 =	vadd.s32 v48, v46;
	_ =	sdelay $0x1  }
0x275: {  	v45 =	vperm.xlane v45, v49;
	_ =	sdelay $0x1  }
0x276: {  	v45 =	vadd.s32 v48, v45  }
0x277: {  	[tilespmem:s20], [sflag:$0x6] =	stream.indirect_vreg.gather [hbm4b:s2+s1], $0x80, v46, vm0, $0xb8;
	[tilespmem:$0x18180] =	vst v63  }
0x278: {  	_ = 	snop  }
0x279: {  	[tilespmem:s21], [sflag:$0x6] =	stream.indirect_vreg.gather [hbm4b:s6+s1], $0x80, v46, vm0, $0xb8;
	[tilespmem:$0x18180] =	vst v63  }
0x27a: {  	_ = 	snop  }
0x27b: {  	[tilespmem:s22], [sflag:$0x6] =	stream.indirect_vreg.gather [hbm4b:s2+s1], $0x80, v45, vm0, $0xb8;
	[tilespmem:$0x18180] =	vst v63  }
0x27c: {  	_ = 	snop  }
0x27d: {  	[tilespmem:s23], [sflag:$0x6] =	stream.indirect_vreg.gather [hbm4b:s6+s1], $0x80, v45, vm0, $0xb8;
	[tilespmem:$0x18180] =	vst v63  }
0x27e: {  	_ =	swait.ge [sflag:s24], $0x4000  }
0x27f: {  	[sflag:s24] =	ssyncset.done $0x0  }
0x280: {  	[sflag:s24] =	ssyncadd.s32 $0xFFFFC000  }
0x281: {  	_ =	swait.ge [sflag:s25], $0x4000  }
0x282: {  	s17 =	sand.u32 $0x3000, s1;
	s15 =	sand.u32 $0x380, s1;
	[sflag:s25] =	ssyncset.done $0x0  }
0x283: {  	s0 =	sor.u32 s15, s17;
	[sflag:s25] =	ssyncadd.s32 $0xFFFFC000  }
0x284: {  	v51 =	vld [tilespmem:s0+$0xD40]  }
0x285: {  	v52 =	vld [tilespmem:s0+$0xCD40]  }
0x286: {  	v53 =	vld [tilespmem:s0+$0xD50]  }
0x287: {  	v54 =	vld [tilespmem:s0+$0xCD50]  }
0x288: {  	v55 =	vld [tilespmem:s0+$0xD60]  }
0x289: {  	v28 =	vsub.f32 v28, v33;
	v56 =	vld [tilespmem:s0+$0xCD60]  }
0x28a: {  	v29 =	vsub.f32 v29, v34;
	v0 =	vsub.f32 v0, v1;
	v57 =	vld [tilespmem:s0+$0xD70]  }
0x28b: {  	v31 =	vsub.f32 v31, v35;
	v47 =	vsub.f32 v41, v43;
	v58 =	vld [tilespmem:s0+$0xCD70]  }
0x28c: {  	v2 =	vsub.f32 v2, v44;
	v0 =	vmul.f32 v0, v0;
	v46 =	vsub.f32 v39, v42;
	v59 =	vld [tilespmem:s0+$0xD00]  }
0x28d: {  	v24 =	vsub.f32 v24, v26;
	v26 =	vmul.f32 v47, v47;
	v45 =	vsub.f32 v38, v40;
	v60 =	vld [tilespmem:s0+$0xD10]  }
0x28e: {  	v2 =	vmul.f32 v2, v2;
	v0 =	vadd.f32 v0, v8;
	v1 =	vmul.f32 v46, v46;
	v61 =	vld [tilespmem:s0+$0xCD10]  }
0x28f: {  	v24 =	vmul.f32 v24, v24;
	v7 =	vadd.f32 v26, v7;
	v33 =	vmul.f32 v45, v45;
	v62 =	vld [tilespmem:s0+$0xD20]  }
0x290: {  	v0 =	vadd.f32 v2, v0;
	v1 =	vadd.f32 v1, v9;
	v9 =	vmul.f32 v31, v31;
	v63 =	vld [tilespmem:s0+$0xD30]  }
0x291: {  	v29 =	vmul.f32 v29, v29;
	v7 =	vadd.f32 v24, v7;
	v10 =	vadd.f32 v33, v10;
	v40 =	vld [tilespmem:s0+$0xC900]  }
0x292: {  	v24 =	vmul.f32 v27, v27;
	v27 =	vmul.f32 v28, v28;
	v1 =	vadd.f32 v9, v1;
	v50 =	vld [tilespmem:s0+$0xC910]  }
0x293: {  	v9 =	vmul.f32 v36, v36;
	v8 =	vadd.f32 v29, v10;
	v10 =	vmul.f32 v37, v37;
	v49 =	vld [tilespmem:s0+$0x920]  }
0x294: {  	v19 =	vmul.f32 v19, v19;
	v26 =	vmul.f32 v30, v30;
	v0 =	vadd.f32 v27, v0;
	v39 =	vld [tilespmem:s0+$0xC920]  }
0x295: {  	v48 =	vld [tilespmem:s0+$0x930];
	v8 =	vadd.f32 v9, v8;
	v1 =	vadd.f32 v10, v1;
	v9 =	vmul.f32 v32, v32  }
0x296: {  	v7 =	vadd.f32 v24, v7;
	v0 =	vadd.f32 v19, v0;
	v47 =	vld [tilespmem:s0+$0xC930];
	v10 =	vmul.f32 v20, v20  }
0x297: {  	v23 =	vmul.f32 v23, v23;
	v42 =	vld [tilespmem:s0+$0x540];
	v8 =	vadd.f32 v26, v8;
	v1 =	vadd.f32 v9, v1  }
0x298: {  	v30 =	vld [tilespmem:s0+$0xC540];
	v9 =	vmul.f32 v25, v25;
	v7 =	vadd.f32 v10, v7;
	v10 =	vmul.f32 v13, v13  }
0x299: {  	v11 =	vmul.f32 v11, v11;
	v46 =	vld [tilespmem:s0+$0x550];
	v8 =	vadd.f32 v23, v8  }
0x29a: {  	v41 =	vld [tilespmem:s0+$0x560];
	v1 =	vadd.f32 v9, v1;
	v9 =	vmul.f32 v21, v21;
	v0 =	vadd.f32 v10, v0  }
0x29b: {  	v5 =	vmul.f32 v5, v5;
	v45 =	vld [tilespmem:s0+$0x570];
	v13 =	vmul.f32 v22, v22  }
0x29c: {  	v43 =	vld [tilespmem:s0+$0xC570];
	v10 =	vmul.f32 v17, v17;
	v8 =	vadd.f32 v9, v8;
	v0 =	vadd.f32 v11, v0  }
0x29d: {  	v3 =	vmul.f32 v3, v3;
	v36 =	vld [tilespmem:s0+$0x500];
	v1 =	vadd.f32 v13, v1;
	v9 =	vmul.f32 v18, v18  }
0x29e: {  	v19 =	vld [tilespmem:s0+$0xC500];
	v8 =	vadd.f32 v10, v8;
	v10 =	vmul.f32 v15, v15;
	v0 =	vadd.f32 v5, v0  }
0x29f: {  	v44 =	vld [tilespmem:s0+$0x510];
	[tilespmem:$0x1FD70] =	vst v51;
	v1 =	vadd.f32 v9, v1;
	v9 =	vmul.f32 v16, v16  }
0x2a0: {  	[tilespmem:$0x1FD80] =	vst v52;
	v10 =	vadd.f32 v10, v8;
	v8 =	vadd.f32 v3, v0;
	v0 =	vld [tilespmem:$0x1FD70]  }
0x2a1: {  	v9 =	vadd.f32 v9, v1;
	v1 =	vld [tilespmem:$0x1FD80]  }
0x2a2: {  	v37 =	vld [tilespmem:s0+$0xC510]  }
0x2a3: {  	v27 =	vld [tilespmem:s0+$0x520]  }
0x2a4: {  	v2 =	vld [tilespmem:s0+$0xC520]  }
0x2a5: {  	v28 =	vld [tilespmem:s0+$0x530];
	[tilespmem:$0x1FD90] =	vst v53  }
0x2a6: {  	[tilespmem:$0x1FDA0] =	vst v54;
	v15 =	vsub.f32 v0, v1;
	v0 =	vld [tilespmem:$0x1FD90]  }
0x2a7: {  	v1 =	vld [tilespmem:$0x1FDA0]  }
0x2a8: {  	v33 =	vld [tilespmem:s0+$0xC530]  }
0x2a9: {  	v29 =	vld [tilespmem:s0+$0x140]  }
0x2aa: {  	v14 =	vmul.f32 v14, v14;
	v34 =	vld [tilespmem:s0+$0xC140]  }
0x2ab: {  	v31 =	vld [tilespmem:s0+$0x150];
	[tilespmem:$0x1FDB0] =	vst v55  }
0x2ac: {  	v12 =	vmul.f32 v12, v12;
	[tilespmem:$0x1FDC0] =	vst v56;
	v7 =	vadd.f32 v14, v7;
	v16 =	vsub.f32 v0, v1;
	v0 =	vld [tilespmem:$0x1FDB0]  }
0x2ad: {  	v1 =	vld [tilespmem:$0x1FDC0]  }
0x2ae: {  	v6 =	vmul.f32 v6, v6;
	v35 =	vld [tilespmem:s0+$0xC150];
	v7 =	vadd.f32 v12, v7  }
0x2af: {  	v24 =	vld [tilespmem:s0+$0x160]  }
0x2b0: {  	v4 =	vmul.f32 v4, v4;
	v38 =	vld [tilespmem:s0+$0x100];
	v6 =	vadd.f32 v6, v7  }
0x2b1: {  	[tilespmem:$0x1FDD0] =	vst v59;
	v59 =	vld [tilespmem:s0+$0xCD00]  }
0x2b2: {  	v7 =	vadd.f32 v4, v6;
	v4 =	vsub.f32 v0, v1;
	v0 =	vld [tilespmem:$0x1FDD0]  }
0x2b3: {  	v32 =	vld [tilespmem:s0+$0xC550]  }
0x2b4: {  	v20 =	vld [tilespmem:s0+$0xC560]  }
0x2b5: {  	v26 =	vld [tilespmem:s0+$0xC160];
	[tilespmem:$0x1FDF0] =	vst v58  }
0x2b6: {  	[tilespmem:$0x1FDE0] =	vst v57;
	v1 =	vld [tilespmem:$0x1FDF0]  }
0x2b7: {  	v17 =	vsub.f32 v0, v59;
	v0 =	vld [tilespmem:$0x1FDE0]  }
0x2b8: {  	v58 =	vld [tilespmem:s0+$0xCD20]  }
0x2b9: {  	[tilespmem:$0x1FE00] =	vst v60;
	v60 =	vld [tilespmem:s0+$0xCD30]  }
0x2ba: {  	[tilespmem:$0x1FE10] =	vst v61;
	v61 =	vld [tilespmem:s0+$0x940]  }
0x2bb: {  	[tilespmem:$0x1FE20] =	vst v62;
	v62 =	vld [tilespmem:s0+$0xC940]  }
0x2bc: {  	v3 =	vsub.f32 v0, v1;
	v0 =	vld [tilespmem:$0x1FE00]  }
0x2bd: {  	v1 =	vld [tilespmem:$0x1FE10]  }
0x2be: {  	[tilespmem:$0x1FE30] =	vst v63;
	v63 =	vld [tilespmem:s0+$0x950]  }
0x2bf: {  	v55 =	vld [tilespmem:s0+$0xC950]  }
0x2c0: {  	v56 =	vld [tilespmem:s0+$0x960]  }
0x2c1: {  	v54 =	vld [tilespmem:s0+$0xC960]  }
0x2c2: {  	v18 =	vsub.f32 v0, v1;
	v0 =	vld [tilespmem:$0x1FE20]  }
0x2c3: {  	v57 =	vld [tilespmem:s0+$0x970]  }
0x2c4: {  	v53 =	vld [tilespmem:s0+$0xC970];
	v14 =	vsub.f32 v49, v39  }
0x2c5: {  	v52 =	vld [tilespmem:s0+$0x900];
	v30 =	vsub.f32 v42, v30;
	v36 =	vsub.f32 v36, v19  }
0x2c6: {  	v51 =	vld [tilespmem:s0+$0x910];
	v19 =	vsub.f32 v45, v43;
	v37 =	vsub.f32 v44, v37  }
0x2c7: {  	v27 =	vsub.f32 v27, v2;
	v6 =	vsub.f32 v0, v58;
	v0 =	vld [tilespmem:$0x1FE30]  }
0x2c8: {  	v39 =	vld [tilespmem:s0+$0x110];
	v32 =	vsub.f32 v46, v32;
	v20 =	vsub.f32 v41, v20  }
0x2c9: {  	v42 =	vld [tilespmem:s0+$0xC110];
	v13 =	vsub.f32 v48, v47;
	v21 =	vsub.f32 v61, v62  }
0x2ca: {  	v43 =	vld [tilespmem:s0+$0xC120];
	v22 =	vsub.f32 v63, v55;
	v12 =	vsub.f32 v56, v54  }
0x2cb: {  	v23 =	vsub.f32 v52, v40;
	v11 =	vsub.f32 v57, v53;
	v40 =	vld [tilespmem:s0+$0xC100]  }
0x2cc: {  	s15 =	simm.s32 $0x200;
	v41 =	vld [tilespmem:s0+$0x120];
	v25 =	vsub.f32 v51, v50;
	v5 =	vsub.f32 v0, v60  }
.LBB2_8:
0x2cd: {  	p0 =	sne.s32 s15, $0x3E00;
	v0 =	vld [tilespmem:s0+$0x130];
	v1 =	vsub.f32 v28, v33;
	v2 =	vmul.f32 v15, v15;
	v28 =	vmul.f32 v16, v16  }
0x2ce: {  	v29 =	vsub.f32 v29, v34;
	v34 =	vmul.f32 v17, v17;
	v44 =	vmul.f32 v18, v18;
	s1 =	sadd.s32 $0x80, s1;
	v33 =	vld [tilespmem:s0+$0xC130]  }
0x2cf: {  	s16 =	sand.u32 $0x3000, s15;
	v18 =	vsub.f32 v31, v35;
	v35 =	vmul.f32 v21, v21;
	v45 =	vmul.f32 v22, v22;
	s17 =	sand.u32 $0x380, s1;
	v31 =	vld [tilespmem:s0+$0x170]  }
0x2d0: {  	v21 =	vsub.f32 v38, v40;
	v38 =	vmul.f32 v23, v23;
	v25 =	vmul.f32 v25, v25;
	v22 =	vld [tilespmem:s0+$0xC170];
	s0 =	sor.u32 s17, s16  }
0x2d1: {  	v30 =	vmul.f32 v30, v30;
	v32 =	vmul.f32 v32, v32;
	v23 =	vsub.f32 v39, v42;
	v15 =	vld [tilespmem:s0+$0xD40]  }
0x2d2: {  	v36 =	vmul.f32 v36, v36;
	v37 =	vmul.f32 v37, v37;
	v39 =	vsub.f32 v41, v43;
	v16 =	vld [tilespmem:s0+$0xCD40]  }
0x2d3: {  	v29 =	vmul.f32 v29, v29;
	v17 =	vld [tilespmem:s0+$0xD50];
	v0 =	vsub.f32 v0, v33;
	v33 =	vmul.f32 v18, v18  }
0x2d4: {  	v24 =	vsub.f32 v24, v26;
	v40 =	vmul.f32 v21, v21;
	v23 =	vmul.f32 v23, v23;
	v18 =	vld [tilespmem:s0+$0xCD50]  }
0x2d5: {  	v26 =	vmul.f32 v39, v39;
	v21 =	vld [tilespmem:s0+$0xD60];
	v0 =	vmul.f32 v0, v0;
	v31 =	vsub.f32 v31, v22  }
0x2d6: {  	v10 =	vadd.f32 v40, v10;
	v9 =	vadd.f32 v23, v9;
	v39 =	vmul.f32 v24, v24;
	v22 =	vld [tilespmem:s0+$0xCD60]  }
0x2d7: {  	v7 =	vadd.f32 v26, v7;
	v23 =	vld [tilespmem:s0+$0xD70];
	v0 =	vadd.f32 v0, v8;
	v8 =	vmul.f32 v31, v31  }
0x2d8: {  	v10 =	vadd.f32 v29, v10;
	v9 =	vadd.f32 v33, v9;
	v26 =	vmul.f32 v27, v27;
	v24 =	vld [tilespmem:s0+$0xCD70]  }
0x2d9: {  	v1 =	vmul.f32 v1, v1;
	v7 =	vadd.f32 v39, v7;
	v27 =	vld [tilespmem:s0+$0xD00];
	v0 =	vadd.f32 v8, v0  }
0x2da: {  	v9 =	vadd.f32 v37, v9;
	v8 =	vadd.f32 v36, v10;
	v10 =	vmul.f32 v20, v20;
	v39 =	vld [tilespmem:s0+$0xCD00]  }
0x2db: {  	v7 =	vadd.f32 v26, v7;
	v20 =	vld [tilespmem:s0+$0xD10];
	v0 =	vadd.f32 v1, v0;
	v1 =	vmul.f32 v19, v19  }
0x2dc: {  	v14 =	vmul.f32 v14, v14;
	v9 =	vadd.f32 v32, v9;
	v8 =	vadd.f32 v30, v8;
	v19 =	vld [tilespmem:s0+$0xCD10]  }
0x2dd: {  	v7 =	vadd.f32 v10, v7;
	v26 =	vld [tilespmem:s0+$0xD20];
	v0 =	vadd.f32 v1, v0;
	v1 =	vmul.f32 v13, v13  }
0x2de: {  	v9 =	vadd.f32 v25, v9;
	v10 =	vmul.f32 v12, v12;
	v8 =	vadd.f32 v38, v8;
	v13 =	vld [tilespmem:s0+$0xCD20]  }
0x2df: {  	v7 =	vadd.f32 v14, v7;
	v12 =	vld [tilespmem:s0+$0xD30];
	v0 =	vadd.f32 v1, v0;
	v1 =	vmul.f32 v11, v11  }
0x2e0: {  	v6 =	vmul.f32 v6, v6;
	v9 =	vadd.f32 v45, v9;
	v8 =	vadd.f32 v35, v8;
	v11 =	vld [tilespmem:s0+$0xCD30]  }
0x2e1: {  	v7 =	vadd.f32 v10, v7;
	v14 =	vld [tilespmem:s0+$0x940];
	v0 =	vadd.f32 v1, v0;
	v1 =	vmul.f32 v5, v5  }
0x2e2: {  	v4 =	vmul.f32 v4, v4;
	v9 =	vadd.f32 v44, v9;
	v8 =	vadd.f32 v34, v8;
	v5 =	vld [tilespmem:s0+$0xC940]  }
0x2e3: {  	v6 =	vadd.f32 v6, v7;
	v25 =	vld [tilespmem:s0+$0x950];
	v0 =	vadd.f32 v1, v0;
	v1 =	vmul.f32 v3, v3  }
0x2e4: {  	v9 =	vadd.f32 v28, v9;
	v10 =	vadd.f32 v2, v8;
	v30 =	vld [tilespmem:s0+$0xC950]  }
0x2e5: {  	v7 =	vadd.f32 v4, v6;
	v2 =	vld [tilespmem:s0+$0x960];
	v8 =	vadd.f32 v1, v0  }
0x2e6: {  	v0 =	vld [tilespmem:s0+$0xC960]  }
0x2e7: {  	v1 =	vld [tilespmem:s0+$0x970]  }
0x2e8: {  	v32 =	vld [tilespmem:s0+$0xC970]  }
0x2e9: {  	v36 =	vld [tilespmem:s0+$0x900]  }
0x2ea: {  	v37 =	vld [tilespmem:s0+$0xC900]  }
0x2eb: {  	v41 =	vld [tilespmem:s0+$0x910]  }
0x2ec: {  	v42 =	vld [tilespmem:s0+$0xC910]  }
0x2ed: {  	v43 =	vld [tilespmem:s0+$0x920]  }
0x2ee: {  	v44 =	vld [tilespmem:s0+$0xC920]  }
0x2ef: {  	v45 =	vld [tilespmem:s0+$0x930]  }
0x2f0: {  	v46 =	vld [tilespmem:s0+$0xC930]  }
0x2f1: {  	v47 =	vld [tilespmem:s0+$0x540]  }
0x2f2: {  	v48 =	vld [tilespmem:s0+$0xC540]  }
0x2f3: {  	v49 =	vld [tilespmem:s0+$0x550]  }
0x2f4: {  	v50 =	vld [tilespmem:s0+$0xC550]  }
0x2f5: {  	v51 =	vld [tilespmem:s0+$0x560]  }
0x2f6: {  	v52 =	vld [tilespmem:s0+$0xC560]  }
0x2f7: {  	v53 =	vld [tilespmem:s0+$0x570]  }
0x2f8: {  	v54 =	vld [tilespmem:s0+$0xC570]  }
0x2f9: {  	v55 =	vld [tilespmem:s0+$0x500]  }
0x2fa: {  	v56 =	vld [tilespmem:s0+$0xC500]  }
0x2fb: {  	v57 =	vld [tilespmem:s0+$0x510]  }
0x2fc: {  	v58 =	vld [tilespmem:s0+$0xC510]  }
0x2fd: {  	v59 =	vld [tilespmem:s0+$0x520]  }
0x2fe: {  	v60 =	vld [tilespmem:s0+$0xC520]  }
0x2ff: {  	v28 =	vld [tilespmem:s0+$0x530]  }
0x300: {  	v33 =	vld [tilespmem:s0+$0xC530]  }
0x301: {  	v15 =	vsub.f32 v15, v16;
	v29 =	vld [tilespmem:s0+$0x140]  }
0x302: {  	v16 =	vsub.f32 v17, v18;
	v4 =	vsub.f32 v21, v22;
	v34 =	vld [tilespmem:s0+$0xC140]  }
0x303: {  	v17 =	vsub.f32 v27, v39;
	v3 =	vsub.f32 v23, v24;
	v31 =	vld [tilespmem:s0+$0x150]  }
0x304: {  	v18 =	vsub.f32 v20, v19;
	v6 =	vsub.f32 v26, v13;
	v35 =	vld [tilespmem:s0+$0xC150]  }
0x305: {  	v21 =	vsub.f32 v14, v5;
	v5 =	vsub.f32 v12, v11;
	v24 =	vld [tilespmem:s0+$0x160]  }
0x306: {  	v22 =	vsub.f32 v25, v30;
	v12 =	vsub.f32 v2, v0;
	v26 =	vld [tilespmem:s0+$0xC160]  }
0x307: {  	v11 =	vsub.f32 v1, v32;
	v23 =	vsub.f32 v36, v37;
	v38 =	vld [tilespmem:s0+$0x100]  }
.Ltmp3:
0x308: {  	v25 =	vsub.f32 v41, v42;
	v14 =	vsub.f32 v43, v44;
	v40 =	vld [tilespmem:s0+$0xC100];
	(pc) =	sbr.rel @p0 .LBB2_8-.Ltmp3, $4  }
0x309: {  	v13 =	vsub.f32 v45, v46;
	v30 =	vsub.f32 v47, v48;
	v39 =	vld [tilespmem:s0+$0x110]  }
0x30a: {  	v32 =	vsub.f32 v49, v50;
	v20 =	vsub.f32 v51, v52;
	v42 =	vld [tilespmem:s0+$0xC110]  }
0x30b: {  	v19 =	vsub.f32 v53, v54;
	v36 =	vsub.f32 v55, v56;
	v41 =	vld [tilespmem:s0+$0x120]  }
0x30c: {  	s15 =	sadd.s32 $0x200, s15;
	v37 =	vsub.f32 v57, v58;
	v27 =	vsub.f32 v59, v60;
	v43 =	vld [tilespmem:s0+$0xC120]  }
0x30d: {  	v0 =	vld [tilespmem:s0+$0x130]  }
0x30e: {  	v1 =	vld [tilespmem:s0+$0xC130]  }
0x30f: {  	v2 =	vld [tilespmem:s0+$0x170]  }
0x310: {  	v44 =	vld [tilespmem:s0+$0xC170];
	_ =	swait.ge [sflag:s26], $0x4000  }
0x311: {  	[sflag:s26] =	ssyncset.done $0x0  }
0x312: {  	[sflag:s26] =	ssyncadd.s32 $0xFFFFC000  }
0x313: {  	s1 =	simm.s32 $0x0;
	_ =	swait.ge [sflag:s28], $0x4000  }
0x314: {  	s17 =	sand.u32 $0x3000, s1;
	s15 =	sand.u32 $0x380, s1;
	[sflag:s28] =	ssyncset.done $0x0  }
0x315: {  	s0 =	sor.u32 s15, s17;
	[sflag:s28] =	ssyncadd.s32 $0xFFFFC000  }
0x316: {  	v45 =	vld [tilespmem:s0+$0x4D40]  }
0x317: {  	v52 =	vld [tilespmem:s0+$0x10D40]  }
0x318: {  	v53 =	vld [tilespmem:s0+$0x4D50]  }
0x319: {  	v54 =	vld [tilespmem:s0+$0x10D50]  }
0x31a: {  	v55 =	vld [tilespmem:s0+$0x4D60]  }
0x31b: {  	v28 =	vsub.f32 v28, v33;
	v56 =	vld [tilespmem:s0+$0x10D60]  }
0x31c: {  	v29 =	vsub.f32 v29, v34;
	v46 =	vsub.f32 v39, v42;
	v57 =	vld [tilespmem:s0+$0x4D70]  }
0x31d: {  	v31 =	vsub.f32 v31, v35;
	v47 =	vsub.f32 v41, v43;
	v58 =	vld [tilespmem:s0+$0x10D70]  }
0x31e: {  	v24 =	vsub.f32 v24, v26;
	v0 =	vsub.f32 v0, v1;
	v1 =	vmul.f32 v46, v46;
	v59 =	vld [tilespmem:s0+$0x4D00]  }
0x31f: {  	v2 =	vsub.f32 v2, v44;
	v60 =	vld [tilespmem:s0+$0x4D10];
	v26 =	vmul.f32 v47, v47;
	[tilespmem:$0x1FCA0] =	vst v45;
	v45 =	vsub.f32 v38, v40  }
0x320: {  	v61 =	vld [tilespmem:s0+$0x10D10];
	v0 =	vmul.f32 v0, v0;
	v1 =	vadd.f32 v1, v9;
	v9 =	vmul.f32 v31, v31  }
0x321: {  	v24 =	vmul.f32 v24, v24;
	v62 =	vld [tilespmem:s0+$0x4D20];
	v7 =	vadd.f32 v26, v7;
	v33 =	vmul.f32 v45, v45  }
0x322: {  	v63 =	vld [tilespmem:s0+$0x4D30];
	v2 =	vmul.f32 v2, v2;
	v0 =	vadd.f32 v0, v8;
	v1 =	vadd.f32 v9, v1  }
0x323: {  	v29 =	vmul.f32 v29, v29;
	v51 =	vld [tilespmem:s0+$0x4910];
	v7 =	vadd.f32 v24, v7;
	v10 =	vadd.f32 v33, v10  }
0x324: {  	v50 =	vld [tilespmem:s0+$0x10910];
	v24 =	vmul.f32 v27, v27;
	v27 =	vmul.f32 v28, v28;
	v0 =	vadd.f32 v2, v0  }
0x325: {  	v49 =	vld [tilespmem:s0+$0x4920];
	v9 =	vmul.f32 v36, v36;
	v8 =	vadd.f32 v29, v10;
	v10 =	vmul.f32 v37, v37  }
0x326: {  	v19 =	vmul.f32 v19, v19;
	v39 =	vld [tilespmem:s0+$0x10920];
	v26 =	vmul.f32 v30, v30;
	v0 =	vadd.f32 v27, v0  }
0x327: {  	v48 =	vld [tilespmem:s0+$0x4930];
	v8 =	vadd.f32 v9, v8;
	v1 =	vadd.f32 v10, v1;
	v9 =	vmul.f32 v32, v32  }
0x328: {  	v47 =	vld [tilespmem:s0+$0x10930];
	v7 =	vadd.f32 v24, v7;
	v0 =	vadd.f32 v19, v0;
	v10 =	vmul.f32 v20, v20  }
0x329: {  	v23 =	vmul.f32 v23, v23;
	v42 =	vld [tilespmem:s0+$0x4540];
	v8 =	vadd.f32 v26, v8;
	v1 =	vadd.f32 v9, v1  }
0x32a: {  	v46 =	vld [tilespmem:s0+$0x4550];
	v9 =	vmul.f32 v25, v25;
	v7 =	vadd.f32 v10, v7;
	v10 =	vmul.f32 v13, v13  }
0x32b: {  	v11 =	vmul.f32 v11, v11;
	v41 =	vld [tilespmem:s0+$0x4560];
	v8 =	vadd.f32 v23, v8  }
0x32c: {  	v43 =	vld [tilespmem:s0+$0x10570];
	v1 =	vadd.f32 v9, v1;
	v9 =	vmul.f32 v21, v21;
	v0 =	vadd.f32 v10, v0  }
0x32d: {  	v5 =	vmul.f32 v5, v5;
	v44 =	vld [tilespmem:s0+$0x4510];
	v13 =	vmul.f32 v22, v22  }
0x32e: {  	v34 =	vld [tilespmem:s0+$0x10140];
	v10 =	vmul.f32 v17, v17;
	v8 =	vadd.f32 v9, v8;
	v0 =	vadd.f32 v11, v0  }
0x32f: {  	v3 =	vmul.f32 v3, v3;
	v35 =	vld [tilespmem:s0+$0x10150];
	v1 =	vadd.f32 v13, v1;
	v9 =	vmul.f32 v18, v18  }
0x330: {  	v31 =	vld [tilespmem:s0+$0x4150];
	v8 =	vadd.f32 v10, v8;
	v10 =	vmul.f32 v15, v15;
	v0 =	vadd.f32 v5, v0  }
0x331: {  	v30 =	vld [tilespmem:s0+$0x10540];
	v1 =	vadd.f32 v9, v1;
	v9 =	vmul.f32 v16, v16  }
0x332: {  	[tilespmem:$0x1FCB0] =	vst v52;
	v10 =	vadd.f32 v10, v8;
	v8 =	vadd.f32 v3, v0;
	v0 =	vld [tilespmem:$0x1FCA0]  }
0x333: {  	v9 =	vadd.f32 v9, v1;
	v1 =	vld [tilespmem:$0x1FCB0]  }
0x334: {  	v36 =	vld [tilespmem:s0+$0x4500]  }
0x335: {  	v28 =	vld [tilespmem:s0+$0x4530];
	[tilespmem:$0x1FCC0] =	vst v53  }
0x336: {  	[tilespmem:$0x1FD00] =	vst v59;
	v59 =	vld [tilespmem:s0+$0x10D00]  }
0x337: {  	[tilespmem:$0x1FD20] =	vst v58;
	v58 =	vld [tilespmem:s0+$0x10D20]  }
0x338: {  	[tilespmem:$0x1FCD0] =	vst v54;
	v15 =	vsub.f32 v0, v1;
	v0 =	vld [tilespmem:$0x1FCC0]  }
0x339: {  	[tilespmem:$0x1FCE0] =	vst v55;
	v1 =	vld [tilespmem:$0x1FCD0]  }
0x33a: {  	[tilespmem:$0x1FD30] =	vst v60;
	v60 =	vld [tilespmem:s0+$0x10D30]  }
0x33b: {  	[tilespmem:$0x1FD40] =	vst v61;
	v61 =	vld [tilespmem:s0+$0x4940]  }
0x33c: {  	v14 =	vmul.f32 v14, v14;
	[tilespmem:$0x1FD50] =	vst v62;
	v62 =	vld [tilespmem:s0+$0x10940]  }
0x33d: {  	[tilespmem:$0x1FD60] =	vst v63;
	v63 =	vld [tilespmem:s0+$0x4950]  }
0x33e: {  	v12 =	vmul.f32 v12, v12;
	[tilespmem:$0x1FCF0] =	vst v56;
	v7 =	vadd.f32 v14, v7;
	v16 =	vsub.f32 v0, v1;
	v0 =	vld [tilespmem:$0x1FCE0]  }
0x33f: {  	v1 =	vld [tilespmem:$0x1FCF0]  }
0x340: {  	v6 =	vmul.f32 v6, v6;
	v55 =	vld [tilespmem:s0+$0x10950];
	v7 =	vadd.f32 v12, v7  }
0x341: {  	v56 =	vld [tilespmem:s0+$0x4960]  }
0x342: {  	v4 =	vmul.f32 v4, v4;
	v54 =	vld [tilespmem:s0+$0x10960];
	v6 =	vadd.f32 v6, v7  }
0x343: {  	[tilespmem:$0x1FD10] =	vst v57;
	v57 =	vld [tilespmem:s0+$0x4970]  }
0x344: {  	v7 =	vadd.f32 v4, v6;
	v4 =	vsub.f32 v0, v1;
	v0 =	vld [tilespmem:$0x1FD00]  }
0x345: {  	v53 =	vld [tilespmem:s0+$0x10970]  }
0x346: {  	v52 =	vld [tilespmem:s0+$0x4900]  }
0x347: {  	v40 =	vld [tilespmem:s0+$0x10900]  }
0x348: {  	v1 =	vld [tilespmem:$0x1FD20]  }
0x349: {  	v17 =	vsub.f32 v0, v59;
	v0 =	vld [tilespmem:$0x1FD10]  }
0x34a: {  	v2 =	vld [tilespmem:s0+$0x10520]  }
0x34b: {  	v38 =	vld [tilespmem:s0+$0x4100]  }
0x34c: {  	v24 =	vld [tilespmem:s0+$0x4160]  }
0x34d: {  	v45 =	vld [tilespmem:s0+$0x4570]  }
0x34e: {  	v3 =	vsub.f32 v0, v1;
	v0 =	vld [tilespmem:$0x1FD30]  }
0x34f: {  	v1 =	vld [tilespmem:$0x1FD40]  }
0x350: {  	v27 =	vld [tilespmem:s0+$0x4520]  }
0x351: {  	v30 =	vsub.f32 v42, v30;
	v42 =	vld [tilespmem:s0+$0x10110]  }
0x352: {  	v19 =	vld [tilespmem:s0+$0x10500]  }
0x353: {  	v33 =	vld [tilespmem:s0+$0x10530]  }
0x354: {  	v18 =	vsub.f32 v0, v1;
	v0 =	vld [tilespmem:$0x1FD50]  }
0x355: {  	v37 =	vld [tilespmem:s0+$0x10510]  }
0x356: {  	v32 =	vld [tilespmem:s0+$0x10550]  }
0x357: {  	v27 =	vsub.f32 v27, v2;
	v20 =	vld [tilespmem:s0+$0x10560];
	v36 =	vsub.f32 v36, v19  }
0x358: {  	v29 =	vld [tilespmem:s0+$0x4140];
	v19 =	vsub.f32 v45, v43;
	v22 =	vsub.f32 v63, v55  }
0x359: {  	v25 =	vsub.f32 v51, v50;
	v6 =	vsub.f32 v0, v58;
	v0 =	vld [tilespmem:$0x1FD60]  }
0x35a: {  	v43 =	vld [tilespmem:s0+$0x10120];
	v37 =	vsub.f32 v44, v37;
	v21 =	vsub.f32 v61, v62  }
0x35b: {  	v26 =	vld [tilespmem:s0+$0x10160];
	v23 =	vsub.f32 v52, v40;
	v14 =	vsub.f32 v49, v39  }
0x35c: {  	v40 =	vld [tilespmem:s0+$0x10100];
	v32 =	vsub.f32 v46, v32;
	v20 =	vsub.f32 v41, v20  }
0x35d: {  	v39 =	vld [tilespmem:s0+$0x4110];
	v12 =	vsub.f32 v56, v54;
	v11 =	vsub.f32 v57, v53  }
0x35e: {  	s15 =	simm.s32 $0x200;
	v41 =	vld [tilespmem:s0+$0x4120];
	v13 =	vsub.f32 v48, v47;
	v5 =	vsub.f32 v0, v60  }
.LBB2_10:
0x35f: {  	p0 =	sne.s32 s15, $0x3E00;
	v0 =	vld [tilespmem:s0+$0x4130];
	v1 =	vsub.f32 v28, v33;
	v2 =	vmul.f32 v15, v15;
	v28 =	vmul.f32 v16, v16  }
0x360: {  	v29 =	vsub.f32 v29, v34;
	v34 =	vmul.f32 v17, v17;
	v44 =	vmul.f32 v18, v18;
	s1 =	sadd.s32 $0x80, s1;
	v33 =	vld [tilespmem:s0+$0x10130]  }
0x361: {  	s16 =	sand.u32 $0x3000, s15;
	v18 =	vsub.f32 v31, v35;
	v35 =	vmul.f32 v21, v21;
	v45 =	vmul.f32 v22, v22;
	s17 =	sand.u32 $0x380, s1;
	v31 =	vld [tilespmem:s0+$0x4170]  }
0x362: {  	v21 =	vsub.f32 v38, v40;
	v38 =	vmul.f32 v23, v23;
	v25 =	vmul.f32 v25, v25;
	v22 =	vld [tilespmem:s0+$0x10170];
	s0 =	sor.u32 s17, s16  }
0x363: {  	v30 =	vmul.f32 v30, v30;
	v32 =	vmul.f32 v32, v32;
	v23 =	vsub.f32 v39, v42;
	v15 =	vld [tilespmem:s0+$0x4D40]  }
0x364: {  	v36 =	vmul.f32 v36, v36;
	v37 =	vmul.f32 v37, v37;
	v39 =	vsub.f32 v41, v43;
	v16 =	vld [tilespmem:s0+$0x10D40]  }
0x365: {  	v29 =	vmul.f32 v29, v29;
	v17 =	vld [tilespmem:s0+$0x4D50];
	v0 =	vsub.f32 v0, v33;
	v33 =	vmul.f32 v18, v18  }
0x366: {  	v24 =	vsub.f32 v24, v26;
	v40 =	vmul.f32 v21, v21;
	v23 =	vmul.f32 v23, v23;
	v18 =	vld [tilespmem:s0+$0x10D50]  }
0x367: {  	v26 =	vmul.f32 v39, v39;
	v21 =	vld [tilespmem:s0+$0x4D60];
	v0 =	vmul.f32 v0, v0;
	v31 =	vsub.f32 v31, v22  }
0x368: {  	v10 =	vadd.f32 v40, v10;
	v9 =	vadd.f32 v23, v9;
	v39 =	vmul.f32 v24, v24;
	v22 =	vld [tilespmem:s0+$0x10D60]  }
0x369: {  	v7 =	vadd.f32 v26, v7;
	v23 =	vld [tilespmem:s0+$0x4D70];
	v0 =	vadd.f32 v0, v8;
	v8 =	vmul.f32 v31, v31  }
0x36a: {  	v10 =	vadd.f32 v29, v10;
	v9 =	vadd.f32 v33, v9;
	v26 =	vmul.f32 v27, v27;
	v24 =	vld [tilespmem:s0+$0x10D70]  }
0x36b: {  	v1 =	vmul.f32 v1, v1;
	v7 =	vadd.f32 v39, v7;
	v27 =	vld [tilespmem:s0+$0x4D00];
	v0 =	vadd.f32 v8, v0  }
0x36c: {  	v9 =	vadd.f32 v37, v9;
	v8 =	vadd.f32 v36, v10;
	v10 =	vmul.f32 v20, v20;
	v39 =	vld [tilespmem:s0+$0x10D00]  }
0x36d: {  	v7 =	vadd.f32 v26, v7;
	v20 =	vld [tilespmem:s0+$0x4D10];
	v0 =	vadd.f32 v1, v0;
	v1 =	vmul.f32 v19, v19  }
0x36e: {  	v14 =	vmul.f32 v14, v14;
	v9 =	vadd.f32 v32, v9;
	v8 =	vadd.f32 v30, v8;
	v19 =	vld [tilespmem:s0+$0x10D10]  }
0x36f: {  	v7 =	vadd.f32 v10, v7;
	v26 =	vld [tilespmem:s0+$0x4D20];
	v0 =	vadd.f32 v1, v0;
	v1 =	vmul.f32 v13, v13  }
0x370: {  	v9 =	vadd.f32 v25, v9;
	v10 =	vmul.f32 v12, v12;
	v8 =	vadd.f32 v38, v8;
	v13 =	vld [tilespmem:s0+$0x10D20]  }
0x371: {  	v7 =	vadd.f32 v14, v7;
	v12 =	vld [tilespmem:s0+$0x4D30];
	v0 =	vadd.f32 v1, v0;
	v1 =	vmul.f32 v11, v11  }
0x372: {  	v6 =	vmul.f32 v6, v6;
	v9 =	vadd.f32 v45, v9;
	v8 =	vadd.f32 v35, v8;
	v11 =	vld [tilespmem:s0+$0x10D30]  }
0x373: {  	v7 =	vadd.f32 v10, v7;
	v14 =	vld [tilespmem:s0+$0x4940];
	v0 =	vadd.f32 v1, v0;
	v1 =	vmul.f32 v5, v5  }
0x374: {  	v4 =	vmul.f32 v4, v4;
	v9 =	vadd.f32 v44, v9;
	v8 =	vadd.f32 v34, v8;
	v5 =	vld [tilespmem:s0+$0x10940]  }
0x375: {  	v6 =	vadd.f32 v6, v7;
	v25 =	vld [tilespmem:s0+$0x4950];
	v0 =	vadd.f32 v1, v0;
	v1 =	vmul.f32 v3, v3  }
0x376: {  	v9 =	vadd.f32 v28, v9;
	v10 =	vadd.f32 v2, v8;
	v30 =	vld [tilespmem:s0+$0x10950]  }
0x377: {  	v7 =	vadd.f32 v4, v6;
	v2 =	vld [tilespmem:s0+$0x4960];
	v8 =	vadd.f32 v1, v0  }
0x378: {  	v0 =	vld [tilespmem:s0+$0x10960]  }
0x379: {  	v1 =	vld [tilespmem:s0+$0x4970]  }
0x37a: {  	v32 =	vld [tilespmem:s0+$0x10970]  }
0x37b: {  	v36 =	vld [tilespmem:s0+$0x4900]  }
0x37c: {  	v37 =	vld [tilespmem:s0+$0x10900]  }
0x37d: {  	v41 =	vld [tilespmem:s0+$0x4910]  }
0x37e: {  	v42 =	vld [tilespmem:s0+$0x10910]  }
0x37f: {  	v43 =	vld [tilespmem:s0+$0x4920]  }
0x380: {  	v44 =	vld [tilespmem:s0+$0x10920]  }
0x381: {  	v45 =	vld [tilespmem:s0+$0x4930]  }
0x382: {  	v46 =	vld [tilespmem:s0+$0x10930]  }
0x383: {  	v47 =	vld [tilespmem:s0+$0x4540]  }
0x384: {  	v48 =	vld [tilespmem:s0+$0x10540]  }
0x385: {  	v49 =	vld [tilespmem:s0+$0x4550]  }
0x386: {  	v50 =	vld [tilespmem:s0+$0x10550]  }
0x387: {  	v51 =	vld [tilespmem:s0+$0x4560]  }
0x388: {  	v52 =	vld [tilespmem:s0+$0x10560]  }
0x389: {  	v53 =	vld [tilespmem:s0+$0x4570]  }
0x38a: {  	v54 =	vld [tilespmem:s0+$0x10570]  }
0x38b: {  	v55 =	vld [tilespmem:s0+$0x4500]  }
0x38c: {  	v56 =	vld [tilespmem:s0+$0x10500]  }
0x38d: {  	v57 =	vld [tilespmem:s0+$0x4510]  }
0x38e: {  	v58 =	vld [tilespmem:s0+$0x10510]  }
0x38f: {  	v59 =	vld [tilespmem:s0+$0x4520]  }
0x390: {  	v60 =	vld [tilespmem:s0+$0x10520]  }
0x391: {  	v28 =	vld [tilespmem:s0+$0x4530]  }
0x392: {  	v33 =	vld [tilespmem:s0+$0x10530]  }
0x393: {  	v15 =	vsub.f32 v15, v16;
	v29 =	vld [tilespmem:s0+$0x4140]  }
0x394: {  	v16 =	vsub.f32 v17, v18;
	v4 =	vsub.f32 v21, v22;
	v34 =	vld [tilespmem:s0+$0x10140]  }
0x395: {  	v17 =	vsub.f32 v27, v39;
	v3 =	vsub.f32 v23, v24;
	v31 =	vld [tilespmem:s0+$0x4150]  }
0x396: {  	v18 =	vsub.f32 v20, v19;
	v6 =	vsub.f32 v26, v13;
	v35 =	vld [tilespmem:s0+$0x10150]  }
0x397: {  	v21 =	vsub.f32 v14, v5;
	v5 =	vsub.f32 v12, v11;
	v24 =	vld [tilespmem:s0+$0x4160]  }
0x398: {  	v22 =	vsub.f32 v25, v30;
	v12 =	vsub.f32 v2, v0;
	v26 =	vld [tilespmem:s0+$0x10160]  }
0x399: {  	v11 =	vsub.f32 v1, v32;
	v23 =	vsub.f32 v36, v37;
	v38 =	vld [tilespmem:s0+$0x4100]  }
.Ltmp4:
0x39a: {  	v25 =	vsub.f32 v41, v42;
	v14 =	vsub.f32 v43, v44;
	v40 =	vld [tilespmem:s0+$0x10100];
	(pc) =	sbr.rel @p0 .LBB2_10-.Ltmp4, $4  }
0x39b: {  	v13 =	vsub.f32 v45, v46;
	v30 =	vsub.f32 v47, v48;
	v39 =	vld [tilespmem:s0+$0x4110]  }
0x39c: {  	v32 =	vsub.f32 v49, v50;
	v20 =	vsub.f32 v51, v52;
	v42 =	vld [tilespmem:s0+$0x10110]  }
0x39d: {  	v19 =	vsub.f32 v53, v54;
	v36 =	vsub.f32 v55, v56;
	v41 =	vld [tilespmem:s0+$0x4120]  }
0x39e: {  	s15 =	sadd.s32 $0x200, s15;
	v37 =	vsub.f32 v57, v58;
	v27 =	vsub.f32 v59, v60;
	v43 =	vld [tilespmem:s0+$0x10120]  }
0x39f: {  	v0 =	vld [tilespmem:s0+$0x4130]  }
0x3a0: {  	v1 =	vld [tilespmem:s0+$0x10130]  }
0x3a1: {  	v2 =	vld [tilespmem:s0+$0x4170]  }
0x3a2: {  	v44 =	vld [tilespmem:s0+$0x10170];
	_ =	swait.ge [sflag:s29], $0x4000  }
0x3a3: {  	[sflag:s29] =	ssyncset.done $0x0  }
0x3a4: {  	[sflag:s29] =	ssyncadd.s32 $0xFFFFC000  }
0x3a5: {  	s0 =	simm.s32 $0x0;
	_ =	swait.ge [sflag:s30], $0x4000  }
0x3a6: {  	s1 =	sand.u32 $0x3000, s0;
	s15 =	sand.u32 $0x380, s0;
	[sflag:s30] =	ssyncset.done $0x0  }
0x3a7: {  	s1 =	sor.u32 s15, s1;
	[sflag:s30] =	ssyncadd.s32 $0xFFFFC000  }
0x3a8: {  	v45 =	vld [tilespmem:s1+$0x8D40]  }
0x3a9: {  	v50 =	vld [tilespmem:s1+$0x14D40]  }
0x3aa: {  	v51 =	vld [tilespmem:s1+$0x8D50]  }
0x3ab: {  	v52 =	vld [tilespmem:s1+$0x14D50]  }
0x3ac: {  	v53 =	vld [tilespmem:s1+$0x8D60]  }
0x3ad: {  	v54 =	vld [tilespmem:s1+$0x14D60]  }
0x3ae: {  	v28 =	vsub.f32 v28, v33;
	v55 =	vld [tilespmem:s1+$0x8D70]  }
0x3af: {  	v29 =	vsub.f32 v29, v34;
	v31 =	vsub.f32 v31, v35;
	v23 =	vmul.f32 v23, v23;
	v56 =	vld [tilespmem:s1+$0x14D70]  }
0x3b0: {  	v24 =	vsub.f32 v24, v26;
	v19 =	vmul.f32 v19, v19;
	v14 =	vmul.f32 v14, v14;
	v57 =	vld [tilespmem:s1+$0x8D00]  }
0x3b1: {  	v12 =	vmul.f32 v12, v12;
	v11 =	vmul.f32 v11, v11;
	v46 =	vsub.f32 v39, v42;
	v59 =	vld [tilespmem:s1+$0x14D00]  }
0x3b2: {  	v6 =	vmul.f32 v6, v6;
	v47 =	vsub.f32 v41, v43;
	v0 =	vsub.f32 v0, v1;
	v58 =	vld [tilespmem:s1+$0x8D10]  }
0x3b3: {  	v29 =	vmul.f32 v29, v29;
	v1 =	vmul.f32 v46, v46;
	v60 =	vld [tilespmem:s1+$0x14D10];
	[tilespmem:$0x1FBC0] =	vst v45;
	v45 =	vsub.f32 v38, v40  }
0x3b4: {  	v2 =	vsub.f32 v2, v44;
	v61 =	vld [tilespmem:s1+$0x8D20];
	v26 =	vmul.f32 v47, v47;
	v0 =	vmul.f32 v0, v0  }
0x3b5: {  	v62 =	vld [tilespmem:s1+$0x8D30];
	v1 =	vadd.f32 v1, v9;
	v9 =	vmul.f32 v31, v31;
	v33 =	vmul.f32 v45, v45  }
0x3b6: {  	v24 =	vmul.f32 v24, v24;
	v63 =	vld [tilespmem:s1+$0x14D30];
	v7 =	vadd.f32 v26, v7;
	v0 =	vadd.f32 v0, v8  }
0x3b7: {  	v34 =	vld [tilespmem:s1+$0x14910];
	v2 =	vmul.f32 v2, v2;
	v1 =	vadd.f32 v9, v1;
	v10 =	vadd.f32 v33, v10  }
0x3b8: {  	v35 =	vld [tilespmem:s1+$0x14920];
	v7 =	vadd.f32 v24, v7;
	v24 =	vmul.f32 v27, v27;
	v27 =	vmul.f32 v28, v28  }
0x3b9: {  	v49 =	vld [tilespmem:s1+$0x8930];
	v0 =	vadd.f32 v2, v0;
	v8 =	vadd.f32 v29, v10;
	v10 =	vmul.f32 v37, v37  }
0x3ba: {  	v5 =	vmul.f32 v5, v5;
	v48 =	vld [tilespmem:s1+$0x14930];
	v9 =	vmul.f32 v36, v36;
	v7 =	vadd.f32 v24, v7  }
0x3bb: {  	v41 =	vld [tilespmem:s1+$0x8540];
	v0 =	vadd.f32 v27, v0;
	v1 =	vadd.f32 v10, v1;
	v10 =	vmul.f32 v20, v20  }
0x3bc: {  	v47 =	vld [tilespmem:s1+$0x8550];
	v26 =	vmul.f32 v30, v30;
	v8 =	vadd.f32 v9, v8;
	v9 =	vmul.f32 v32, v32  }
0x3bd: {  	v46 =	vld [tilespmem:s1+$0x8560];
	v0 =	vadd.f32 v19, v0;
	v7 =	vadd.f32 v10, v7;
	v10 =	vmul.f32 v13, v13  }
0x3be: {  	v39 =	vld [tilespmem:s1+$0x14560];
	v8 =	vadd.f32 v26, v8;
	v1 =	vadd.f32 v9, v1;
	v9 =	vmul.f32 v25, v25  }
0x3bf: {  	v43 =	vld [tilespmem:s1+$0x14570];
	v13 =	vmul.f32 v22, v22;
	v7 =	vadd.f32 v14, v7;
	v0 =	vadd.f32 v10, v0  }
0x3c0: {  	v44 =	vld [tilespmem:s1+$0x8510];
	v8 =	vadd.f32 v23, v8;
	v1 =	vadd.f32 v9, v1;
	v9 =	vmul.f32 v21, v21  }
0x3c1: {  	v4 =	vmul.f32 v4, v4;
	v42 =	vld [tilespmem:s1+$0x14510];
	v7 =	vadd.f32 v12, v7;
	v0 =	vadd.f32 v11, v0  }
0x3c2: {  	v36 =	vld [tilespmem:s1+$0x14540];
	v8 =	vadd.f32 v9, v8;
	v1 =	vadd.f32 v13, v1;
	v9 =	vmul.f32 v18, v18  }
0x3c3: {  	v3 =	vmul.f32 v3, v3;
	v28 =	vld [tilespmem:s1+$0x14530];
	v7 =	vadd.f32 v6, v7;
	v0 =	vadd.f32 v5, v0  }
0x3c4: {  	[tilespmem:$0x1FC50] =	vst v58;
	v58 =	vld [tilespmem:s1+$0x14D20];
	v1 =	vadd.f32 v9, v1;
	v9 =	vmul.f32 v16, v16  }
0x3c5: {  	[tilespmem:$0x1FBD0] =	vst v50;
	v5 =	vadd.f32 v4, v7;
	v7 =	vadd.f32 v3, v0;
	v0 =	vld [tilespmem:$0x1FBC0]  }
0x3c6: {  	[tilespmem:$0x1FBE0] =	vst v51;
	v9 =	vadd.f32 v9, v1;
	v1 =	vld [tilespmem:$0x1FBD0]  }
0x3c7: {  	[tilespmem:$0x1FC70] =	vst v61;
	v61 =	vld [tilespmem:s1+$0x8940]  }
0x3c8: {  	[tilespmem:$0x1FC80] =	vst v62;
	v62 =	vld [tilespmem:s1+$0x14940]  }
0x3c9: {  	[tilespmem:$0x1FC90] =	vst v63;
	v63 =	vld [tilespmem:s1+$0x8950]  }
0x3ca: {  	[tilespmem:$0x1FC20] =	vst v57;
	v57 =	vld [tilespmem:s1+$0x14950]  }
0x3cb: {  	[tilespmem:$0x1FBF0] =	vst v52;
	v30 =	vsub.f32 v0, v1;
	v0 =	vld [tilespmem:$0x1FBE0]  }
0x3cc: {  	[tilespmem:$0x1FC00] =	vst v53;
	v1 =	vld [tilespmem:$0x1FBF0]  }
0x3cd: {  	[tilespmem:$0x1FC40] =	vst v56;
	v56 =	vld [tilespmem:s1+$0x8960]  }
0x3ce: {  	[tilespmem:$0x1FC30] =	vst v55;
	v55 =	vld [tilespmem:s1+$0x14960]  }
0x3cf: {  	[tilespmem:$0x1FC60] =	vst v60;
	v60 =	vld [tilespmem:s1+$0x8970];
	v10 =	vmul.f32 v17, v17  }
0x3d0: {  	[tilespmem:$0x1FC10] =	vst v54;
	v54 =	vld [tilespmem:s1+$0x14970]  }
0x3d1: {  	v8 =	vadd.f32 v10, v8;
	v10 =	vmul.f32 v15, v15;
	v15 =	vsub.f32 v0, v1;
	v0 =	vld [tilespmem:$0x1FC00]  }
0x3d2: {  	v1 =	vld [tilespmem:$0x1FC10]  }
0x3d3: {  	v53 =	vld [tilespmem:s1+$0x8900]  }
0x3d4: {  	v52 =	vld [tilespmem:s1+$0x14900]  }
0x3d5: {  	v51 =	vld [tilespmem:s1+$0x8910]  }
0x3d6: {  	v50 =	vld [tilespmem:s1+$0x8920]  }
0x3d7: {  	v4 =	vsub.f32 v0, v1;
	v0 =	vld [tilespmem:$0x1FC20]  }
0x3d8: {  	v38 =	vld [tilespmem:s1+$0x14550]  }
0x3d9: {  	v40 =	vld [tilespmem:s1+$0x8500]  }
0x3da: {  	v2 =	vld [tilespmem:s1+$0x14520]  }
0x3db: {  	v1 =	vld [tilespmem:$0x1FC40]  }
0x3dc: {  	v31 =	vsub.f32 v0, v59;
	v0 =	vld [tilespmem:$0x1FC30]  }
0x3dd: {  	v45 =	vld [tilespmem:s1+$0x8570]  }
0x3de: {  	v27 =	vld [tilespmem:s1+$0x8140]  }
0x3df: {  	v36 =	vsub.f32 v41, v36;
	v41 =	vld [tilespmem:s1+$0x14110]  }
0x3e0: {  	v19 =	vld [tilespmem:s1+$0x8160]  }
0x3e1: {  	v3 =	vsub.f32 v0, v1;
	v0 =	vld [tilespmem:$0x1FC50]  }
0x3e2: {  	v1 =	vld [tilespmem:$0x1FC60]  }
0x3e3: {  	v33 =	vld [tilespmem:s1+$0x8100]  }
0x3e4: {  	v29 =	vld [tilespmem:s1+$0x14140]  }
0x3e5: {  	v37 =	vld [tilespmem:s1+$0x14100]  }
0x3e6: {  	v20 =	vld [tilespmem:s1+$0x14500]  }
0x3e7: {  	v16 =	vsub.f32 v0, v1;
	v0 =	vld [tilespmem:$0x1FC70]  }
0x3e8: {  	v25 =	vld [tilespmem:s1+$0x8520]  }
0x3e9: {  	v42 =	vsub.f32 v44, v42;
	v26 =	vld [tilespmem:s1+$0x8530]  }
0x3ea: {  	v24 =	vsub.f32 v61, v62;
	v34 =	vsub.f32 v51, v34;
	v22 =	vld [tilespmem:s1+$0x14160]  }
0x3eb: {  	v38 =	vsub.f32 v47, v38;
	v32 =	vsub.f32 v53, v52;
	v1 =	vld [tilespmem:$0x1FC90]  }
0x3ec: {  	v6 =	vadd.f32 v10, v8;
	v10 =	vsub.f32 v0, v58;
	v0 =	vld [tilespmem:$0x1FC80]  }
0x3ed: {  	v23 =	vld [tilespmem:s1+$0x14150];
	v17 =	vsub.f32 v63, v57;
	v14 =	vsub.f32 v50, v35  }
0x3ee: {  	v35 =	vld [tilespmem:s1+$0x8110];
	v21 =	vsub.f32 v46, v39;
	v40 =	vsub.f32 v40, v20  }
0x3ef: {  	v20 =	vsub.f32 v45, v43;
	v18 =	vld [tilespmem:s1+$0x8150];
	v12 =	vsub.f32 v56, v55  }
0x3f0: {  	v39 =	vld [tilespmem:s1+$0x8120];
	v11 =	vsub.f32 v60, v54;
	v13 =	vsub.f32 v49, v48  }
0x3f1: {  	s15 =	simm.s32 $0x200;
	v43 =	vld [tilespmem:s1+$0x14120];
	v25 =	vsub.f32 v25, v2;
	v8 =	vsub.f32 v0, v1  }
.LBB2_12:
0x3f2: {  	p0 =	sne.s32 s15, $0x3E00;
	v0 =	vld [tilespmem:s1+$0x8130];
	v1 =	vsub.f32 v26, v28;
	v2 =	vmul.f32 v30, v30;
	v26 =	vmul.f32 v15, v15  }
0x3f3: {  	v27 =	vsub.f32 v27, v29;
	v29 =	vmul.f32 v31, v31;
	v30 =	vmul.f32 v16, v16;
	s0 =	sadd.s32 $0x80, s0;
	v28 =	vld [tilespmem:s1+$0x14130]  }
0x3f4: {  	s16 =	sand.u32 $0x3000, s15;
	v18 =	vsub.f32 v18, v23;
	v31 =	vmul.f32 v24, v24;
	v44 =	vmul.f32 v17, v17;
	s17 =	sand.u32 $0x380, s0;
	v23 =	vld [tilespmem:s1+$0x8170]  }
0x3f5: {  	v24 =	vsub.f32 v33, v37;
	v32 =	vmul.f32 v32, v32;
	v34 =	vmul.f32 v34, v34;
	v33 =	vld [tilespmem:s1+$0x14170];
	s1 =	sor.u32 s17, s16  }
0x3f6: {  	v36 =	vmul.f32 v36, v36;
	v37 =	vmul.f32 v38, v38;
	v35 =	vsub.f32 v35, v41;
	v15 =	vld [tilespmem:s1+$0x8D40]  }
0x3f7: {  	v38 =	vsub.f32 v39, v43;
	v39 =	vmul.f32 v40, v40;
	v40 =	vmul.f32 v42, v42;
	v16 =	vld [tilespmem:s1+$0x14D40]  }
0x3f8: {  	v27 =	vmul.f32 v27, v27;
	v17 =	vld [tilespmem:s1+$0x8D50];
	v0 =	vsub.f32 v0, v28;
	v28 =	vmul.f32 v18, v18  }
0x3f9: {  	v24 =	vmul.f32 v24, v24;
	v41 =	vsub.f32 v19, v22;
	v35 =	vmul.f32 v35, v35;
	v18 =	vld [tilespmem:s1+$0x14D50]  }
0x3fa: {  	v38 =	vmul.f32 v38, v38;
	v19 =	vld [tilespmem:s1+$0x8D60];
	v0 =	vmul.f32 v0, v0;
	v33 =	vsub.f32 v23, v33  }
0x3fb: {  	v6 =	vadd.f32 v24, v6;
	v9 =	vadd.f32 v35, v9;
	v35 =	vmul.f32 v41, v41;
	v22 =	vld [tilespmem:s1+$0x14D60]  }
0x3fc: {  	v5 =	vadd.f32 v38, v5;
	v23 =	vld [tilespmem:s1+$0x8D70];
	v0 =	vadd.f32 v0, v7;
	v7 =	vmul.f32 v33, v33  }
0x3fd: {  	v25 =	vmul.f32 v25, v25;
	v6 =	vadd.f32 v27, v6;
	v9 =	vadd.f32 v28, v9;
	v24 =	vld [tilespmem:s1+$0x14D70]  }
0x3fe: {  	v1 =	vmul.f32 v1, v1;
	v5 =	vadd.f32 v35, v5;
	v33 =	vld [tilespmem:s1+$0x8D00];
	v0 =	vadd.f32 v7, v0  }
0x3ff: {  	v6 =	vadd.f32 v39, v6;
	v7 =	vadd.f32 v40, v9;
	v9 =	vmul.f32 v21, v21;
	v35 =	vld [tilespmem:s1+$0x14D00]  }
0x400: {  	v5 =	vadd.f32 v25, v5;
	v21 =	vld [tilespmem:s1+$0x8D10];
	v0 =	vadd.f32 v1, v0;
	v1 =	vmul.f32 v20, v20  }
0x401: {  	v14 =	vmul.f32 v14, v14;
	v6 =	vadd.f32 v36, v6;
	v7 =	vadd.f32 v37, v7;
	v20 =	vld [tilespmem:s1+$0x14D10]  }
0x402: {  	v5 =	vadd.f32 v9, v5;
	v25 =	vld [tilespmem:s1+$0x8D20];
	v0 =	vadd.f32 v1, v0;
	v1 =	vmul.f32 v13, v13  }
0x403: {  	v6 =	vadd.f32 v32, v6;
	v9 =	vmul.f32 v12, v12;
	v7 =	vadd.f32 v34, v7;
	v13 =	vld [tilespmem:s1+$0x14D20]  }
0x404: {  	v5 =	vadd.f32 v14, v5;
	v12 =	vld [tilespmem:s1+$0x8D30];
	v0 =	vadd.f32 v1, v0;
	v1 =	vmul.f32 v11, v11  }
0x405: {  	v10 =	vmul.f32 v10, v10;
	v6 =	vadd.f32 v31, v6;
	v7 =	vadd.f32 v44, v7;
	v11 =	vld [tilespmem:s1+$0x14D30]  }
0x406: {  	v5 =	vadd.f32 v9, v5;
	v14 =	vld [tilespmem:s1+$0x8940];
	v0 =	vadd.f32 v1, v0;
	v1 =	vmul.f32 v8, v8  }
0x407: {  	v4 =	vmul.f32 v4, v4;
	v6 =	vadd.f32 v29, v6;
	v7 =	vadd.f32 v30, v7;
	v8 =	vld [tilespmem:s1+$0x14940]  }
0x408: {  	v5 =	vadd.f32 v10, v5;
	v32 =	vld [tilespmem:s1+$0x8950];
	v0 =	vadd.f32 v1, v0;
	v1 =	vmul.f32 v3, v3  }
0x409: {  	v6 =	vadd.f32 v2, v6;
	v9 =	vadd.f32 v26, v7;
	v34 =	vld [tilespmem:s1+$0x14950]  }
0x40a: {  	v5 =	vadd.f32 v4, v5;
	v2 =	vld [tilespmem:s1+$0x8960];
	v7 =	vadd.f32 v1, v0  }
0x40b: {  	v0 =	vld [tilespmem:s1+$0x14960]  }
0x40c: {  	v1 =	vld [tilespmem:s1+$0x8970]  }
0x40d: {  	v36 =	vld [tilespmem:s1+$0x14970]  }
0x40e: {  	v37 =	vld [tilespmem:s1+$0x8900]  }
0x40f: {  	v38 =	vld [tilespmem:s1+$0x14900]  }
0x410: {  	v39 =	vld [tilespmem:s1+$0x8910]  }
0x411: {  	v40 =	vld [tilespmem:s1+$0x14910]  }
0x412: {  	v41 =	vld [tilespmem:s1+$0x8920]  }
0x413: {  	v42 =	vld [tilespmem:s1+$0x14920]  }
0x414: {  	v43 =	vld [tilespmem:s1+$0x8930]  }
0x415: {  	v44 =	vld [tilespmem:s1+$0x14930]  }
0x416: {  	v45 =	vld [tilespmem:s1+$0x8540]  }
0x417: {  	v46 =	vld [tilespmem:s1+$0x14540]  }
0x418: {  	v47 =	vld [tilespmem:s1+$0x8550]  }
0x419: {  	v48 =	vld [tilespmem:s1+$0x14550]  }
0x41a: {  	v49 =	vld [tilespmem:s1+$0x8560]  }
0x41b: {  	v50 =	vld [tilespmem:s1+$0x14560]  }
0x41c: {  	v51 =	vld [tilespmem:s1+$0x8570]  }
0x41d: {  	v52 =	vld [tilespmem:s1+$0x14570]  }
0x41e: {  	v53 =	vld [tilespmem:s1+$0x8500]  }
0x41f: {  	v54 =	vld [tilespmem:s1+$0x14500]  }
0x420: {  	v55 =	vld [tilespmem:s1+$0x8510]  }
0x421: {  	v56 =	vld [tilespmem:s1+$0x14510]  }
0x422: {  	v57 =	vld [tilespmem:s1+$0x8520]  }
0x423: {  	v58 =	vld [tilespmem:s1+$0x14520]  }
0x424: {  	v26 =	vld [tilespmem:s1+$0x8530]  }
0x425: {  	v28 =	vld [tilespmem:s1+$0x14530]  }
0x426: {  	v30 =	vsub.f32 v15, v16;
	v27 =	vld [tilespmem:s1+$0x8140]  }
0x427: {  	v15 =	vsub.f32 v17, v18;
	v4 =	vsub.f32 v19, v22;
	v29 =	vld [tilespmem:s1+$0x14140]  }
0x428: {  	v31 =	vsub.f32 v33, v35;
	v3 =	vsub.f32 v23, v24;
	v18 =	vld [tilespmem:s1+$0x8150]  }
0x429: {  	v16 =	vsub.f32 v21, v20;
	v10 =	vsub.f32 v25, v13;
	v23 =	vld [tilespmem:s1+$0x14150]  }
0x42a: {  	v24 =	vsub.f32 v14, v8;
	v8 =	vsub.f32 v12, v11;
	v19 =	vld [tilespmem:s1+$0x8160]  }
0x42b: {  	v17 =	vsub.f32 v32, v34;
	v12 =	vsub.f32 v2, v0;
	v22 =	vld [tilespmem:s1+$0x14160]  }
0x42c: {  	v11 =	vsub.f32 v1, v36;
	v32 =	vsub.f32 v37, v38;
	v33 =	vld [tilespmem:s1+$0x8100]  }
.Ltmp5:
0x42d: {  	v34 =	vsub.f32 v39, v40;
	v14 =	vsub.f32 v41, v42;
	v37 =	vld [tilespmem:s1+$0x14100];
	(pc) =	sbr.rel @p0 .LBB2_12-.Ltmp5, $4  }
0x42e: {  	v13 =	vsub.f32 v43, v44;
	v36 =	vsub.f32 v45, v46;
	v35 =	vld [tilespmem:s1+$0x8110]  }
0x42f: {  	v38 =	vsub.f32 v47, v48;
	v21 =	vsub.f32 v49, v50;
	v41 =	vld [tilespmem:s1+$0x14110]  }
0x430: {  	v20 =	vsub.f32 v51, v52;
	v40 =	vsub.f32 v53, v54;
	v39 =	vld [tilespmem:s1+$0x8120]  }
0x431: {  	s15 =	sadd.s32 $0x200, s15;
	v42 =	vsub.f32 v55, v56;
	v25 =	vsub.f32 v57, v58;
	v43 =	vld [tilespmem:s1+$0x14120]  }
0x432: {  	v1 =	vsub.f32 v26, v28;
	v2 =	vmul.f32 v30, v30;
	v28 =	vmul.f32 v31, v31  }
0x433: {  	v0 =	vld [tilespmem:s1+$0x8130];
	v27 =	vsub.f32 v27, v29;
	v24 =	vmul.f32 v24, v24;
	v62 =	vmul.f32 v32, v32  }
0x434: {  	v58 =	vld [tilespmem:s1+$0x14130];
	v18 =	vsub.f32 v18, v23;
	v63 =	vmul.f32 v34, v34;
	v44 =	vmul.f32 v36, v36  }
0x435: {  	v59 =	vld [tilespmem:s1+$0x8170];
	v60 =	vsub.f32 v33, v37;
	v45 =	vmul.f32 v38, v38;
	v47 =	vmul.f32 v40, v40  }
0x436: {  	v61 =	vld [tilespmem:s1+$0x14170];
	v56 =	vmul.f32 v21, v21;
	v57 =	vmul.f32 v20, v20;
	v41 =	vsub.f32 v35, v41  }
0x437: {  	v19 =	vsub.f32 v19, v22;
	v14 =	vmul.f32 v14, v14;
	v50 =	vmul.f32 v60, v60  }
0x438: {  	v48 =	vmul.f32 v42, v42;
	v46 =	vsub.f32 v39, v43;
	v51 =	vmul.f32 v41, v41  }
0x439: {  	v49 =	vmul.f32 v27, v27;
	v6 =	vadd.f32 v50, v6;
	v0 =	vsub.f32 v0, v58  }
0x43a: {  	v18 =	vmul.f32 v18, v18;
	v52 =	vmul.f32 v46, v46;
	v9 =	vadd.f32 v51, v9  }
0x43b: {  	v23 =	vsub.f32 v59, v61;
	v6 =	vadd.f32 v49, v6;
	v0 =	vmul.f32 v0, v0  }
0x43c: {  	v19 =	vmul.f32 v19, v19;
	v5 =	vadd.f32 v52, v5;
	v9 =	vadd.f32 v18, v9  }
0x43d: {  	v53 =	vmul.f32 v23, v23;
	v6 =	vadd.f32 v47, v6;
	v0 =	vadd.f32 v0, v7  }
0x43e: {  	v54 =	vmul.f32 v25, v25;
	v5 =	vadd.f32 v19, v5;
	v55 =	vadd.f32 v48, v9  }
0x43f: {  	v1 =	vmul.f32 v1, v1;
	v6 =	vadd.f32 v44, v6;
	v0 =	vadd.f32 v53, v0  }
0x440: {  	v12 =	vmul.f32 v12, v12;
	v5 =	vadd.f32 v54, v5;
	v7 =	vadd.f32 v45, v55  }
0x441: {  	v10 =	vmul.f32 v10, v10;
	v6 =	vadd.f32 v62, v6;
	v0 =	vadd.f32 v1, v0  }
0x442: {  	v59 =	vmul.f32 v17, v17;
	v5 =	vadd.f32 v56, v5;
	v7 =	vadd.f32 v63, v7  }
0x443: {  	v58 =	vmul.f32 v13, v13;
	v6 =	vadd.f32 v24, v6;
	v0 =	vadd.f32 v57, v0  }
0x444: {  	v60 =	vmul.f32 v16, v16;
	v5 =	vadd.f32 v14, v5;
	v7 =	vadd.f32 v59, v7  }
0x445: {  	v61 =	vmul.f32 v11, v11;
	v6 =	vadd.f32 v28, v6;
	v0 =	vadd.f32 v58, v0  }
0x446: {  	v62 =	vmul.f32 v15, v15;
	v5 =	vadd.f32 v12, v5;
	v1 =	vadd.f32 v60, v7  }
0x447: {  	v63 =	vmul.f32 v8, v8;
	v2 =	vadd.f32 v2, v6;
	v0 =	vadd.f32 v61, v0  }
0x448: {  	v4 =	vmul.f32 v4, v4;
	v5 =	vadd.f32 v10, v5;
	v1 =	vadd.f32 v62, v1  }
0x449: {  	v0 =	vadd.f32 v63, v0  }
0x44a: {  	v3 =	vmul.f32 v3, v3;
	v4 =	vadd.f32 v4, v5;
	v1 =	vadd.f32 v1, v2;
	_ =	sdelay $0x1  }
0x44b: {  	v0 =	vadd.f32 v3, v0;
	v1 =	vadd.f32 v4, v1;
	_ =	sdelay $0x1  }
0x44c: {  	s31 =	sadd.s32 $0x1, s31;
	v0 =	vadd.f32 v0, v1  }
0x44d: {  	p0 =	sne.s32 s31, s13  }
.Ltmp6:
0x44e: {  	s0 =	simm.s32 $0x18100;
	[tilespmem:$0x18100] =	vst v0;
	(pc) =	sbr.rel @p0 .LBB2_1-.Ltmp6, $4  }
0x44f: {  	[hbm4b:s12+s3] =	stream.linear.scatter [tilespmem:s0], [sflag:$0x7], $0x80, $0x38;
	[tilespmem:$0x18180] =	vst v63  }
0x450: {  	_ =	swait.ge [sflag:s14], $0x80  }
0x451: {  	[sflag:s14] =	ssyncset.done $0x0  }
0x452: {  	[sflag:s14] =	ssyncadd.s32 $0xFFFFFF80  }
0x453: {  	_ =	sfence.sel $0x180000  }
0x454: {  	[bflag:$0x0] =	sbarrier.arrive $0xFFFF  }
0x455: {  	_ =	strace $0x90000047  }
0x456: {  	s0 =	stileid.u32;
	[bflag:$0x2] =	sbarrier.arrive $0xFFFF  }
0x457: {  	p0 =	sne.s32 s0, $0x0;
	s0 =	rddreg [dreg:$0x4]  }
0x458: {  	s0 =	sadd.s32 @!p0 $0x100000, s0  }
0x459: {  	[sflag:s0] =	ssyncadd.tile.s32 @!p0 $0x1;
	_ =	shalt  }
.Lfunc_end2:
_tile_overlayer_lowered:
.L_overlay_start_2:
0x45a: {  	(tag) =	ssettag $0x2  }
0x45b: {  	s0 =	rddreg [dreg:$0x0];
	s2 =	stileid.u32  }
0x45c: {  	s1 =	rddreg [dreg:$0x1];
	p0 =	sne.s32 s2, $0x0  }
0x45d: {  	s3 =	rddreg [dreg:$0x2];
	[bflag:$0x3] =	sbarrier.arrive $0xFFFF;
	s2 =	simm.s32 @!p0 $0x1C07  }
0x45e: {  	[timem:s3], [sflag:s2] =	dma.local @!p0 [hbm:s0], s1  }
0x45f: {  	s0 =	simm.s32 @!p0 $0x7  }
0x460: {  	_ =	swait.ge @!p0 [sflag:s0], s1  }
0x461: {  	s1 =	ssub.s32 @!p0 $0x0, s1;
	[sflag:s0] =	ssyncset.done @!p0 $0x0  }
0x462: {  	[sflag:s0] =	ssyncadd.s32 @!p0 s1  }
0x463: {  	[bflag:$0x3] =	sbarrier.arrive $0xFFFF  }
0x464: {  	_ =	shalt  }

</sc_bundles>
